<compile_context>
chip_gen: v7x
topology: tpu7x:2x2x1
jax: 0.10.2.dev20260603
libtpu: 0.0.44.dev20260713+nightly
codegen_flags: <defaults>
</compile_context>

<pallas_src>
import functools

import jax
import jax.numpy as jnp
from jax import lax
from jax.experimental import pallas as pl
from jax.experimental.pallas import tpu as pltpu
from jax.experimental.pallas import tpu_sc as plsc

_B = 16384
_D = 100
_DP = 128
_W = _DP // 2
_V = 100000
_H = 64


_TBLK = 8192
_TG = (_V + _TBLK - 1) // _TBLK
_VP = _TG * _TBLK
_HBLK = _TBLK // 2


def _tr_body(t_ref, out_ref):
    x = t_ref[...]
    xt = jnp.pad(x.T, ((0, 0), (0, _DP - _D)))
    u = lax.bitcast_convert_type(xt, jnp.uint32)
    b = (u + 0x7FFF + ((u >> 16) & 1)) >> 16
    w = (b[:, :_W] | (b[:, _W:] << 16)).astype(jnp.int32)
    out_ref[...] = jnp.concatenate([w[:_HBLK, :], w[_HBLK:, :]], axis=1)


def _transpose_pack(tableT):
    return pl.pallas_call(
        _tr_body,
        grid=(_TG,),
        in_specs=[pl.BlockSpec((_D, _TBLK), lambda j: (0, j))],
        out_specs=pl.BlockSpec((_HBLK, _DP), lambda j: (j, 0)),
        out_shape=jax.ShapeDtypeStruct((_VP // 2, _DP), jnp.int32),
    )(tableT)



_NC = 2
_NS = 16
_NW = _NC * _NS
_NSPLIT = 2
_BH = _B // _NSPLIT
_BPW = _BH // _NW
_CH = 128
_NCH = _BPW // _CH
_L = 16


_SH = _TBLK.bit_length() - 1
_HM = _HBLK - 1


def _sigma(t):
    return ((t >> _SH) << _SH) + ((t & _HM) << 1) + ((t >> (_SH - 1)) & 1)


def _tau(b):
    return ((b >> 11) << 11) + ((b & 1023) << 1) + ((b >> 10) & 1)


def _gather_kernel(half, a_idx_hbm, c_idx_hbm, table_hbm, a_out, c_out,
                   idx_v, sidx_v, oidx_v, rows_v0, rows_v1, sem_g, sem_s):
    wid = lax.axis_index("s") * _NC + lax.axis_index("c")
    base = half * _BH + wid * _BPW
    obase = wid * _BPW
    rows_bufs = (rows_v0, rows_v1)
    tasks = [(src, dst, ch)
             for src, dst in ((a_idx_hbm, a_out), (c_idx_hbm, c_out))
             for ch in range(_NCH)]
    iota = lax.iota(jnp.int32, _L)
    scatters = []
    for i, (src, dst, ch) in enumerate(tasks):
        rows_v = rows_bufs[i % 2]
        off = base + ch * _CH
        pltpu.sync_copy(src.at[pl.ds(off, _CH)], idx_v)
        ob = obase + ch * _CH
        for k in range(_CH // _L):
            t = idx_v[pl.ds(k * _L, _L)]
            sidx_v[pl.ds(k * _L, _L)] = _sigma(t)
            oidx_v[pl.ds(k * _L, _L)] = _tau(ob + k * _L + iota)
        if i >= 2:
            scatters[i - 2].wait()
        pltpu.async_copy(table_hbm.at[sidx_v], rows_v, sem_g).wait()
        scatters.append(
            pltpu.async_copy(rows_v, dst.at[oidx_v], sem_s))
    for h in scatters[-2:]:
        h.wait()


def _make_gather2(half):
    return functools.partial(
        pl.kernel,
        mesh=plsc.VectorSubcoreMesh(core_axis_name="c", subcore_axis_name="s"),
        compiler_params=pltpu.CompilerParams(use_tc_tiling_on_sc=False),
        out_type=[jax.ShapeDtypeStruct((_BH, _W), jnp.int32),
                  jax.ShapeDtypeStruct((_BH, _W), jnp.int32)],
        scratch_types=[
            pltpu.VMEM((_CH,), jnp.int32),
            pltpu.VMEM((_CH,), jnp.int32),
            pltpu.VMEM((_CH,), jnp.int32),
            pltpu.VMEM((_CH, _W), jnp.int32),
            pltpu.VMEM((_CH, _W), jnp.int32),
            pltpu.SemaphoreType.DMA,
            pltpu.SemaphoreType.DMA,
        ],
    )(functools.partial(_gather_kernel, half))



_BB = 1024


def _unpack(wm):
    lo = lax.bitcast_convert_type(wm << 16, jnp.float32)
    hi = lax.bitcast_convert_type(wm & -65536, jnp.float32)
    return lo, hi


def _mlp_body(a_ref, c_ref, ws_ref, b1_ref, w2_ref, b2_ref, out_ref):
    wa = a_ref[...]
    wc = c_ref[...]
    a_lo, a_hi = _unpack(wa)
    c_lo, c_hi = _unpack(wc)

    def feats(al, ah, cl, chh):
        return jnp.concatenate([al, ah, cl, chh, al * cl, ah * chh], axis=1)

    xe = feats(a_lo[:, :_H], a_hi[:, :_H], c_lo[:, :_H], c_hi[:, :_H])
    xo = feats(a_lo[:, _H:], a_hi[:, _H:], c_lo[:, _H:], c_hi[:, _H:])
    x = jnp.concatenate([xe, xo], axis=0).astype(jnp.bfloat16)
    h = (jnp.dot(x, ws_ref[...], preferred_element_type=jnp.float32)
         + b1_ref[...])
    h = jnp.maximum(h, 0.0)
    o = (lax.dot_general(w2_ref[...], h, (((0,), (1,)), ((), ())),
                         preferred_element_type=jnp.float32)
         + b2_ref[...])
    out_ref[...] = o


def _mlp(a_pk, c_pk, ws, b1, w2, b2):
    full = lambda i: (0, 0)
    return pl.pallas_call(
        _mlp_body,
        grid=(_BH // 2 // _BB,),
        in_specs=[
            pl.BlockSpec((_BB, _DP), lambda i: (i, 0)),
            pl.BlockSpec((_BB, _DP), lambda i: (i, 0)),
            pl.BlockSpec((6 * _H, _H), full),
            pl.BlockSpec((1, _H), full),
            pl.BlockSpec((_H, 1), full),
            pl.BlockSpec((1, 1), full),
        ],
        out_specs=pl.BlockSpec((1, 2 * _BB), lambda i: (0, i)),
        out_shape=jax.ShapeDtypeStruct((1, _BH), jnp.float32),
    )(a_pk, c_pk, ws, b1, w2, b2)


def kernel(anchor_h, candidate_h, doc_embed, W1, b1, W2, b2):
    table = _transpose_pack(doc_embed.T)
    table = table.reshape(_VP, _W)
    w1a = jnp.pad(W1[:_D], ((0, _DP - _D), (0, 0)))
    w1c = jnp.pad(W1[_D:2 * _D], ((0, _DP - _D), (0, 0)))
    w1m = jnp.pad(W1[2 * _D:], ((0, _DP - _D), (0, 0)))
    ws = jnp.concatenate(
        [w1a[:_H], w1a[_H:], w1c[:_H], w1c[_H:], w1m[:_H], w1m[_H:]],
        axis=0).astype(jnp.bfloat16)
    b1r = b1.reshape(1, _H)
    b2r = b2.reshape(1, 1)
    gathered = [
        _make_gather2(k)(anchor_h, candidate_h, table)
        for k in range(_NSPLIT)
    ]
    outs = [
        _mlp(a_pk.reshape(_BH // 2, _DP), c_pk.reshape(_BH // 2, _DP),
             ws, b1r, W2, b2r)
        for (a_pk, c_pk) in gathered
    ]
    full = jnp.concatenate(outs, axis=1)
    return full.reshape(_B, 1)

# --- scband reference (transcript-rebuilt; emitter-appended) ---
"""Pipeline reference for scband-discrimitor-37873021616660 (READ-ONLY COPY).

The authoritative reference and input builder live on the scoring server;
editing this copy changes nothing except your own understanding.
"""

import jax, jax.numpy as jnp
import numpy as np

DOC_SIZE = 100000
EMBED_DIM = 100
H_DIM = 128
BATCH = 16384

def setup_inputs(seed: int = 0) -> dict:
    key = jax.random.key(seed)
    k1, k2, k3, k4, k5, k6, k7 = jax.random.split(key, 7)
    anchor_h = jax.random.randint(k1, (BATCH,), 0, DOC_SIZE, dtype=jnp.int64 if jax.config.jax_enable_x64 else jnp.int32).astype(jnp.int32)
    candidate_h = jax.random.randint(k2, (BATCH,), 0, DOC_SIZE, dtype=jnp.int32)
    # Glorot uniform init for doc_embed: limit = sqrt(6/(fan_in+fan_out))
    lim_e = np.sqrt(6.0 / (DOC_SIZE + EMBED_DIM))
    doc_embed = jax.random.uniform(k3, (DOC_SIZE, EMBED_DIM), minval=-lim_e, maxval=lim_e, dtype=jnp.float32)
    in1 = 3 * EMBED_DIM  # concat of anchor, candidate, anchor*candidate
    out1 = H_DIM // 2
    lim1 = np.sqrt(6.0 / (in1 + out1))
    W1 = jax.random.uniform(k4, (in1, out1), minval=-lim1, maxval=lim1, dtype=jnp.float32)
    b1 = jnp.zeros((out1,), dtype=jnp.float32)
    lim2 = np.sqrt(6.0 / (out1 + 1))
    W2 = jax.random.uniform(k5, (out1, 1), minval=-lim2, maxval=lim2, dtype=jnp.float32)
    b2 = jnp.zeros((1,), dtype=jnp.float32)
    return {"anchor_h": anchor_h, "candidate_h": candidate_h, "doc_embed": doc_embed,
            "W1": W1, "b1": b1, "W2": W2, "b2": b2}

def reference(anchor_h, candidate_h, doc_embed, W1, b1, W2, b2):
    # tf.nn.embedding_lookup -> gather rows
    a = jnp.take(doc_embed, anchor_h, axis=0)
    c = jnp.take(doc_embed, candidate_h, axis=0)
    hidden = jnp.concatenate([a, c, a * c], axis=-1)
    hidden_1 = jax.nn.relu(hidden @ W1 + b1)
    logits = hidden_1 @ W2 + b2
    return logits

if __name__ == "__main__":
    import jax
    _d = setup_inputs()
    print(jax.jit(kernel)(*tuple(_d.values())))

</pallas_src>

<mosaic_0001>
#map = affine_map<(d0, d1) -> (0)>
#map1 = affine_map<(d0, d1) -> (0, 0)>
module attributes {stable_mosaic.version = 14 : i64} {
  func.func @_gather_kernel(%arg0: i32, %arg1: i32, %arg2: memref<16384xi32, #tpu.memory_space<hbm>>, %arg3: memref<16384xi32, #tpu.memory_space<hbm>>, %arg4: memref<106496x64xi32, #tpu.memory_space<hbm>>, %arg5: memref<8192x64xi32, #tpu.memory_space<hbm>>, %arg6: memref<8192x64xi32, #tpu.memory_space<hbm>>, %arg7: memref<128xi32, #tpu.memory_space<vmem>>, %arg8: memref<128xi32, #tpu.memory_space<vmem>>, %arg9: memref<128xi32, #tpu.memory_space<vmem>>, %arg10: memref<128x64xi32, #tpu.memory_space<vmem>>, %arg11: memref<128x64xi32, #tpu.memory_space<vmem>>, %arg12: memref<!tpu.dma_semaphore, #tpu.memory_space<semaphore_mem>>, %arg13: memref<!tpu.dma_semaphore, #tpu.memory_space<semaphore_mem>>) attributes {dimension_semantics = [#tpu.dimension_semantics<core_parallel>, #tpu.dimension_semantics<subcore_parallel>], iteration_bounds = array<i64: 2, 16>, scalar_prefetch = 0 : i64, scratch_operands = 7 : i64, tpu.core_type = #tpu.core_type<sc_vector_subcore>, window_params = [{transform_indices = #map}, {transform_indices = #map}, {transform_indices = #map1}, {transform_indices = #map1}, {transform_indices = #map1}]} {
    %mul3A = arith.constant 2 : i32
    %mul3A_0 = arith.muli %arg1, %mul3A : i32
    %add3A = arith.addi %mul3A_0, %arg0 : i32
    %mul3A_1 = arith.constant 256 : i32
    %mul3A_2 = arith.muli %add3A, %mul3A_1 : i32
    %add3A_3 = arith.constant 8192 : i32
    %add3A_4 = arith.addi %add3A_3, %mul3A_2 : i32
    %mul3A_5 = arith.constant 256 : i32
    %mul3A_6 = arith.muli %add3A, %mul3A_5 : i32
    %iota3A = tpu.iota {dimensions = array<i32: 0>} : vector<16xi32>
    %add3A_7 = arith.constant 0 : i32
    %add3A_8 = arith.addi %add3A_4, %add3A_7 : i32
    "tpu.region"() ({
      %run_scoped3A = tpu.sem_alloc : memref<!tpu.dma_semaphore, #tpu.memory_space<semaphore_mem>>
      %dma_start3A_1824 = tpu.memref_slice %arg2[%add3A_8] : memref<16384xi32, #tpu.memory_space<hbm>> -> memref<128xi32, #tpu.memory_space<hbm>>
      %dma_start3A_1825 = tpu.memref_slice %arg2[%add3A_8] : memref<16384xi32, #tpu.memory_space<hbm>> -> memref<128xi32, #tpu.memory_space<hbm>>
      tpu.enqueue_dma source(%dma_start3A_1825 : memref<128xi32, #tpu.memory_space<hbm>>) target(%arg7 : memref<128xi32, #tpu.memory_space<vmem>>) target_semaphore(%run_scoped3A : memref<!tpu.dma_semaphore, #tpu.memory_space<semaphore_mem>>)
      %dma_wait3A_1826 = tpu.memref_slice %arg2[%add3A_8] : memref<16384xi32, #tpu.memory_space<hbm>> -> memref<128xi32, #tpu.memory_space<hbm>>
      %dma_wait3A_1827 = tpu.memref_slice %arg2[%add3A_8] : memref<16384xi32, #tpu.memory_space<hbm>> -> memref<128xi32, #tpu.memory_space<hbm>>
      tpu.wait_dma2 semaphore(%run_scoped3A : memref<!tpu.dma_semaphore, #tpu.memory_space<semaphore_mem>>) src(%dma_wait3A_1827 : memref<128xi32, #tpu.memory_space<hbm>>) dst(%arg7 : memref<128xi32, #tpu.memory_space<vmem>>)
      tpu.yield
    }) : () -> ()
    %add3A_9 = arith.constant 0 : i32
    %add3A_10 = arith.addi %mul3A_6, %add3A_9 : i32
    %get3A = arith.constant 0 : index
    %get3A_11 = tpu.vector_load %arg7[%get3A] {strides = array<i32>} : memref<128xi32, #tpu.memory_space<vmem>>, vector<16xi32>,
    %get3A_12 = vector.shape_cast %get3A_11 : vector<16xi32> to vector<16xi32>
    %shift_right_arithmetic3A = arith.constant 13 : i32
    %shift_right_arithmetic3A_13 = vector.broadcast %shift_right_arithmetic3A : i32 to vector<16xi32>
    %shift_right_arithmetic3A_14 = arith.shrsi %get3A_12, %shift_right_arithmetic3A_13 : vector<16xi32>
    %shift_left3A = arith.constant 13 : i32
    %shift_left3A_15 = vector.broadcast %shift_left3A : i32 to vector<16xi32>
    %shift_left3A_16 = arith.shli %shift_right_arithmetic3A_14, %shift_left3A_15 : vector<16xi32>
    %and3A = arith.constant 4095 : i32
    %and3A_17 = vector.broadcast %and3A : i32 to vector<16xi32>
    %and3A_18 = arith.andi %get3A_12, %and3A_17 : vector<16xi32>
    %shift_left3A_19 = arith.constant 1 : i32
    %shift_left3A_20 = vector.broadcast %shift_left3A_19 : i32 to vector<16xi32>
    %shift_left3A_21 = arith.shli %and3A_18, %shift_left3A_20 : vector<16xi32>
    %add3A_22 = arith.addi %shift_left3A_16, %shift_left3A_21 : vector<16xi32>
    %shift_right_arithmetic3A_23 = arith.constant 12 : i32
    %shift_right_arithmetic3A_24 = vector.broadcast %shift_right_arithmetic3A_23 : i32 to vector<16xi32>
    %shift_right_arithmetic3A_25 = arith.shrsi %get3A_12, %shift_right_arithmetic3A_24 : vector<16xi32>
    %and3A_26 = arith.constant 1 : i32
    %and3A_27 = vector.broadcast %and3A_26 : i32 to vector<16xi32>
    %and3A_28 = arith.andi %shift_right_arithmetic3A_25, %and3A_27 : vector<16xi32>
    %add3A_29 = arith.addi %add3A_22, %and3A_28 : vector<16xi32>
    %swap3A = arith.constant 0 : index
    %swap3A_30 = tpu.vector_load %arg8[%swap3A] {strides = array<i32>} : memref<128xi32, #tpu.memory_space<vmem>>, vector<16xi32>,
    %swap3A_31 = vector.shape_cast %swap3A_30 : vector<16xi32> to vector<16xi32>
    %swap3A_32 = vector.shape_cast %add3A_29 : vector<16xi32> to vector<16xi32>
    tpu.vector_store %arg8[%swap3A], %swap3A_32 {strides = array<i32>} : memref<128xi32, #tpu.memory_space<vmem>>, vector<16xi32>,
    %add3A_33 = arith.constant 0 : i32
    %add3A_34 = arith.addi %add3A_10, %add3A_33 : i32
    %add3A_35 = vector.broadcast %add3A_34 : i32 to vector<16xi32>
    %add3A_36 = arith.addi %add3A_35, %iota3A : vector<16xi32>
    %shift_right_arithmetic3A_37 = arith.constant 11 : i32
    %shift_right_arithmetic3A_38 = vector.broadcast %shift_right_arithmetic3A_37 : i32 to vector<16xi32>
    %shift_right_arithmetic3A_39 = arith.shrsi %add3A_36, %shift_right_arithmetic3A_38 : vector<16xi32>
    %shift_left3A_40 = arith.constant 11 : i32
    %shift_left3A_41 = vector.broadcast %shift_left3A_40 : i32 to vector<16xi32>
    %shift_left3A_42 = arith.shli %shift_right_arithmetic3A_39, %shift_left3A_41 : vector<16xi32>
    %and3A_43 = arith.constant 1023 : i32
    %and3A_44 = vector.broadcast %and3A_43 : i32 to vector<16xi32>
    %and3A_45 = arith.andi %add3A_36, %and3A_44 : vector<16xi32>
    %shift_left3A_46 = arith.constant 1 : i32
    %shift_left3A_47 = vector.broadcast %shift_left3A_46 : i32 to vector<16xi32>
    %shift_left3A_48 = arith.shli %and3A_45, %shift_left3A_47 : vector<16xi32>
    %add3A_49 = arith.addi %shift_left3A_42, %shift_left3A_48 : vector<16xi32>
    %shift_right_arithmetic3A_50 = arith.constant 10 : i32
    %shift_right_arithmetic3A_51 = vector.broadcast %shift_right_arithmetic3A_50 : i32 to vector<16xi32>
    %shift_right_arithmetic3A_52 = arith.shrsi %add3A_36, %shift_right_arithmetic3A_51 : vector<16xi32>
    %and3A_53 = arith.constant 1 : i32
    %and3A_54 = vector.broadcast %and3A_53 : i32 to vector<16xi32>
    %and3A_55 = arith.andi %shift_right_arithmetic3A_52, %and3A_54 : vector<16xi32>
    %add3A_56 = arith.addi %add3A_49, %and3A_55 : vector<16xi32>
    %swap3A_57 = arith.constant 0 : index
    %swap3A_58 = tpu.vector_load %arg9[%swap3A_57] {strides = array<i32>} : memref<128xi32, #tpu.memory_space<vmem>>, vector<16xi32>,
    %swap3A_59 = vector.shape_cast %swap3A_58 : vector<16xi32> to vector<16xi32>
    %swap3A_60 = vector.shape_cast %add3A_56 : vector<16xi32> to vector<16xi32>
    tpu.vector_store %arg9[%swap3A_57], %swap3A_60 {strides = array<i32>} : memref<128xi32, #tpu.memory_space<vmem>>, vector<16xi32>,
    %get3A_61 = arith.constant 16 : index
    %get3A_62 = tpu.vector_load %arg7[%get3A_61] {strides = array<i32>} : memref<128xi32, #tpu.memory_space<vmem>>, vector<16xi32>,
    %get3A_63 = vector.shape_cast %get3A_62 : vector<16xi32> to vector<16xi32>
    %shift_right_arithmetic3A_64 = arith.constant 13 : i32
    %shift_right_arithmetic3A_65 = vector.broadcast %shift_right_arithmetic3A_64 : i32 to vector<16xi32>
    %shift_right_arithmetic3A_66 = arith.shrsi %get3A_63, %shift_right_arithmetic3A_65 : vector<16xi32>
    %shift_left3A_67 = arith.constant 13 : i32
    %shift_left3A_68 = vector.broadcast %shift_left3A_67 : i32 to vector<16xi32>
    %shift_left3A_69 = arith.shli %shift_right_arithmetic3A_66, %shift_left3A_68 : vector<16xi32>
    %and3A_70 = arith.constant 4095 : i32
    %and3A_71 = vector.broadcast %and3A_70 : i32 to vector<16xi32>
    %and3A_72 = arith.andi %get3A_63, %and3A_71 : vector<16xi32>
    %shift_left3A_73 = arith.constant 1 : i32
    %shift_left3A_74 = vector.broadcast %shift_left3A_73 : i32 to vector<16xi32>
    %shift_left3A_75 = arith.shli %and3A_72, %shift_left3A_74 : vector<16xi32>
    %add3A_76 = arith.addi %shift_left3A_69, %shift_left3A_75 : vector<16xi32>
    %shift_right_arithmetic3A_77 = arith.constant 12 : i32
    %shift_right_arithmetic3A_78 = vector.broadcast %shift_right_arithmetic3A_77 : i32 to vector<16xi32>
    %shift_right_arithmetic3A_79 = arith.shrsi %get3A_63, %shift_right_arithmetic3A_78 : vector<16xi32>
    %and3A_80 = arith.constant 1 : i32
    %and3A_81 = vector.broadcast %and3A_80 : i32 to vector<16xi32>
    %and3A_82 = arith.andi %shift_right_arithmetic3A_79, %and3A_81 : vector<16xi32>
    %add3A_83 = arith.addi %add3A_76, %and3A_82 : vector<16xi32>
    %swap3A_84 = arith.constant 16 : index
    %swap3A_85 = tpu.vector_load %arg8[%swap3A_84] {strides = array<i32>} : memref<128xi32, #tpu.memory_space<vmem>>, vector<16xi32>,
    %swap3A_86 = vector.shape_cast %swap3A_85 : vector<16xi32> to vector<16xi32>
    %swap3A_87 = vector.shape_cast %add3A_83 : vector<16xi32> to vector<16xi32>
    tpu.vector_store %arg8[%swap3A_84], %swap3A_87 {strides = array<i32>} : memref<128xi32, #tpu.memory_space<vmem>>, vector<16xi32>,
    %add3A_88 = arith.constant 16 : i32
    %add3A_89 = arith.addi %add3A_10, %add3A_88 : i32
    %add3A_90 = vector.broadcast %add3A_89 : i32 to vector<16xi32>
    %add3A_91 = arith.addi %add3A_90, %iota3A : vector<16xi32>
    %shift_right_arithmetic3A_92 = arith.constant 11 : i32
    %shift_right_arithmetic3A_93 = vector.broadcast %shift_right_arithmetic3A_92 : i32 to vector<16xi32>
    %shift_right_arithmetic3A_94 = arith.shrsi %add3A_91, %shift_right_arithmetic3A_93 : vector<16xi32>
    %shift_left3A_95 = arith.constant 11 : i32
    %shift_left3A_96 = vector.broadcast %shift_left3A_95 : i32 to vector<16xi32>
    %shift_left3A_97 = arith.shli %shift_right_arithmetic3A_94, %shift_left3A_96 : vector<16xi32>
    %and3A_98 = arith.constant 1023 : i32
    %and3A_99 = vector.broadcast %and3A_98 : i32 to vector<16xi32>
    %and3A_100 = arith.andi %add3A_91, %and3A_99 : vector<16xi32>
    %shift_left3A_101 = arith.constant 1 : i32
    %shift_left3A_102 = vector.broadcast %shift_left3A_101 : i32 to vector<16xi32>
    %shift_left3A_103 = arith.shli %and3A_100, %shift_left3A_102 : vector<16xi32>
    %add3A_104 = arith.addi %shift_left3A_97, %shift_left3A_103 : vector<16xi32>
    %shift_right_arithmetic3A_105 = arith.constant 10 : i32
    %shift_right_arithmetic3A_106 = vector.broadcast %shift_right_arithmetic3A_105 : i32 to vector<16xi32>
    %shift_right_arithmetic3A_107 = arith.shrsi %add3A_91, %shift_right_arithmetic3A_106 : vector<16xi32>
    %and3A_108 = arith.constant 1 : i32
    %and3A_109 = vector.broadcast %and3A_108 : i32 to vector<16xi32>
    %and3A_110 = arith.andi %shift_right_arithmetic3A_107, %and3A_109 : vector<16xi32>
    %add3A_111 = arith.addi %add3A_104, %and3A_110 : vector<16xi32>
    %swap3A_112 = arith.constant 16 : index
    %swap3A_113 = tpu.vector_load %arg9[%swap3A_112] {strides = array<i32>} : memref<128xi32, #tpu.memory_space<vmem>>, vector<16xi32>,
    %swap3A_114 = vector.shape_cast %swap3A_113 : vector<16xi32> to vector<16xi32>
    %swap3A_115 = vector.shape_cast %add3A_111 : vector<16xi32> to vector<16xi32>
    tpu.vector_store %arg9[%swap3A_112], %swap3A_115 {strides = array<i32>} : memref<128xi32, #tpu.memory_space<vmem>>, vector<16xi32>,
    %get3A_116 = arith.constant 32 : index
    %get3A_117 = tpu.vector_load %arg7[%get3A_116] {strides = array<i32>} : memref<128xi32, #tpu.memory_space<vmem>>, vector<16xi32>,
    %get3A_118 = vector.shape_cast %get3A_117 : vector<16xi32> to vector<16xi32>
    %shift_right_arithmetic3A_119 = arith.constant 13 : i32
    %shift_right_arithmetic3A_120 = vector.broadcast %shift_right_arithmetic3A_119 : i32 to vector<16xi32>
    %shift_right_arithmetic3A_121 = arith.shrsi %get3A_118, %shift_right_arithmetic3A_120 : vector<16xi32>
    %shift_left3A_122 = arith.constant 13 : i32
    %shift_left3A_123 = vector.broadcast %shift_left3A_122 : i32 to vector<16xi32>
    %shift_left3A_124 = arith.shli %shift_right_arithmetic3A_121, %shift_left3A_123 : vector<16xi32>
    %and3A_125 = arith.constant 4095 : i32
    %and3A_126 = vector.broadcast %and3A_125 : i32 to vector<16xi32>
    %and3A_127 = arith.andi %get3A_118, %and3A_126 : vector<16xi32>
    %shift_left3A_128 = arith.constant 1 : i32
    %shift_left3A_129 = vector.broadcast %shift_left3A_128 : i32 to vector<16xi32>
    %shift_left3A_130 = arith.shli %and3A_127, %shift_left3A_129 : vector<16xi32>
    %add3A_131 = arith.addi %shift_left3A_124, %shift_left3A_130 : vector<16xi32>
    %shift_right_arithmetic3A_132 = arith.constant 12 : i32
    %shift_right_arithmetic3A_133 = vector.broadcast %shift_right_arithmetic3A_132 : i32 to vector<16xi32>
    %shift_right_arithmetic3A_134 = arith.shrsi %get3A_118, %shift_right_arithmetic3A_133 : vector<16xi32>
    %and3A_135 = arith.constant 1 : i32
    %and3A_136 = vector.broadcast %and3A_135 : i32 to vector<16xi32>
    %and3A_137 = arith.andi %shift_right_arithmetic3A_134, %and3A_136 : vector<16xi32>
    %add3A_138 = arith.addi %add3A_131, %and3A_137 : vector<16xi32>
    %swap3A_139 = arith.constant 32 : index
    %swap3A_140 = tpu.vector_load %arg8[%swap3A_139] {strides = array<i32>} : memref<128xi32, #tpu.memory_space<vmem>>, vector<16xi32>,
    %swap3A_141 = vector.shape_cast %swap3A_140 : vector<16xi32> to vector<16xi32>
    %swap3A_142 = vector.shape_cast %add3A_138 : vector<16xi32> to vector<16xi32>
    tpu.vector_store %arg8[%swap3A_139], %swap3A_142 {strides = array<i32>} : memref<128xi32, #tpu.memory_space<vmem>>, vector<16xi32>,
    %add3A_143 = arith.constant 32 : i32
    %add3A_144 = arith.addi %add3A_10, %add3A_143 : i32
    %add3A_145 = vector.broadcast %add3A_144 : i32 to vector<16xi32>
    %add3A_146 = arith.addi %add3A_145, %iota3A : vector<16xi32>
    %shift_right_arithmetic3A_147 = arith.constant 11 : i32
    %shift_right_arithmetic3A_148 = vector.broadcast %shift_right_arithmetic3A_147 : i32 to vector<16xi32>
    %shift_right_arithmetic3A_149 = arith.shrsi %add3A_146, %shift_right_arithmetic3A_148 : vector<16xi32>
    %shift_left3A_150 = arith.constant 11 : i32
    %shift_left3A_151 = vector.broadcast %shift_left3A_150 : i32 to vector<16xi32>
    %shift_left3A_152 = arith.shli %shift_right_arithmetic3A_149, %shift_left3A_151 : vector<16xi32>
    %and3A_153 = arith.constant 1023 : i32
    %and3A_154 = vector.broadcast %and3A_153 : i32 to vector<16xi32>
    %and3A_155 = arith.andi %add3A_146, %and3A_154 : vector<16xi32>
    %shift_left3A_156 = arith.constant 1 : i32
    %shift_left3A_157 = vector.broadcast %shift_left3A_156 : i32 to vector<16xi32>
    %shift_left3A_158 = arith.shli %and3A_155, %shift_left3A_157 : vector<16xi32>
    %add3A_159 = arith.addi %shift_left3A_152, %shift_left3A_158 : vector<16xi32>
    %shift_right_arithmetic3A_160 = arith.constant 10 : i32
    %shift_right_arithmetic3A_161 = vector.broadcast %shift_right_arithmetic3A_160 : i32 to vector<16xi32>
    %shift_right_arithmetic3A_162 = arith.shrsi %add3A_146, %shift_right_arithmetic3A_161 : vector<16xi32>
    %and3A_163 = arith.constant 1 : i32
    %and3A_164 = vector.broadcast %and3A_163 : i32 to vector<16xi32>
    %and3A_165 = arith.andi %shift_right_arithmetic3A_162, %and3A_164 : vector<16xi32>
    %add3A_166 = arith.addi %add3A_159, %and3A_165 : vector<16xi32>
    %swap3A_167 = arith.constant 32 : index
    %swap3A_168 = tpu.vector_load %arg9[%swap3A_167] {strides = array<i32>} : memref<128xi32, #tpu.memory_space<vmem>>, vector<16xi32>,
    %swap3A_169 = vector.shape_cast %swap3A_168 : vector<16xi32> to vector<16xi32>
    %swap3A_170 = vector.shape_cast %add3A_166 : vector<16xi32> to vector<16xi32>
    tpu.vector_store %arg9[%swap3A_167], %swap3A_170 {strides = array<i32>} : memref<128xi32, #tpu.memory_space<vmem>>, vector<16xi32>,
    %get3A_171 = arith.constant 48 : index
    %get3A_172 = tpu.vector_load %arg7[%get3A_171] {strides = array<i32>} : memref<128xi32, #tpu.memory_space<vmem>>, vector<16xi32>,
    %get3A_173 = vector.shape_cast %get3A_172 : vector<16xi32> to vector<16xi32>
    %shift_right_arithmetic3A_174 = arith.constant 13 : i32
    %shift_right_arithmetic3A_175 = vector.broadcast %shift_right_arithmetic3A_174 : i32 to vector<16xi32>
    %shift_right_arithmetic3A_176 = arith.shrsi %get3A_173, %shift_right_arithmetic3A_175 : vector<16xi32>
    %shift_left3A_177 = arith.constant 13 : i32
    %shift_left3A_178 = vector.broadcast %shift_left3A_177 : i32 to vector<16xi32>
    %shift_left3A_179 = arith.shli %shift_right_arithmetic3A_176, %shift_left3A_178 : vector<16xi32>
    %and3A_180 = arith.constant 4095 : i32
    %and3A_181 = vector.broadcast %and3A_180 : i32 to vector<16xi32>
    %and3A_182 = arith.andi %get3A_173, %and3A_181 : vector<16xi32>
    %shift_left3A_183 = arith.constant 1 : i32
    %shift_left3A_184 = vector.broadcast %shift_left3A_183 : i32 to vector<16xi32>
    %shift_left3A_185 = arith.shli %and3A_182, %shift_left3A_184 : vector<16xi32>
    %add3A_186 = arith.addi %shift_left3A_179, %shift_left3A_185 : vector<16xi32>
    %shift_right_arithmetic3A_187 = arith.constant 12 : i32
    %shift_right_arithmetic3A_188 = vector.broadcast %shift_right_arithmetic3A_187 : i32 to vector<16xi32>
    %shift_right_arithmetic3A_189 = arith.shrsi %get3A_173, %shift_right_arithmetic3A_188 : vector<16xi32>
    %and3A_190 = arith.constant 1 : i32
    %and3A_191 = vector.broadcast %and3A_190 : i32 to vector<16xi32>
    %and3A_192 = arith.andi %shift_right_arithmetic3A_189, %and3A_191 : vector<16xi32>
    %add3A_193 = arith.addi %add3A_186, %and3A_192 : vector<16xi32>
    %swap3A_194 = arith.constant 48 : index
    %swap3A_195 = tpu.vector_load %arg8[%swap3A_194] {strides = array<i32>} : memref<128xi32, #tpu.memory_space<vmem>>, vector<16xi32>,
    %swap3A_196 = vector.shape_cast %swap3A_195 : vector<16xi32> to vector<16xi32>
    %swap3A_197 = vector.shape_cast %add3A_193 : vector<16xi32> to vector<16xi32>
    tpu.vector_store %arg8[%swap3A_194], %swap3A_197 {strides = array<i32>} : memref<128xi32, #tpu.memory_space<vmem>>, vector<16xi32>,
    %add3A_198 = arith.constant 48 : i32
    %add3A_199 = arith.addi %add3A_10, %add3A_198 : i32
    %add3A_200 = vector.broadcast %add3A_199 : i32 to vector<16xi32>
    %add3A_201 = arith.addi %add3A_200, %iota3A : vector<16xi32>
    %shift_right_arithmetic3A_202 = arith.constant 11 : i32
    %shift_right_arithmetic3A_203 = vector.broadcast %shift_right_arithmetic3A_202 : i32 to vector<16xi32>
    %shift_right_arithmetic3A_204 = arith.shrsi %add3A_201, %shift_right_arithmetic3A_203 : vector<16xi32>
    %shift_left3A_205 = arith.constant 11 : i32
    %shift_left3A_206 = vector.broadcast %shift_left3A_205 : i32 to vector<16xi32>
    %shift_left3A_207 = arith.shli %shift_right_arithmetic3A_204, %shift_left3A_206 : vector<16xi32>
    %and3A_208 = arith.constant 1023 : i32
    %and3A_209 = vector.broadcast %and3A_208 : i32 to vector<16xi32>
    %and3A_210 = arith.andi %add3A_201, %and3A_209 : vector<16xi32>
    %shift_left3A_211 = arith.constant 1 : i32
    %shift_left3A_212 = vector.broadcast %shift_left3A_211 : i32 to vector<16xi32>
    %shift_left3A_213 = arith.shli %and3A_210, %shift_left3A_212 : vector<16xi32>
    %add3A_214 = arith.addi %shift_left3A_207, %shift_left3A_213 : vector<16xi32>
    %shift_right_arithmetic3A_215 = arith.constant 10 : i32
    %shift_right_arithmetic3A_216 = vector.broadcast %shift_right_arithmetic3A_215 : i32 to vector<16xi32>
    %shift_right_arithmetic3A_217 = arith.shrsi %add3A_201, %shift_right_arithmetic3A_216 : vector<16xi32>
    %and3A_218 = arith.constant 1 : i32
    %and3A_219 = vector.broadcast %and3A_218 : i32 to vector<16xi32>
    %and3A_220 = arith.andi %shift_right_arithmetic3A_217, %and3A_219 : vector<16xi32>
    %add3A_221 = arith.addi %add3A_214, %and3A_220 : vector<16xi32>
    %swap3A_222 = arith.constant 48 : index
    %swap3A_223 = tpu.vector_load %arg9[%swap3A_222] {strides = array<i32>} : memref<128xi32, #tpu.memory_space<vmem>>, vector<16xi32>,
    %swap3A_224 = vector.shape_cast %swap3A_223 : vector<16xi32> to vector<16xi32>
    %swap3A_225 = vector.shape_cast %add3A_221 : vector<16xi32> to vector<16xi32>
    tpu.vector_store %arg9[%swap3A_222], %swap3A_225 {strides = array<i32>} : memref<128xi32, #tpu.memory_space<vmem>>, vector<16xi32>,
    %get3A_226 = arith.constant 64 : index
    %get3A_227 = tpu.vector_load %arg7[%get3A_226] {strides = array<i32>} : memref<128xi32, #tpu.memory_space<vmem>>, vector<16xi32>,
    %get3A_228 = vector.shape_cast %get3A_227 : vector<16xi32> to vector<16xi32>
    %shift_right_arithmetic3A_229 = arith.constant 13 : i32
    %shift_right_arithmetic3A_230 = vector.broadcast %shift_right_arithmetic3A_229 : i32 to vector<16xi32>
    %shift_right_arithmetic3A_231 = arith.shrsi %get3A_228, %shift_right_arithmetic3A_230 : vector<16xi32>
    %shift_left3A_232 = arith.constant 13 : i32
    %shift_left3A_233 = vector.broadcast %shift_left3A_232 : i32 to vector<16xi32>
    %shift_left3A_234 = arith.shli %shift_right_arithmetic3A_231, %shift_left3A_233 : vector<16xi32>
    %and3A_235 = arith.constant 4095 : i32
    %and3A_236 = vector.broadcast %and3A_235 : i32 to vector<16xi32>
    %and3A_237 = arith.andi %get3A_228, %and3A_236 : vector<16xi32>
    %shift_left3A_238 = arith.constant 1 : i32
    %shift_left3A_239 = vector.broadcast %shift_left3A_238 : i32 to vector<16xi32>
    %shift_left3A_240 = arith.shli %and3A_237, %shift_left3A_239 : vector<16xi32>
    %add3A_241 = arith.addi %shift_left3A_234, %shift_left3A_240 : vector<16xi32>
    %shift_right_arithmetic3A_242 = arith.constant 12 : i32
    %shift_right_arithmetic3A_243 = vector.broadcast %shift_right_arithmetic3A_242 : i32 to vector<16xi32>
    %shift_right_arithmetic3A_244 = arith.shrsi %get3A_228, %shift_right_arithmetic3A_243 : vector<16xi32>
    %and3A_245 = arith.constant 1 : i32
    %and3A_246 = vector.broadcast %and3A_245 : i32 to vector<16xi32>
    %and3A_247 = arith.andi %shift_right_arithmetic3A_244, %and3A_246 : vector<16xi32>
    %add3A_248 = arith.addi %add3A_241, %and3A_247 : vector<16xi32>
    %swap3A_249 = arith.constant 64 : index
    %swap3A_250 = tpu.vector_load %arg8[%swap3A_249] {strides = array<i32>} : memref<128xi32, #tpu.memory_space<vmem>>, vector<16xi32>,
    %swap3A_251 = vector.shape_cast %swap3A_250 : vector<16xi32> to vector<16xi32>
    %swap3A_252 = vector.shape_cast %add3A_248 : vector<16xi32> to vector<16xi32>
    tpu.vector_store %arg8[%swap3A_249], %swap3A_252 {strides = array<i32>} : memref<128xi32, #tpu.memory_space<vmem>>, vector<16xi32>,
    %add3A_253 = arith.constant 64 : i32
    %add3A_254 = arith.addi %add3A_10, %add3A_253 : i32
    %add3A_255 = vector.broadcast %add3A_254 : i32 to vector<16xi32>
    %add3A_256 = arith.addi %add3A_255, %iota3A : vector<16xi32>
    %shift_right_arithmetic3A_257 = arith.constant 11 : i32
    %shift_right_arithmetic3A_258 = vector.broadcast %shift_right_arithmetic3A_257 : i32 to vector<16xi32>
    %shift_right_arithmetic3A_259 = arith.shrsi %add3A_256, %shift_right_arithmetic3A_258 : vector<16xi32>
    %shift_left3A_260 = arith.constant 11 : i32
    %shift_left3A_261 = vector.broadcast %shift_left3A_260 : i32 to vector<16xi32>
    %shift_left3A_262 = arith.shli %shift_right_arithmetic3A_259, %shift_left3A_261 : vector<16xi32>
    %and3A_263 = arith.constant 1023 : i32
    %and3A_264 = vector.broadcast %and3A_263 : i32 to vector<16xi32>
    %and3A_265 = arith.andi %add3A_256, %and3A_264 : vector<16xi32>
    %shift_left3A_266 = arith.constant 1 : i32
    %shift_left3A_267 = vector.broadcast %shift_left3A_266 : i32 to vector<16xi32>
    %shift_left3A_268 = arith.shli %and3A_265, %shift_left3A_267 : vector<16xi32>
    %add3A_269 = arith.addi %shift_left3A_262, %shift_left3A_268 : vector<16xi32>
    %shift_right_arithmetic3A_270 = arith.constant 10 : i32
    %shift_right_arithmetic3A_271 = vector.broadcast %shift_right_arithmetic3A_270 : i32 to vector<16xi32>
    %shift_right_arithmetic3A_272 = arith.shrsi %add3A_256, %shift_right_arithmetic3A_271 : vector<16xi32>
    %and3A_273 = arith.constant 1 : i32
    %and3A_274 = vector.broadcast %and3A_273 : i32 to vector<16xi32>
    %and3A_275 = arith.andi %shift_right_arithmetic3A_272, %and3A_274 : vector<16xi32>
    %add3A_276 = arith.addi %add3A_269, %and3A_275 : vector<16xi32>
    %swap3A_277 = arith.constant 64 : index
    %swap3A_278 = tpu.vector_load %arg9[%swap3A_277] {strides = array<i32>} : memref<128xi32, #tpu.memory_space<vmem>>, vector<16xi32>,
    %swap3A_279 = vector.shape_cast %swap3A_278 : vector<16xi32> to vector<16xi32>
    %swap3A_280 = vector.shape_cast %add3A_276 : vector<16xi32> to vector<16xi32>
    tpu.vector_store %arg9[%swap3A_277], %swap3A_280 {strides = array<i32>} : memref<128xi32, #tpu.memory_space<vmem>>, vector<16xi32>,
    %get3A_281 = arith.constant 80 : index
    %get3A_282 = tpu.vector_load %arg7[%get3A_281] {strides = array<i32>} : memref<128xi32, #tpu.memory_space<vmem>>, vector<16xi32>,
    %get3A_283 = vector.shape_cast %get3A_282 : vector<16xi32> to vector<16xi32>
    %shift_right_arithmetic3A_284 = arith.constant 13 : i32
    %shift_right_arithmetic3A_285 = vector.broadcast %shift_right_arithmetic3A_284 : i32 to vector<16xi32>
    %shift_right_arithmetic3A_286 = arith.shrsi %get3A_283, %shift_right_arithmetic3A_285 : vector<16xi32>
    %shift_left3A_287 = arith.constant 13 : i32
    %shift_left3A_288 = vector.broadcast %shift_left3A_287 : i32 to vector<16xi32>
    %shift_left3A_289 = arith.shli %shift_right_arithmetic3A_286, %shift_left3A_288 : vector<16xi32>
    %and3A_290 = arith.constant 4095 : i32
    %and3A_291 = vector.broadcast %and3A_290 : i32 to vector<16xi32>
    %and3A_292 = arith.andi %get3A_283, %and3A_291 : vector<16xi32>
    %shift_left3A_293 = arith.constant 1 : i32
    %shift_left3A_294 = vector.broadcast %shift_left3A_293 : i32 to vector<16xi32>
    %shift_left3A_295 = arith.shli %and3A_292, %shift_left3A_294 : vector<16xi32>
    %add3A_296 = arith.addi %shift_left3A_289, %shift_left3A_295 : vector<16xi32>
    %shift_right_arithmetic3A_297 = arith.constant 12 : i32
    %shift_right_arithmetic3A_298 = vector.broadcast %shift_right_arithmetic3A_297 : i32 to vector<16xi32>
    %shift_right_arithmetic3A_299 = arith.shrsi %get3A_283, %shift_right_arithmetic3A_298 : vector<16xi32>
    %and3A_300 = arith.constant 1 : i32
    %and3A_301 = vector.broadcast %and3A_300 : i32 to vector<16xi32>
    %and3A_302 = arith.andi %shift_right_arithmetic3A_299, %and3A_301 : vector<16xi32>
    %add3A_303 = arith.addi %add3A_296, %and3A_302 : vector<16xi32>
    %swap3A_304 = arith.constant 80 : index
    %swap3A_305 = tpu.vector_load %arg8[%swap3A_304] {strides = array<i32>} : memref<128xi32, #tpu.memory_space<vmem>>, vector<16xi32>,
    %swap3A_306 = vector.shape_cast %swap3A_305 : vector<16xi32> to vector<16xi32>
    %swap3A_307 = vector.shape_cast %add3A_303 : vector<16xi32> to vector<16xi32>
    tpu.vector_store %arg8[%swap3A_304], %swap3A_307 {strides = array<i32>} : memref<128xi32, #tpu.memory_space<vmem>>, vector<16xi32>,
    %add3A_308 = arith.constant 80 : i32
    %add3A_309 = arith.addi %add3A_10, %add3A_308 : i32
    %add3A_310 = vector.broadcast %add3A_309 : i32 to vector<16xi32>
    %add3A_311 = arith.addi %add3A_310, %iota3A : vector<16xi32>
    %shift_right_arithmetic3A_312 = arith.constant 11 : i32
    %shift_right_arithmetic3A_313 = vector.broadcast %shift_right_arithmetic3A_312 : i32 to vector<16xi32>
    %shift_right_arithmetic3A_314 = arith.shrsi %add3A_311, %shift_right_arithmetic3A_313 : vector<16xi32>
    %shift_left3A_315 = arith.constant 11 : i32
    %shift_left3A_316 = vector.broadcast %shift_left3A_315 : i32 to vector<16xi32>
    %shift_left3A_317 = arith.shli %shift_right_arithmetic3A_314, %shift_left3A_316 : vector<16xi32>
    %and3A_318 = arith.constant 1023 : i32
    %and3A_319 = vector.broadcast %and3A_318 : i32 to vector<16xi32>
    %and3A_320 = arith.andi %add3A_311, %and3A_319 : vector<16xi32>
    %shift_left3A_321 = arith.constant 1 : i32
    %shift_left3A_322 = vector.broadcast %shift_left3A_321 : i32 to vector<16xi32>
    %shift_left3A_323 = arith.shli %and3A_320, %shift_left3A_322 : vector<16xi32>
    %add3A_324 = arith.addi %shift_left3A_317, %shift_left3A_323 : vector<16xi32>
    %shift_right_arithmetic3A_325 = arith.constant 10 : i32
    %shift_right_arithmetic3A_326 = vector.broadcast %shift_right_arithmetic3A_325 : i32 to vector<16xi32>
    %shift_right_arithmetic3A_327 = arith.shrsi %add3A_311, %shift_right_arithmetic3A_326 : vector<16xi32>
    %and3A_328 = arith.constant 1 : i32
    %and3A_329 = vector.broadcast %and3A_328 : i32 to vector<16xi32>
    %and3A_330 = arith.andi %shift_right_arithmetic3A_327, %and3A_329 : vector<16xi32>
    %add3A_331 = arith.addi %add3A_324, %and3A_330 : vector<16xi32>
    %swap3A_332 = arith.constant 80 : index
    %swap3A_333 = tpu.vector_load %arg9[%swap3A_332] {strides = array<i32>} : memref<128xi32, #tpu.memory_space<vmem>>, vector<16xi32>,
    %swap3A_334 = vector.shape_cast %swap3A_333 : vector<16xi32> to vector<16xi32>
    %swap3A_335 = vector.shape_cast %add3A_331 : vector<16xi32> to vector<16xi32>
    tpu.vector_store %arg9[%swap3A_332], %swap3A_335 {strides = array<i32>} : memref<128xi32, #tpu.memory_space<vmem>>, vector<16xi32>,
    %get3A_336 = arith.constant 96 : index
    %get3A_337 = tpu.vector_load %arg7[%get3A_336] {strides = array<i32>} : memref<128xi32, #tpu.memory_space<vmem>>, vector<16xi32>,
    %get3A_338 = vector.shape_cast %get3A_337 : vector<16xi32> to vector<16xi32>
    %shift_right_arithmetic3A_339 = arith.constant 13 : i32
    %shift_right_arithmetic3A_340 = vector.broadcast %shift_right_arithmetic3A_339 : i32 to vector<16xi32>
    %shift_right_arithmetic3A_341 = arith.shrsi %get3A_338, %shift_right_arithmetic3A_340 : vector<16xi32>
    %shift_left3A_342 = arith.constant 13 : i32
    %shift_left3A_343 = vector.broadcast %shift_left3A_342 : i32 to vector<16xi32>
    %shift_left3A_344 = arith.shli %shift_right_arithmetic3A_341, %shift_left3A_343 : vector<16xi32>
    %and3A_345 = arith.constant 4095 : i32
    %and3A_346 = vector.broadcast %and3A_345 : i32 to vector<16xi32>
    %and3A_347 = arith.andi %get3A_338, %and3A_346 : vector<16xi32>
    %shift_left3A_348 = arith.constant 1 : i32
    %shift_left3A_349 = vector.broadcast %shift_left3A_348 : i32 to vector<16xi32>
    %shift_left3A_350 = arith.shli %and3A_347, %shift_left3A_349 : vector<16xi32>
    %add3A_351 = arith.addi %shift_left3A_344, %shift_left3A_350 : vector<16xi32>
    %shift_right_arithmetic3A_352 = arith.constant 12 : i32
    %shift_right_arithmetic3A_353 = vector.broadcast %shift_right_arithmetic3A_352 : i32 to vector<16xi32>
    %shift_right_arithmetic3A_354 = arith.shrsi %get3A_338, %shift_right_arithmetic3A_353 : vector<16xi32>
    %and3A_355 = arith.constant 1 : i32
    %and3A_356 = vector.broadcast %and3A_355 : i32 to vector<16xi32>
    %and3A_357 = arith.andi %shift_right_arithmetic3A_354, %and3A_356 : vector<16xi32>
    %add3A_358 = arith.addi %add3A_351, %and3A_357 : vector<16xi32>
    %swap3A_359 = arith.constant 96 : index
    %swap3A_360 = tpu.vector_load %arg8[%swap3A_359] {strides = array<i32>} : memref<128xi32, #tpu.memory_space<vmem>>, vector<16xi32>,
    %swap3A_361 = vector.shape_cast %swap3A_360 : vector<16xi32> to vector<16xi32>
    %swap3A_362 = vector.shape_cast %add3A_358 : vector<16xi32> to vector<16xi32>
    tpu.vector_store %arg8[%swap3A_359], %swap3A_362 {strides = array<i32>} : memref<128xi32, #tpu.memory_space<vmem>>, vector<16xi32>,
    %add3A_363 = arith.constant 96 : i32
    %add3A_364 = arith.addi %add3A_10, %add3A_363 : i32
    %add3A_365 = vector.broadcast %add3A_364 : i32 to vector<16xi32>
    %add3A_366 = arith.addi %add3A_365, %iota3A : vector<16xi32>
    %shift_right_arithmetic3A_367 = arith.constant 11 : i32
    %shift_right_arithmetic3A_368 = vector.broadcast %shift_right_arithmetic3A_367 : i32 to vector<16xi32>
    %shift_right_arithmetic3A_369 = arith.shrsi %add3A_366, %shift_right_arithmetic3A_368 : vector<16xi32>
    %shift_left3A_370 = arith.constant 11 : i32
    %shift_left3A_371 = vector.broadcast %shift_left3A_370 : i32 to vector<16xi32>
    %shift_left3A_372 = arith.shli %shift_right_arithmetic3A_369, %shift_left3A_371 : vector<16xi32>
    %and3A_373 = arith.constant 1023 : i32
    %and3A_374 = vector.broadcast %and3A_373 : i32 to vector<16xi32>
    %and3A_375 = arith.andi %add3A_366, %and3A_374 : vector<16xi32>
    %shift_left3A_376 = arith.constant 1 : i32
    %shift_left3A_377 = vector.broadcast %shift_left3A_376 : i32 to vector<16xi32>
    %shift_left3A_378 = arith.shli %and3A_375, %shift_left3A_377 : vector<16xi32>
    %add3A_379 = arith.addi %shift_left3A_372, %shift_left3A_378 : vector<16xi32>
    %shift_right_arithmetic3A_380 = arith.constant 10 : i32
    %shift_right_arithmetic3A_381 = vector.broadcast %shift_right_arithmetic3A_380 : i32 to vector<16xi32>
    %shift_right_arithmetic3A_382 = arith.shrsi %add3A_366, %shift_right_arithmetic3A_381 : vector<16xi32>
    %and3A_383 = arith.constant 1 : i32
    %and3A_384 = vector.broadcast %and3A_383 : i32 to vector<16xi32>
    %and3A_385 = arith.andi %shift_right_arithmetic3A_382, %and3A_384 : vector<16xi32>
    %add3A_386 = arith.addi %add3A_379, %and3A_385 : vector<16xi32>
    %swap3A_387 = arith.constant 96 : index
    %swap3A_388 = tpu.vector_load %arg9[%swap3A_387] {strides = array<i32>} : memref<128xi32, #tpu.memory_space<vmem>>, vector<16xi32>,
    %swap3A_389 = vector.shape_cast %swap3A_388 : vector<16xi32> to vector<16xi32>
    %swap3A_390 = vector.shape_cast %add3A_386 : vector<16xi32> to vector<16xi32>
    tpu.vector_store %arg9[%swap3A_387], %swap3A_390 {strides = array<i32>} : memref<128xi32, #tpu.memory_space<vmem>>, vector<16xi32>,
    %get3A_391 = arith.constant 112 : index
    %get3A_392 = tpu.vector_load %arg7[%get3A_391] {strides = array<i32>} : memref<128xi32, #tpu.memory_space<vmem>>, vector<16xi32>,
    %get3A_393 = vector.shape_cast %get3A_392 : vector<16xi32> to vector<16xi32>
    %shift_right_arithmetic3A_394 = arith.constant 13 : i32
    %shift_right_arithmetic3A_395 = vector.broadcast %shift_right_arithmetic3A_394 : i32 to vector<16xi32>
    %shift_right_arithmetic3A_396 = arith.shrsi %get3A_393, %shift_right_arithmetic3A_395 : vector<16xi32>
    %shift_left3A_397 = arith.constant 13 : i32
    %shift_left3A_398 = vector.broadcast %shift_left3A_397 : i32 to vector<16xi32>
    %shift_left3A_399 = arith.shli %shift_right_arithmetic3A_396, %shift_left3A_398 : vector<16xi32>
    %and3A_400 = arith.constant 4095 : i32
    %and3A_401 = vector.broadcast %and3A_400 : i32 to vector<16xi32>
    %and3A_402 = arith.andi %get3A_393, %and3A_401 : vector<16xi32>
    %shift_left3A_403 = arith.constant 1 : i32
    %shift_left3A_404 = vector.broadcast %shift_left3A_403 : i32 to vector<16xi32>
    %shift_left3A_405 = arith.shli %and3A_402, %shift_left3A_404 : vector<16xi32>
    %add3A_406 = arith.addi %shift_left3A_399, %shift_left3A_405 : vector<16xi32>
    %shift_right_arithmetic3A_407 = arith.constant 12 : i32
    %shift_right_arithmetic3A_408 = vector.broadcast %shift_right_arithmetic3A_407 : i32 to vector<16xi32>
    %shift_right_arithmetic3A_409 = arith.shrsi %get3A_393, %shift_right_arithmetic3A_408 : vector<16xi32>
    %and3A_410 = arith.constant 1 : i32
    %and3A_411 = vector.broadcast %and3A_410 : i32 to vector<16xi32>
    %and3A_412 = arith.andi %shift_right_arithmetic3A_409, %and3A_411 : vector<16xi32>
    %add3A_413 = arith.addi %add3A_406, %and3A_412 : vector<16xi32>
    %swap3A_414 = arith.constant 112 : index
    %swap3A_415 = tpu.vector_load %arg8[%swap3A_414] {strides = array<i32>} : memref<128xi32, #tpu.memory_space<vmem>>, vector<16xi32>,
    %swap3A_416 = vector.shape_cast %swap3A_415 : vector<16xi32> to vector<16xi32>
    %swap3A_417 = vector.shape_cast %add3A_413 : vector<16xi32> to vector<16xi32>
    tpu.vector_store %arg8[%swap3A_414], %swap3A_417 {strides = array<i32>} : memref<128xi32, #tpu.memory_space<vmem>>, vector<16xi32>,
    %add3A_418 = arith.constant 112 : i32
    %add3A_419 = arith.addi %add3A_10, %add3A_418 : i32
    %add3A_420 = vector.broadcast %add3A_419 : i32 to vector<16xi32>
    %add3A_421 = arith.addi %add3A_420, %iota3A : vector<16xi32>
    %shift_right_arithmetic3A_422 = arith.constant 11 : i32
    %shift_right_arithmetic3A_423 = vector.broadcast %shift_right_arithmetic3A_422 : i32 to vector<16xi32>
    %shift_right_arithmetic3A_424 = arith.shrsi %add3A_421, %shift_right_arithmetic3A_423 : vector<16xi32>
    %shift_left3A_425 = arith.constant 11 : i32
    %shift_left3A_426 = vector.broadcast %shift_left3A_425 : i32 to vector<16xi32>
    %shift_left3A_427 = arith.shli %shift_right_arithmetic3A_424, %shift_left3A_426 : vector<16xi32>
    %and3A_428 = arith.constant 1023 : i32
    %and3A_429 = vector.broadcast %and3A_428 : i32 to vector<16xi32>
    %and3A_430 = arith.andi %add3A_421, %and3A_429 : vector<16xi32>
    %shift_left3A_431 = arith.constant 1 : i32
    %shift_left3A_432 = vector.broadcast %shift_left3A_431 : i32 to vector<16xi32>
    %shift_left3A_433 = arith.shli %and3A_430, %shift_left3A_432 : vector<16xi32>
    %add3A_434 = arith.addi %shift_left3A_427, %shift_left3A_433 : vector<16xi32>
    %shift_right_arithmetic3A_435 = arith.constant 10 : i32
    %shift_right_arithmetic3A_436 = vector.broadcast %shift_right_arithmetic3A_435 : i32 to vector<16xi32>
    %shift_right_arithmetic3A_437 = arith.shrsi %add3A_421, %shift_right_arithmetic3A_436 : vector<16xi32>
    %and3A_438 = arith.constant 1 : i32
    %and3A_439 = vector.broadcast %and3A_438 : i32 to vector<16xi32>
    %and3A_440 = arith.andi %shift_right_arithmetic3A_437, %and3A_439 : vector<16xi32>
    %add3A_441 = arith.addi %add3A_434, %and3A_440 : vector<16xi32>
    %swap3A_442 = arith.constant 112 : index
    %swap3A_443 = tpu.vector_load %arg9[%swap3A_442] {strides = array<i32>} : memref<128xi32, #tpu.memory_space<vmem>>, vector<16xi32>,
    %swap3A_444 = vector.shape_cast %swap3A_443 : vector<16xi32> to vector<16xi32>
    %swap3A_445 = vector.shape_cast %add3A_441 : vector<16xi32> to vector<16xi32>
    tpu.vector_store %arg9[%swap3A_442], %swap3A_445 {strides = array<i32>} : memref<128xi32, #tpu.memory_space<vmem>>, vector<16xi32>,
    %dma_start3A = arith.constant 0 : i32
    %dma_start3A_446 = arith.constant 0 : i32
    %dma_start3A_447 = tpu.memref_slice %arg4[%dma_start3A, %dma_start3A_446] : memref<106496x64xi32, #tpu.memory_space<hbm>> -> memref<106496x64xi32, #tpu.memory_space<hbm>>
    tpu.enqueue_indirect_dma source(%dma_start3A_447 : memref<106496x64xi32, #tpu.memory_space<hbm>>) target(%arg10 : memref<128x64xi32, #tpu.memory_space<vmem>>) offsets(%arg8 : memref<128xi32, #tpu.memory_space<vmem>>) semaphore(%arg12 : memref<!tpu.dma_semaphore, #tpu.memory_space<semaphore_mem>>)
    %dma_wait3A = arith.constant 0 : i32
    %dma_wait3A_448 = arith.constant 0 : i32
    %dma_wait3A_449 = tpu.memref_slice %arg4[%dma_wait3A, %dma_wait3A_448] : memref<106496x64xi32, #tpu.memory_space<hbm>> -> memref<106496x64xi32, #tpu.memory_space<hbm>>
    tpu.wait_indirect_dma semaphore(%arg12 : memref<!tpu.dma_semaphore, #tpu.memory_space<semaphore_mem>>) src(%dma_wait3A_449 : memref<106496x64xi32, #tpu.memory_space<hbm>>) dst(%arg10 : memref<128x64xi32, #tpu.memory_space<vmem>>)
    %dma_start3A_450 = arith.constant 0 : i32
    %dma_start3A_451 = arith.constant 0 : i32
    %dma_start3A_452 = tpu.memref_slice %arg5[%dma_start3A_450, %dma_start3A_451] : memref<8192x64xi32, #tpu.memory_space<hbm>> -> memref<8192x64xi32, #tpu.memory_space<hbm>>
    tpu.enqueue_indirect_dma source(%arg10 : memref<128x64xi32, #tpu.memory_space<vmem>>) target(%dma_start3A_452 : memref<8192x64xi32, #tpu.memory_space<hbm>>) offsets(%arg9 : memref<128xi32, #tpu.memory_space<vmem>>) semaphore(%arg13 : memref<!tpu.dma_semaphore, #tpu.memory_space<semaphore_mem>>)
    %add3A_453 = arith.constant 128 : i32
    %add3A_454 = arith.addi %add3A_4, %add3A_453 : i32
    "tpu.region"() ({
      %run_scoped3A = tpu.sem_alloc : memref<!tpu.dma_semaphore, #tpu.memory_space<semaphore_mem>>
      %dma_start3A_1824 = tpu.memref_slice %arg2[%add3A_454] : memref<16384xi32, #tpu.memory_space<hbm>> -> memref<128xi32, #tpu.memory_space<hbm>>
      %dma_start3A_1825 = tpu.memref_slice %arg2[%add3A_454] : memref<16384xi32, #tpu.memory_space<hbm>> -> memref<128xi32, #tpu.memory_space<hbm>>
      tpu.enqueue_dma source(%dma_start3A_1825 : memref<128xi32, #tpu.memory_space<hbm>>) target(%arg7 : memref<128xi32, #tpu.memory_space<vmem>>) target_semaphore(%run_scoped3A : memref<!tpu.dma_semaphore, #tpu.memory_space<semaphore_mem>>)
      %dma_wait3A_1826 = tpu.memref_slice %arg2[%add3A_454] : memref<16384xi32, #tpu.memory_space<hbm>> -> memref<128xi32, #tpu.memory_space<hbm>>
      %dma_wait3A_1827 = tpu.memref_slice %arg2[%add3A_454] : memref<16384xi32, #tpu.memory_space<hbm>> -> memref<128xi32, #tpu.memory_space<hbm>>
      tpu.wait_dma2 semaphore(%run_scoped3A : memref<!tpu.dma_semaphore, #tpu.memory_space<semaphore_mem>>) src(%dma_wait3A_1827 : memref<128xi32, #tpu.memory_space<hbm>>) dst(%arg7 : memref<128xi32, #tpu.memory_space<vmem>>)
      tpu.yield
    }) : () -> ()
    %add3A_455 = arith.constant 128 : i32
    %add3A_456 = arith.addi %mul3A_6, %add3A_455 : i32
    %get3A_457 = arith.constant 0 : index
    %get3A_458 = tpu.vector_load %arg7[%get3A_457] {strides = array<i32>} : memref<128xi32, #tpu.memory_space<vmem>>, vector<16xi32>,
    %get3A_459 = vector.shape_cast %get3A_458 : vector<16xi32> to vector<16xi32>
    %shift_right_arithmetic3A_460 = arith.constant 13 : i32
    %shift_right_arithmetic3A_461 = vector.broadcast %shift_right_arithmetic3A_460 : i32 to vector<16xi32>
    %shift_right_arithmetic3A_462 = arith.shrsi %get3A_459, %shift_right_arithmetic3A_461 : vector<16xi32>
    %shift_left3A_463 = arith.constant 13 : i32
    %shift_left3A_464 = vector.broadcast %shift_left3A_463 : i32 to vector<16xi32>
    %shift_left3A_465 = arith.shli %shift_right_arithmetic3A_462, %shift_left3A_464 : vector<16xi32>
    %and3A_466 = arith.constant 4095 : i32
    %and3A_467 = vector.broadcast %and3A_466 : i32 to vector<16xi32>
    %and3A_468 = arith.andi %get3A_459, %and3A_467 : vector<16xi32>
    %shift_left3A_469 = arith.constant 1 : i32
    %shift_left3A_470 = vector.broadcast %shift_left3A_469 : i32 to vector<16xi32>
    %shift_left3A_471 = arith.shli %and3A_468, %shift_left3A_470 : vector<16xi32>
    %add3A_472 = arith.addi %shift_left3A_465, %shift_left3A_471 : vector<16xi32>
    %shift_right_arithmetic3A_473 = arith.constant 12 : i32
    %shift_right_arithmetic3A_474 = vector.broadcast %shift_right_arithmetic3A_473 : i32 to vector<16xi32>
    %shift_right_arithmetic3A_475 = arith.shrsi %get3A_459, %shift_right_arithmetic3A_474 : vector<16xi32>
    %and3A_476 = arith.constant 1 : i32
    %and3A_477 = vector.broadcast %and3A_476 : i32 to vector<16xi32>
    %and3A_478 = arith.andi %shift_right_arithmetic3A_475, %and3A_477 : vector<16xi32>
    %add3A_479 = arith.addi %add3A_472, %and3A_478 : vector<16xi32>
    %swap3A_480 = arith.constant 0 : index
    %swap3A_481 = tpu.vector_load %arg8[%swap3A_480] {strides = array<i32>} : memref<128xi32, #tpu.memory_space<vmem>>, vector<16xi32>,
    %swap3A_482 = vector.shape_cast %swap3A_481 : vector<16xi32> to vector<16xi32>
    %swap3A_483 = vector.shape_cast %add3A_479 : vector<16xi32> to vector<16xi32>
    tpu.vector_store %arg8[%swap3A_480], %swap3A_483 {strides = array<i32>} : memref<128xi32, #tpu.memory_space<vmem>>, vector<16xi32>,
    %add3A_484 = arith.constant 0 : i32
    %add3A_485 = arith.addi %add3A_456, %add3A_484 : i32
    %add3A_486 = vector.broadcast %add3A_485 : i32 to vector<16xi32>
    %add3A_487 = arith.addi %add3A_486, %iota3A : vector<16xi32>
    %shift_right_arithmetic3A_488 = arith.constant 11 : i32
    %shift_right_arithmetic3A_489 = vector.broadcast %shift_right_arithmetic3A_488 : i32 to vector<16xi32>
    %shift_right_arithmetic3A_490 = arith.shrsi %add3A_487, %shift_right_arithmetic3A_489 : vector<16xi32>
    %shift_left3A_491 = arith.constant 11 : i32
    %shift_left3A_492 = vector.broadcast %shift_left3A_491 : i32 to vector<16xi32>
    %shift_left3A_493 = arith.shli %shift_right_arithmetic3A_490, %shift_left3A_492 : vector<16xi32>
    %and3A_494 = arith.constant 1023 : i32
    %and3A_495 = vector.broadcast %and3A_494 : i32 to vector<16xi32>
    %and3A_496 = arith.andi %add3A_487, %and3A_495 : vector<16xi32>
    %shift_left3A_497 = arith.constant 1 : i32
    %shift_left3A_498 = vector.broadcast %shift_left3A_497 : i32 to vector<16xi32>
    %shift_left3A_499 = arith.shli %and3A_496, %shift_left3A_498 : vector<16xi32>
    %add3A_500 = arith.addi %shift_left3A_493, %shift_left3A_499 : vector<16xi32>
    %shift_right_arithmetic3A_501 = arith.constant 10 : i32
    %shift_right_arithmetic3A_502 = vector.broadcast %shift_right_arithmetic3A_501 : i32 to vector<16xi32>
    %shift_right_arithmetic3A_503 = arith.shrsi %add3A_487, %shift_right_arithmetic3A_502 : vector<16xi32>
    %and3A_504 = arith.constant 1 : i32
    %and3A_505 = vector.broadcast %and3A_504 : i32 to vector<16xi32>
    %and3A_506 = arith.andi %shift_right_arithmetic3A_503, %and3A_505 : vector<16xi32>
    %add3A_507 = arith.addi %add3A_500, %and3A_506 : vector<16xi32>
    %swap3A_508 = arith.constant 0 : index
    %swap3A_509 = tpu.vector_load %arg9[%swap3A_508] {strides = array<i32>} : memref<128xi32, #tpu.memory_space<vmem>>, vector<16xi32>,
    %swap3A_510 = vector.shape_cast %swap3A_509 : vector<16xi32> to vector<16xi32>
    %swap3A_511 = vector.shape_cast %add3A_507 : vector<16xi32> to vector<16xi32>
    tpu.vector_store %arg9[%swap3A_508], %swap3A_511 {strides = array<i32>} : memref<128xi32, #tpu.memory_space<vmem>>, vector<16xi32>,
    %get3A_512 = arith.constant 16 : index
    %get3A_513 = tpu.vector_load %arg7[%get3A_512] {strides = array<i32>} : memref<128xi32, #tpu.memory_space<vmem>>, vector<16xi32>,
    %get3A_514 = vector.shape_cast %get3A_513 : vector<16xi32> to vector<16xi32>
    %shift_right_arithmetic3A_515 = arith.constant 13 : i32
    %shift_right_arithmetic3A_516 = vector.broadcast %shift_right_arithmetic3A_515 : i32 to vector<16xi32>
    %shift_right_arithmetic3A_517 = arith.shrsi %get3A_514, %shift_right_arithmetic3A_516 : vector<16xi32>
    %shift_left3A_518 = arith.constant 13 : i32
    %shift_left3A_519 = vector.broadcast %shift_left3A_518 : i32 to vector<16xi32>
    %shift_left3A_520 = arith.shli %shift_right_arithmetic3A_517, %shift_left3A_519 : vector<16xi32>
    %and3A_521 = arith.constant 4095 : i32
    %and3A_522 = vector.broadcast %and3A_521 : i32 to vector<16xi32>
    %and3A_523 = arith.andi %get3A_514, %and3A_522 : vector<16xi32>
    %shift_left3A_524 = arith.constant 1 : i32
    %shift_left3A_525 = vector.broadcast %shift_left3A_524 : i32 to vector<16xi32>
    %shift_left3A_526 = arith.shli %and3A_523, %shift_left3A_525 : vector<16xi32>
    %add3A_527 = arith.addi %shift_left3A_520, %shift_left3A_526 : vector<16xi32>
    %shift_right_arithmetic3A_528 = arith.constant 12 : i32
    %shift_right_arithmetic3A_529 = vector.broadcast %shift_right_arithmetic3A_528 : i32 to vector<16xi32>
    %shift_right_arithmetic3A_530 = arith.shrsi %get3A_514, %shift_right_arithmetic3A_529 : vector<16xi32>
    %and3A_531 = arith.constant 1 : i32
    %and3A_532 = vector.broadcast %and3A_531 : i32 to vector<16xi32>
    %and3A_533 = arith.andi %shift_right_arithmetic3A_530, %and3A_532 : vector<16xi32>
    %add3A_534 = arith.addi %add3A_527, %and3A_533 : vector<16xi32>
    %swap3A_535 = arith.constant 16 : index
    %swap3A_536 = tpu.vector_load %arg8[%swap3A_535] {strides = array<i32>} : memref<128xi32, #tpu.memory_space<vmem>>, vector<16xi32>,
    %swap3A_537 = vector.shape_cast %swap3A_536 : vector<16xi32> to vector<16xi32>
    %swap3A_538 = vector.shape_cast %add3A_534 : vector<16xi32> to vector<16xi32>
    tpu.vector_store %arg8[%swap3A_535], %swap3A_538 {strides = array<i32>} : memref<128xi32, #tpu.memory_space<vmem>>, vector<16xi32>,
    %add3A_539 = arith.constant 16 : i32
    %add3A_540 = arith.addi %add3A_456, %add3A_539 : i32
    %add3A_541 = vector.broadcast %add3A_540 : i32 to vector<16xi32>
    %add3A_542 = arith.addi %add3A_541, %iota3A : vector<16xi32>
    %shift_right_arithmetic3A_543 = arith.constant 11 : i32
    %shift_right_arithmetic3A_544 = vector.broadcast %shift_right_arithmetic3A_543 : i32 to vector<16xi32>
    %shift_right_arithmetic3A_545 = arith.shrsi %add3A_542, %shift_right_arithmetic3A_544 : vector<16xi32>
    %shift_left3A_546 = arith.constant 11 : i32
    %shift_left3A_547 = vector.broadcast %shift_left3A_546 : i32 to vector<16xi32>
    %shift_left3A_548 = arith.shli %shift_right_arithmetic3A_545, %shift_left3A_547 : vector<16xi32>
    %and3A_549 = arith.constant 1023 : i32
    %and3A_550 = vector.broadcast %and3A_549 : i32 to vector<16xi32>
    %and3A_551 = arith.andi %add3A_542, %and3A_550 : vector<16xi32>
    %shift_left3A_552 = arith.constant 1 : i32
    %shift_left3A_553 = vector.broadcast %shift_left3A_552 : i32 to vector<16xi32>
    %shift_left3A_554 = arith.shli %and3A_551, %shift_left3A_553 : vector<16xi32>
    %add3A_555 = arith.addi %shift_left3A_548, %shift_left3A_554 : vector<16xi32>
    %shift_right_arithmetic3A_556 = arith.constant 10 : i32
    %shift_right_arithmetic3A_557 = vector.broadcast %shift_right_arithmetic3A_556 : i32 to vector<16xi32>
    %shift_right_arithmetic3A_558 = arith.shrsi %add3A_542, %shift_right_arithmetic3A_557 : vector<16xi32>
    %and3A_559 = arith.constant 1 : i32
    %and3A_560 = vector.broadcast %and3A_559 : i32 to vector<16xi32>
    %and3A_561 = arith.andi %shift_right_arithmetic3A_558, %and3A_560 : vector<16xi32>
    %add3A_562 = arith.addi %add3A_555, %and3A_561 : vector<16xi32>
    %swap3A_563 = arith.constant 16 : index
    %swap3A_564 = tpu.vector_load %arg9[%swap3A_563] {strides = array<i32>} : memref<128xi32, #tpu.memory_space<vmem>>, vector<16xi32>,
    %swap3A_565 = vector.shape_cast %swap3A_564 : vector<16xi32> to vector<16xi32>
    %swap3A_566 = vector.shape_cast %add3A_562 : vector<16xi32> to vector<16xi32>
    tpu.vector_store %arg9[%swap3A_563], %swap3A_566 {strides = array<i32>} : memref<128xi32, #tpu.memory_space<vmem>>, vector<16xi32>,
    %get3A_567 = arith.constant 32 : index
    %get3A_568 = tpu.vector_load %arg7[%get3A_567] {strides = array<i32>} : memref<128xi32, #tpu.memory_space<vmem>>, vector<16xi32>,
    %get3A_569 = vector.shape_cast %get3A_568 : vector<16xi32> to vector<16xi32>
    %shift_right_arithmetic3A_570 = arith.constant 13 : i32
    %shift_right_arithmetic3A_571 = vector.broadcast %shift_right_arithmetic3A_570 : i32 to vector<16xi32>
    %shift_right_arithmetic3A_572 = arith.shrsi %get3A_569, %shift_right_arithmetic3A_571 : vector<16xi32>
    %shift_left3A_573 = arith.constant 13 : i32
    %shift_left3A_574 = vector.broadcast %shift_left3A_573 : i32 to vector<16xi32>
    %shift_left3A_575 = arith.shli %shift_right_arithmetic3A_572, %shift_left3A_574 : vector<16xi32>
    %and3A_576 = arith.constant 4095 : i32
    %and3A_577 = vector.broadcast %and3A_576 : i32 to vector<16xi32>
    %and3A_578 = arith.andi %get3A_569, %and3A_577 : vector<16xi32>
    %shift_left3A_579 = arith.constant 1 : i32
    %shift_left3A_580 = vector.broadcast %shift_left3A_579 : i32 to vector<16xi32>
    %shift_left3A_581 = arith.shli %and3A_578, %shift_left3A_580 : vector<16xi32>
    %add3A_582 = arith.addi %shift_left3A_575, %shift_left3A_581 : vector<16xi32>
    %shift_right_arithmetic3A_583 = arith.constant 12 : i32
    %shift_right_arithmetic3A_584 = vector.broadcast %shift_right_arithmetic3A_583 : i32 to vector<16xi32>
    %shift_right_arithmetic3A_585 = arith.shrsi %get3A_569, %shift_right_arithmetic3A_584 : vector<16xi32>
    %and3A_586 = arith.constant 1 : i32
    %and3A_587 = vector.broadcast %and3A_586 : i32 to vector<16xi32>
    %and3A_588 = arith.andi %shift_right_arithmetic3A_585, %and3A_587 : vector<16xi32>
    %add3A_589 = arith.addi %add3A_582, %and3A_588 : vector<16xi32>
    %swap3A_590 = arith.constant 32 : index
    %swap3A_591 = tpu.vector_load %arg8[%swap3A_590] {strides = array<i32>} : memref<128xi32, #tpu.memory_space<vmem>>, vector<16xi32>,
    %swap3A_592 = vector.shape_cast %swap3A_591 : vector<16xi32> to vector<16xi32>
    %swap3A_593 = vector.shape_cast %add3A_589 : vector<16xi32> to vector<16xi32>
    tpu.vector_store %arg8[%swap3A_590], %swap3A_593 {strides = array<i32>} : memref<128xi32, #tpu.memory_space<vmem>>, vector<16xi32>,
    %add3A_594 = arith.constant 32 : i32
    %add3A_595 = arith.addi %add3A_456, %add3A_594 : i32
    %add3A_596 = vector.broadcast %add3A_595 : i32 to vector<16xi32>
    %add3A_597 = arith.addi %add3A_596, %iota3A : vector<16xi32>
    %shift_right_arithmetic3A_598 = arith.constant 11 : i32
    %shift_right_arithmetic3A_599 = vector.broadcast %shift_right_arithmetic3A_598 : i32 to vector<16xi32>
    %shift_right_arithmetic3A_600 = arith.shrsi %add3A_597, %shift_right_arithmetic3A_599 : vector<16xi32>
    %shift_left3A_601 = arith.constant 11 : i32
    %shift_left3A_602 = vector.broadcast %shift_left3A_601 : i32 to vector<16xi32>
    %shift_left3A_603 = arith.shli %shift_right_arithmetic3A_600, %shift_left3A_602 : vector<16xi32>
    %and3A_604 = arith.constant 1023 : i32
    %and3A_605 = vector.broadcast %and3A_604 : i32 to vector<16xi32>
    %and3A_606 = arith.andi %add3A_597, %and3A_605 : vector<16xi32>
    %shift_left3A_607 = arith.constant 1 : i32
    %shift_left3A_608 = vector.broadcast %shift_left3A_607 : i32 to vector<16xi32>
    %shift_left3A_609 = arith.shli %and3A_606, %shift_left3A_608 : vector<16xi32>
    %add3A_610 = arith.addi %shift_left3A_603, %shift_left3A_609 : vector<16xi32>
    %shift_right_arithmetic3A_611 = arith.constant 10 : i32
    %shift_right_arithmetic3A_612 = vector.broadcast %shift_right_arithmetic3A_611 : i32 to vector<16xi32>
    %shift_right_arithmetic3A_613 = arith.shrsi %add3A_597, %shift_right_arithmetic3A_612 : vector<16xi32>
    %and3A_614 = arith.constant 1 : i32
    %and3A_615 = vector.broadcast %and3A_614 : i32 to vector<16xi32>
    %and3A_616 = arith.andi %shift_right_arithmetic3A_613, %and3A_615 : vector<16xi32>
    %add3A_617 = arith.addi %add3A_610, %and3A_616 : vector<16xi32>
    %swap3A_618 = arith.constant 32 : index
    %swap3A_619 = tpu.vector_load %arg9[%swap3A_618] {strides = array<i32>} : memref<128xi32, #tpu.memory_space<vmem>>, vector<16xi32>,
    %swap3A_620 = vector.shape_cast %swap3A_619 : vector<16xi32> to vector<16xi32>
    %swap3A_621 = vector.shape_cast %add3A_617 : vector<16xi32> to vector<16xi32>
    tpu.vector_store %arg9[%swap3A_618], %swap3A_621 {strides = array<i32>} : memref<128xi32, #tpu.memory_space<vmem>>, vector<16xi32>,
    %get3A_622 = arith.constant 48 : index
    %get3A_623 = tpu.vector_load %arg7[%get3A_622] {strides = array<i32>} : memref<128xi32, #tpu.memory_space<vmem>>, vector<16xi32>,
    %get3A_624 = vector.shape_cast %get3A_623 : vector<16xi32> to vector<16xi32>
    %shift_right_arithmetic3A_625 = arith.constant 13 : i32
    %shift_right_arithmetic3A_626 = vector.broadcast %shift_right_arithmetic3A_625 : i32 to vector<16xi32>
    %shift_right_arithmetic3A_627 = arith.shrsi %get3A_624, %shift_right_arithmetic3A_626 : vector<16xi32>
    %shift_left3A_628 = arith.constant 13 : i32
    %shift_left3A_629 = vector.broadcast %shift_left3A_628 : i32 to vector<16xi32>
    %shift_left3A_630 = arith.shli %shift_right_arithmetic3A_627, %shift_left3A_629 : vector<16xi32>
    %and3A_631 = arith.constant 4095 : i32
    %and3A_632 = vector.broadcast %and3A_631 : i32 to vector<16xi32>
    %and3A_633 = arith.andi %get3A_624, %and3A_632 : vector<16xi32>
    %shift_left3A_634 = arith.constant 1 : i32
    %shift_left3A_635 = vector.broadcast %shift_left3A_634 : i32 to vector<16xi32>
    %shift_left3A_636 = arith.shli %and3A_633, %shift_left3A_635 : vector<16xi32>
    %add3A_637 = arith.addi %shift_left3A_630, %shift_left3A_636 : vector<16xi32>
    %shift_right_arithmetic3A_638 = arith.constant 12 : i32
    %shift_right_arithmetic3A_639 = vector.broadcast %shift_right_arithmetic3A_638 : i32 to vector<16xi32>
    %shift_right_arithmetic3A_640 = arith.shrsi %get3A_624, %shift_right_arithmetic3A_639 : vector<16xi32>
    %and3A_641 = arith.constant 1 : i32
    %and3A_642 = vector.broadcast %and3A_641 : i32 to vector<16xi32>
    %and3A_643 = arith.andi %shift_right_arithmetic3A_640, %and3A_642 : vector<16xi32>
    %add3A_644 = arith.addi %add3A_637, %and3A_643 : vector<16xi32>
    %swap3A_645 = arith.constant 48 : index
    %swap3A_646 = tpu.vector_load %arg8[%swap3A_645] {strides = array<i32>} : memref<128xi32, #tpu.memory_space<vmem>>, vector<16xi32>,
    %swap3A_647 = vector.shape_cast %swap3A_646 : vector<16xi32> to vector<16xi32>
    %swap3A_648 = vector.shape_cast %add3A_644 : vector<16xi32> to vector<16xi32>
    tpu.vector_store %arg8[%swap3A_645], %swap3A_648 {strides = array<i32>} : memref<128xi32, #tpu.memory_space<vmem>>, vector<16xi32>,
    %add3A_649 = arith.constant 48 : i32
    %add3A_650 = arith.addi %add3A_456, %add3A_649 : i32
    %add3A_651 = vector.broadcast %add3A_650 : i32 to vector<16xi32>
    %add3A_652 = arith.addi %add3A_651, %iota3A : vector<16xi32>
    %shift_right_arithmetic3A_653 = arith.constant 11 : i32
    %shift_right_arithmetic3A_654 = vector.broadcast %shift_right_arithmetic3A_653 : i32 to vector<16xi32>
    %shift_right_arithmetic3A_655 = arith.shrsi %add3A_652, %shift_right_arithmetic3A_654 : vector<16xi32>
    %shift_left3A_656 = arith.constant 11 : i32
    %shift_left3A_657 = vector.broadcast %shift_left3A_656 : i32 to vector<16xi32>
    %shift_left3A_658 = arith.shli %shift_right_arithmetic3A_655, %shift_left3A_657 : vector<16xi32>
    %and3A_659 = arith.constant 1023 : i32
    %and3A_660 = vector.broadcast %and3A_659 : i32 to vector<16xi32>
    %and3A_661 = arith.andi %add3A_652, %and3A_660 : vector<16xi32>
    %shift_left3A_662 = arith.constant 1 : i32
    %shift_left3A_663 = vector.broadcast %shift_left3A_662 : i32 to vector<16xi32>
    %shift_left3A_664 = arith.shli %and3A_661, %shift_left3A_663 : vector<16xi32>
    %add3A_665 = arith.addi %shift_left3A_658, %shift_left3A_664 : vector<16xi32>
    %shift_right_arithmetic3A_666 = arith.constant 10 : i32
    %shift_right_arithmetic3A_667 = vector.broadcast %shift_right_arithmetic3A_666 : i32 to vector<16xi32>
    %shift_right_arithmetic3A_668 = arith.shrsi %add3A_652, %shift_right_arithmetic3A_667 : vector<16xi32>
    %and3A_669 = arith.constant 1 : i32
    %and3A_670 = vector.broadcast %and3A_669 : i32 to vector<16xi32>
    %and3A_671 = arith.andi %shift_right_arithmetic3A_668, %and3A_670 : vector<16xi32>
    %add3A_672 = arith.addi %add3A_665, %and3A_671 : vector<16xi32>
    %swap3A_673 = arith.constant 48 : index
    %swap3A_674 = tpu.vector_load %arg9[%swap3A_673] {strides = array<i32>} : memref<128xi32, #tpu.memory_space<vmem>>, vector<16xi32>,
    %swap3A_675 = vector.shape_cast %swap3A_674 : vector<16xi32> to vector<16xi32>
    %swap3A_676 = vector.shape_cast %add3A_672 : vector<16xi32> to vector<16xi32>
    tpu.vector_store %arg9[%swap3A_673], %swap3A_676 {strides = array<i32>} : memref<128xi32, #tpu.memory_space<vmem>>, vector<16xi32>,
    %get3A_677 = arith.constant 64 : index
    %get3A_678 = tpu.vector_load %arg7[%get3A_677] {strides = array<i32>} : memref<128xi32, #tpu.memory_space<vmem>>, vector<16xi32>,
    %get3A_679 = vector.shape_cast %get3A_678 : vector<16xi32> to vector<16xi32>
    %shift_right_arithmetic3A_680 = arith.constant 13 : i32
    %shift_right_arithmetic3A_681 = vector.broadcast %shift_right_arithmetic3A_680 : i32 to vector<16xi32>
    %shift_right_arithmetic3A_682 = arith.shrsi %get3A_679, %shift_right_arithmetic3A_681 : vector<16xi32>
    %shift_left3A_683 = arith.constant 13 : i32
    %shift_left3A_684 = vector.broadcast %shift_left3A_683 : i32 to vector<16xi32>
    %shift_left3A_685 = arith.shli %shift_right_arithmetic3A_682, %shift_left3A_684 : vector<16xi32>
    %and3A_686 = arith.constant 4095 : i32
    %and3A_687 = vector.broadcast %and3A_686 : i32 to vector<16xi32>
    %and3A_688 = arith.andi %get3A_679, %and3A_687 : vector<16xi32>
    %shift_left3A_689 = arith.constant 1 : i32
    %shift_left3A_690 = vector.broadcast %shift_left3A_689 : i32 to vector<16xi32>
    %shift_left3A_691 = arith.shli %and3A_688, %shift_left3A_690 : vector<16xi32>
    %add3A_692 = arith.addi %shift_left3A_685, %shift_left3A_691 : vector<16xi32>
    %shift_right_arithmetic3A_693 = arith.constant 12 : i32
    %shift_right_arithmetic3A_694 = vector.broadcast %shift_right_arithmetic3A_693 : i32 to vector<16xi32>
    %shift_right_arithmetic3A_695 = arith.shrsi %get3A_679, %shift_right_arithmetic3A_694 : vector<16xi32>
    %and3A_696 = arith.constant 1 : i32
    %and3A_697 = vector.broadcast %and3A_696 : i32 to vector<16xi32>
    %and3A_698 = arith.andi %shift_right_arithmetic3A_695, %and3A_697 : vector<16xi32>
    %add3A_699 = arith.addi %add3A_692, %and3A_698 : vector<16xi32>
    %swap3A_700 = arith.constant 64 : index
    %swap3A_701 = tpu.vector_load %arg8[%swap3A_700] {strides = array<i32>} : memref<128xi32, #tpu.memory_space<vmem>>, vector<16xi32>,
    %swap3A_702 = vector.shape_cast %swap3A_701 : vector<16xi32> to vector<16xi32>
    %swap3A_703 = vector.shape_cast %add3A_699 : vector<16xi32> to vector<16xi32>
    tpu.vector_store %arg8[%swap3A_700], %swap3A_703 {strides = array<i32>} : memref<128xi32, #tpu.memory_space<vmem>>, vector<16xi32>,
    %add3A_704 = arith.constant 64 : i32
    %add3A_705 = arith.addi %add3A_456, %add3A_704 : i32
    %add3A_706 = vector.broadcast %add3A_705 : i32 to vector<16xi32>
    %add3A_707 = arith.addi %add3A_706, %iota3A : vector<16xi32>
    %shift_right_arithmetic3A_708 = arith.constant 11 : i32
    %shift_right_arithmetic3A_709 = vector.broadcast %shift_right_arithmetic3A_708 : i32 to vector<16xi32>
    %shift_right_arithmetic3A_710 = arith.shrsi %add3A_707, %shift_right_arithmetic3A_709 : vector<16xi32>
    %shift_left3A_711 = arith.constant 11 : i32
    %shift_left3A_712 = vector.broadcast %shift_left3A_711 : i32 to vector<16xi32>
    %shift_left3A_713 = arith.shli %shift_right_arithmetic3A_710, %shift_left3A_712 : vector<16xi32>
    %and3A_714 = arith.constant 1023 : i32
    %and3A_715 = vector.broadcast %and3A_714 : i32 to vector<16xi32>
    %and3A_716 = arith.andi %add3A_707, %and3A_715 : vector<16xi32>
    %shift_left3A_717 = arith.constant 1 : i32
    %shift_left3A_718 = vector.broadcast %shift_left3A_717 : i32 to vector<16xi32>
    %shift_left3A_719 = arith.shli %and3A_716, %shift_left3A_718 : vector<16xi32>
    %add3A_720 = arith.addi %shift_left3A_713, %shift_left3A_719 : vector<16xi32>
    %shift_right_arithmetic3A_721 = arith.constant 10 : i32
    %shift_right_arithmetic3A_722 = vector.broadcast %shift_right_arithmetic3A_721 : i32 to vector<16xi32>
    %shift_right_arithmetic3A_723 = arith.shrsi %add3A_707, %shift_right_arithmetic3A_722 : vector<16xi32>
    %and3A_724 = arith.constant 1 : i32
    %and3A_725 = vector.broadcast %and3A_724 : i32 to vector<16xi32>
    %and3A_726 = arith.andi %shift_right_arithmetic3A_723, %and3A_725 : vector<16xi32>
    %add3A_727 = arith.addi %add3A_720, %and3A_726 : vector<16xi32>
    %swap3A_728 = arith.constant 64 : index
    %swap3A_729 = tpu.vector_load %arg9[%swap3A_728] {strides = array<i32>} : memref<128xi32, #tpu.memory_space<vmem>>, vector<16xi32>,
    %swap3A_730 = vector.shape_cast %swap3A_729 : vector<16xi32> to vector<16xi32>
    %swap3A_731 = vector.shape_cast %add3A_727 : vector<16xi32> to vector<16xi32>
    tpu.vector_store %arg9[%swap3A_728], %swap3A_731 {strides = array<i32>} : memref<128xi32, #tpu.memory_space<vmem>>, vector<16xi32>,
    %get3A_732 = arith.constant 80 : index
    %get3A_733 = tpu.vector_load %arg7[%get3A_732] {strides = array<i32>} : memref<128xi32, #tpu.memory_space<vmem>>, vector<16xi32>,
    %get3A_734 = vector.shape_cast %get3A_733 : vector<16xi32> to vector<16xi32>
    %shift_right_arithmetic3A_735 = arith.constant 13 : i32
    %shift_right_arithmetic3A_736 = vector.broadcast %shift_right_arithmetic3A_735 : i32 to vector<16xi32>
    %shift_right_arithmetic3A_737 = arith.shrsi %get3A_734, %shift_right_arithmetic3A_736 : vector<16xi32>
    %shift_left3A_738 = arith.constant 13 : i32
    %shift_left3A_739 = vector.broadcast %shift_left3A_738 : i32 to vector<16xi32>
    %shift_left3A_740 = arith.shli %shift_right_arithmetic3A_737, %shift_left3A_739 : vector<16xi32>
    %and3A_741 = arith.constant 4095 : i32
    %and3A_742 = vector.broadcast %and3A_741 : i32 to vector<16xi32>
    %and3A_743 = arith.andi %get3A_734, %and3A_742 : vector<16xi32>
    %shift_left3A_744 = arith.constant 1 : i32
    %shift_left3A_745 = vector.broadcast %shift_left3A_744 : i32 to vector<16xi32>
    %shift_left3A_746 = arith.shli %and3A_743, %shift_left3A_745 : vector<16xi32>
    %add3A_747 = arith.addi %shift_left3A_740, %shift_left3A_746 : vector<16xi32>
    %shift_right_arithmetic3A_748 = arith.constant 12 : i32
    %shift_right_arithmetic3A_749 = vector.broadcast %shift_right_arithmetic3A_748 : i32 to vector<16xi32>
    %shift_right_arithmetic3A_750 = arith.shrsi %get3A_734, %shift_right_arithmetic3A_749 : vector<16xi32>
    %and3A_751 = arith.constant 1 : i32
    %and3A_752 = vector.broadcast %and3A_751 : i32 to vector<16xi32>
    %and3A_753 = arith.andi %shift_right_arithmetic3A_750, %and3A_752 : vector<16xi32>
    %add3A_754 = arith.addi %add3A_747, %and3A_753 : vector<16xi32>
    %swap3A_755 = arith.constant 80 : index
    %swap3A_756 = tpu.vector_load %arg8[%swap3A_755] {strides = array<i32>} : memref<128xi32, #tpu.memory_space<vmem>>, vector<16xi32>,
    %swap3A_757 = vector.shape_cast %swap3A_756 : vector<16xi32> to vector<16xi32>
    %swap3A_758 = vector.shape_cast %add3A_754 : vector<16xi32> to vector<16xi32>
    tpu.vector_store %arg8[%swap3A_755], %swap3A_758 {strides = array<i32>} : memref<128xi32, #tpu.memory_space<vmem>>, vector<16xi32>,
    %add3A_759 = arith.constant 80 : i32
    %add3A_760 = arith.addi %add3A_456, %add3A_759 : i32
    %add3A_761 = vector.broadcast %add3A_760 : i32 to vector<16xi32>
    %add3A_762 = arith.addi %add3A_761, %iota3A : vector<16xi32>
    %shift_right_arithmetic3A_763 = arith.constant 11 : i32
    %shift_right_arithmetic3A_764 = vector.broadcast %shift_right_arithmetic3A_763 : i32 to vector<16xi32>
    %shift_right_arithmetic3A_765 = arith.shrsi %add3A_762, %shift_right_arithmetic3A_764 : vector<16xi32>
    %shift_left3A_766 = arith.constant 11 : i32
    %shift_left3A_767 = vector.broadcast %shift_left3A_766 : i32 to vector<16xi32>
    %shift_left3A_768 = arith.shli %shift_right_arithmetic3A_765, %shift_left3A_767 : vector<16xi32>
    %and3A_769 = arith.constant 1023 : i32
    %and3A_770 = vector.broadcast %and3A_769 : i32 to vector<16xi32>
    %and3A_771 = arith.andi %add3A_762, %and3A_770 : vector<16xi32>
    %shift_left3A_772 = arith.constant 1 : i32
    %shift_left3A_773 = vector.broadcast %shift_left3A_772 : i32 to vector<16xi32>
    %shift_left3A_774 = arith.shli %and3A_771, %shift_left3A_773 : vector<16xi32>
    %add3A_775 = arith.addi %shift_left3A_768, %shift_left3A_774 : vector<16xi32>
    %shift_right_arithmetic3A_776 = arith.constant 10 : i32
    %shift_right_arithmetic3A_777 = vector.broadcast %shift_right_arithmetic3A_776 : i32 to vector<16xi32>
    %shift_right_arithmetic3A_778 = arith.shrsi %add3A_762, %shift_right_arithmetic3A_777 : vector<16xi32>
    %and3A_779 = arith.constant 1 : i32
    %and3A_780 = vector.broadcast %and3A_779 : i32 to vector<16xi32>
    %and3A_781 = arith.andi %shift_right_arithmetic3A_778, %and3A_780 : vector<16xi32>
    %add3A_782 = arith.addi %add3A_775, %and3A_781 : vector<16xi32>
    %swap3A_783 = arith.constant 80 : index
    %swap3A_784 = tpu.vector_load %arg9[%swap3A_783] {strides = array<i32>} : memref<128xi32, #tpu.memory_space<vmem>>, vector<16xi32>,
    %swap3A_785 = vector.shape_cast %swap3A_784 : vector<16xi32> to vector<16xi32>
    %swap3A_786 = vector.shape_cast %add3A_782 : vector<16xi32> to vector<16xi32>
    tpu.vector_store %arg9[%swap3A_783], %swap3A_786 {strides = array<i32>} : memref<128xi32, #tpu.memory_space<vmem>>, vector<16xi32>,
    %get3A_787 = arith.constant 96 : index
    %get3A_788 = tpu.vector_load %arg7[%get3A_787] {strides = array<i32>} : memref<128xi32, #tpu.memory_space<vmem>>, vector<16xi32>,
    %get3A_789 = vector.shape_cast %get3A_788 : vector<16xi32> to vector<16xi32>
    %shift_right_arithmetic3A_790 = arith.constant 13 : i32
    %shift_right_arithmetic3A_791 = vector.broadcast %shift_right_arithmetic3A_790 : i32 to vector<16xi32>
    %shift_right_arithmetic3A_792 = arith.shrsi %get3A_789, %shift_right_arithmetic3A_791 : vector<16xi32>
    %shift_left3A_793 = arith.constant 13 : i32
    %shift_left3A_794 = vector.broadcast %shift_left3A_793 : i32 to vector<16xi32>
    %shift_left3A_795 = arith.shli %shift_right_arithmetic3A_792, %shift_left3A_794 : vector<16xi32>
    %and3A_796 = arith.constant 4095 : i32
    %and3A_797 = vector.broadcast %and3A_796 : i32 to vector<16xi32>
    %and3A_798 = arith.andi %get3A_789, %and3A_797 : vector<16xi32>
    %shift_left3A_799 = arith.constant 1 : i32
    %shift_left3A_800 = vector.broadcast %shift_left3A_799 : i32 to vector<16xi32>
    %shift_left3A_801 = arith.shli %and3A_798, %shift_left3A_800 : vector<16xi32>
    %add3A_802 = arith.addi %shift_left3A_795, %shift_left3A_801 : vector<16xi32>
    %shift_right_arithmetic3A_803 = arith.constant 12 : i32
    %shift_right_arithmetic3A_804 = vector.broadcast %shift_right_arithmetic3A_803 : i32 to vector<16xi32>
    %shift_right_arithmetic3A_805 = arith.shrsi %get3A_789, %shift_right_arithmetic3A_804 : vector<16xi32>
    %and3A_806 = arith.constant 1 : i32
    %and3A_807 = vector.broadcast %and3A_806 : i32 to vector<16xi32>
    %and3A_808 = arith.andi %shift_right_arithmetic3A_805, %and3A_807 : vector<16xi32>
    %add3A_809 = arith.addi %add3A_802, %and3A_808 : vector<16xi32>
    %swap3A_810 = arith.constant 96 : index
    %swap3A_811 = tpu.vector_load %arg8[%swap3A_810] {strides = array<i32>} : memref<128xi32, #tpu.memory_space<vmem>>, vector<16xi32>,
    %swap3A_812 = vector.shape_cast %swap3A_811 : vector<16xi32> to vector<16xi32>
    %swap3A_813 = vector.shape_cast %add3A_809 : vector<16xi32> to vector<16xi32>
    tpu.vector_store %arg8[%swap3A_810], %swap3A_813 {strides = array<i32>} : memref<128xi32, #tpu.memory_space<vmem>>, vector<16xi32>,
    %add3A_814 = arith.constant 96 : i32
    %add3A_815 = arith.addi %add3A_456, %add3A_814 : i32
    %add3A_816 = vector.broadcast %add3A_815 : i32 to vector<16xi32>
    %add3A_817 = arith.addi %add3A_816, %iota3A : vector<16xi32>
    %shift_right_arithmetic3A_818 = arith.constant 11 : i32
    %shift_right_arithmetic3A_819 = vector.broadcast %shift_right_arithmetic3A_818 : i32 to vector<16xi32>
    %shift_right_arithmetic3A_820 = arith.shrsi %add3A_817, %shift_right_arithmetic3A_819 : vector<16xi32>
    %shift_left3A_821 = arith.constant 11 : i32
    %shift_left3A_822 = vector.broadcast %shift_left3A_821 : i32 to vector<16xi32>
    %shift_left3A_823 = arith.shli %shift_right_arithmetic3A_820, %shift_left3A_822 : vector<16xi32>
    %and3A_824 = arith.constant 1023 : i32
    %and3A_825 = vector.broadcast %and3A_824 : i32 to vector<16xi32>
    %and3A_826 = arith.andi %add3A_817, %and3A_825 : vector<16xi32>
    %shift_left3A_827 = arith.constant 1 : i32
    %shift_left3A_828 = vector.broadcast %shift_left3A_827 : i32 to vector<16xi32>
    %shift_left3A_829 = arith.shli %and3A_826, %shift_left3A_828 : vector<16xi32>
    %add3A_830 = arith.addi %shift_left3A_823, %shift_left3A_829 : vector<16xi32>
    %shift_right_arithmetic3A_831 = arith.constant 10 : i32
    %shift_right_arithmetic3A_832 = vector.broadcast %shift_right_arithmetic3A_831 : i32 to vector<16xi32>
    %shift_right_arithmetic3A_833 = arith.shrsi %add3A_817, %shift_right_arithmetic3A_832 : vector<16xi32>
    %and3A_834 = arith.constant 1 : i32
    %and3A_835 = vector.broadcast %and3A_834 : i32 to vector<16xi32>
    %and3A_836 = arith.andi %shift_right_arithmetic3A_833, %and3A_835 : vector<16xi32>
    %add3A_837 = arith.addi %add3A_830, %and3A_836 : vector<16xi32>
    %swap3A_838 = arith.constant 96 : index
    %swap3A_839 = tpu.vector_load %arg9[%swap3A_838] {strides = array<i32>} : memref<128xi32, #tpu.memory_space<vmem>>, vector<16xi32>,
    %swap3A_840 = vector.shape_cast %swap3A_839 : vector<16xi32> to vector<16xi32>
    %swap3A_841 = vector.shape_cast %add3A_837 : vector<16xi32> to vector<16xi32>
    tpu.vector_store %arg9[%swap3A_838], %swap3A_841 {strides = array<i32>} : memref<128xi32, #tpu.memory_space<vmem>>, vector<16xi32>,
    %get3A_842 = arith.constant 112 : index
    %get3A_843 = tpu.vector_load %arg7[%get3A_842] {strides = array<i32>} : memref<128xi32, #tpu.memory_space<vmem>>, vector<16xi32>,
    %get3A_844 = vector.shape_cast %get3A_843 : vector<16xi32> to vector<16xi32>
    %shift_right_arithmetic3A_845 = arith.constant 13 : i32
    %shift_right_arithmetic3A_846 = vector.broadcast %shift_right_arithmetic3A_845 : i32 to vector<16xi32>
    %shift_right_arithmetic3A_847 = arith.shrsi %get3A_844, %shift_right_arithmetic3A_846 : vector<16xi32>
    %shift_left3A_848 = arith.constant 13 : i32
    %shift_left3A_849 = vector.broadcast %shift_left3A_848 : i32 to vector<16xi32>
    %shift_left3A_850 = arith.shli %shift_right_arithmetic3A_847, %shift_left3A_849 : vector<16xi32>
    %and3A_851 = arith.constant 4095 : i32
    %and3A_852 = vector.broadcast %and3A_851 : i32 to vector<16xi32>
    %and3A_853 = arith.andi %get3A_844, %and3A_852 : vector<16xi32>
    %shift_left3A_854 = arith.constant 1 : i32
    %shift_left3A_855 = vector.broadcast %shift_left3A_854 : i32 to vector<16xi32>
    %shift_left3A_856 = arith.shli %and3A_853, %shift_left3A_855 : vector<16xi32>
    %add3A_857 = arith.addi %shift_left3A_850, %shift_left3A_856 : vector<16xi32>
    %shift_right_arithmetic3A_858 = arith.constant 12 : i32
    %shift_right_arithmetic3A_859 = vector.broadcast %shift_right_arithmetic3A_858 : i32 to vector<16xi32>
    %shift_right_arithmetic3A_860 = arith.shrsi %get3A_844, %shift_right_arithmetic3A_859 : vector<16xi32>
    %and3A_861 = arith.constant 1 : i32
    %and3A_862 = vector.broadcast %and3A_861 : i32 to vector<16xi32>
    %and3A_863 = arith.andi %shift_right_arithmetic3A_860, %and3A_862 : vector<16xi32>
    %add3A_864 = arith.addi %add3A_857, %and3A_863 : vector<16xi32>
    %swap3A_865 = arith.constant 112 : index
    %swap3A_866 = tpu.vector_load %arg8[%swap3A_865] {strides = array<i32>} : memref<128xi32, #tpu.memory_space<vmem>>, vector<16xi32>,
    %swap3A_867 = vector.shape_cast %swap3A_866 : vector<16xi32> to vector<16xi32>
    %swap3A_868 = vector.shape_cast %add3A_864 : vector<16xi32> to vector<16xi32>
    tpu.vector_store %arg8[%swap3A_865], %swap3A_868 {strides = array<i32>} : memref<128xi32, #tpu.memory_space<vmem>>, vector<16xi32>,
    %add3A_869 = arith.constant 112 : i32
    %add3A_870 = arith.addi %add3A_456, %add3A_869 : i32
    %add3A_871 = vector.broadcast %add3A_870 : i32 to vector<16xi32>
    %add3A_872 = arith.addi %add3A_871, %iota3A : vector<16xi32>
    %shift_right_arithmetic3A_873 = arith.constant 11 : i32
    %shift_right_arithmetic3A_874 = vector.broadcast %shift_right_arithmetic3A_873 : i32 to vector<16xi32>
    %shift_right_arithmetic3A_875 = arith.shrsi %add3A_872, %shift_right_arithmetic3A_874 : vector<16xi32>
    %shift_left3A_876 = arith.constant 11 : i32
    %shift_left3A_877 = vector.broadcast %shift_left3A_876 : i32 to vector<16xi32>
    %shift_left3A_878 = arith.shli %shift_right_arithmetic3A_875, %shift_left3A_877 : vector<16xi32>
    %and3A_879 = arith.constant 1023 : i32
    %and3A_880 = vector.broadcast %and3A_879 : i32 to vector<16xi32>
    %and3A_881 = arith.andi %add3A_872, %and3A_880 : vector<16xi32>
    %shift_left3A_882 = arith.constant 1 : i32
    %shift_left3A_883 = vector.broadcast %shift_left3A_882 : i32 to vector<16xi32>
    %shift_left3A_884 = arith.shli %and3A_881, %shift_left3A_883 : vector<16xi32>
    %add3A_885 = arith.addi %shift_left3A_878, %shift_left3A_884 : vector<16xi32>
    %shift_right_arithmetic3A_886 = arith.constant 10 : i32
    %shift_right_arithmetic3A_887 = vector.broadcast %shift_right_arithmetic3A_886 : i32 to vector<16xi32>
    %shift_right_arithmetic3A_888 = arith.shrsi %add3A_872, %shift_right_arithmetic3A_887 : vector<16xi32>
    %and3A_889 = arith.constant 1 : i32
    %and3A_890 = vector.broadcast %and3A_889 : i32 to vector<16xi32>
    %and3A_891 = arith.andi %shift_right_arithmetic3A_888, %and3A_890 : vector<16xi32>
    %add3A_892 = arith.addi %add3A_885, %and3A_891 : vector<16xi32>
    %swap3A_893 = arith.constant 112 : index
    %swap3A_894 = tpu.vector_load %arg9[%swap3A_893] {strides = array<i32>} : memref<128xi32, #tpu.memory_space<vmem>>, vector<16xi32>,
    %swap3A_895 = vector.shape_cast %swap3A_894 : vector<16xi32> to vector<16xi32>
    %swap3A_896 = vector.shape_cast %add3A_892 : vector<16xi32> to vector<16xi32>
    tpu.vector_store %arg9[%swap3A_893], %swap3A_896 {strides = array<i32>} : memref<128xi32, #tpu.memory_space<vmem>>, vector<16xi32>,
    %dma_start3A_897 = arith.constant 0 : i32
    %dma_start3A_898 = arith.constant 0 : i32
    %dma_start3A_899 = tpu.memref_slice %arg4[%dma_start3A_897, %dma_start3A_898] : memref<106496x64xi32, #tpu.memory_space<hbm>> -> memref<106496x64xi32, #tpu.memory_space<hbm>>
    tpu.enqueue_indirect_dma source(%dma_start3A_899 : memref<106496x64xi32, #tpu.memory_space<hbm>>) target(%arg11 : memref<128x64xi32, #tpu.memory_space<vmem>>) offsets(%arg8 : memref<128xi32, #tpu.memory_space<vmem>>) semaphore(%arg12 : memref<!tpu.dma_semaphore, #tpu.memory_space<semaphore_mem>>)
    %dma_wait3A_900 = arith.constant 0 : i32
    %dma_wait3A_901 = arith.constant 0 : i32
    %dma_wait3A_902 = tpu.memref_slice %arg4[%dma_wait3A_900, %dma_wait3A_901] : memref<106496x64xi32, #tpu.memory_space<hbm>> -> memref<106496x64xi32, #tpu.memory_space<hbm>>
    tpu.wait_indirect_dma semaphore(%arg12 : memref<!tpu.dma_semaphore, #tpu.memory_space<semaphore_mem>>) src(%dma_wait3A_902 : memref<106496x64xi32, #tpu.memory_space<hbm>>) dst(%arg11 : memref<128x64xi32, #tpu.memory_space<vmem>>)
    %dma_start3A_903 = arith.constant 0 : i32
    %dma_start3A_904 = arith.constant 0 : i32
    %dma_start3A_905 = tpu.memref_slice %arg5[%dma_start3A_903, %dma_start3A_904] : memref<8192x64xi32, #tpu.memory_space<hbm>> -> memref<8192x64xi32, #tpu.memory_space<hbm>>
    tpu.enqueue_indirect_dma source(%arg11 : memref<128x64xi32, #tpu.memory_space<vmem>>) target(%dma_start3A_905 : memref<8192x64xi32, #tpu.memory_space<hbm>>) offsets(%arg9 : memref<128xi32, #tpu.memory_space<vmem>>) semaphore(%arg13 : memref<!tpu.dma_semaphore, #tpu.memory_space<semaphore_mem>>)
    %add3A_906 = arith.constant 0 : i32
    %add3A_907 = arith.addi %add3A_4, %add3A_906 : i32
    "tpu.region"() ({
      %run_scoped3A = tpu.sem_alloc : memref<!tpu.dma_semaphore, #tpu.memory_space<semaphore_mem>>
      %dma_start3A_1824 = tpu.memref_slice %arg3[%add3A_907] : memref<16384xi32, #tpu.memory_space<hbm>> -> memref<128xi32, #tpu.memory_space<hbm>>
      %dma_start3A_1825 = tpu.memref_slice %arg3[%add3A_907] : memref<16384xi32, #tpu.memory_space<hbm>> -> memref<128xi32, #tpu.memory_space<hbm>>
      tpu.enqueue_dma source(%dma_start3A_1825 : memref<128xi32, #tpu.memory_space<hbm>>) target(%arg7 : memref<128xi32, #tpu.memory_space<vmem>>) target_semaphore(%run_scoped3A : memref<!tpu.dma_semaphore, #tpu.memory_space<semaphore_mem>>)
      %dma_wait3A_1826 = tpu.memref_slice %arg3[%add3A_907] : memref<16384xi32, #tpu.memory_space<hbm>> -> memref<128xi32, #tpu.memory_space<hbm>>
      %dma_wait3A_1827 = tpu.memref_slice %arg3[%add3A_907] : memref<16384xi32, #tpu.memory_space<hbm>> -> memref<128xi32, #tpu.memory_space<hbm>>
      tpu.wait_dma2 semaphore(%run_scoped3A : memref<!tpu.dma_semaphore, #tpu.memory_space<semaphore_mem>>) src(%dma_wait3A_1827 : memref<128xi32, #tpu.memory_space<hbm>>) dst(%arg7 : memref<128xi32, #tpu.memory_space<vmem>>)
      tpu.yield
    }) : () -> ()
    %add3A_908 = arith.constant 0 : i32
    %add3A_909 = arith.addi %mul3A_6, %add3A_908 : i32
    %get3A_910 = arith.constant 0 : index
    %get3A_911 = tpu.vector_load %arg7[%get3A_910] {strides = array<i32>} : memref<128xi32, #tpu.memory_space<vmem>>, vector<16xi32>,
    %get3A_912 = vector.shape_cast %get3A_911 : vector<16xi32> to vector<16xi32>
    %shift_right_arithmetic3A_913 = arith.constant 13 : i32
    %shift_right_arithmetic3A_914 = vector.broadcast %shift_right_arithmetic3A_913 : i32 to vector<16xi32>
    %shift_right_arithmetic3A_915 = arith.shrsi %get3A_912, %shift_right_arithmetic3A_914 : vector<16xi32>
    %shift_left3A_916 = arith.constant 13 : i32
    %shift_left3A_917 = vector.broadcast %shift_left3A_916 : i32 to vector<16xi32>
    %shift_left3A_918 = arith.shli %shift_right_arithmetic3A_915, %shift_left3A_917 : vector<16xi32>
    %and3A_919 = arith.constant 4095 : i32
    %and3A_920 = vector.broadcast %and3A_919 : i32 to vector<16xi32>
    %and3A_921 = arith.andi %get3A_912, %and3A_920 : vector<16xi32>
    %shift_left3A_922 = arith.constant 1 : i32
    %shift_left3A_923 = vector.broadcast %shift_left3A_922 : i32 to vector<16xi32>
    %shift_left3A_924 = arith.shli %and3A_921, %shift_left3A_923 : vector<16xi32>
    %add3A_925 = arith.addi %shift_left3A_918, %shift_left3A_924 : vector<16xi32>
    %shift_right_arithmetic3A_926 = arith.constant 12 : i32
    %shift_right_arithmetic3A_927 = vector.broadcast %shift_right_arithmetic3A_926 : i32 to vector<16xi32>
    %shift_right_arithmetic3A_928 = arith.shrsi %get3A_912, %shift_right_arithmetic3A_927 : vector<16xi32>
    %and3A_929 = arith.constant 1 : i32
    %and3A_930 = vector.broadcast %and3A_929 : i32 to vector<16xi32>
    %and3A_931 = arith.andi %shift_right_arithmetic3A_928, %and3A_930 : vector<16xi32>
    %add3A_932 = arith.addi %add3A_925, %and3A_931 : vector<16xi32>
    %swap3A_933 = arith.constant 0 : index
    %swap3A_934 = tpu.vector_load %arg8[%swap3A_933] {strides = array<i32>} : memref<128xi32, #tpu.memory_space<vmem>>, vector<16xi32>,
    %swap3A_935 = vector.shape_cast %swap3A_934 : vector<16xi32> to vector<16xi32>
    %swap3A_936 = vector.shape_cast %add3A_932 : vector<16xi32> to vector<16xi32>
    tpu.vector_store %arg8[%swap3A_933], %swap3A_936 {strides = array<i32>} : memref<128xi32, #tpu.memory_space<vmem>>, vector<16xi32>,
    %add3A_937 = arith.constant 0 : i32
    %add3A_938 = arith.addi %add3A_909, %add3A_937 : i32
    %add3A_939 = vector.broadcast %add3A_938 : i32 to vector<16xi32>
    %add3A_940 = arith.addi %add3A_939, %iota3A : vector<16xi32>
    %shift_right_arithmetic3A_941 = arith.constant 11 : i32
    %shift_right_arithmetic3A_942 = vector.broadcast %shift_right_arithmetic3A_941 : i32 to vector<16xi32>
    %shift_right_arithmetic3A_943 = arith.shrsi %add3A_940, %shift_right_arithmetic3A_942 : vector<16xi32>
    %shift_left3A_944 = arith.constant 11 : i32
    %shift_left3A_945 = vector.broadcast %shift_left3A_944 : i32 to vector<16xi32>
    %shift_left3A_946 = arith.shli %shift_right_arithmetic3A_943, %shift_left3A_945 : vector<16xi32>
    %and3A_947 = arith.constant 1023 : i32
    %and3A_948 = vector.broadcast %and3A_947 : i32 to vector<16xi32>
    %and3A_949 = arith.andi %add3A_940, %and3A_948 : vector<16xi32>
    %shift_left3A_950 = arith.constant 1 : i32
    %shift_left3A_951 = vector.broadcast %shift_left3A_950 : i32 to vector<16xi32>
    %shift_left3A_952 = arith.shli %and3A_949, %shift_left3A_951 : vector<16xi32>
    %add3A_953 = arith.addi %shift_left3A_946, %shift_left3A_952 : vector<16xi32>
    %shift_right_arithmetic3A_954 = arith.constant 10 : i32
    %shift_right_arithmetic3A_955 = vector.broadcast %shift_right_arithmetic3A_954 : i32 to vector<16xi32>
    %shift_right_arithmetic3A_956 = arith.shrsi %add3A_940, %shift_right_arithmetic3A_955 : vector<16xi32>
    %and3A_957 = arith.constant 1 : i32
    %and3A_958 = vector.broadcast %and3A_957 : i32 to vector<16xi32>
    %and3A_959 = arith.andi %shift_right_arithmetic3A_956, %and3A_958 : vector<16xi32>
    %add3A_960 = arith.addi %add3A_953, %and3A_959 : vector<16xi32>
    %swap3A_961 = arith.constant 0 : index
    %swap3A_962 = tpu.vector_load %arg9[%swap3A_961] {strides = array<i32>} : memref<128xi32, #tpu.memory_space<vmem>>, vector<16xi32>,
    %swap3A_963 = vector.shape_cast %swap3A_962 : vector<16xi32> to vector<16xi32>
    %swap3A_964 = vector.shape_cast %add3A_960 : vector<16xi32> to vector<16xi32>
    tpu.vector_store %arg9[%swap3A_961], %swap3A_964 {strides = array<i32>} : memref<128xi32, #tpu.memory_space<vmem>>, vector<16xi32>,
    %get3A_965 = arith.constant 16 : index
    %get3A_966 = tpu.vector_load %arg7[%get3A_965] {strides = array<i32>} : memref<128xi32, #tpu.memory_space<vmem>>, vector<16xi32>,
    %get3A_967 = vector.shape_cast %get3A_966 : vector<16xi32> to vector<16xi32>
    %shift_right_arithmetic3A_968 = arith.constant 13 : i32
    %shift_right_arithmetic3A_969 = vector.broadcast %shift_right_arithmetic3A_968 : i32 to vector<16xi32>
    %shift_right_arithmetic3A_970 = arith.shrsi %get3A_967, %shift_right_arithmetic3A_969 : vector<16xi32>
    %shift_left3A_971 = arith.constant 13 : i32
    %shift_left3A_972 = vector.broadcast %shift_left3A_971 : i32 to vector<16xi32>
    %shift_left3A_973 = arith.shli %shift_right_arithmetic3A_970, %shift_left3A_972 : vector<16xi32>
    %and3A_974 = arith.constant 4095 : i32
    %and3A_975 = vector.broadcast %and3A_974 : i32 to vector<16xi32>
    %and3A_976 = arith.andi %get3A_967, %and3A_975 : vector<16xi32>
    %shift_left3A_977 = arith.constant 1 : i32
    %shift_left3A_978 = vector.broadcast %shift_left3A_977 : i32 to vector<16xi32>
    %shift_left3A_979 = arith.shli %and3A_976, %shift_left3A_978 : vector<16xi32>
    %add3A_980 = arith.addi %shift_left3A_973, %shift_left3A_979 : vector<16xi32>
    %shift_right_arithmetic3A_981 = arith.constant 12 : i32
    %shift_right_arithmetic3A_982 = vector.broadcast %shift_right_arithmetic3A_981 : i32 to vector<16xi32>
    %shift_right_arithmetic3A_983 = arith.shrsi %get3A_967, %shift_right_arithmetic3A_982 : vector<16xi32>
    %and3A_984 = arith.constant 1 : i32
    %and3A_985 = vector.broadcast %and3A_984 : i32 to vector<16xi32>
    %and3A_986 = arith.andi %shift_right_arithmetic3A_983, %and3A_985 : vector<16xi32>
    %add3A_987 = arith.addi %add3A_980, %and3A_986 : vector<16xi32>
    %swap3A_988 = arith.constant 16 : index
    %swap3A_989 = tpu.vector_load %arg8[%swap3A_988] {strides = array<i32>} : memref<128xi32, #tpu.memory_space<vmem>>, vector<16xi32>,
    %swap3A_990 = vector.shape_cast %swap3A_989 : vector<16xi32> to vector<16xi32>
    %swap3A_991 = vector.shape_cast %add3A_987 : vector<16xi32> to vector<16xi32>
    tpu.vector_store %arg8[%swap3A_988], %swap3A_991 {strides = array<i32>} : memref<128xi32, #tpu.memory_space<vmem>>, vector<16xi32>,
    %add3A_992 = arith.constant 16 : i32
    %add3A_993 = arith.addi %add3A_909, %add3A_992 : i32
    %add3A_994 = vector.broadcast %add3A_993 : i32 to vector<16xi32>
    %add3A_995 = arith.addi %add3A_994, %iota3A : vector<16xi32>
    %shift_right_arithmetic3A_996 = arith.constant 11 : i32
    %shift_right_arithmetic3A_997 = vector.broadcast %shift_right_arithmetic3A_996 : i32 to vector<16xi32>
    %shift_right_arithmetic3A_998 = arith.shrsi %add3A_995, %shift_right_arithmetic3A_997 : vector<16xi32>
    %shift_left3A_999 = arith.constant 11 : i32
    %shift_left3A_1000 = vector.broadcast %shift_left3A_999 : i32 to vector<16xi32>
    %shift_left3A_1001 = arith.shli %shift_right_arithmetic3A_998, %shift_left3A_1000 : vector<16xi32>
    %and3A_1002 = arith.constant 1023 : i32
    %and3A_1003 = vector.broadcast %and3A_1002 : i32 to vector<16xi32>
    %and3A_1004 = arith.andi %add3A_995, %and3A_1003 : vector<16xi32>
    %shift_left3A_1005 = arith.constant 1 : i32
    %shift_left3A_1006 = vector.broadcast %shift_left3A_1005 : i32 to vector<16xi32>
    %shift_left3A_1007 = arith.shli %and3A_1004, %shift_left3A_1006 : vector<16xi32>
    %add3A_1008 = arith.addi %shift_left3A_1001, %shift_left3A_1007 : vector<16xi32>
    %shift_right_arithmetic3A_1009 = arith.constant 10 : i32
    %shift_right_arithmetic3A_1010 = vector.broadcast %shift_right_arithmetic3A_1009 : i32 to vector<16xi32>
    %shift_right_arithmetic3A_1011 = arith.shrsi %add3A_995, %shift_right_arithmetic3A_1010 : vector<16xi32>
    %and3A_1012 = arith.constant 1 : i32
    %and3A_1013 = vector.broadcast %and3A_1012 : i32 to vector<16xi32>
    %and3A_1014 = arith.andi %shift_right_arithmetic3A_1011, %and3A_1013 : vector<16xi32>
    %add3A_1015 = arith.addi %add3A_1008, %and3A_1014 : vector<16xi32>
    %swap3A_1016 = arith.constant 16 : index
    %swap3A_1017 = tpu.vector_load %arg9[%swap3A_1016] {strides = array<i32>} : memref<128xi32, #tpu.memory_space<vmem>>, vector<16xi32>,
    %swap3A_1018 = vector.shape_cast %swap3A_1017 : vector<16xi32> to vector<16xi32>
    %swap3A_1019 = vector.shape_cast %add3A_1015 : vector<16xi32> to vector<16xi32>
    tpu.vector_store %arg9[%swap3A_1016], %swap3A_1019 {strides = array<i32>} : memref<128xi32, #tpu.memory_space<vmem>>, vector<16xi32>,
    %get3A_1020 = arith.constant 32 : index
    %get3A_1021 = tpu.vector_load %arg7[%get3A_1020] {strides = array<i32>} : memref<128xi32, #tpu.memory_space<vmem>>, vector<16xi32>,
    %get3A_1022 = vector.shape_cast %get3A_1021 : vector<16xi32> to vector<16xi32>
    %shift_right_arithmetic3A_1023 = arith.constant 13 : i32
    %shift_right_arithmetic3A_1024 = vector.broadcast %shift_right_arithmetic3A_1023 : i32 to vector<16xi32>
    %shift_right_arithmetic3A_1025 = arith.shrsi %get3A_1022, %shift_right_arithmetic3A_1024 : vector<16xi32>
    %shift_left3A_1026 = arith.constant 13 : i32
    %shift_left3A_1027 = vector.broadcast %shift_left3A_1026 : i32 to vector<16xi32>
    %shift_left3A_1028 = arith.shli %shift_right_arithmetic3A_1025, %shift_left3A_1027 : vector<16xi32>
    %and3A_1029 = arith.constant 4095 : i32
    %and3A_1030 = vector.broadcast %and3A_1029 : i32 to vector<16xi32>
    %and3A_1031 = arith.andi %get3A_1022, %and3A_1030 : vector<16xi32>
    %shift_left3A_1032 = arith.constant 1 : i32
    %shift_left3A_1033 = vector.broadcast %shift_left3A_1032 : i32 to vector<16xi32>
    %shift_left3A_1034 = arith.shli %and3A_1031, %shift_left3A_1033 : vector<16xi32>
    %add3A_1035 = arith.addi %shift_left3A_1028, %shift_left3A_1034 : vector<16xi32>
    %shift_right_arithmetic3A_1036 = arith.constant 12 : i32
    %shift_right_arithmetic3A_1037 = vector.broadcast %shift_right_arithmetic3A_1036 : i32 to vector<16xi32>
    %shift_right_arithmetic3A_1038 = arith.shrsi %get3A_1022, %shift_right_arithmetic3A_1037 : vector<16xi32>
    %and3A_1039 = arith.constant 1 : i32
    %and3A_1040 = vector.broadcast %and3A_1039 : i32 to vector<16xi32>
    %and3A_1041 = arith.andi %shift_right_arithmetic3A_1038, %and3A_1040 : vector<16xi32>
    %add3A_1042 = arith.addi %add3A_1035, %and3A_1041 : vector<16xi32>
    %swap3A_1043 = arith.constant 32 : index
    %swap3A_1044 = tpu.vector_load %arg8[%swap3A_1043] {strides = array<i32>} : memref<128xi32, #tpu.memory_space<vmem>>, vector<16xi32>,
    %swap3A_1045 = vector.shape_cast %swap3A_1044 : vector<16xi32> to vector<16xi32>
    %swap3A_1046 = vector.shape_cast %add3A_1042 : vector<16xi32> to vector<16xi32>
    tpu.vector_store %arg8[%swap3A_1043], %swap3A_1046 {strides = array<i32>} : memref<128xi32, #tpu.memory_space<vmem>>, vector<16xi32>,
    %add3A_1047 = arith.constant 32 : i32
    %add3A_1048 = arith.addi %add3A_909, %add3A_1047 : i32
    %add3A_1049 = vector.broadcast %add3A_1048 : i32 to vector<16xi32>
    %add3A_1050 = arith.addi %add3A_1049, %iota3A : vector<16xi32>
    %shift_right_arithmetic3A_1051 = arith.constant 11 : i32
    %shift_right_arithmetic3A_1052 = vector.broadcast %shift_right_arithmetic3A_1051 : i32 to vector<16xi32>
    %shift_right_arithmetic3A_1053 = arith.shrsi %add3A_1050, %shift_right_arithmetic3A_1052 : vector<16xi32>
    %shift_left3A_1054 = arith.constant 11 : i32
    %shift_left3A_1055 = vector.broadcast %shift_left3A_1054 : i32 to vector<16xi32>
    %shift_left3A_1056 = arith.shli %shift_right_arithmetic3A_1053, %shift_left3A_1055 : vector<16xi32>
    %and3A_1057 = arith.constant 1023 : i32
    %and3A_1058 = vector.broadcast %and3A_1057 : i32 to vector<16xi32>
    %and3A_1059 = arith.andi %add3A_1050, %and3A_1058 : vector<16xi32>
    %shift_left3A_1060 = arith.constant 1 : i32
    %shift_left3A_1061 = vector.broadcast %shift_left3A_1060 : i32 to vector<16xi32>
    %shift_left3A_1062 = arith.shli %and3A_1059, %shift_left3A_1061 : vector<16xi32>
    %add3A_1063 = arith.addi %shift_left3A_1056, %shift_left3A_1062 : vector<16xi32>
    %shift_right_arithmetic3A_1064 = arith.constant 10 : i32
    %shift_right_arithmetic3A_1065 = vector.broadcast %shift_right_arithmetic3A_1064 : i32 to vector<16xi32>
    %shift_right_arithmetic3A_1066 = arith.shrsi %add3A_1050, %shift_right_arithmetic3A_1065 : vector<16xi32>
    %and3A_1067 = arith.constant 1 : i32
    %and3A_1068 = vector.broadcast %and3A_1067 : i32 to vector<16xi32>
    %and3A_1069 = arith.andi %shift_right_arithmetic3A_1066, %and3A_1068 : vector<16xi32>
    %add3A_1070 = arith.addi %add3A_1063, %and3A_1069 : vector<16xi32>
    %swap3A_1071 = arith.constant 32 : index
    %swap3A_1072 = tpu.vector_load %arg9[%swap3A_1071] {strides = array<i32>} : memref<128xi32, #tpu.memory_space<vmem>>, vector<16xi32>,
    %swap3A_1073 = vector.shape_cast %swap3A_1072 : vector<16xi32> to vector<16xi32>
    %swap3A_1074 = vector.shape_cast %add3A_1070 : vector<16xi32> to vector<16xi32>
    tpu.vector_store %arg9[%swap3A_1071], %swap3A_1074 {strides = array<i32>} : memref<128xi32, #tpu.memory_space<vmem>>, vector<16xi32>,
    %get3A_1075 = arith.constant 48 : index
    %get3A_1076 = tpu.vector_load %arg7[%get3A_1075] {strides = array<i32>} : memref<128xi32, #tpu.memory_space<vmem>>, vector<16xi32>,
    %get3A_1077 = vector.shape_cast %get3A_1076 : vector<16xi32> to vector<16xi32>
    %shift_right_arithmetic3A_1078 = arith.constant 13 : i32
    %shift_right_arithmetic3A_1079 = vector.broadcast %shift_right_arithmetic3A_1078 : i32 to vector<16xi32>
    %shift_right_arithmetic3A_1080 = arith.shrsi %get3A_1077, %shift_right_arithmetic3A_1079 : vector<16xi32>
    %shift_left3A_1081 = arith.constant 13 : i32
    %shift_left3A_1082 = vector.broadcast %shift_left3A_1081 : i32 to vector<16xi32>
    %shift_left3A_1083 = arith.shli %shift_right_arithmetic3A_1080, %shift_left3A_1082 : vector<16xi32>
    %and3A_1084 = arith.constant 4095 : i32
    %and3A_1085 = vector.broadcast %and3A_1084 : i32 to vector<16xi32>
    %and3A_1086 = arith.andi %get3A_1077, %and3A_1085 : vector<16xi32>
    %shift_left3A_1087 = arith.constant 1 : i32
    %shift_left3A_1088 = vector.broadcast %shift_left3A_1087 : i32 to vector<16xi32>
    %shift_left3A_1089 = arith.shli %and3A_1086, %shift_left3A_1088 : vector<16xi32>
    %add3A_1090 = arith.addi %shift_left3A_1083, %shift_left3A_1089 : vector<16xi32>
    %shift_right_arithmetic3A_1091 = arith.constant 12 : i32
    %shift_right_arithmetic3A_1092 = vector.broadcast %shift_right_arithmetic3A_1091 : i32 to vector<16xi32>
    %shift_right_arithmetic3A_1093 = arith.shrsi %get3A_1077, %shift_right_arithmetic3A_1092 : vector<16xi32>
    %and3A_1094 = arith.constant 1 : i32
    %and3A_1095 = vector.broadcast %and3A_1094 : i32 to vector<16xi32>
    %and3A_1096 = arith.andi %shift_right_arithmetic3A_1093, %and3A_1095 : vector<16xi32>
    %add3A_1097 = arith.addi %add3A_1090, %and3A_1096 : vector<16xi32>
    %swap3A_1098 = arith.constant 48 : index
    %swap3A_1099 = tpu.vector_load %arg8[%swap3A_1098] {strides = array<i32>} : memref<128xi32, #tpu.memory_space<vmem>>, vector<16xi32>,
    %swap3A_1100 = vector.shape_cast %swap3A_1099 : vector<16xi32> to vector<16xi32>
    %swap3A_1101 = vector.shape_cast %add3A_1097 : vector<16xi32> to vector<16xi32>
    tpu.vector_store %arg8[%swap3A_1098], %swap3A_1101 {strides = array<i32>} : memref<128xi32, #tpu.memory_space<vmem>>, vector<16xi32>,
    %add3A_1102 = arith.constant 48 : i32
    %add3A_1103 = arith.addi %add3A_909, %add3A_1102 : i32
    %add3A_1104 = vector.broadcast %add3A_1103 : i32 to vector<16xi32>
    %add3A_1105 = arith.addi %add3A_1104, %iota3A : vector<16xi32>
    %shift_right_arithmetic3A_1106 = arith.constant 11 : i32
    %shift_right_arithmetic3A_1107 = vector.broadcast %shift_right_arithmetic3A_1106 : i32 to vector<16xi32>
    %shift_right_arithmetic3A_1108 = arith.shrsi %add3A_1105, %shift_right_arithmetic3A_1107 : vector<16xi32>
    %shift_left3A_1109 = arith.constant 11 : i32
    %shift_left3A_1110 = vector.broadcast %shift_left3A_1109 : i32 to vector<16xi32>
    %shift_left3A_1111 = arith.shli %shift_right_arithmetic3A_1108, %shift_left3A_1110 : vector<16xi32>
    %and3A_1112 = arith.constant 1023 : i32
    %and3A_1113 = vector.broadcast %and3A_1112 : i32 to vector<16xi32>
    %and3A_1114 = arith.andi %add3A_1105, %and3A_1113 : vector<16xi32>
    %shift_left3A_1115 = arith.constant 1 : i32
    %shift_left3A_1116 = vector.broadcast %shift_left3A_1115 : i32 to vector<16xi32>
    %shift_left3A_1117 = arith.shli %and3A_1114, %shift_left3A_1116 : vector<16xi32>
    %add3A_1118 = arith.addi %shift_left3A_1111, %shift_left3A_1117 : vector<16xi32>
    %shift_right_arithmetic3A_1119 = arith.constant 10 : i32
    %shift_right_arithmetic3A_1120 = vector.broadcast %shift_right_arithmetic3A_1119 : i32 to vector<16xi32>
    %shift_right_arithmetic3A_1121 = arith.shrsi %add3A_1105, %shift_right_arithmetic3A_1120 : vector<16xi32>
    %and3A_1122 = arith.constant 1 : i32
    %and3A_1123 = vector.broadcast %and3A_1122 : i32 to vector<16xi32>
    %and3A_1124 = arith.andi %shift_right_arithmetic3A_1121, %and3A_1123 : vector<16xi32>
    %add3A_1125 = arith.addi %add3A_1118, %and3A_1124 : vector<16xi32>
    %swap3A_1126 = arith.constant 48 : index
    %swap3A_1127 = tpu.vector_load %arg9[%swap3A_1126] {strides = array<i32>} : memref<128xi32, #tpu.memory_space<vmem>>, vector<16xi32>,
    %swap3A_1128 = vector.shape_cast %swap3A_1127 : vector<16xi32> to vector<16xi32>
    %swap3A_1129 = vector.shape_cast %add3A_1125 : vector<16xi32> to vector<16xi32>
    tpu.vector_store %arg9[%swap3A_1126], %swap3A_1129 {strides = array<i32>} : memref<128xi32, #tpu.memory_space<vmem>>, vector<16xi32>,
    %get3A_1130 = arith.constant 64 : index
    %get3A_1131 = tpu.vector_load %arg7[%get3A_1130] {strides = array<i32>} : memref<128xi32, #tpu.memory_space<vmem>>, vector<16xi32>,
    %get3A_1132 = vector.shape_cast %get3A_1131 : vector<16xi32> to vector<16xi32>
    %shift_right_arithmetic3A_1133 = arith.constant 13 : i32
    %shift_right_arithmetic3A_1134 = vector.broadcast %shift_right_arithmetic3A_1133 : i32 to vector<16xi32>
    %shift_right_arithmetic3A_1135 = arith.shrsi %get3A_1132, %shift_right_arithmetic3A_1134 : vector<16xi32>
    %shift_left3A_1136 = arith.constant 13 : i32
    %shift_left3A_1137 = vector.broadcast %shift_left3A_1136 : i32 to vector<16xi32>
    %shift_left3A_1138 = arith.shli %shift_right_arithmetic3A_1135, %shift_left3A_1137 : vector<16xi32>
    %and3A_1139 = arith.constant 4095 : i32
    %and3A_1140 = vector.broadcast %and3A_1139 : i32 to vector<16xi32>
    %and3A_1141 = arith.andi %get3A_1132, %and3A_1140 : vector<16xi32>
    %shift_left3A_1142 = arith.constant 1 : i32
    %shift_left3A_1143 = vector.broadcast %shift_left3A_1142 : i32 to vector<16xi32>
    %shift_left3A_1144 = arith.shli %and3A_1141, %shift_left3A_1143 : vector<16xi32>
    %add3A_1145 = arith.addi %shift_left3A_1138, %shift_left3A_1144 : vector<16xi32>
    %shift_right_arithmetic3A_1146 = arith.constant 12 : i32
    %shift_right_arithmetic3A_1147 = vector.broadcast %shift_right_arithmetic3A_1146 : i32 to vector<16xi32>
    %shift_right_arithmetic3A_1148 = arith.shrsi %get3A_1132, %shift_right_arithmetic3A_1147 : vector<16xi32>
    %and3A_1149 = arith.constant 1 : i32
    %and3A_1150 = vector.broadcast %and3A_1149 : i32 to vector<16xi32>
    %and3A_1151 = arith.andi %shift_right_arithmetic3A_1148, %and3A_1150 : vector<16xi32>
    %add3A_1152 = arith.addi %add3A_1145, %and3A_1151 : vector<16xi32>
    %swap3A_1153 = arith.constant 64 : index
    %swap3A_1154 = tpu.vector_load %arg8[%swap3A_1153] {strides = array<i32>} : memref<128xi32, #tpu.memory_space<vmem>>, vector<16xi32>,
    %swap3A_1155 = vector.shape_cast %swap3A_1154 : vector<16xi32> to vector<16xi32>
    %swap3A_1156 = vector.shape_cast %add3A_1152 : vector<16xi32> to vector<16xi32>
    tpu.vector_store %arg8[%swap3A_1153], %swap3A_1156 {strides = array<i32>} : memref<128xi32, #tpu.memory_space<vmem>>, vector<16xi32>,
    %add3A_1157 = arith.constant 64 : i32
    %add3A_1158 = arith.addi %add3A_909, %add3A_1157 : i32
    %add3A_1159 = vector.broadcast %add3A_1158 : i32 to vector<16xi32>
    %add3A_1160 = arith.addi %add3A_1159, %iota3A : vector<16xi32>
    %shift_right_arithmetic3A_1161 = arith.constant 11 : i32
    %shift_right_arithmetic3A_1162 = vector.broadcast %shift_right_arithmetic3A_1161 : i32 to vector<16xi32>
    %shift_right_arithmetic3A_1163 = arith.shrsi %add3A_1160, %shift_right_arithmetic3A_1162 : vector<16xi32>
    %shift_left3A_1164 = arith.constant 11 : i32
    %shift_left3A_1165 = vector.broadcast %shift_left3A_1164 : i32 to vector<16xi32>
    %shift_left3A_1166 = arith.shli %shift_right_arithmetic3A_1163, %shift_left3A_1165 : vector<16xi32>
    %and3A_1167 = arith.constant 1023 : i32
    %and3A_1168 = vector.broadcast %and3A_1167 : i32 to vector<16xi32>
    %and3A_1169 = arith.andi %add3A_1160, %and3A_1168 : vector<16xi32>
    %shift_left3A_1170 = arith.constant 1 : i32
    %shift_left3A_1171 = vector.broadcast %shift_left3A_1170 : i32 to vector<16xi32>
    %shift_left3A_1172 = arith.shli %and3A_1169, %shift_left3A_1171 : vector<16xi32>
    %add3A_1173 = arith.addi %shift_left3A_1166, %shift_left3A_1172 : vector<16xi32>
    %shift_right_arithmetic3A_1174 = arith.constant 10 : i32
    %shift_right_arithmetic3A_1175 = vector.broadcast %shift_right_arithmetic3A_1174 : i32 to vector<16xi32>
    %shift_right_arithmetic3A_1176 = arith.shrsi %add3A_1160, %shift_right_arithmetic3A_1175 : vector<16xi32>
    %and3A_1177 = arith.constant 1 : i32
    %and3A_1178 = vector.broadcast %and3A_1177 : i32 to vector<16xi32>
    %and3A_1179 = arith.andi %shift_right_arithmetic3A_1176, %and3A_1178 : vector<16xi32>
    %add3A_1180 = arith.addi %add3A_1173, %and3A_1179 : vector<16xi32>
    %swap3A_1181 = arith.constant 64 : index
    %swap3A_1182 = tpu.vector_load %arg9[%swap3A_1181] {strides = array<i32>} : memref<128xi32, #tpu.memory_space<vmem>>, vector<16xi32>,
    %swap3A_1183 = vector.shape_cast %swap3A_1182 : vector<16xi32> to vector<16xi32>
    %swap3A_1184 = vector.shape_cast %add3A_1180 : vector<16xi32> to vector<16xi32>
    tpu.vector_store %arg9[%swap3A_1181], %swap3A_1184 {strides = array<i32>} : memref<128xi32, #tpu.memory_space<vmem>>, vector<16xi32>,
    %get3A_1185 = arith.constant 80 : index
    %get3A_1186 = tpu.vector_load %arg7[%get3A_1185] {strides = array<i32>} : memref<128xi32, #tpu.memory_space<vmem>>, vector<16xi32>,
    %get3A_1187 = vector.shape_cast %get3A_1186 : vector<16xi32> to vector<16xi32>
    %shift_right_arithmetic3A_1188 = arith.constant 13 : i32
    %shift_right_arithmetic3A_1189 = vector.broadcast %shift_right_arithmetic3A_1188 : i32 to vector<16xi32>
    %shift_right_arithmetic3A_1190 = arith.shrsi %get3A_1187, %shift_right_arithmetic3A_1189 : vector<16xi32>
    %shift_left3A_1191 = arith.constant 13 : i32
    %shift_left3A_1192 = vector.broadcast %shift_left3A_1191 : i32 to vector<16xi32>
    %shift_left3A_1193 = arith.shli %shift_right_arithmetic3A_1190, %shift_left3A_1192 : vector<16xi32>
    %and3A_1194 = arith.constant 4095 : i32
    %and3A_1195 = vector.broadcast %and3A_1194 : i32 to vector<16xi32>
    %and3A_1196 = arith.andi %get3A_1187, %and3A_1195 : vector<16xi32>
    %shift_left3A_1197 = arith.constant 1 : i32
    %shift_left3A_1198 = vector.broadcast %shift_left3A_1197 : i32 to vector<16xi32>
    %shift_left3A_1199 = arith.shli %and3A_1196, %shift_left3A_1198 : vector<16xi32>
    %add3A_1200 = arith.addi %shift_left3A_1193, %shift_left3A_1199 : vector<16xi32>
    %shift_right_arithmetic3A_1201 = arith.constant 12 : i32
    %shift_right_arithmetic3A_1202 = vector.broadcast %shift_right_arithmetic3A_1201 : i32 to vector<16xi32>
    %shift_right_arithmetic3A_1203 = arith.shrsi %get3A_1187, %shift_right_arithmetic3A_1202 : vector<16xi32>
    %and3A_1204 = arith.constant 1 : i32
    %and3A_1205 = vector.broadcast %and3A_1204 : i32 to vector<16xi32>
    %and3A_1206 = arith.andi %shift_right_arithmetic3A_1203, %and3A_1205 : vector<16xi32>
    %add3A_1207 = arith.addi %add3A_1200, %and3A_1206 : vector<16xi32>
    %swap3A_1208 = arith.constant 80 : index
    %swap3A_1209 = tpu.vector_load %arg8[%swap3A_1208] {strides = array<i32>} : memref<128xi32, #tpu.memory_space<vmem>>, vector<16xi32>,
    %swap3A_1210 = vector.shape_cast %swap3A_1209 : vector<16xi32> to vector<16xi32>
    %swap3A_1211 = vector.shape_cast %add3A_1207 : vector<16xi32> to vector<16xi32>
    tpu.vector_store %arg8[%swap3A_1208], %swap3A_1211 {strides = array<i32>} : memref<128xi32, #tpu.memory_space<vmem>>, vector<16xi32>,
    %add3A_1212 = arith.constant 80 : i32
    %add3A_1213 = arith.addi %add3A_909, %add3A_1212 : i32
    %add3A_1214 = vector.broadcast %add3A_1213 : i32 to vector<16xi32>
    %add3A_1215 = arith.addi %add3A_1214, %iota3A : vector<16xi32>
    %shift_right_arithmetic3A_1216 = arith.constant 11 : i32
    %shift_right_arithmetic3A_1217 = vector.broadcast %shift_right_arithmetic3A_1216 : i32 to vector<16xi32>
    %shift_right_arithmetic3A_1218 = arith.shrsi %add3A_1215, %shift_right_arithmetic3A_1217 : vector<16xi32>
    %shift_left3A_1219 = arith.constant 11 : i32
    %shift_left3A_1220 = vector.broadcast %shift_left3A_1219 : i32 to vector<16xi32>
    %shift_left3A_1221 = arith.shli %shift_right_arithmetic3A_1218, %shift_left3A_1220 : vector<16xi32>
    %and3A_1222 = arith.constant 1023 : i32
    %and3A_1223 = vector.broadcast %and3A_1222 : i32 to vector<16xi32>
    %and3A_1224 = arith.andi %add3A_1215, %and3A_1223 : vector<16xi32>
    %shift_left3A_1225 = arith.constant 1 : i32
    %shift_left3A_1226 = vector.broadcast %shift_left3A_1225 : i32 to vector<16xi32>
    %shift_left3A_1227 = arith.shli %and3A_1224, %shift_left3A_1226 : vector<16xi32>
    %add3A_1228 = arith.addi %shift_left3A_1221, %shift_left3A_1227 : vector<16xi32>
    %shift_right_arithmetic3A_1229 = arith.constant 10 : i32
    %shift_right_arithmetic3A_1230 = vector.broadcast %shift_right_arithmetic3A_1229 : i32 to vector<16xi32>
    %shift_right_arithmetic3A_1231 = arith.shrsi %add3A_1215, %shift_right_arithmetic3A_1230 : vector<16xi32>
    %and3A_1232 = arith.constant 1 : i32
    %and3A_1233 = vector.broadcast %and3A_1232 : i32 to vector<16xi32>
    %and3A_1234 = arith.andi %shift_right_arithmetic3A_1231, %and3A_1233 : vector<16xi32>
    %add3A_1235 = arith.addi %add3A_1228, %and3A_1234 : vector<16xi32>
    %swap3A_1236 = arith.constant 80 : index
    %swap3A_1237 = tpu.vector_load %arg9[%swap3A_1236] {strides = array<i32>} : memref<128xi32, #tpu.memory_space<vmem>>, vector<16xi32>,
    %swap3A_1238 = vector.shape_cast %swap3A_1237 : vector<16xi32> to vector<16xi32>
    %swap3A_1239 = vector.shape_cast %add3A_1235 : vector<16xi32> to vector<16xi32>
    tpu.vector_store %arg9[%swap3A_1236], %swap3A_1239 {strides = array<i32>} : memref<128xi32, #tpu.memory_space<vmem>>, vector<16xi32>,
    %get3A_1240 = arith.constant 96 : index
    %get3A_1241 = tpu.vector_load %arg7[%get3A_1240] {strides = array<i32>} : memref<128xi32, #tpu.memory_space<vmem>>, vector<16xi32>,
    %get3A_1242 = vector.shape_cast %get3A_1241 : vector<16xi32> to vector<16xi32>
    %shift_right_arithmetic3A_1243 = arith.constant 13 : i32
    %shift_right_arithmetic3A_1244 = vector.broadcast %shift_right_arithmetic3A_1243 : i32 to vector<16xi32>
    %shift_right_arithmetic3A_1245 = arith.shrsi %get3A_1242, %shift_right_arithmetic3A_1244 : vector<16xi32>
    %shift_left3A_1246 = arith.constant 13 : i32
    %shift_left3A_1247 = vector.broadcast %shift_left3A_1246 : i32 to vector<16xi32>
    %shift_left3A_1248 = arith.shli %shift_right_arithmetic3A_1245, %shift_left3A_1247 : vector<16xi32>
    %and3A_1249 = arith.constant 4095 : i32
    %and3A_1250 = vector.broadcast %and3A_1249 : i32 to vector<16xi32>
    %and3A_1251 = arith.andi %get3A_1242, %and3A_1250 : vector<16xi32>
    %shift_left3A_1252 = arith.constant 1 : i32
    %shift_left3A_1253 = vector.broadcast %shift_left3A_1252 : i32 to vector<16xi32>
    %shift_left3A_1254 = arith.shli %and3A_1251, %shift_left3A_1253 : vector<16xi32>
    %add3A_1255 = arith.addi %shift_left3A_1248, %shift_left3A_1254 : vector<16xi32>
    %shift_right_arithmetic3A_1256 = arith.constant 12 : i32
    %shift_right_arithmetic3A_1257 = vector.broadcast %shift_right_arithmetic3A_1256 : i32 to vector<16xi32>
    %shift_right_arithmetic3A_1258 = arith.shrsi %get3A_1242, %shift_right_arithmetic3A_1257 : vector<16xi32>
    %and3A_1259 = arith.constant 1 : i32
    %and3A_1260 = vector.broadcast %and3A_1259 : i32 to vector<16xi32>
    %and3A_1261 = arith.andi %shift_right_arithmetic3A_1258, %and3A_1260 : vector<16xi32>
    %add3A_1262 = arith.addi %add3A_1255, %and3A_1261 : vector<16xi32>
    %swap3A_1263 = arith.constant 96 : index
    %swap3A_1264 = tpu.vector_load %arg8[%swap3A_1263] {strides = array<i32>} : memref<128xi32, #tpu.memory_space<vmem>>, vector<16xi32>,
    %swap3A_1265 = vector.shape_cast %swap3A_1264 : vector<16xi32> to vector<16xi32>
    %swap3A_1266 = vector.shape_cast %add3A_1262 : vector<16xi32> to vector<16xi32>
    tpu.vector_store %arg8[%swap3A_1263], %swap3A_1266 {strides = array<i32>} : memref<128xi32, #tpu.memory_space<vmem>>, vector<16xi32>,
    %add3A_1267 = arith.constant 96 : i32
    %add3A_1268 = arith.addi %add3A_909, %add3A_1267 : i32
    %add3A_1269 = vector.broadcast %add3A_1268 : i32 to vector<16xi32>
    %add3A_1270 = arith.addi %add3A_1269, %iota3A : vector<16xi32>
    %shift_right_arithmetic3A_1271 = arith.constant 11 : i32
    %shift_right_arithmetic3A_1272 = vector.broadcast %shift_right_arithmetic3A_1271 : i32 to vector<16xi32>
    %shift_right_arithmetic3A_1273 = arith.shrsi %add3A_1270, %shift_right_arithmetic3A_1272 : vector<16xi32>
    %shift_left3A_1274 = arith.constant 11 : i32
    %shift_left3A_1275 = vector.broadcast %shift_left3A_1274 : i32 to vector<16xi32>
    %shift_left3A_1276 = arith.shli %shift_right_arithmetic3A_1273, %shift_left3A_1275 : vector<16xi32>
    %and3A_1277 = arith.constant 1023 : i32
    %and3A_1278 = vector.broadcast %and3A_1277 : i32 to vector<16xi32>
    %and3A_1279 = arith.andi %add3A_1270, %and3A_1278 : vector<16xi32>
    %shift_left3A_1280 = arith.constant 1 : i32
    %shift_left3A_1281 = vector.broadcast %shift_left3A_1280 : i32 to vector<16xi32>
    %shift_left3A_1282 = arith.shli %and3A_1279, %shift_left3A_1281 : vector<16xi32>
    %add3A_1283 = arith.addi %shift_left3A_1276, %shift_left3A_1282 : vector<16xi32>
    %shift_right_arithmetic3A_1284 = arith.constant 10 : i32
    %shift_right_arithmetic3A_1285 = vector.broadcast %shift_right_arithmetic3A_1284 : i32 to vector<16xi32>
    %shift_right_arithmetic3A_1286 = arith.shrsi %add3A_1270, %shift_right_arithmetic3A_1285 : vector<16xi32>
    %and3A_1287 = arith.constant 1 : i32
    %and3A_1288 = vector.broadcast %and3A_1287 : i32 to vector<16xi32>
    %and3A_1289 = arith.andi %shift_right_arithmetic3A_1286, %and3A_1288 : vector<16xi32>
    %add3A_1290 = arith.addi %add3A_1283, %and3A_1289 : vector<16xi32>
    %swap3A_1291 = arith.constant 96 : index
    %swap3A_1292 = tpu.vector_load %arg9[%swap3A_1291] {strides = array<i32>} : memref<128xi32, #tpu.memory_space<vmem>>, vector<16xi32>,
    %swap3A_1293 = vector.shape_cast %swap3A_1292 : vector<16xi32> to vector<16xi32>
    %swap3A_1294 = vector.shape_cast %add3A_1290 : vector<16xi32> to vector<16xi32>
    tpu.vector_store %arg9[%swap3A_1291], %swap3A_1294 {strides = array<i32>} : memref<128xi32, #tpu.memory_space<vmem>>, vector<16xi32>,
    %get3A_1295 = arith.constant 112 : index
    %get3A_1296 = tpu.vector_load %arg7[%get3A_1295] {strides = array<i32>} : memref<128xi32, #tpu.memory_space<vmem>>, vector<16xi32>,
    %get3A_1297 = vector.shape_cast %get3A_1296 : vector<16xi32> to vector<16xi32>
    %shift_right_arithmetic3A_1298 = arith.constant 13 : i32
    %shift_right_arithmetic3A_1299 = vector.broadcast %shift_right_arithmetic3A_1298 : i32 to vector<16xi32>
    %shift_right_arithmetic3A_1300 = arith.shrsi %get3A_1297, %shift_right_arithmetic3A_1299 : vector<16xi32>
    %shift_left3A_1301 = arith.constant 13 : i32
    %shift_left3A_1302 = vector.broadcast %shift_left3A_1301 : i32 to vector<16xi32>
    %shift_left3A_1303 = arith.shli %shift_right_arithmetic3A_1300, %shift_left3A_1302 : vector<16xi32>
    %and3A_1304 = arith.constant 4095 : i32
    %and3A_1305 = vector.broadcast %and3A_1304 : i32 to vector<16xi32>
    %and3A_1306 = arith.andi %get3A_1297, %and3A_1305 : vector<16xi32>
    %shift_left3A_1307 = arith.constant 1 : i32
    %shift_left3A_1308 = vector.broadcast %shift_left3A_1307 : i32 to vector<16xi32>
    %shift_left3A_1309 = arith.shli %and3A_1306, %shift_left3A_1308 : vector<16xi32>
    %add3A_1310 = arith.addi %shift_left3A_1303, %shift_left3A_1309 : vector<16xi32>
    %shift_right_arithmetic3A_1311 = arith.constant 12 : i32
    %shift_right_arithmetic3A_1312 = vector.broadcast %shift_right_arithmetic3A_1311 : i32 to vector<16xi32>
    %shift_right_arithmetic3A_1313 = arith.shrsi %get3A_1297, %shift_right_arithmetic3A_1312 : vector<16xi32>
    %and3A_1314 = arith.constant 1 : i32
    %and3A_1315 = vector.broadcast %and3A_1314 : i32 to vector<16xi32>
    %and3A_1316 = arith.andi %shift_right_arithmetic3A_1313, %and3A_1315 : vector<16xi32>
    %add3A_1317 = arith.addi %add3A_1310, %and3A_1316 : vector<16xi32>
    %swap3A_1318 = arith.constant 112 : index
    %swap3A_1319 = tpu.vector_load %arg8[%swap3A_1318] {strides = array<i32>} : memref<128xi32, #tpu.memory_space<vmem>>, vector<16xi32>,
    %swap3A_1320 = vector.shape_cast %swap3A_1319 : vector<16xi32> to vector<16xi32>
    %swap3A_1321 = vector.shape_cast %add3A_1317 : vector<16xi32> to vector<16xi32>
    tpu.vector_store %arg8[%swap3A_1318], %swap3A_1321 {strides = array<i32>} : memref<128xi32, #tpu.memory_space<vmem>>, vector<16xi32>,
    %add3A_1322 = arith.constant 112 : i32
    %add3A_1323 = arith.addi %add3A_909, %add3A_1322 : i32
    %add3A_1324 = vector.broadcast %add3A_1323 : i32 to vector<16xi32>
    %add3A_1325 = arith.addi %add3A_1324, %iota3A : vector<16xi32>
    %shift_right_arithmetic3A_1326 = arith.constant 11 : i32
    %shift_right_arithmetic3A_1327 = vector.broadcast %shift_right_arithmetic3A_1326 : i32 to vector<16xi32>
    %shift_right_arithmetic3A_1328 = arith.shrsi %add3A_1325, %shift_right_arithmetic3A_1327 : vector<16xi32>
    %shift_left3A_1329 = arith.constant 11 : i32
    %shift_left3A_1330 = vector.broadcast %shift_left3A_1329 : i32 to vector<16xi32>
    %shift_left3A_1331 = arith.shli %shift_right_arithmetic3A_1328, %shift_left3A_1330 : vector<16xi32>
    %and3A_1332 = arith.constant 1023 : i32
    %and3A_1333 = vector.broadcast %and3A_1332 : i32 to vector<16xi32>
    %and3A_1334 = arith.andi %add3A_1325, %and3A_1333 : vector<16xi32>
    %shift_left3A_1335 = arith.constant 1 : i32
    %shift_left3A_1336 = vector.broadcast %shift_left3A_1335 : i32 to vector<16xi32>
    %shift_left3A_1337 = arith.shli %and3A_1334, %shift_left3A_1336 : vector<16xi32>
    %add3A_1338 = arith.addi %shift_left3A_1331, %shift_left3A_1337 : vector<16xi32>
    %shift_right_arithmetic3A_1339 = arith.constant 10 : i32
    %shift_right_arithmetic3A_1340 = vector.broadcast %shift_right_arithmetic3A_1339 : i32 to vector<16xi32>
    %shift_right_arithmetic3A_1341 = arith.shrsi %add3A_1325, %shift_right_arithmetic3A_1340 : vector<16xi32>
    %and3A_1342 = arith.constant 1 : i32
    %and3A_1343 = vector.broadcast %and3A_1342 : i32 to vector<16xi32>
    %and3A_1344 = arith.andi %shift_right_arithmetic3A_1341, %and3A_1343 : vector<16xi32>
    %add3A_1345 = arith.addi %add3A_1338, %and3A_1344 : vector<16xi32>
    %swap3A_1346 = arith.constant 112 : index
    %swap3A_1347 = tpu.vector_load %arg9[%swap3A_1346] {strides = array<i32>} : memref<128xi32, #tpu.memory_space<vmem>>, vector<16xi32>,
    %swap3A_1348 = vector.shape_cast %swap3A_1347 : vector<16xi32> to vector<16xi32>
    %swap3A_1349 = vector.shape_cast %add3A_1345 : vector<16xi32> to vector<16xi32>
    tpu.vector_store %arg9[%swap3A_1346], %swap3A_1349 {strides = array<i32>} : memref<128xi32, #tpu.memory_space<vmem>>, vector<16xi32>,
    %dma_wait3A_1350 = arith.constant 0 : i32
    %dma_wait3A_1351 = arith.constant 0 : i32
    %dma_wait3A_1352 = tpu.memref_slice %arg5[%dma_wait3A_1350, %dma_wait3A_1351] : memref<8192x64xi32, #tpu.memory_space<hbm>> -> memref<8192x64xi32, #tpu.memory_space<hbm>>
    tpu.wait_indirect_dma semaphore(%arg13 : memref<!tpu.dma_semaphore, #tpu.memory_space<semaphore_mem>>) src(%arg10 : memref<128x64xi32, #tpu.memory_space<vmem>>) dst(%dma_wait3A_1352 : memref<8192x64xi32, #tpu.memory_space<hbm>>)
    %dma_start3A_1353 = arith.constant 0 : i32
    %dma_start3A_1354 = arith.constant 0 : i32
    %dma_start3A_1355 = tpu.memref_slice %arg4[%dma_start3A_1353, %dma_start3A_1354] : memref<106496x64xi32, #tpu.memory_space<hbm>> -> memref<106496x64xi32, #tpu.memory_space<hbm>>
    tpu.enqueue_indirect_dma source(%dma_start3A_1355 : memref<106496x64xi32, #tpu.memory_space<hbm>>) target(%arg10 : memref<128x64xi32, #tpu.memory_space<vmem>>) offsets(%arg8 : memref<128xi32, #tpu.memory_space<vmem>>) semaphore(%arg12 : memref<!tpu.dma_semaphore, #tpu.memory_space<semaphore_mem>>)
    %dma_wait3A_1356 = arith.constant 0 : i32
    %dma_wait3A_1357 = arith.constant 0 : i32
    %dma_wait3A_1358 = tpu.memref_slice %arg4[%dma_wait3A_1356, %dma_wait3A_1357] : memref<106496x64xi32, #tpu.memory_space<hbm>> -> memref<106496x64xi32, #tpu.memory_space<hbm>>
    tpu.wait_indirect_dma semaphore(%arg12 : memref<!tpu.dma_semaphore, #tpu.memory_space<semaphore_mem>>) src(%dma_wait3A_1358 : memref<106496x64xi32, #tpu.memory_space<hbm>>) dst(%arg10 : memref<128x64xi32, #tpu.memory_space<vmem>>)
    %dma_start3A_1359 = arith.constant 0 : i32
    %dma_start3A_1360 = arith.constant 0 : i32
    %dma_start3A_1361 = tpu.memref_slice %arg6[%dma_start3A_1359, %dma_start3A_1360] : memref<8192x64xi32, #tpu.memory_space<hbm>> -> memref<8192x64xi32, #tpu.memory_space<hbm>>
    tpu.enqueue_indirect_dma source(%arg10 : memref<128x64xi32, #tpu.memory_space<vmem>>) target(%dma_start3A_1361 : memref<8192x64xi32, #tpu.memory_space<hbm>>) offsets(%arg9 : memref<128xi32, #tpu.memory_space<vmem>>) semaphore(%arg13 : memref<!tpu.dma_semaphore, #tpu.memory_space<semaphore_mem>>)
    %add3A_1362 = arith.constant 128 : i32
    %add3A_1363 = arith.addi %add3A_4, %add3A_1362 : i32
    "tpu.region"() ({
      %run_scoped3A = tpu.sem_alloc : memref<!tpu.dma_semaphore, #tpu.memory_space<semaphore_mem>>
      %dma_start3A_1824 = tpu.memref_slice %arg3[%add3A_1363] : memref<16384xi32, #tpu.memory_space<hbm>> -> memref<128xi32, #tpu.memory_space<hbm>>
      %dma_start3A_1825 = tpu.memref_slice %arg3[%add3A_1363] : memref<16384xi32, #tpu.memory_space<hbm>> -> memref<128xi32, #tpu.memory_space<hbm>>
      tpu.enqueue_dma source(%dma_start3A_1825 : memref<128xi32, #tpu.memory_space<hbm>>) target(%arg7 : memref<128xi32, #tpu.memory_space<vmem>>) target_semaphore(%run_scoped3A : memref<!tpu.dma_semaphore, #tpu.memory_space<semaphore_mem>>)
      %dma_wait3A_1826 = tpu.memref_slice %arg3[%add3A_1363] : memref<16384xi32, #tpu.memory_space<hbm>> -> memref<128xi32, #tpu.memory_space<hbm>>
      %dma_wait3A_1827 = tpu.memref_slice %arg3[%add3A_1363] : memref<16384xi32, #tpu.memory_space<hbm>> -> memref<128xi32, #tpu.memory_space<hbm>>
      tpu.wait_dma2 semaphore(%run_scoped3A : memref<!tpu.dma_semaphore, #tpu.memory_space<semaphore_mem>>) src(%dma_wait3A_1827 : memref<128xi32, #tpu.memory_space<hbm>>) dst(%arg7 : memref<128xi32, #tpu.memory_space<vmem>>)
      tpu.yield
    }) : () -> ()
    %add3A_1364 = arith.constant 128 : i32
    %add3A_1365 = arith.addi %mul3A_6, %add3A_1364 : i32
    %get3A_1366 = arith.constant 0 : index
    %get3A_1367 = tpu.vector_load %arg7[%get3A_1366] {strides = array<i32>} : memref<128xi32, #tpu.memory_space<vmem>>, vector<16xi32>,
    %get3A_1368 = vector.shape_cast %get3A_1367 : vector<16xi32> to vector<16xi32>
    %shift_right_arithmetic3A_1369 = arith.constant 13 : i32
    %shift_right_arithmetic3A_1370 = vector.broadcast %shift_right_arithmetic3A_1369 : i32 to vector<16xi32>
    %shift_right_arithmetic3A_1371 = arith.shrsi %get3A_1368, %shift_right_arithmetic3A_1370 : vector<16xi32>
    %shift_left3A_1372 = arith.constant 13 : i32
    %shift_left3A_1373 = vector.broadcast %shift_left3A_1372 : i32 to vector<16xi32>
    %shift_left3A_1374 = arith.shli %shift_right_arithmetic3A_1371, %shift_left3A_1373 : vector<16xi32>
    %and3A_1375 = arith.constant 4095 : i32
    %and3A_1376 = vector.broadcast %and3A_1375 : i32 to vector<16xi32>
    %and3A_1377 = arith.andi %get3A_1368, %and3A_1376 : vector<16xi32>
    %shift_left3A_1378 = arith.constant 1 : i32
    %shift_left3A_1379 = vector.broadcast %shift_left3A_1378 : i32 to vector<16xi32>
    %shift_left3A_1380 = arith.shli %and3A_1377, %shift_left3A_1379 : vector<16xi32>
    %add3A_1381 = arith.addi %shift_left3A_1374, %shift_left3A_1380 : vector<16xi32>
    %shift_right_arithmetic3A_1382 = arith.constant 12 : i32
    %shift_right_arithmetic3A_1383 = vector.broadcast %shift_right_arithmetic3A_1382 : i32 to vector<16xi32>
    %shift_right_arithmetic3A_1384 = arith.shrsi %get3A_1368, %shift_right_arithmetic3A_1383 : vector<16xi32>
    %and3A_1385 = arith.constant 1 : i32
    %and3A_1386 = vector.broadcast %and3A_1385 : i32 to vector<16xi32>
    %and3A_1387 = arith.andi %shift_right_arithmetic3A_1384, %and3A_1386 : vector<16xi32>
    %add3A_1388 = arith.addi %add3A_1381, %and3A_1387 : vector<16xi32>
    %swap3A_1389 = arith.constant 0 : index
    %swap3A_1390 = tpu.vector_load %arg8[%swap3A_1389] {strides = array<i32>} : memref<128xi32, #tpu.memory_space<vmem>>, vector<16xi32>,
    %swap3A_1391 = vector.shape_cast %swap3A_1390 : vector<16xi32> to vector<16xi32>
    %swap3A_1392 = vector.shape_cast %add3A_1388 : vector<16xi32> to vector<16xi32>
    tpu.vector_store %arg8[%swap3A_1389], %swap3A_1392 {strides = array<i32>} : memref<128xi32, #tpu.memory_space<vmem>>, vector<16xi32>,
    %add3A_1393 = arith.constant 0 : i32
    %add3A_1394 = arith.addi %add3A_1365, %add3A_1393 : i32
    %add3A_1395 = vector.broadcast %add3A_1394 : i32 to vector<16xi32>
    %add3A_1396 = arith.addi %add3A_1395, %iota3A : vector<16xi32>
    %shift_right_arithmetic3A_1397 = arith.constant 11 : i32
    %shift_right_arithmetic3A_1398 = vector.broadcast %shift_right_arithmetic3A_1397 : i32 to vector<16xi32>
    %shift_right_arithmetic3A_1399 = arith.shrsi %add3A_1396, %shift_right_arithmetic3A_1398 : vector<16xi32>
    %shift_left3A_1400 = arith.constant 11 : i32
    %shift_left3A_1401 = vector.broadcast %shift_left3A_1400 : i32 to vector<16xi32>
    %shift_left3A_1402 = arith.shli %shift_right_arithmetic3A_1399, %shift_left3A_1401 : vector<16xi32>
    %and3A_1403 = arith.constant 1023 : i32
    %and3A_1404 = vector.broadcast %and3A_1403 : i32 to vector<16xi32>
    %and3A_1405 = arith.andi %add3A_1396, %and3A_1404 : vector<16xi32>
    %shift_left3A_1406 = arith.constant 1 : i32
    %shift_left3A_1407 = vector.broadcast %shift_left3A_1406 : i32 to vector<16xi32>
    %shift_left3A_1408 = arith.shli %and3A_1405, %shift_left3A_1407 : vector<16xi32>
    %add3A_1409 = arith.addi %shift_left3A_1402, %shift_left3A_1408 : vector<16xi32>
    %shift_right_arithmetic3A_1410 = arith.constant 10 : i32
    %shift_right_arithmetic3A_1411 = vector.broadcast %shift_right_arithmetic3A_1410 : i32 to vector<16xi32>
    %shift_right_arithmetic3A_1412 = arith.shrsi %add3A_1396, %shift_right_arithmetic3A_1411 : vector<16xi32>
    %and3A_1413 = arith.constant 1 : i32
    %and3A_1414 = vector.broadcast %and3A_1413 : i32 to vector<16xi32>
    %and3A_1415 = arith.andi %shift_right_arithmetic3A_1412, %and3A_1414 : vector<16xi32>
    %add3A_1416 = arith.addi %add3A_1409, %and3A_1415 : vector<16xi32>
    %swap3A_1417 = arith.constant 0 : index
    %swap3A_1418 = tpu.vector_load %arg9[%swap3A_1417] {strides = array<i32>} : memref<128xi32, #tpu.memory_space<vmem>>, vector<16xi32>,
    %swap3A_1419 = vector.shape_cast %swap3A_1418 : vector<16xi32> to vector<16xi32>
    %swap3A_1420 = vector.shape_cast %add3A_1416 : vector<16xi32> to vector<16xi32>
    tpu.vector_store %arg9[%swap3A_1417], %swap3A_1420 {strides = array<i32>} : memref<128xi32, #tpu.memory_space<vmem>>, vector<16xi32>,
    %get3A_1421 = arith.constant 16 : index
    %get3A_1422 = tpu.vector_load %arg7[%get3A_1421] {strides = array<i32>} : memref<128xi32, #tpu.memory_space<vmem>>, vector<16xi32>,
    %get3A_1423 = vector.shape_cast %get3A_1422 : vector<16xi32> to vector<16xi32>
    %shift_right_arithmetic3A_1424 = arith.constant 13 : i32
    %shift_right_arithmetic3A_1425 = vector.broadcast %shift_right_arithmetic3A_1424 : i32 to vector<16xi32>
    %shift_right_arithmetic3A_1426 = arith.shrsi %get3A_1423, %shift_right_arithmetic3A_1425 : vector<16xi32>
    %shift_left3A_1427 = arith.constant 13 : i32
    %shift_left3A_1428 = vector.broadcast %shift_left3A_1427 : i32 to vector<16xi32>
    %shift_left3A_1429 = arith.shli %shift_right_arithmetic3A_1426, %shift_left3A_1428 : vector<16xi32>
    %and3A_1430 = arith.constant 4095 : i32
    %and3A_1431 = vector.broadcast %and3A_1430 : i32 to vector<16xi32>
    %and3A_1432 = arith.andi %get3A_1423, %and3A_1431 : vector<16xi32>
    %shift_left3A_1433 = arith.constant 1 : i32
    %shift_left3A_1434 = vector.broadcast %shift_left3A_1433 : i32 to vector<16xi32>
    %shift_left3A_1435 = arith.shli %and3A_1432, %shift_left3A_1434 : vector<16xi32>
    %add3A_1436 = arith.addi %shift_left3A_1429, %shift_left3A_1435 : vector<16xi32>
    %shift_right_arithmetic3A_1437 = arith.constant 12 : i32
    %shift_right_arithmetic3A_1438 = vector.broadcast %shift_right_arithmetic3A_1437 : i32 to vector<16xi32>
    %shift_right_arithmetic3A_1439 = arith.shrsi %get3A_1423, %shift_right_arithmetic3A_1438 : vector<16xi32>
    %and3A_1440 = arith.constant 1 : i32
    %and3A_1441 = vector.broadcast %and3A_1440 : i32 to vector<16xi32>
    %and3A_1442 = arith.andi %shift_right_arithmetic3A_1439, %and3A_1441 : vector<16xi32>
    %add3A_1443 = arith.addi %add3A_1436, %and3A_1442 : vector<16xi32>
    %swap3A_1444 = arith.constant 16 : index
    %swap3A_1445 = tpu.vector_load %arg8[%swap3A_1444] {strides = array<i32>} : memref<128xi32, #tpu.memory_space<vmem>>, vector<16xi32>,
    %swap3A_1446 = vector.shape_cast %swap3A_1445 : vector<16xi32> to vector<16xi32>
    %swap3A_1447 = vector.shape_cast %add3A_1443 : vector<16xi32> to vector<16xi32>
    tpu.vector_store %arg8[%swap3A_1444], %swap3A_1447 {strides = array<i32>} : memref<128xi32, #tpu.memory_space<vmem>>, vector<16xi32>,
    %add3A_1448 = arith.constant 16 : i32
    %add3A_1449 = arith.addi %add3A_1365, %add3A_1448 : i32
    %add3A_1450 = vector.broadcast %add3A_1449 : i32 to vector<16xi32>
    %add3A_1451 = arith.addi %add3A_1450, %iota3A : vector<16xi32>
    %shift_right_arithmetic3A_1452 = arith.constant 11 : i32
    %shift_right_arithmetic3A_1453 = vector.broadcast %shift_right_arithmetic3A_1452 : i32 to vector<16xi32>
    %shift_right_arithmetic3A_1454 = arith.shrsi %add3A_1451, %shift_right_arithmetic3A_1453 : vector<16xi32>
    %shift_left3A_1455 = arith.constant 11 : i32
    %shift_left3A_1456 = vector.broadcast %shift_left3A_1455 : i32 to vector<16xi32>
    %shift_left3A_1457 = arith.shli %shift_right_arithmetic3A_1454, %shift_left3A_1456 : vector<16xi32>
    %and3A_1458 = arith.constant 1023 : i32
    %and3A_1459 = vector.broadcast %and3A_1458 : i32 to vector<16xi32>
    %and3A_1460 = arith.andi %add3A_1451, %and3A_1459 : vector<16xi32>
    %shift_left3A_1461 = arith.constant 1 : i32
    %shift_left3A_1462 = vector.broadcast %shift_left3A_1461 : i32 to vector<16xi32>
    %shift_left3A_1463 = arith.shli %and3A_1460, %shift_left3A_1462 : vector<16xi32>
    %add3A_1464 = arith.addi %shift_left3A_1457, %shift_left3A_1463 : vector<16xi32>
    %shift_right_arithmetic3A_1465 = arith.constant 10 : i32
    %shift_right_arithmetic3A_1466 = vector.broadcast %shift_right_arithmetic3A_1465 : i32 to vector<16xi32>
    %shift_right_arithmetic3A_1467 = arith.shrsi %add3A_1451, %shift_right_arithmetic3A_1466 : vector<16xi32>
    %and3A_1468 = arith.constant 1 : i32
    %and3A_1469 = vector.broadcast %and3A_1468 : i32 to vector<16xi32>
    %and3A_1470 = arith.andi %shift_right_arithmetic3A_1467, %and3A_1469 : vector<16xi32>
    %add3A_1471 = arith.addi %add3A_1464, %and3A_1470 : vector<16xi32>
    %swap3A_1472 = arith.constant 16 : index
    %swap3A_1473 = tpu.vector_load %arg9[%swap3A_1472] {strides = array<i32>} : memref<128xi32, #tpu.memory_space<vmem>>, vector<16xi32>,
    %swap3A_1474 = vector.shape_cast %swap3A_1473 : vector<16xi32> to vector<16xi32>
    %swap3A_1475 = vector.shape_cast %add3A_1471 : vector<16xi32> to vector<16xi32>
    tpu.vector_store %arg9[%swap3A_1472], %swap3A_1475 {strides = array<i32>} : memref<128xi32, #tpu.memory_space<vmem>>, vector<16xi32>,
    %get3A_1476 = arith.constant 32 : index
    %get3A_1477 = tpu.vector_load %arg7[%get3A_1476] {strides = array<i32>} : memref<128xi32, #tpu.memory_space<vmem>>, vector<16xi32>,
    %get3A_1478 = vector.shape_cast %get3A_1477 : vector<16xi32> to vector<16xi32>
    %shift_right_arithmetic3A_1479 = arith.constant 13 : i32
    %shift_right_arithmetic3A_1480 = vector.broadcast %shift_right_arithmetic3A_1479 : i32 to vector<16xi32>
    %shift_right_arithmetic3A_1481 = arith.shrsi %get3A_1478, %shift_right_arithmetic3A_1480 : vector<16xi32>
    %shift_left3A_1482 = arith.constant 13 : i32
    %shift_left3A_1483 = vector.broadcast %shift_left3A_1482 : i32 to vector<16xi32>
    %shift_left3A_1484 = arith.shli %shift_right_arithmetic3A_1481, %shift_left3A_1483 : vector<16xi32>
    %and3A_1485 = arith.constant 4095 : i32
    %and3A_1486 = vector.broadcast %and3A_1485 : i32 to vector<16xi32>
    %and3A_1487 = arith.andi %get3A_1478, %and3A_1486 : vector<16xi32>
    %shift_left3A_1488 = arith.constant 1 : i32
    %shift_left3A_1489 = vector.broadcast %shift_left3A_1488 : i32 to vector<16xi32>
    %shift_left3A_1490 = arith.shli %and3A_1487, %shift_left3A_1489 : vector<16xi32>
    %add3A_1491 = arith.addi %shift_left3A_1484, %shift_left3A_1490 : vector<16xi32>
    %shift_right_arithmetic3A_1492 = arith.constant 12 : i32
    %shift_right_arithmetic3A_1493 = vector.broadcast %shift_right_arithmetic3A_1492 : i32 to vector<16xi32>
    %shift_right_arithmetic3A_1494 = arith.shrsi %get3A_1478, %shift_right_arithmetic3A_1493 : vector<16xi32>
    %and3A_1495 = arith.constant 1 : i32
    %and3A_1496 = vector.broadcast %and3A_1495 : i32 to vector<16xi32>
    %and3A_1497 = arith.andi %shift_right_arithmetic3A_1494, %and3A_1496 : vector<16xi32>
    %add3A_1498 = arith.addi %add3A_1491, %and3A_1497 : vector<16xi32>
    %swap3A_1499 = arith.constant 32 : index
    %swap3A_1500 = tpu.vector_load %arg8[%swap3A_1499] {strides = array<i32>} : memref<128xi32, #tpu.memory_space<vmem>>, vector<16xi32>,
    %swap3A_1501 = vector.shape_cast %swap3A_1500 : vector<16xi32> to vector<16xi32>
    %swap3A_1502 = vector.shape_cast %add3A_1498 : vector<16xi32> to vector<16xi32>
    tpu.vector_store %arg8[%swap3A_1499], %swap3A_1502 {strides = array<i32>} : memref<128xi32, #tpu.memory_space<vmem>>, vector<16xi32>,
    %add3A_1503 = arith.constant 32 : i32
    %add3A_1504 = arith.addi %add3A_1365, %add3A_1503 : i32
    %add3A_1505 = vector.broadcast %add3A_1504 : i32 to vector<16xi32>
    %add3A_1506 = arith.addi %add3A_1505, %iota3A : vector<16xi32>
    %shift_right_arithmetic3A_1507 = arith.constant 11 : i32
    %shift_right_arithmetic3A_1508 = vector.broadcast %shift_right_arithmetic3A_1507 : i32 to vector<16xi32>
    %shift_right_arithmetic3A_1509 = arith.shrsi %add3A_1506, %shift_right_arithmetic3A_1508 : vector<16xi32>
    %shift_left3A_1510 = arith.constant 11 : i32
    %shift_left3A_1511 = vector.broadcast %shift_left3A_1510 : i32 to vector<16xi32>
    %shift_left3A_1512 = arith.shli %shift_right_arithmetic3A_1509, %shift_left3A_1511 : vector<16xi32>
    %and3A_1513 = arith.constant 1023 : i32
    %and3A_1514 = vector.broadcast %and3A_1513 : i32 to vector<16xi32>
    %and3A_1515 = arith.andi %add3A_1506, %and3A_1514 : vector<16xi32>
    %shift_left3A_1516 = arith.constant 1 : i32
    %shift_left3A_1517 = vector.broadcast %shift_left3A_1516 : i32 to vector<16xi32>
    %shift_left3A_1518 = arith.shli %and3A_1515, %shift_left3A_1517 : vector<16xi32>
    %add3A_1519 = arith.addi %shift_left3A_1512, %shift_left3A_1518 : vector<16xi32>
    %shift_right_arithmetic3A_1520 = arith.constant 10 : i32
    %shift_right_arithmetic3A_1521 = vector.broadcast %shift_right_arithmetic3A_1520 : i32 to vector<16xi32>
    %shift_right_arithmetic3A_1522 = arith.shrsi %add3A_1506, %shift_right_arithmetic3A_1521 : vector<16xi32>
    %and3A_1523 = arith.constant 1 : i32
    %and3A_1524 = vector.broadcast %and3A_1523 : i32 to vector<16xi32>
    %and3A_1525 = arith.andi %shift_right_arithmetic3A_1522, %and3A_1524 : vector<16xi32>
    %add3A_1526 = arith.addi %add3A_1519, %and3A_1525 : vector<16xi32>
    %swap3A_1527 = arith.constant 32 : index
    %swap3A_1528 = tpu.vector_load %arg9[%swap3A_1527] {strides = array<i32>} : memref<128xi32, #tpu.memory_space<vmem>>, vector<16xi32>,
    %swap3A_1529 = vector.shape_cast %swap3A_1528 : vector<16xi32> to vector<16xi32>
    %swap3A_1530 = vector.shape_cast %add3A_1526 : vector<16xi32> to vector<16xi32>
    tpu.vector_store %arg9[%swap3A_1527], %swap3A_1530 {strides = array<i32>} : memref<128xi32, #tpu.memory_space<vmem>>, vector<16xi32>,
    %get3A_1531 = arith.constant 48 : index
    %get3A_1532 = tpu.vector_load %arg7[%get3A_1531] {strides = array<i32>} : memref<128xi32, #tpu.memory_space<vmem>>, vector<16xi32>,
    %get3A_1533 = vector.shape_cast %get3A_1532 : vector<16xi32> to vector<16xi32>
    %shift_right_arithmetic3A_1534 = arith.constant 13 : i32
    %shift_right_arithmetic3A_1535 = vector.broadcast %shift_right_arithmetic3A_1534 : i32 to vector<16xi32>
    %shift_right_arithmetic3A_1536 = arith.shrsi %get3A_1533, %shift_right_arithmetic3A_1535 : vector<16xi32>
    %shift_left3A_1537 = arith.constant 13 : i32
    %shift_left3A_1538 = vector.broadcast %shift_left3A_1537 : i32 to vector<16xi32>
    %shift_left3A_1539 = arith.shli %shift_right_arithmetic3A_1536, %shift_left3A_1538 : vector<16xi32>
    %and3A_1540 = arith.constant 4095 : i32
    %and3A_1541 = vector.broadcast %and3A_1540 : i32 to vector<16xi32>
    %and3A_1542 = arith.andi %get3A_1533, %and3A_1541 : vector<16xi32>
    %shift_left3A_1543 = arith.constant 1 : i32
    %shift_left3A_1544 = vector.broadcast %shift_left3A_1543 : i32 to vector<16xi32>
    %shift_left3A_1545 = arith.shli %and3A_1542, %shift_left3A_1544 : vector<16xi32>
    %add3A_1546 = arith.addi %shift_left3A_1539, %shift_left3A_1545 : vector<16xi32>
    %shift_right_arithmetic3A_1547 = arith.constant 12 : i32
    %shift_right_arithmetic3A_1548 = vector.broadcast %shift_right_arithmetic3A_1547 : i32 to vector<16xi32>
    %shift_right_arithmetic3A_1549 = arith.shrsi %get3A_1533, %shift_right_arithmetic3A_1548 : vector<16xi32>
    %and3A_1550 = arith.constant 1 : i32
    %and3A_1551 = vector.broadcast %and3A_1550 : i32 to vector<16xi32>
    %and3A_1552 = arith.andi %shift_right_arithmetic3A_1549, %and3A_1551 : vector<16xi32>
    %add3A_1553 = arith.addi %add3A_1546, %and3A_1552 : vector<16xi32>
    %swap3A_1554 = arith.constant 48 : index
    %swap3A_1555 = tpu.vector_load %arg8[%swap3A_1554] {strides = array<i32>} : memref<128xi32, #tpu.memory_space<vmem>>, vector<16xi32>,
    %swap3A_1556 = vector.shape_cast %swap3A_1555 : vector<16xi32> to vector<16xi32>
    %swap3A_1557 = vector.shape_cast %add3A_1553 : vector<16xi32> to vector<16xi32>
    tpu.vector_store %arg8[%swap3A_1554], %swap3A_1557 {strides = array<i32>} : memref<128xi32, #tpu.memory_space<vmem>>, vector<16xi32>,
    %add3A_1558 = arith.constant 48 : i32
    %add3A_1559 = arith.addi %add3A_1365, %add3A_1558 : i32
    %add3A_1560 = vector.broadcast %add3A_1559 : i32 to vector<16xi32>
    %add3A_1561 = arith.addi %add3A_1560, %iota3A : vector<16xi32>
    %shift_right_arithmetic3A_1562 = arith.constant 11 : i32
    %shift_right_arithmetic3A_1563 = vector.broadcast %shift_right_arithmetic3A_1562 : i32 to vector<16xi32>
    %shift_right_arithmetic3A_1564 = arith.shrsi %add3A_1561, %shift_right_arithmetic3A_1563 : vector<16xi32>
    %shift_left3A_1565 = arith.constant 11 : i32
    %shift_left3A_1566 = vector.broadcast %shift_left3A_1565 : i32 to vector<16xi32>
    %shift_left3A_1567 = arith.shli %shift_right_arithmetic3A_1564, %shift_left3A_1566 : vector<16xi32>
    %and3A_1568 = arith.constant 1023 : i32
    %and3A_1569 = vector.broadcast %and3A_1568 : i32 to vector<16xi32>
    %and3A_1570 = arith.andi %add3A_1561, %and3A_1569 : vector<16xi32>
    %shift_left3A_1571 = arith.constant 1 : i32
    %shift_left3A_1572 = vector.broadcast %shift_left3A_1571 : i32 to vector<16xi32>
    %shift_left3A_1573 = arith.shli %and3A_1570, %shift_left3A_1572 : vector<16xi32>
    %add3A_1574 = arith.addi %shift_left3A_1567, %shift_left3A_1573 : vector<16xi32>
    %shift_right_arithmetic3A_1575 = arith.constant 10 : i32
    %shift_right_arithmetic3A_1576 = vector.broadcast %shift_right_arithmetic3A_1575 : i32 to vector<16xi32>
    %shift_right_arithmetic3A_1577 = arith.shrsi %add3A_1561, %shift_right_arithmetic3A_1576 : vector<16xi32>
    %and3A_1578 = arith.constant 1 : i32
    %and3A_1579 = vector.broadcast %and3A_1578 : i32 to vector<16xi32>
    %and3A_1580 = arith.andi %shift_right_arithmetic3A_1577, %and3A_1579 : vector<16xi32>
    %add3A_1581 = arith.addi %add3A_1574, %and3A_1580 : vector<16xi32>
    %swap3A_1582 = arith.constant 48 : index
    %swap3A_1583 = tpu.vector_load %arg9[%swap3A_1582] {strides = array<i32>} : memref<128xi32, #tpu.memory_space<vmem>>, vector<16xi32>,
    %swap3A_1584 = vector.shape_cast %swap3A_1583 : vector<16xi32> to vector<16xi32>
    %swap3A_1585 = vector.shape_cast %add3A_1581 : vector<16xi32> to vector<16xi32>
    tpu.vector_store %arg9[%swap3A_1582], %swap3A_1585 {strides = array<i32>} : memref<128xi32, #tpu.memory_space<vmem>>, vector<16xi32>,
    %get3A_1586 = arith.constant 64 : index
    %get3A_1587 = tpu.vector_load %arg7[%get3A_1586] {strides = array<i32>} : memref<128xi32, #tpu.memory_space<vmem>>, vector<16xi32>,
    %get3A_1588 = vector.shape_cast %get3A_1587 : vector<16xi32> to vector<16xi32>
    %shift_right_arithmetic3A_1589 = arith.constant 13 : i32
    %shift_right_arithmetic3A_1590 = vector.broadcast %shift_right_arithmetic3A_1589 : i32 to vector<16xi32>
    %shift_right_arithmetic3A_1591 = arith.shrsi %get3A_1588, %shift_right_arithmetic3A_1590 : vector<16xi32>
    %shift_left3A_1592 = arith.constant 13 : i32
    %shift_left3A_1593 = vector.broadcast %shift_left3A_1592 : i32 to vector<16xi32>
    %shift_left3A_1594 = arith.shli %shift_right_arithmetic3A_1591, %shift_left3A_1593 : vector<16xi32>
    %and3A_1595 = arith.constant 4095 : i32
    %and3A_1596 = vector.broadcast %and3A_1595 : i32 to vector<16xi32>
    %and3A_1597 = arith.andi %get3A_1588, %and3A_1596 : vector<16xi32>
    %shift_left3A_1598 = arith.constant 1 : i32
    %shift_left3A_1599 = vector.broadcast %shift_left3A_1598 : i32 to vector<16xi32>
    %shift_left3A_1600 = arith.shli %and3A_1597, %shift_left3A_1599 : vector<16xi32>
    %add3A_1601 = arith.addi %shift_left3A_1594, %shift_left3A_1600 : vector<16xi32>
    %shift_right_arithmetic3A_1602 = arith.constant 12 : i32
    %shift_right_arithmetic3A_1603 = vector.broadcast %shift_right_arithmetic3A_1602 : i32 to vector<16xi32>
    %shift_right_arithmetic3A_1604 = arith.shrsi %get3A_1588, %shift_right_arithmetic3A_1603 : vector<16xi32>
    %and3A_1605 = arith.constant 1 : i32
    %and3A_1606 = vector.broadcast %and3A_1605 : i32 to vector<16xi32>
    %and3A_1607 = arith.andi %shift_right_arithmetic3A_1604, %and3A_1606 : vector<16xi32>
    %add3A_1608 = arith.addi %add3A_1601, %and3A_1607 : vector<16xi32>
    %swap3A_1609 = arith.constant 64 : index
    %swap3A_1610 = tpu.vector_load %arg8[%swap3A_1609] {strides = array<i32>} : memref<128xi32, #tpu.memory_space<vmem>>, vector<16xi32>,
    %swap3A_1611 = vector.shape_cast %swap3A_1610 : vector<16xi32> to vector<16xi32>
    %swap3A_1612 = vector.shape_cast %add3A_1608 : vector<16xi32> to vector<16xi32>
    tpu.vector_store %arg8[%swap3A_1609], %swap3A_1612 {strides = array<i32>} : memref<128xi32, #tpu.memory_space<vmem>>, vector<16xi32>,
    %add3A_1613 = arith.constant 64 : i32
    %add3A_1614 = arith.addi %add3A_1365, %add3A_1613 : i32
    %add3A_1615 = vector.broadcast %add3A_1614 : i32 to vector<16xi32>
    %add3A_1616 = arith.addi %add3A_1615, %iota3A : vector<16xi32>
    %shift_right_arithmetic3A_1617 = arith.constant 11 : i32
    %shift_right_arithmetic3A_1618 = vector.broadcast %shift_right_arithmetic3A_1617 : i32 to vector<16xi32>
    %shift_right_arithmetic3A_1619 = arith.shrsi %add3A_1616, %shift_right_arithmetic3A_1618 : vector<16xi32>
    %shift_left3A_1620 = arith.constant 11 : i32
    %shift_left3A_1621 = vector.broadcast %shift_left3A_1620 : i32 to vector<16xi32>
    %shift_left3A_1622 = arith.shli %shift_right_arithmetic3A_1619, %shift_left3A_1621 : vector<16xi32>
    %and3A_1623 = arith.constant 1023 : i32
    %and3A_1624 = vector.broadcast %and3A_1623 : i32 to vector<16xi32>
    %and3A_1625 = arith.andi %add3A_1616, %and3A_1624 : vector<16xi32>
    %shift_left3A_1626 = arith.constant 1 : i32
    %shift_left3A_1627 = vector.broadcast %shift_left3A_1626 : i32 to vector<16xi32>
    %shift_left3A_1628 = arith.shli %and3A_1625, %shift_left3A_1627 : vector<16xi32>
    %add3A_1629 = arith.addi %shift_left3A_1622, %shift_left3A_1628 : vector<16xi32>
    %shift_right_arithmetic3A_1630 = arith.constant 10 : i32
    %shift_right_arithmetic3A_1631 = vector.broadcast %shift_right_arithmetic3A_1630 : i32 to vector<16xi32>
    %shift_right_arithmetic3A_1632 = arith.shrsi %add3A_1616, %shift_right_arithmetic3A_1631 : vector<16xi32>
    %and3A_1633 = arith.constant 1 : i32
    %and3A_1634 = vector.broadcast %and3A_1633 : i32 to vector<16xi32>
    %and3A_1635 = arith.andi %shift_right_arithmetic3A_1632, %and3A_1634 : vector<16xi32>
    %add3A_1636 = arith.addi %add3A_1629, %and3A_1635 : vector<16xi32>
    %swap3A_1637 = arith.constant 64 : index
    %swap3A_1638 = tpu.vector_load %arg9[%swap3A_1637] {strides = array<i32>} : memref<128xi32, #tpu.memory_space<vmem>>, vector<16xi32>,
    %swap3A_1639 = vector.shape_cast %swap3A_1638 : vector<16xi32> to vector<16xi32>
    %swap3A_1640 = vector.shape_cast %add3A_1636 : vector<16xi32> to vector<16xi32>
    tpu.vector_store %arg9[%swap3A_1637], %swap3A_1640 {strides = array<i32>} : memref<128xi32, #tpu.memory_space<vmem>>, vector<16xi32>,
    %get3A_1641 = arith.constant 80 : index
    %get3A_1642 = tpu.vector_load %arg7[%get3A_1641] {strides = array<i32>} : memref<128xi32, #tpu.memory_space<vmem>>, vector<16xi32>,
    %get3A_1643 = vector.shape_cast %get3A_1642 : vector<16xi32> to vector<16xi32>
    %shift_right_arithmetic3A_1644 = arith.constant 13 : i32
    %shift_right_arithmetic3A_1645 = vector.broadcast %shift_right_arithmetic3A_1644 : i32 to vector<16xi32>
    %shift_right_arithmetic3A_1646 = arith.shrsi %get3A_1643, %shift_right_arithmetic3A_1645 : vector<16xi32>
    %shift_left3A_1647 = arith.constant 13 : i32
    %shift_left3A_1648 = vector.broadcast %shift_left3A_1647 : i32 to vector<16xi32>
    %shift_left3A_1649 = arith.shli %shift_right_arithmetic3A_1646, %shift_left3A_1648 : vector<16xi32>
    %and3A_1650 = arith.constant 4095 : i32
    %and3A_1651 = vector.broadcast %and3A_1650 : i32 to vector<16xi32>
    %and3A_1652 = arith.andi %get3A_1643, %and3A_1651 : vector<16xi32>
    %shift_left3A_1653 = arith.constant 1 : i32
    %shift_left3A_1654 = vector.broadcast %shift_left3A_1653 : i32 to vector<16xi32>
    %shift_left3A_1655 = arith.shli %and3A_1652, %shift_left3A_1654 : vector<16xi32>
    %add3A_1656 = arith.addi %shift_left3A_1649, %shift_left3A_1655 : vector<16xi32>
    %shift_right_arithmetic3A_1657 = arith.constant 12 : i32
    %shift_right_arithmetic3A_1658 = vector.broadcast %shift_right_arithmetic3A_1657 : i32 to vector<16xi32>
    %shift_right_arithmetic3A_1659 = arith.shrsi %get3A_1643, %shift_right_arithmetic3A_1658 : vector<16xi32>
    %and3A_1660 = arith.constant 1 : i32
    %and3A_1661 = vector.broadcast %and3A_1660 : i32 to vector<16xi32>
    %and3A_1662 = arith.andi %shift_right_arithmetic3A_1659, %and3A_1661 : vector<16xi32>
    %add3A_1663 = arith.addi %add3A_1656, %and3A_1662 : vector<16xi32>
    %swap3A_1664 = arith.constant 80 : index
    %swap3A_1665 = tpu.vector_load %arg8[%swap3A_1664] {strides = array<i32>} : memref<128xi32, #tpu.memory_space<vmem>>, vector<16xi32>,
    %swap3A_1666 = vector.shape_cast %swap3A_1665 : vector<16xi32> to vector<16xi32>
    %swap3A_1667 = vector.shape_cast %add3A_1663 : vector<16xi32> to vector<16xi32>
    tpu.vector_store %arg8[%swap3A_1664], %swap3A_1667 {strides = array<i32>} : memref<128xi32, #tpu.memory_space<vmem>>, vector<16xi32>,
    %add3A_1668 = arith.constant 80 : i32
    %add3A_1669 = arith.addi %add3A_1365, %add3A_1668 : i32
    %add3A_1670 = vector.broadcast %add3A_1669 : i32 to vector<16xi32>
    %add3A_1671 = arith.addi %add3A_1670, %iota3A : vector<16xi32>
    %shift_right_arithmetic3A_1672 = arith.constant 11 : i32
    %shift_right_arithmetic3A_1673 = vector.broadcast %shift_right_arithmetic3A_1672 : i32 to vector<16xi32>
    %shift_right_arithmetic3A_1674 = arith.shrsi %add3A_1671, %shift_right_arithmetic3A_1673 : vector<16xi32>
    %shift_left3A_1675 = arith.constant 11 : i32
    %shift_left3A_1676 = vector.broadcast %shift_left3A_1675 : i32 to vector<16xi32>
    %shift_left3A_1677 = arith.shli %shift_right_arithmetic3A_1674, %shift_left3A_1676 : vector<16xi32>
    %and3A_1678 = arith.constant 1023 : i32
    %and3A_1679 = vector.broadcast %and3A_1678 : i32 to vector<16xi32>
    %and3A_1680 = arith.andi %add3A_1671, %and3A_1679 : vector<16xi32>
    %shift_left3A_1681 = arith.constant 1 : i32
    %shift_left3A_1682 = vector.broadcast %shift_left3A_1681 : i32 to vector<16xi32>
    %shift_left3A_1683 = arith.shli %and3A_1680, %shift_left3A_1682 : vector<16xi32>
    %add3A_1684 = arith.addi %shift_left3A_1677, %shift_left3A_1683 : vector<16xi32>
    %shift_right_arithmetic3A_1685 = arith.constant 10 : i32
    %shift_right_arithmetic3A_1686 = vector.broadcast %shift_right_arithmetic3A_1685 : i32 to vector<16xi32>
    %shift_right_arithmetic3A_1687 = arith.shrsi %add3A_1671, %shift_right_arithmetic3A_1686 : vector<16xi32>
    %and3A_1688 = arith.constant 1 : i32
    %and3A_1689 = vector.broadcast %and3A_1688 : i32 to vector<16xi32>
    %and3A_1690 = arith.andi %shift_right_arithmetic3A_1687, %and3A_1689 : vector<16xi32>
    %add3A_1691 = arith.addi %add3A_1684, %and3A_1690 : vector<16xi32>
    %swap3A_1692 = arith.constant 80 : index
    %swap3A_1693 = tpu.vector_load %arg9[%swap3A_1692] {strides = array<i32>} : memref<128xi32, #tpu.memory_space<vmem>>, vector<16xi32>,
    %swap3A_1694 = vector.shape_cast %swap3A_1693 : vector<16xi32> to vector<16xi32>
    %swap3A_1695 = vector.shape_cast %add3A_1691 : vector<16xi32> to vector<16xi32>
    tpu.vector_store %arg9[%swap3A_1692], %swap3A_1695 {strides = array<i32>} : memref<128xi32, #tpu.memory_space<vmem>>, vector<16xi32>,
    %get3A_1696 = arith.constant 96 : index
    %get3A_1697 = tpu.vector_load %arg7[%get3A_1696] {strides = array<i32>} : memref<128xi32, #tpu.memory_space<vmem>>, vector<16xi32>,
    %get3A_1698 = vector.shape_cast %get3A_1697 : vector<16xi32> to vector<16xi32>
    %shift_right_arithmetic3A_1699 = arith.constant 13 : i32
    %shift_right_arithmetic3A_1700 = vector.broadcast %shift_right_arithmetic3A_1699 : i32 to vector<16xi32>
    %shift_right_arithmetic3A_1701 = arith.shrsi %get3A_1698, %shift_right_arithmetic3A_1700 : vector<16xi32>
    %shift_left3A_1702 = arith.constant 13 : i32
    %shift_left3A_1703 = vector.broadcast %shift_left3A_1702 : i32 to vector<16xi32>
    %shift_left3A_1704 = arith.shli %shift_right_arithmetic3A_1701, %shift_left3A_1703 : vector<16xi32>
    %and3A_1705 = arith.constant 4095 : i32
    %and3A_1706 = vector.broadcast %and3A_1705 : i32 to vector<16xi32>
    %and3A_1707 = arith.andi %get3A_1698, %and3A_1706 : vector<16xi32>
    %shift_left3A_1708 = arith.constant 1 : i32
    %shift_left3A_1709 = vector.broadcast %shift_left3A_1708 : i32 to vector<16xi32>
    %shift_left3A_1710 = arith.shli %and3A_1707, %shift_left3A_1709 : vector<16xi32>
    %add3A_1711 = arith.addi %shift_left3A_1704, %shift_left3A_1710 : vector<16xi32>
    %shift_right_arithmetic3A_1712 = arith.constant 12 : i32
    %shift_right_arithmetic3A_1713 = vector.broadcast %shift_right_arithmetic3A_1712 : i32 to vector<16xi32>
    %shift_right_arithmetic3A_1714 = arith.shrsi %get3A_1698, %shift_right_arithmetic3A_1713 : vector<16xi32>
    %and3A_1715 = arith.constant 1 : i32
    %and3A_1716 = vector.broadcast %and3A_1715 : i32 to vector<16xi32>
    %and3A_1717 = arith.andi %shift_right_arithmetic3A_1714, %and3A_1716 : vector<16xi32>
    %add3A_1718 = arith.addi %add3A_1711, %and3A_1717 : vector<16xi32>
    %swap3A_1719 = arith.constant 96 : index
    %swap3A_1720 = tpu.vector_load %arg8[%swap3A_1719] {strides = array<i32>} : memref<128xi32, #tpu.memory_space<vmem>>, vector<16xi32>,
    %swap3A_1721 = vector.shape_cast %swap3A_1720 : vector<16xi32> to vector<16xi32>
    %swap3A_1722 = vector.shape_cast %add3A_1718 : vector<16xi32> to vector<16xi32>
    tpu.vector_store %arg8[%swap3A_1719], %swap3A_1722 {strides = array<i32>} : memref<128xi32, #tpu.memory_space<vmem>>, vector<16xi32>,
    %add3A_1723 = arith.constant 96 : i32
    %add3A_1724 = arith.addi %add3A_1365, %add3A_1723 : i32
    %add3A_1725 = vector.broadcast %add3A_1724 : i32 to vector<16xi32>
    %add3A_1726 = arith.addi %add3A_1725, %iota3A : vector<16xi32>
    %shift_right_arithmetic3A_1727 = arith.constant 11 : i32
    %shift_right_arithmetic3A_1728 = vector.broadcast %shift_right_arithmetic3A_1727 : i32 to vector<16xi32>
    %shift_right_arithmetic3A_1729 = arith.shrsi %add3A_1726, %shift_right_arithmetic3A_1728 : vector<16xi32>
    %shift_left3A_1730 = arith.constant 11 : i32
    %shift_left3A_1731 = vector.broadcast %shift_left3A_1730 : i32 to vector<16xi32>
    %shift_left3A_1732 = arith.shli %shift_right_arithmetic3A_1729, %shift_left3A_1731 : vector<16xi32>
    %and3A_1733 = arith.constant 1023 : i32
    %and3A_1734 = vector.broadcast %and3A_1733 : i32 to vector<16xi32>
    %and3A_1735 = arith.andi %add3A_1726, %and3A_1734 : vector<16xi32>
    %shift_left3A_1736 = arith.constant 1 : i32
    %shift_left3A_1737 = vector.broadcast %shift_left3A_1736 : i32 to vector<16xi32>
    %shift_left3A_1738 = arith.shli %and3A_1735, %shift_left3A_1737 : vector<16xi32>
    %add3A_1739 = arith.addi %shift_left3A_1732, %shift_left3A_1738 : vector<16xi32>
    %shift_right_arithmetic3A_1740 = arith.constant 10 : i32
    %shift_right_arithmetic3A_1741 = vector.broadcast %shift_right_arithmetic3A_1740 : i32 to vector<16xi32>
    %shift_right_arithmetic3A_1742 = arith.shrsi %add3A_1726, %shift_right_arithmetic3A_1741 : vector<16xi32>
    %and3A_1743 = arith.constant 1 : i32
    %and3A_1744 = vector.broadcast %and3A_1743 : i32 to vector<16xi32>
    %and3A_1745 = arith.andi %shift_right_arithmetic3A_1742, %and3A_1744 : vector<16xi32>
    %add3A_1746 = arith.addi %add3A_1739, %and3A_1745 : vector<16xi32>
    %swap3A_1747 = arith.constant 96 : index
    %swap3A_1748 = tpu.vector_load %arg9[%swap3A_1747] {strides = array<i32>} : memref<128xi32, #tpu.memory_space<vmem>>, vector<16xi32>,
    %swap3A_1749 = vector.shape_cast %swap3A_1748 : vector<16xi32> to vector<16xi32>
    %swap3A_1750 = vector.shape_cast %add3A_1746 : vector<16xi32> to vector<16xi32>
    tpu.vector_store %arg9[%swap3A_1747], %swap3A_1750 {strides = array<i32>} : memref<128xi32, #tpu.memory_space<vmem>>, vector<16xi32>,
    %get3A_1751 = arith.constant 112 : index
    %get3A_1752 = tpu.vector_load %arg7[%get3A_1751] {strides = array<i32>} : memref<128xi32, #tpu.memory_space<vmem>>, vector<16xi32>,
    %get3A_1753 = vector.shape_cast %get3A_1752 : vector<16xi32> to vector<16xi32>
    %shift_right_arithmetic3A_1754 = arith.constant 13 : i32
    %shift_right_arithmetic3A_1755 = vector.broadcast %shift_right_arithmetic3A_1754 : i32 to vector<16xi32>
    %shift_right_arithmetic3A_1756 = arith.shrsi %get3A_1753, %shift_right_arithmetic3A_1755 : vector<16xi32>
    %shift_left3A_1757 = arith.constant 13 : i32
    %shift_left3A_1758 = vector.broadcast %shift_left3A_1757 : i32 to vector<16xi32>
    %shift_left3A_1759 = arith.shli %shift_right_arithmetic3A_1756, %shift_left3A_1758 : vector<16xi32>
    %and3A_1760 = arith.constant 4095 : i32
    %and3A_1761 = vector.broadcast %and3A_1760 : i32 to vector<16xi32>
    %and3A_1762 = arith.andi %get3A_1753, %and3A_1761 : vector<16xi32>
    %shift_left3A_1763 = arith.constant 1 : i32
    %shift_left3A_1764 = vector.broadcast %shift_left3A_1763 : i32 to vector<16xi32>
    %shift_left3A_1765 = arith.shli %and3A_1762, %shift_left3A_1764 : vector<16xi32>
    %add3A_1766 = arith.addi %shift_left3A_1759, %shift_left3A_1765 : vector<16xi32>
    %shift_right_arithmetic3A_1767 = arith.constant 12 : i32
    %shift_right_arithmetic3A_1768 = vector.broadcast %shift_right_arithmetic3A_1767 : i32 to vector<16xi32>
    %shift_right_arithmetic3A_1769 = arith.shrsi %get3A_1753, %shift_right_arithmetic3A_1768 : vector<16xi32>
    %and3A_1770 = arith.constant 1 : i32
    %and3A_1771 = vector.broadcast %and3A_1770 : i32 to vector<16xi32>
    %and3A_1772 = arith.andi %shift_right_arithmetic3A_1769, %and3A_1771 : vector<16xi32>
    %add3A_1773 = arith.addi %add3A_1766, %and3A_1772 : vector<16xi32>
    %swap3A_1774 = arith.constant 112 : index
    %swap3A_1775 = tpu.vector_load %arg8[%swap3A_1774] {strides = array<i32>} : memref<128xi32, #tpu.memory_space<vmem>>, vector<16xi32>,
    %swap3A_1776 = vector.shape_cast %swap3A_1775 : vector<16xi32> to vector<16xi32>
    %swap3A_1777 = vector.shape_cast %add3A_1773 : vector<16xi32> to vector<16xi32>
    tpu.vector_store %arg8[%swap3A_1774], %swap3A_1777 {strides = array<i32>} : memref<128xi32, #tpu.memory_space<vmem>>, vector<16xi32>,
    %add3A_1778 = arith.constant 112 : i32
    %add3A_1779 = arith.addi %add3A_1365, %add3A_1778 : i32
    %add3A_1780 = vector.broadcast %add3A_1779 : i32 to vector<16xi32>
    %add3A_1781 = arith.addi %add3A_1780, %iota3A : vector<16xi32>
    %shift_right_arithmetic3A_1782 = arith.constant 11 : i32
    %shift_right_arithmetic3A_1783 = vector.broadcast %shift_right_arithmetic3A_1782 : i32 to vector<16xi32>
    %shift_right_arithmetic3A_1784 = arith.shrsi %add3A_1781, %shift_right_arithmetic3A_1783 : vector<16xi32>
    %shift_left3A_1785 = arith.constant 11 : i32
    %shift_left3A_1786 = vector.broadcast %shift_left3A_1785 : i32 to vector<16xi32>
    %shift_left3A_1787 = arith.shli %shift_right_arithmetic3A_1784, %shift_left3A_1786 : vector<16xi32>
    %and3A_1788 = arith.constant 1023 : i32
    %and3A_1789 = vector.broadcast %and3A_1788 : i32 to vector<16xi32>
    %and3A_1790 = arith.andi %add3A_1781, %and3A_1789 : vector<16xi32>
    %shift_left3A_1791 = arith.constant 1 : i32
    %shift_left3A_1792 = vector.broadcast %shift_left3A_1791 : i32 to vector<16xi32>
    %shift_left3A_1793 = arith.shli %and3A_1790, %shift_left3A_1792 : vector<16xi32>
    %add3A_1794 = arith.addi %shift_left3A_1787, %shift_left3A_1793 : vector<16xi32>
    %shift_right_arithmetic3A_1795 = arith.constant 10 : i32
    %shift_right_arithmetic3A_1796 = vector.broadcast %shift_right_arithmetic3A_1795 : i32 to vector<16xi32>
    %shift_right_arithmetic3A_1797 = arith.shrsi %add3A_1781, %shift_right_arithmetic3A_1796 : vector<16xi32>
    %and3A_1798 = arith.constant 1 : i32
    %and3A_1799 = vector.broadcast %and3A_1798 : i32 to vector<16xi32>
    %and3A_1800 = arith.andi %shift_right_arithmetic3A_1797, %and3A_1799 : vector<16xi32>
    %add3A_1801 = arith.addi %add3A_1794, %and3A_1800 : vector<16xi32>
    %swap3A_1802 = arith.constant 112 : index
    %swap3A_1803 = tpu.vector_load %arg9[%swap3A_1802] {strides = array<i32>} : memref<128xi32, #tpu.memory_space<vmem>>, vector<16xi32>,
    %swap3A_1804 = vector.shape_cast %swap3A_1803 : vector<16xi32> to vector<16xi32>
    %swap3A_1805 = vector.shape_cast %add3A_1801 : vector<16xi32> to vector<16xi32>
    tpu.vector_store %arg9[%swap3A_1802], %swap3A_1805 {strides = array<i32>} : memref<128xi32, #tpu.memory_space<vmem>>, vector<16xi32>,
    %dma_wait3A_1806 = arith.constant 0 : i32
    %dma_wait3A_1807 = arith.constant 0 : i32
    %dma_wait3A_1808 = tpu.memref_slice %arg5[%dma_wait3A_1806, %dma_wait3A_1807] : memref<8192x64xi32, #tpu.memory_space<hbm>> -> memref<8192x64xi32, #tpu.memory_space<hbm>>
    tpu.wait_indirect_dma semaphore(%arg13 : memref<!tpu.dma_semaphore, #tpu.memory_space<semaphore_mem>>) src(%arg11 : memref<128x64xi32, #tpu.memory_space<vmem>>) dst(%dma_wait3A_1808 : memref<8192x64xi32, #tpu.memory_space<hbm>>)
    %dma_start3A_1809 = arith.constant 0 : i32
    %dma_start3A_1810 = arith.constant 0 : i32
    %dma_start3A_1811 = tpu.memref_slice %arg4[%dma_start3A_1809, %dma_start3A_1810] : memref<106496x64xi32, #tpu.memory_space<hbm>> -> memref<106496x64xi32, #tpu.memory_space<hbm>>
    tpu.enqueue_indirect_dma source(%dma_start3A_1811 : memref<106496x64xi32, #tpu.memory_space<hbm>>) target(%arg11 : memref<128x64xi32, #tpu.memory_space<vmem>>) offsets(%arg8 : memref<128xi32, #tpu.memory_space<vmem>>) semaphore(%arg12 : memref<!tpu.dma_semaphore, #tpu.memory_space<semaphore_mem>>)
    %dma_wait3A_1812 = arith.constant 0 : i32
    %dma_wait3A_1813 = arith.constant 0 : i32
    %dma_wait3A_1814 = tpu.memref_slice %arg4[%dma_wait3A_1812, %dma_wait3A_1813] : memref<106496x64xi32, #tpu.memory_space<hbm>> -> memref<106496x64xi32, #tpu.memory_space<hbm>>
    tpu.wait_indirect_dma semaphore(%arg12 : memref<!tpu.dma_semaphore, #tpu.memory_space<semaphore_mem>>) src(%dma_wait3A_1814 : memref<106496x64xi32, #tpu.memory_space<hbm>>) dst(%arg11 : memref<128x64xi32, #tpu.memory_space<vmem>>)
    %dma_start3A_1815 = arith.constant 0 : i32
    %dma_start3A_1816 = arith.constant 0 : i32
    %dma_start3A_1817 = tpu.memref_slice %arg6[%dma_start3A_1815, %dma_start3A_1816] : memref<8192x64xi32, #tpu.memory_space<hbm>> -> memref<8192x64xi32, #tpu.memory_space<hbm>>
    tpu.enqueue_indirect_dma source(%arg11 : memref<128x64xi32, #tpu.memory_space<vmem>>) target(%dma_start3A_1817 : memref<8192x64xi32, #tpu.memory_space<hbm>>) offsets(%arg9 : memref<128xi32, #tpu.memory_space<vmem>>) semaphore(%arg13 : memref<!tpu.dma_semaphore, #tpu.memory_space<semaphore_mem>>)
    %dma_wait3A_1818 = arith.constant 0 : i32
    %dma_wait3A_1819 = arith.constant 0 : i32
    %dma_wait3A_1820 = tpu.memref_slice %arg6[%dma_wait3A_1818, %dma_wait3A_1819] : memref<8192x64xi32, #tpu.memory_space<hbm>> -> memref<8192x64xi32, #tpu.memory_space<hbm>>
    tpu.wait_indirect_dma semaphore(%arg13 : memref<!tpu.dma_semaphore, #tpu.memory_space<semaphore_mem>>) src(%arg10 : memref<128x64xi32, #tpu.memory_space<vmem>>) dst(%dma_wait3A_1820 : memref<8192x64xi32, #tpu.memory_space<hbm>>)
    %dma_wait3A_1821 = arith.constant 0 : i32
    %dma_wait3A_1822 = arith.constant 0 : i32
    %dma_wait3A_1823 = tpu.memref_slice %arg6[%dma_wait3A_1821, %dma_wait3A_1822] : memref<8192x64xi32, #tpu.memory_space<hbm>> -> memref<8192x64xi32, #tpu.memory_space<hbm>>
    tpu.wait_indirect_dma semaphore(%arg13 : memref<!tpu.dma_semaphore, #tpu.memory_space<semaphore_mem>>) src(%arg11 : memref<128x64xi32, #tpu.memory_space<vmem>>) dst(%dma_wait3A_1823 : memref<8192x64xi32, #tpu.memory_space<hbm>>)
    return
  }
}

#map = affine_map<(d0, d1) -> (0)>
#map1 = affine_map<(d0, d1) -> (0, 0)>
module attributes {stable_mosaic.version = 14 : i64} {
  func.func @_gather_kernel(%arg0: i32, %arg1: i32, %arg2: memref<16384xi32, #tpu.memory_space<hbm>>, %arg3: memref<16384xi32, #tpu.memory_space<hbm>>, %arg4: memref<106496x64xi32, #tpu.memory_space<hbm>>, %arg5: memref<8192x64xi32, #tpu.memory_space<hbm>>, %arg6: memref<8192x64xi32, #tpu.memory_space<hbm>>, %arg7: memref<128xi32, #tpu.memory_space<vmem>>, %arg8: memref<128xi32, #tpu.memory_space<vmem>>, %arg9: memref<128xi32, #tpu.memory_space<vmem>>, %arg10: memref<128x64xi32, #tpu.memory_space<vmem>>, %arg11: memref<128x64xi32, #tpu.memory_space<vmem>>, %arg12: memref<!tpu.dma_semaphore, #tpu.memory_space<semaphore_mem>>, %arg13: memref<!tpu.dma_semaphore, #tpu.memory_space<semaphore_mem>>) attributes {dimension_semantics = [#tpu.dimension_semantics<core_parallel>, #tpu.dimension_semantics<subcore_parallel>], iteration_bounds = array<i64: 2, 16>, scalar_prefetch = 0 : i64, scratch_operands = 7 : i64, tpu.core_type = #tpu.core_type<sc_vector_subcore>, window_params = [{transform_indices = #map}, {transform_indices = #map}, {transform_indices = #map1}, {transform_indices = #map1}, {transform_indices = #map1}]} {
    %mul3A = arith.constant 2 : i32
    %mul3A_0 = arith.muli %arg1, %mul3A : i32
    %add3A = arith.addi %mul3A_0, %arg0 : i32
    %mul3A_1 = arith.constant 256 : i32
    %mul3A_2 = arith.muli %add3A, %mul3A_1 : i32
    %add3A_3 = arith.constant 0 : i32
    %add3A_4 = arith.addi %add3A_3, %mul3A_2 : i32
    %mul3A_5 = arith.constant 256 : i32
    %mul3A_6 = arith.muli %add3A, %mul3A_5 : i32
    %iota3A = tpu.iota {dimensions = array<i32: 0>} : vector<16xi32>
    %add3A_7 = arith.constant 0 : i32
    %add3A_8 = arith.addi %add3A_4, %add3A_7 : i32
    "tpu.region"() ({
      %run_scoped3A = tpu.sem_alloc : memref<!tpu.dma_semaphore, #tpu.memory_space<semaphore_mem>>
      %dma_start3A_1824 = tpu.memref_slice %arg2[%add3A_8] : memref<16384xi32, #tpu.memory_space<hbm>> -> memref<128xi32, #tpu.memory_space<hbm>>
      %dma_start3A_1825 = tpu.memref_slice %arg2[%add3A_8] : memref<16384xi32, #tpu.memory_space<hbm>> -> memref<128xi32, #tpu.memory_space<hbm>>
      tpu.enqueue_dma source(%dma_start3A_1825 : memref<128xi32, #tpu.memory_space<hbm>>) target(%arg7 : memref<128xi32, #tpu.memory_space<vmem>>) target_semaphore(%run_scoped3A : memref<!tpu.dma_semaphore, #tpu.memory_space<semaphore_mem>>)
      %dma_wait3A_1826 = tpu.memref_slice %arg2[%add3A_8] : memref<16384xi32, #tpu.memory_space<hbm>> -> memref<128xi32, #tpu.memory_space<hbm>>
      %dma_wait3A_1827 = tpu.memref_slice %arg2[%add3A_8] : memref<16384xi32, #tpu.memory_space<hbm>> -> memref<128xi32, #tpu.memory_space<hbm>>
      tpu.wait_dma2 semaphore(%run_scoped3A : memref<!tpu.dma_semaphore, #tpu.memory_space<semaphore_mem>>) src(%dma_wait3A_1827 : memref<128xi32, #tpu.memory_space<hbm>>) dst(%arg7 : memref<128xi32, #tpu.memory_space<vmem>>)
      tpu.yield
    }) : () -> ()
    %add3A_9 = arith.constant 0 : i32
    %add3A_10 = arith.addi %mul3A_6, %add3A_9 : i32
    %get3A = arith.constant 0 : index
    %get3A_11 = tpu.vector_load %arg7[%get3A] {strides = array<i32>} : memref<128xi32, #tpu.memory_space<vmem>>, vector<16xi32>,
    %get3A_12 = vector.shape_cast %get3A_11 : vector<16xi32> to vector<16xi32>
    %shift_right_arithmetic3A = arith.constant 13 : i32
    %shift_right_arithmetic3A_13 = vector.broadcast %shift_right_arithmetic3A : i32 to vector<16xi32>
    %shift_right_arithmetic3A_14 = arith.shrsi %get3A_12, %shift_right_arithmetic3A_13 : vector<16xi32>
    %shift_left3A = arith.constant 13 : i32
    %shift_left3A_15 = vector.broadcast %shift_left3A : i32 to vector<16xi32>
    %shift_left3A_16 = arith.shli %shift_right_arithmetic3A_14, %shift_left3A_15 : vector<16xi32>
    %and3A = arith.constant 4095 : i32
    %and3A_17 = vector.broadcast %and3A : i32 to vector<16xi32>
    %and3A_18 = arith.andi %get3A_12, %and3A_17 : vector<16xi32>
    %shift_left3A_19 = arith.constant 1 : i32
    %shift_left3A_20 = vector.broadcast %shift_left3A_19 : i32 to vector<16xi32>
    %shift_left3A_21 = arith.shli %and3A_18, %shift_left3A_20 : vector<16xi32>
    %add3A_22 = arith.addi %shift_left3A_16, %shift_left3A_21 : vector<16xi32>
    %shift_right_arithmetic3A_23 = arith.constant 12 : i32
    %shift_right_arithmetic3A_24 = vector.broadcast %shift_right_arithmetic3A_23 : i32 to vector<16xi32>
    %shift_right_arithmetic3A_25 = arith.shrsi %get3A_12, %shift_right_arithmetic3A_24 : vector<16xi32>
    %and3A_26 = arith.constant 1 : i32
    %and3A_27 = vector.broadcast %and3A_26 : i32 to vector<16xi32>
    %and3A_28 = arith.andi %shift_right_arithmetic3A_25, %and3A_27 : vector<16xi32>
    %add3A_29 = arith.addi %add3A_22, %and3A_28 : vector<16xi32>
    %swap3A = arith.constant 0 : index
    %swap3A_30 = tpu.vector_load %arg8[%swap3A] {strides = array<i32>} : memref<128xi32, #tpu.memory_space<vmem>>, vector<16xi32>,
    %swap3A_31 = vector.shape_cast %swap3A_30 : vector<16xi32> to vector<16xi32>
    %swap3A_32 = vector.shape_cast %add3A_29 : vector<16xi32> to vector<16xi32>
    tpu.vector_store %arg8[%swap3A], %swap3A_32 {strides = array<i32>} : memref<128xi32, #tpu.memory_space<vmem>>, vector<16xi32>,
    %add3A_33 = arith.constant 0 : i32
    %add3A_34 = arith.addi %add3A_10, %add3A_33 : i32
    %add3A_35 = vector.broadcast %add3A_34 : i32 to vector<16xi32>
    %add3A_36 = arith.addi %add3A_35, %iota3A : vector<16xi32>
    %shift_right_arithmetic3A_37 = arith.constant 11 : i32
    %shift_right_arithmetic3A_38 = vector.broadcast %shift_right_arithmetic3A_37 : i32 to vector<16xi32>
    %shift_right_arithmetic3A_39 = arith.shrsi %add3A_36, %shift_right_arithmetic3A_38 : vector<16xi32>
    %shift_left3A_40 = arith.constant 11 : i32
    %shift_left3A_41 = vector.broadcast %shift_left3A_40 : i32 to vector<16xi32>
    %shift_left3A_42 = arith.shli %shift_right_arithmetic3A_39, %shift_left3A_41 : vector<16xi32>
    %and3A_43 = arith.constant 1023 : i32
    %and3A_44 = vector.broadcast %and3A_43 : i32 to vector<16xi32>
    %and3A_45 = arith.andi %add3A_36, %and3A_44 : vector<16xi32>
    %shift_left3A_46 = arith.constant 1 : i32
    %shift_left3A_47 = vector.broadcast %shift_left3A_46 : i32 to vector<16xi32>
    %shift_left3A_48 = arith.shli %and3A_45, %shift_left3A_47 : vector<16xi32>
    %add3A_49 = arith.addi %shift_left3A_42, %shift_left3A_48 : vector<16xi32>
    %shift_right_arithmetic3A_50 = arith.constant 10 : i32
    %shift_right_arithmetic3A_51 = vector.broadcast %shift_right_arithmetic3A_50 : i32 to vector<16xi32>
    %shift_right_arithmetic3A_52 = arith.shrsi %add3A_36, %shift_right_arithmetic3A_51 : vector<16xi32>
    %and3A_53 = arith.constant 1 : i32
    %and3A_54 = vector.broadcast %and3A_53 : i32 to vector<16xi32>
    %and3A_55 = arith.andi %shift_right_arithmetic3A_52, %and3A_54 : vector<16xi32>
    %add3A_56 = arith.addi %add3A_49, %and3A_55 : vector<16xi32>
    %swap3A_57 = arith.constant 0 : index
    %swap3A_58 = tpu.vector_load %arg9[%swap3A_57] {strides = array<i32>} : memref<128xi32, #tpu.memory_space<vmem>>, vector<16xi32>,
    %swap3A_59 = vector.shape_cast %swap3A_58 : vector<16xi32> to vector<16xi32>
    %swap3A_60 = vector.shape_cast %add3A_56 : vector<16xi32> to vector<16xi32>
    tpu.vector_store %arg9[%swap3A_57], %swap3A_60 {strides = array<i32>} : memref<128xi32, #tpu.memory_space<vmem>>, vector<16xi32>,
    %get3A_61 = arith.constant 16 : index
    %get3A_62 = tpu.vector_load %arg7[%get3A_61] {strides = array<i32>} : memref<128xi32, #tpu.memory_space<vmem>>, vector<16xi32>,
    %get3A_63 = vector.shape_cast %get3A_62 : vector<16xi32> to vector<16xi32>
    %shift_right_arithmetic3A_64 = arith.constant 13 : i32
    %shift_right_arithmetic3A_65 = vector.broadcast %shift_right_arithmetic3A_64 : i32 to vector<16xi32>
    %shift_right_arithmetic3A_66 = arith.shrsi %get3A_63, %shift_right_arithmetic3A_65 : vector<16xi32>
    %shift_left3A_67 = arith.constant 13 : i32
    %shift_left3A_68 = vector.broadcast %shift_left3A_67 : i32 to vector<16xi32>
    %shift_left3A_69 = arith.shli %shift_right_arithmetic3A_66, %shift_left3A_68 : vector<16xi32>
    %and3A_70 = arith.constant 4095 : i32
    %and3A_71 = vector.broadcast %and3A_70 : i32 to vector<16xi32>
    %and3A_72 = arith.andi %get3A_63, %and3A_71 : vector<16xi32>
    %shift_left3A_73 = arith.constant 1 : i32
    %shift_left3A_74 = vector.broadcast %shift_left3A_73 : i32 to vector<16xi32>
    %shift_left3A_75 = arith.shli %and3A_72, %shift_left3A_74 : vector<16xi32>
    %add3A_76 = arith.addi %shift_left3A_69, %shift_left3A_75 : vector<16xi32>
    %shift_right_arithmetic3A_77 = arith.constant 12 : i32
    %shift_right_arithmetic3A_78 = vector.broadcast %shift_right_arithmetic3A_77 : i32 to vector<16xi32>
    %shift_right_arithmetic3A_79 = arith.shrsi %get3A_63, %shift_right_arithmetic3A_78 : vector<16xi32>
    %and3A_80 = arith.constant 1 : i32
    %and3A_81 = vector.broadcast %and3A_80 : i32 to vector<16xi32>
    %and3A_82 = arith.andi %shift_right_arithmetic3A_79, %and3A_81 : vector<16xi32>
    %add3A_83 = arith.addi %add3A_76, %and3A_82 : vector<16xi32>
    %swap3A_84 = arith.constant 16 : index
    %swap3A_85 = tpu.vector_load %arg8[%swap3A_84] {strides = array<i32>} : memref<128xi32, #tpu.memory_space<vmem>>, vector<16xi32>,
    %swap3A_86 = vector.shape_cast %swap3A_85 : vector<16xi32> to vector<16xi32>
    %swap3A_87 = vector.shape_cast %add3A_83 : vector<16xi32> to vector<16xi32>
    tpu.vector_store %arg8[%swap3A_84], %swap3A_87 {strides = array<i32>} : memref<128xi32, #tpu.memory_space<vmem>>, vector<16xi32>,
    %add3A_88 = arith.constant 16 : i32
    %add3A_89 = arith.addi %add3A_10, %add3A_88 : i32
    %add3A_90 = vector.broadcast %add3A_89 : i32 to vector<16xi32>
    %add3A_91 = arith.addi %add3A_90, %iota3A : vector<16xi32>
    %shift_right_arithmetic3A_92 = arith.constant 11 : i32
    %shift_right_arithmetic3A_93 = vector.broadcast %shift_right_arithmetic3A_92 : i32 to vector<16xi32>
    %shift_right_arithmetic3A_94 = arith.shrsi %add3A_91, %shift_right_arithmetic3A_93 : vector<16xi32>
    %shift_left3A_95 = arith.constant 11 : i32
    %shift_left3A_96 = vector.broadcast %shift_left3A_95 : i32 to vector<16xi32>
    %shift_left3A_97 = arith.shli %shift_right_arithmetic3A_94, %shift_left3A_96 : vector<16xi32>
    %and3A_98 = arith.constant 1023 : i32
    %and3A_99 = vector.broadcast %and3A_98 : i32 to vector<16xi32>
    %and3A_100 = arith.andi %add3A_91, %and3A_99 : vector<16xi32>
    %shift_left3A_101 = arith.constant 1 : i32
    %shift_left3A_102 = vector.broadcast %shift_left3A_101 : i32 to vector<16xi32>
    %shift_left3A_103 = arith.shli %and3A_100, %shift_left3A_102 : vector<16xi32>
    %add3A_104 = arith.addi %shift_left3A_97, %shift_left3A_103 : vector<16xi32>
    %shift_right_arithmetic3A_105 = arith.constant 10 : i32
    %shift_right_arithmetic3A_106 = vector.broadcast %shift_right_arithmetic3A_105 : i32 to vector<16xi32>
    %shift_right_arithmetic3A_107 = arith.shrsi %add3A_91, %shift_right_arithmetic3A_106 : vector<16xi32>
    %and3A_108 = arith.constant 1 : i32
    %and3A_109 = vector.broadcast %and3A_108 : i32 to vector<16xi32>
    %and3A_110 = arith.andi %shift_right_arithmetic3A_107, %and3A_109 : vector<16xi32>
    %add3A_111 = arith.addi %add3A_104, %and3A_110 : vector<16xi32>
    %swap3A_112 = arith.constant 16 : index
    %swap3A_113 = tpu.vector_load %arg9[%swap3A_112] {strides = array<i32>} : memref<128xi32, #tpu.memory_space<vmem>>, vector<16xi32>,
    %swap3A_114 = vector.shape_cast %swap3A_113 : vector<16xi32> to vector<16xi32>
    %swap3A_115 = vector.shape_cast %add3A_111 : vector<16xi32> to vector<16xi32>
    tpu.vector_store %arg9[%swap3A_112], %swap3A_115 {strides = array<i32>} : memref<128xi32, #tpu.memory_space<vmem>>, vector<16xi32>,
    %get3A_116 = arith.constant 32 : index
    %get3A_117 = tpu.vector_load %arg7[%get3A_116] {strides = array<i32>} : memref<128xi32, #tpu.memory_space<vmem>>, vector<16xi32>,
    %get3A_118 = vector.shape_cast %get3A_117 : vector<16xi32> to vector<16xi32>
    %shift_right_arithmetic3A_119 = arith.constant 13 : i32
    %shift_right_arithmetic3A_120 = vector.broadcast %shift_right_arithmetic3A_119 : i32 to vector<16xi32>
    %shift_right_arithmetic3A_121 = arith.shrsi %get3A_118, %shift_right_arithmetic3A_120 : vector<16xi32>
    %shift_left3A_122 = arith.constant 13 : i32
    %shift_left3A_123 = vector.broadcast %shift_left3A_122 : i32 to vector<16xi32>
    %shift_left3A_124 = arith.shli %shift_right_arithmetic3A_121, %shift_left3A_123 : vector<16xi32>
    %and3A_125 = arith.constant 4095 : i32
    %and3A_126 = vector.broadcast %and3A_125 : i32 to vector<16xi32>
    %and3A_127 = arith.andi %get3A_118, %and3A_126 : vector<16xi32>
    %shift_left3A_128 = arith.constant 1 : i32
    %shift_left3A_129 = vector.broadcast %shift_left3A_128 : i32 to vector<16xi32>
    %shift_left3A_130 = arith.shli %and3A_127, %shift_left3A_129 : vector<16xi32>
    %add3A_131 = arith.addi %shift_left3A_124, %shift_left3A_130 : vector<16xi32>
    %shift_right_arithmetic3A_132 = arith.constant 12 : i32
    %shift_right_arithmetic3A_133 = vector.broadcast %shift_right_arithmetic3A_132 : i32 to vector<16xi32>
    %shift_right_arithmetic3A_134 = arith.shrsi %get3A_118, %shift_right_arithmetic3A_133 : vector<16xi32>
    %and3A_135 = arith.constant 1 : i32
    %and3A_136 = vector.broadcast %and3A_135 : i32 to vector<16xi32>
    %and3A_137 = arith.andi %shift_right_arithmetic3A_134, %and3A_136 : vector<16xi32>
    %add3A_138 = arith.addi %add3A_131, %and3A_137 : vector<16xi32>
    %swap3A_139 = arith.constant 32 : index
    %swap3A_140 = tpu.vector_load %arg8[%swap3A_139] {strides = array<i32>} : memref<128xi32, #tpu.memory_space<vmem>>, vector<16xi32>,
    %swap3A_141 = vector.shape_cast %swap3A_140 : vector<16xi32> to vector<16xi32>
    %swap3A_142 = vector.shape_cast %add3A_138 : vector<16xi32> to vector<16xi32>
    tpu.vector_store %arg8[%swap3A_139], %swap3A_142 {strides = array<i32>} : memref<128xi32, #tpu.memory_space<vmem>>, vector<16xi32>,
    %add3A_143 = arith.constant 32 : i32
    %add3A_144 = arith.addi %add3A_10, %add3A_143 : i32
    %add3A_145 = vector.broadcast %add3A_144 : i32 to vector<16xi32>
    %add3A_146 = arith.addi %add3A_145, %iota3A : vector<16xi32>
    %shift_right_arithmetic3A_147 = arith.constant 11 : i32
    %shift_right_arithmetic3A_148 = vector.broadcast %shift_right_arithmetic3A_147 : i32 to vector<16xi32>
    %shift_right_arithmetic3A_149 = arith.shrsi %add3A_146, %shift_right_arithmetic3A_148 : vector<16xi32>
    %shift_left3A_150 = arith.constant 11 : i32
    %shift_left3A_151 = vector.broadcast %shift_left3A_150 : i32 to vector<16xi32>
    %shift_left3A_152 = arith.shli %shift_right_arithmetic3A_149, %shift_left3A_151 : vector<16xi32>
    %and3A_153 = arith.constant 1023 : i32
    %and3A_154 = vector.broadcast %and3A_153 : i32 to vector<16xi32>
    %and3A_155 = arith.andi %add3A_146, %and3A_154 : vector<16xi32>
    %shift_left3A_156 = arith.constant 1 : i32
    %shift_left3A_157 = vector.broadcast %shift_left3A_156 : i32 to vector<16xi32>
    %shift_left3A_158 = arith.shli %and3A_155, %shift_left3A_157 : vector<16xi32>
    %add3A_159 = arith.addi %shift_left3A_152, %shift_left3A_158 : vector<16xi32>
    %shift_right_arithmetic3A_160 = arith.constant 10 : i32
    %shift_right_arithmetic3A_161 = vector.broadcast %shift_right_arithmetic3A_160 : i32 to vector<16xi32>
    %shift_right_arithmetic3A_162 = arith.shrsi %add3A_146, %shift_right_arithmetic3A_161 : vector<16xi32>
    %and3A_163 = arith.constant 1 : i32
    %and3A_164 = vector.broadcast %and3A_163 : i32 to vector<16xi32>
    %and3A_165 = arith.andi %shift_right_arithmetic3A_162, %and3A_164 : vector<16xi32>
    %add3A_166 = arith.addi %add3A_159, %and3A_165 : vector<16xi32>
    %swap3A_167 = arith.constant 32 : index
    %swap3A_168 = tpu.vector_load %arg9[%swap3A_167] {strides = array<i32>} : memref<128xi32, #tpu.memory_space<vmem>>, vector<16xi32>,
    %swap3A_169 = vector.shape_cast %swap3A_168 : vector<16xi32> to vector<16xi32>
    %swap3A_170 = vector.shape_cast %add3A_166 : vector<16xi32> to vector<16xi32>
    tpu.vector_store %arg9[%swap3A_167], %swap3A_170 {strides = array<i32>} : memref<128xi32, #tpu.memory_space<vmem>>, vector<16xi32>,
    %get3A_171 = arith.constant 48 : index
    %get3A_172 = tpu.vector_load %arg7[%get3A_171] {strides = array<i32>} : memref<128xi32, #tpu.memory_space<vmem>>, vector<16xi32>,
    %get3A_173 = vector.shape_cast %get3A_172 : vector<16xi32> to vector<16xi32>
    %shift_right_arithmetic3A_174 = arith.constant 13 : i32
    %shift_right_arithmetic3A_175 = vector.broadcast %shift_right_arithmetic3A_174 : i32 to vector<16xi32>
    %shift_right_arithmetic3A_176 = arith.shrsi %get3A_173, %shift_right_arithmetic3A_175 : vector<16xi32>
    %shift_left3A_177 = arith.constant 13 : i32
    %shift_left3A_178 = vector.broadcast %shift_left3A_177 : i32 to vector<16xi32>
    %shift_left3A_179 = arith.shli %shift_right_arithmetic3A_176, %shift_left3A_178 : vector<16xi32>
    %and3A_180 = arith.constant 4095 : i32
    %and3A_181 = vector.broadcast %and3A_180 : i32 to vector<16xi32>
    %and3A_182 = arith.andi %get3A_173, %and3A_181 : vector<16xi32>
    %shift_left3A_183 = arith.constant 1 : i32
    %shift_left3A_184 = vector.broadcast %shift_left3A_183 : i32 to vector<16xi32>
    %shift_left3A_185 = arith.shli %and3A_182, %shift_left3A_184 : vector<16xi32>
    %add3A_186 = arith.addi %shift_left3A_179, %shift_left3A_185 : vector<16xi32>
    %shift_right_arithmetic3A_187 = arith.constant 12 : i32
    %shift_right_arithmetic3A_188 = vector.broadcast %shift_right_arithmetic3A_187 : i32 to vector<16xi32>
    %shift_right_arithmetic3A_189 = arith.shrsi %get3A_173, %shift_right_arithmetic3A_188 : vector<16xi32>
    %and3A_190 = arith.constant 1 : i32
    %and3A_191 = vector.broadcast %and3A_190 : i32 to vector<16xi32>
    %and3A_192 = arith.andi %shift_right_arithmetic3A_189, %and3A_191 : vector<16xi32>
    %add3A_193 = arith.addi %add3A_186, %and3A_192 : vector<16xi32>
    %swap3A_194 = arith.constant 48 : index
    %swap3A_195 = tpu.vector_load %arg8[%swap3A_194] {strides = array<i32>} : memref<128xi32, #tpu.memory_space<vmem>>, vector<16xi32>,
    %swap3A_196 = vector.shape_cast %swap3A_195 : vector<16xi32> to vector<16xi32>
    %swap3A_197 = vector.shape_cast %add3A_193 : vector<16xi32> to vector<16xi32>
    tpu.vector_store %arg8[%swap3A_194], %swap3A_197 {strides = array<i32>} : memref<128xi32, #tpu.memory_space<vmem>>, vector<16xi32>,
    %add3A_198 = arith.constant 48 : i32
    %add3A_199 = arith.addi %add3A_10, %add3A_198 : i32
    %add3A_200 = vector.broadcast %add3A_199 : i32 to vector<16xi32>
    %add3A_201 = arith.addi %add3A_200, %iota3A : vector<16xi32>
    %shift_right_arithmetic3A_202 = arith.constant 11 : i32
    %shift_right_arithmetic3A_203 = vector.broadcast %shift_right_arithmetic3A_202 : i32 to vector<16xi32>
    %shift_right_arithmetic3A_204 = arith.shrsi %add3A_201, %shift_right_arithmetic3A_203 : vector<16xi32>
    %shift_left3A_205 = arith.constant 11 : i32
    %shift_left3A_206 = vector.broadcast %shift_left3A_205 : i32 to vector<16xi32>
    %shift_left3A_207 = arith.shli %shift_right_arithmetic3A_204, %shift_left3A_206 : vector<16xi32>
    %and3A_208 = arith.constant 1023 : i32
    %and3A_209 = vector.broadcast %and3A_208 : i32 to vector<16xi32>
    %and3A_210 = arith.andi %add3A_201, %and3A_209 : vector<16xi32>
    %shift_left3A_211 = arith.constant 1 : i32
    %shift_left3A_212 = vector.broadcast %shift_left3A_211 : i32 to vector<16xi32>
    %shift_left3A_213 = arith.shli %and3A_210, %shift_left3A_212 : vector<16xi32>
    %add3A_214 = arith.addi %shift_left3A_207, %shift_left3A_213 : vector<16xi32>
    %shift_right_arithmetic3A_215 = arith.constant 10 : i32
    %shift_right_arithmetic3A_216 = vector.broadcast %shift_right_arithmetic3A_215 : i32 to vector<16xi32>
    %shift_right_arithmetic3A_217 = arith.shrsi %add3A_201, %shift_right_arithmetic3A_216 : vector<16xi32>
    %and3A_218 = arith.constant 1 : i32
    %and3A_219 = vector.broadcast %and3A_218 : i32 to vector<16xi32>
    %and3A_220 = arith.andi %shift_right_arithmetic3A_217, %and3A_219 : vector<16xi32>
    %add3A_221 = arith.addi %add3A_214, %and3A_220 : vector<16xi32>
    %swap3A_222 = arith.constant 48 : index
    %swap3A_223 = tpu.vector_load %arg9[%swap3A_222] {strides = array<i32>} : memref<128xi32, #tpu.memory_space<vmem>>, vector<16xi32>,
    %swap3A_224 = vector.shape_cast %swap3A_223 : vector<16xi32> to vector<16xi32>
    %swap3A_225 = vector.shape_cast %add3A_221 : vector<16xi32> to vector<16xi32>
    tpu.vector_store %arg9[%swap3A_222], %swap3A_225 {strides = array<i32>} : memref<128xi32, #tpu.memory_space<vmem>>, vector<16xi32>,
    %get3A_226 = arith.constant 64 : index
    %get3A_227 = tpu.vector_load %arg7[%get3A_226] {strides = array<i32>} : memref<128xi32, #tpu.memory_space<vmem>>, vector<16xi32>,
    %get3A_228 = vector.shape_cast %get3A_227 : vector<16xi32> to vector<16xi32>
    %shift_right_arithmetic3A_229 = arith.constant 13 : i32
    %shift_right_arithmetic3A_230 = vector.broadcast %shift_right_arithmetic3A_229 : i32 to vector<16xi32>
    %shift_right_arithmetic3A_231 = arith.shrsi %get3A_228, %shift_right_arithmetic3A_230 : vector<16xi32>
    %shift_left3A_232 = arith.constant 13 : i32
    %shift_left3A_233 = vector.broadcast %shift_left3A_232 : i32 to vector<16xi32>
    %shift_left3A_234 = arith.shli %shift_right_arithmetic3A_231, %shift_left3A_233 : vector<16xi32>
    %and3A_235 = arith.constant 4095 : i32
    %and3A_236 = vector.broadcast %and3A_235 : i32 to vector<16xi32>
    %and3A_237 = arith.andi %get3A_228, %and3A_236 : vector<16xi32>
    %shift_left3A_238 = arith.constant 1 : i32
    %shift_left3A_239 = vector.broadcast %shift_left3A_238 : i32 to vector<16xi32>
    %shift_left3A_240 = arith.shli %and3A_237, %shift_left3A_239 : vector<16xi32>
    %add3A_241 = arith.addi %shift_left3A_234, %shift_left3A_240 : vector<16xi32>
    %shift_right_arithmetic3A_242 = arith.constant 12 : i32
    %shift_right_arithmetic3A_243 = vector.broadcast %shift_right_arithmetic3A_242 : i32 to vector<16xi32>
    %shift_right_arithmetic3A_244 = arith.shrsi %get3A_228, %shift_right_arithmetic3A_243 : vector<16xi32>
    %and3A_245 = arith.constant 1 : i32
    %and3A_246 = vector.broadcast %and3A_245 : i32 to vector<16xi32>
    %and3A_247 = arith.andi %shift_right_arithmetic3A_244, %and3A_246 : vector<16xi32>
    %add3A_248 = arith.addi %add3A_241, %and3A_247 : vector<16xi32>
    %swap3A_249 = arith.constant 64 : index
    %swap3A_250 = tpu.vector_load %arg8[%swap3A_249] {strides = array<i32>} : memref<128xi32, #tpu.memory_space<vmem>>, vector<16xi32>,
    %swap3A_251 = vector.shape_cast %swap3A_250 : vector<16xi32> to vector<16xi32>
    %swap3A_252 = vector.shape_cast %add3A_248 : vector<16xi32> to vector<16xi32>
    tpu.vector_store %arg8[%swap3A_249], %swap3A_252 {strides = array<i32>} : memref<128xi32, #tpu.memory_space<vmem>>, vector<16xi32>,
    %add3A_253 = arith.constant 64 : i32
    %add3A_254 = arith.addi %add3A_10, %add3A_253 : i32
    %add3A_255 = vector.broadcast %add3A_254 : i32 to vector<16xi32>
    %add3A_256 = arith.addi %add3A_255, %iota3A : vector<16xi32>
    %shift_right_arithmetic3A_257 = arith.constant 11 : i32
    %shift_right_arithmetic3A_258 = vector.broadcast %shift_right_arithmetic3A_257 : i32 to vector<16xi32>
    %shift_right_arithmetic3A_259 = arith.shrsi %add3A_256, %shift_right_arithmetic3A_258 : vector<16xi32>
    %shift_left3A_260 = arith.constant 11 : i32
    %shift_left3A_261 = vector.broadcast %shift_left3A_260 : i32 to vector<16xi32>
    %shift_left3A_262 = arith.shli %shift_right_arithmetic3A_259, %shift_left3A_261 : vector<16xi32>
    %and3A_263 = arith.constant 1023 : i32
    %and3A_264 = vector.broadcast %and3A_263 : i32 to vector<16xi32>
    %and3A_265 = arith.andi %add3A_256, %and3A_264 : vector<16xi32>
    %shift_left3A_266 = arith.constant 1 : i32
    %shift_left3A_267 = vector.broadcast %shift_left3A_266 : i32 to vector<16xi32>
    %shift_left3A_268 = arith.shli %and3A_265, %shift_left3A_267 : vector<16xi32>
    %add3A_269 = arith.addi %shift_left3A_262, %shift_left3A_268 : vector<16xi32>
    %shift_right_arithmetic3A_270 = arith.constant 10 : i32
    %shift_right_arithmetic3A_271 = vector.broadcast %shift_right_arithmetic3A_270 : i32 to vector<16xi32>
    %shift_right_arithmetic3A_272 = arith.shrsi %add3A_256, %shift_right_arithmetic3A_271 : vector<16xi32>
    %and3A_273 = arith.constant 1 : i32
    %and3A_274 = vector.broadcast %and3A_273 : i32 to vector<16xi32>
    %and3A_275 = arith.andi %shift_right_arithmetic3A_272, %and3A_274 : vector<16xi32>
    %add3A_276 = arith.addi %add3A_269, %and3A_275 : vector<16xi32>
    %swap3A_277 = arith.constant 64 : index
    %swap3A_278 = tpu.vector_load %arg9[%swap3A_277] {strides = array<i32>} : memref<128xi32, #tpu.memory_space<vmem>>, vector<16xi32>,
    %swap3A_279 = vector.shape_cast %swap3A_278 : vector<16xi32> to vector<16xi32>
    %swap3A_280 = vector.shape_cast %add3A_276 : vector<16xi32> to vector<16xi32>
    tpu.vector_store %arg9[%swap3A_277], %swap3A_280 {strides = array<i32>} : memref<128xi32, #tpu.memory_space<vmem>>, vector<16xi32>,
    %get3A_281 = arith.constant 80 : index
    %get3A_282 = tpu.vector_load %arg7[%get3A_281] {strides = array<i32>} : memref<128xi32, #tpu.memory_space<vmem>>, vector<16xi32>,
    %get3A_283 = vector.shape_cast %get3A_282 : vector<16xi32> to vector<16xi32>
    %shift_right_arithmetic3A_284 = arith.constant 13 : i32
    %shift_right_arithmetic3A_285 = vector.broadcast %shift_right_arithmetic3A_284 : i32 to vector<16xi32>
    %shift_right_arithmetic3A_286 = arith.shrsi %get3A_283, %shift_right_arithmetic3A_285 : vector<16xi32>
    %shift_left3A_287 = arith.constant 13 : i32
    %shift_left3A_288 = vector.broadcast %shift_left3A_287 : i32 to vector<16xi32>
    %shift_left3A_289 = arith.shli %shift_right_arithmetic3A_286, %shift_left3A_288 : vector<16xi32>
    %and3A_290 = arith.constant 4095 : i32
    %and3A_291 = vector.broadcast %and3A_290 : i32 to vector<16xi32>
    %and3A_292 = arith.andi %get3A_283, %and3A_291 : vector<16xi32>
    %shift_left3A_293 = arith.constant 1 : i32
    %shift_left3A_294 = vector.broadcast %shift_left3A_293 : i32 to vector<16xi32>
    %shift_left3A_295 = arith.shli %and3A_292, %shift_left3A_294 : vector<16xi32>
    %add3A_296 = arith.addi %shift_left3A_289, %shift_left3A_295 : vector<16xi32>
    %shift_right_arithmetic3A_297 = arith.constant 12 : i32
    %shift_right_arithmetic3A_298 = vector.broadcast %shift_right_arithmetic3A_297 : i32 to vector<16xi32>
    %shift_right_arithmetic3A_299 = arith.shrsi %get3A_283, %shift_right_arithmetic3A_298 : vector<16xi32>
    %and3A_300 = arith.constant 1 : i32
    %and3A_301 = vector.broadcast %and3A_300 : i32 to vector<16xi32>
    %and3A_302 = arith.andi %shift_right_arithmetic3A_299, %and3A_301 : vector<16xi32>
    %add3A_303 = arith.addi %add3A_296, %and3A_302 : vector<16xi32>
    %swap3A_304 = arith.constant 80 : index
    %swap3A_305 = tpu.vector_load %arg8[%swap3A_304] {strides = array<i32>} : memref<128xi32, #tpu.memory_space<vmem>>, vector<16xi32>,
    %swap3A_306 = vector.shape_cast %swap3A_305 : vector<16xi32> to vector<16xi32>
    %swap3A_307 = vector.shape_cast %add3A_303 : vector<16xi32> to vector<16xi32>
    tpu.vector_store %arg8[%swap3A_304], %swap3A_307 {strides = array<i32>} : memref<128xi32, #tpu.memory_space<vmem>>, vector<16xi32>,
    %add3A_308 = arith.constant 80 : i32
    %add3A_309 = arith.addi %add3A_10, %add3A_308 : i32
    %add3A_310 = vector.broadcast %add3A_309 : i32 to vector<16xi32>
    %add3A_311 = arith.addi %add3A_310, %iota3A : vector<16xi32>
    %shift_right_arithmetic3A_312 = arith.constant 11 : i32
    %shift_right_arithmetic3A_313 = vector.broadcast %shift_right_arithmetic3A_312 : i32 to vector<16xi32>
    %shift_right_arithmetic3A_314 = arith.shrsi %add3A_311, %shift_right_arithmetic3A_313 : vector<16xi32>
    %shift_left3A_315 = arith.constant 11 : i32
    %shift_left3A_316 = vector.broadcast %shift_left3A_315 : i32 to vector<16xi32>
    %shift_left3A_317 = arith.shli %shift_right_arithmetic3A_314, %shift_left3A_316 : vector<16xi32>
    %and3A_318 = arith.constant 1023 : i32
    %and3A_319 = vector.broadcast %and3A_318 : i32 to vector<16xi32>
    %and3A_320 = arith.andi %add3A_311, %and3A_319 : vector<16xi32>
    %shift_left3A_321 = arith.constant 1 : i32
    %shift_left3A_322 = vector.broadcast %shift_left3A_321 : i32 to vector<16xi32>
    %shift_left3A_323 = arith.shli %and3A_320, %shift_left3A_322 : vector<16xi32>
    %add3A_324 = arith.addi %shift_left3A_317, %shift_left3A_323 : vector<16xi32>
    %shift_right_arithmetic3A_325 = arith.constant 10 : i32
    %shift_right_arithmetic3A_326 = vector.broadcast %shift_right_arithmetic3A_325 : i32 to vector<16xi32>
    %shift_right_arithmetic3A_327 = arith.shrsi %add3A_311, %shift_right_arithmetic3A_326 : vector<16xi32>
    %and3A_328 = arith.constant 1 : i32
    %and3A_329 = vector.broadcast %and3A_328 : i32 to vector<16xi32>
    %and3A_330 = arith.andi %shift_right_arithmetic3A_327, %and3A_329 : vector<16xi32>
    %add3A_331 = arith.addi %add3A_324, %and3A_330 : vector<16xi32>
    %swap3A_332 = arith.constant 80 : index
    %swap3A_333 = tpu.vector_load %arg9[%swap3A_332] {strides = array<i32>} : memref<128xi32, #tpu.memory_space<vmem>>, vector<16xi32>,
    %swap3A_334 = vector.shape_cast %swap3A_333 : vector<16xi32> to vector<16xi32>
    %swap3A_335 = vector.shape_cast %add3A_331 : vector<16xi32> to vector<16xi32>
    tpu.vector_store %arg9[%swap3A_332], %swap3A_335 {strides = array<i32>} : memref<128xi32, #tpu.memory_space<vmem>>, vector<16xi32>,
    %get3A_336 = arith.constant 96 : index
    %get3A_337 = tpu.vector_load %arg7[%get3A_336] {strides = array<i32>} : memref<128xi32, #tpu.memory_space<vmem>>, vector<16xi32>,
    %get3A_338 = vector.shape_cast %get3A_337 : vector<16xi32> to vector<16xi32>
    %shift_right_arithmetic3A_339 = arith.constant 13 : i32
    %shift_right_arithmetic3A_340 = vector.broadcast %shift_right_arithmetic3A_339 : i32 to vector<16xi32>
    %shift_right_arithmetic3A_341 = arith.shrsi %get3A_338, %shift_right_arithmetic3A_340 : vector<16xi32>
    %shift_left3A_342 = arith.constant 13 : i32
    %shift_left3A_343 = vector.broadcast %shift_left3A_342 : i32 to vector<16xi32>
    %shift_left3A_344 = arith.shli %shift_right_arithmetic3A_341, %shift_left3A_343 : vector<16xi32>
    %and3A_345 = arith.constant 4095 : i32
    %and3A_346 = vector.broadcast %and3A_345 : i32 to vector<16xi32>
    %and3A_347 = arith.andi %get3A_338, %and3A_346 : vector<16xi32>
    %shift_left3A_348 = arith.constant 1 : i32
    %shift_left3A_349 = vector.broadcast %shift_left3A_348 : i32 to vector<16xi32>
    %shift_left3A_350 = arith.shli %and3A_347, %shift_left3A_349 : vector<16xi32>
    %add3A_351 = arith.addi %shift_left3A_344, %shift_left3A_350 : vector<16xi32>
    %shift_right_arithmetic3A_352 = arith.constant 12 : i32
    %shift_right_arithmetic3A_353 = vector.broadcast %shift_right_arithmetic3A_352 : i32 to vector<16xi32>
    %shift_right_arithmetic3A_354 = arith.shrsi %get3A_338, %shift_right_arithmetic3A_353 : vector<16xi32>
    %and3A_355 = arith.constant 1 : i32
    %and3A_356 = vector.broadcast %and3A_355 : i32 to vector<16xi32>
    %and3A_357 = arith.andi %shift_right_arithmetic3A_354, %and3A_356 : vector<16xi32>
    %add3A_358 = arith.addi %add3A_351, %and3A_357 : vector<16xi32>
    %swap3A_359 = arith.constant 96 : index
    %swap3A_360 = tpu.vector_load %arg8[%swap3A_359] {strides = array<i32>} : memref<128xi32, #tpu.memory_space<vmem>>, vector<16xi32>,
    %swap3A_361 = vector.shape_cast %swap3A_360 : vector<16xi32> to vector<16xi32>
    %swap3A_362 = vector.shape_cast %add3A_358 : vector<16xi32> to vector<16xi32>
    tpu.vector_store %arg8[%swap3A_359], %swap3A_362 {strides = array<i32>} : memref<128xi32, #tpu.memory_space<vmem>>, vector<16xi32>,
    %add3A_363 = arith.constant 96 : i32
    %add3A_364 = arith.addi %add3A_10, %add3A_363 : i32
    %add3A_365 = vector.broadcast %add3A_364 : i32 to vector<16xi32>
    %add3A_366 = arith.addi %add3A_365, %iota3A : vector<16xi32>
    %shift_right_arithmetic3A_367 = arith.constant 11 : i32
    %shift_right_arithmetic3A_368 = vector.broadcast %shift_right_arithmetic3A_367 : i32 to vector<16xi32>
    %shift_right_arithmetic3A_369 = arith.shrsi %add3A_366, %shift_right_arithmetic3A_368 : vector<16xi32>
    %shift_left3A_370 = arith.constant 11 : i32
    %shift_left3A_371 = vector.broadcast %shift_left3A_370 : i32 to vector<16xi32>
    %shift_left3A_372 = arith.shli %shift_right_arithmetic3A_369, %shift_left3A_371 : vector<16xi32>
    %and3A_373 = arith.constant 1023 : i32
    %and3A_374 = vector.broadcast %and3A_373 : i32 to vector<16xi32>
    %and3A_375 = arith.andi %add3A_366, %and3A_374 : vector<16xi32>
    %shift_left3A_376 = arith.constant 1 : i32
    %shift_left3A_377 = vector.broadcast %shift_left3A_376 : i32 to vector<16xi32>
    %shift_left3A_378 = arith.shli %and3A_375, %shift_left3A_377 : vector<16xi32>
    %add3A_379 = arith.addi %shift_left3A_372, %shift_left3A_378 : vector<16xi32>
    %shift_right_arithmetic3A_380 = arith.constant 10 : i32
    %shift_right_arithmetic3A_381 = vector.broadcast %shift_right_arithmetic3A_380 : i32 to vector<16xi32>
    %shift_right_arithmetic3A_382 = arith.shrsi %add3A_366, %shift_right_arithmetic3A_381 : vector<16xi32>
    %and3A_383 = arith.constant 1 : i32
    %and3A_384 = vector.broadcast %and3A_383 : i32 to vector<16xi32>
    %and3A_385 = arith.andi %shift_right_arithmetic3A_382, %and3A_384 : vector<16xi32>
    %add3A_386 = arith.addi %add3A_379, %and3A_385 : vector<16xi32>
    %swap3A_387 = arith.constant 96 : index
    %swap3A_388 = tpu.vector_load %arg9[%swap3A_387] {strides = array<i32>} : memref<128xi32, #tpu.memory_space<vmem>>, vector<16xi32>,
    %swap3A_389 = vector.shape_cast %swap3A_388 : vector<16xi32> to vector<16xi32>
    %swap3A_390 = vector.shape_cast %add3A_386 : vector<16xi32> to vector<16xi32>
    tpu.vector_store %arg9[%swap3A_387], %swap3A_390 {strides = array<i32>} : memref<128xi32, #tpu.memory_space<vmem>>, vector<16xi32>,
    %get3A_391 = arith.constant 112 : index
    %get3A_392 = tpu.vector_load %arg7[%get3A_391] {strides = array<i32>} : memref<128xi32, #tpu.memory_space<vmem>>, vector<16xi32>,
    %get3A_393 = vector.shape_cast %get3A_392 : vector<16xi32> to vector<16xi32>
    %shift_right_arithmetic3A_394 = arith.constant 13 : i32
    %shift_right_arithmetic3A_395 = vector.broadcast %shift_right_arithmetic3A_394 : i32 to vector<16xi32>
    %shift_right_arithmetic3A_396 = arith.shrsi %get3A_393, %shift_right_arithmetic3A_395 : vector<16xi32>
    %shift_left3A_397 = arith.constant 13 : i32
    %shift_left3A_398 = vector.broadcast %shift_left3A_397 : i32 to vector<16xi32>
    %shift_left3A_399 = arith.shli %shift_right_arithmetic3A_396, %shift_left3A_398 : vector<16xi32>
    %and3A_400 = arith.constant 4095 : i32
    %and3A_401 = vector.broadcast %and3A_400 : i32 to vector<16xi32>
    %and3A_402 = arith.andi %get3A_393, %and3A_401 : vector<16xi32>
    %shift_left3A_403 = arith.constant 1 : i32
    %shift_left3A_404 = vector.broadcast %shift_left3A_403 : i32 to vector<16xi32>
    %shift_left3A_405 = arith.shli %and3A_402, %shift_left3A_404 : vector<16xi32>
    %add3A_406 = arith.addi %shift_left3A_399, %shift_left3A_405 : vector<16xi32>
    %shift_right_arithmetic3A_407 = arith.constant 12 : i32
    %shift_right_arithmetic3A_408 = vector.broadcast %shift_right_arithmetic3A_407 : i32 to vector<16xi32>
    %shift_right_arithmetic3A_409 = arith.shrsi %get3A_393, %shift_right_arithmetic3A_408 : vector<16xi32>
    %and3A_410 = arith.constant 1 : i32
    %and3A_411 = vector.broadcast %and3A_410 : i32 to vector<16xi32>
    %and3A_412 = arith.andi %shift_right_arithmetic3A_409, %and3A_411 : vector<16xi32>
    %add3A_413 = arith.addi %add3A_406, %and3A_412 : vector<16xi32>
    %swap3A_414 = arith.constant 112 : index
    %swap3A_415 = tpu.vector_load %arg8[%swap3A_414] {strides = array<i32>} : memref<128xi32, #tpu.memory_space<vmem>>, vector<16xi32>,
    %swap3A_416 = vector.shape_cast %swap3A_415 : vector<16xi32> to vector<16xi32>
    %swap3A_417 = vector.shape_cast %add3A_413 : vector<16xi32> to vector<16xi32>
    tpu.vector_store %arg8[%swap3A_414], %swap3A_417 {strides = array<i32>} : memref<128xi32, #tpu.memory_space<vmem>>, vector<16xi32>,
    %add3A_418 = arith.constant 112 : i32
    %add3A_419 = arith.addi %add3A_10, %add3A_418 : i32
    %add3A_420 = vector.broadcast %add3A_419 : i32 to vector<16xi32>
    %add3A_421 = arith.addi %add3A_420, %iota3A : vector<16xi32>
    %shift_right_arithmetic3A_422 = arith.constant 11 : i32
    %shift_right_arithmetic3A_423 = vector.broadcast %shift_right_arithmetic3A_422 : i32 to vector<16xi32>
    %shift_right_arithmetic3A_424 = arith.shrsi %add3A_421, %shift_right_arithmetic3A_423 : vector<16xi32>
    %shift_left3A_425 = arith.constant 11 : i32
    %shift_left3A_426 = vector.broadcast %shift_left3A_425 : i32 to vector<16xi32>
    %shift_left3A_427 = arith.shli %shift_right_arithmetic3A_424, %shift_left3A_426 : vector<16xi32>
    %and3A_428 = arith.constant 1023 : i32
    %and3A_429 = vector.broadcast %and3A_428 : i32 to vector<16xi32>
    %and3A_430 = arith.andi %add3A_421, %and3A_429 : vector<16xi32>
    %shift_left3A_431 = arith.constant 1 : i32
    %shift_left3A_432 = vector.broadcast %shift_left3A_431 : i32 to vector<16xi32>
    %shift_left3A_433 = arith.shli %and3A_430, %shift_left3A_432 : vector<16xi32>
    %add3A_434 = arith.addi %shift_left3A_427, %shift_left3A_433 : vector<16xi32>
    %shift_right_arithmetic3A_435 = arith.constant 10 : i32
    %shift_right_arithmetic3A_436 = vector.broadcast %shift_right_arithmetic3A_435 : i32 to vector<16xi32>
    %shift_right_arithmetic3A_437 = arith.shrsi %add3A_421, %shift_right_arithmetic3A_436 : vector<16xi32>
    %and3A_438 = arith.constant 1 : i32
    %and3A_439 = vector.broadcast %and3A_438 : i32 to vector<16xi32>
    %and3A_440 = arith.andi %shift_right_arithmetic3A_437, %and3A_439 : vector<16xi32>
    %add3A_441 = arith.addi %add3A_434, %and3A_440 : vector<16xi32>
    %swap3A_442 = arith.constant 112 : index
    %swap3A_443 = tpu.vector_load %arg9[%swap3A_442] {strides = array<i32>} : memref<128xi32, #tpu.memory_space<vmem>>, vector<16xi32>,
    %swap3A_444 = vector.shape_cast %swap3A_443 : vector<16xi32> to vector<16xi32>
    %swap3A_445 = vector.shape_cast %add3A_441 : vector<16xi32> to vector<16xi32>
    tpu.vector_store %arg9[%swap3A_442], %swap3A_445 {strides = array<i32>} : memref<128xi32, #tpu.memory_space<vmem>>, vector<16xi32>,
    %dma_start3A = arith.constant 0 : i32
    %dma_start3A_446 = arith.constant 0 : i32
    %dma_start3A_447 = tpu.memref_slice %arg4[%dma_start3A, %dma_start3A_446] : memref<106496x64xi32, #tpu.memory_space<hbm>> -> memref<106496x64xi32, #tpu.memory_space<hbm>>
    tpu.enqueue_indirect_dma source(%dma_start3A_447 : memref<106496x64xi32, #tpu.memory_space<hbm>>) target(%arg10 : memref<128x64xi32, #tpu.memory_space<vmem>>) offsets(%arg8 : memref<128xi32, #tpu.memory_space<vmem>>) semaphore(%arg12 : memref<!tpu.dma_semaphore, #tpu.memory_space<semaphore_mem>>)
    %dma_wait3A = arith.constant 0 : i32
    %dma_wait3A_448 = arith.constant 0 : i32
    %dma_wait3A_449 = tpu.memref_slice %arg4[%dma_wait3A, %dma_wait3A_448] : memref<106496x64xi32, #tpu.memory_space<hbm>> -> memref<106496x64xi32, #tpu.memory_space<hbm>>
    tpu.wait_indirect_dma semaphore(%arg12 : memref<!tpu.dma_semaphore, #tpu.memory_space<semaphore_mem>>) src(%dma_wait3A_449 : memref<106496x64xi32, #tpu.memory_space<hbm>>) dst(%arg10 : memref<128x64xi32, #tpu.memory_space<vmem>>)
    %dma_start3A_450 = arith.constant 0 : i32
    %dma_start3A_451 = arith.constant 0 : i32
    %dma_start3A_452 = tpu.memref_slice %arg5[%dma_start3A_450, %dma_start3A_451] : memref<8192x64xi32, #tpu.memory_space<hbm>> -> memref<8192x64xi32, #tpu.memory_space<hbm>>
    tpu.enqueue_indirect_dma source(%arg10 : memref<128x64xi32, #tpu.memory_space<vmem>>) target(%dma_start3A_452 : memref<8192x64xi32, #tpu.memory_space<hbm>>) offsets(%arg9 : memref<128xi32, #tpu.memory_space<vmem>>) semaphore(%arg13 : memref<!tpu.dma_semaphore, #tpu.memory_space<semaphore_mem>>)
    %add3A_453 = arith.constant 128 : i32
    %add3A_454 = arith.addi %add3A_4, %add3A_453 : i32
    "tpu.region"() ({
      %run_scoped3A = tpu.sem_alloc : memref<!tpu.dma_semaphore, #tpu.memory_space<semaphore_mem>>
      %dma_start3A_1824 = tpu.memref_slice %arg2[%add3A_454] : memref<16384xi32, #tpu.memory_space<hbm>> -> memref<128xi32, #tpu.memory_space<hbm>>
      %dma_start3A_1825 = tpu.memref_slice %arg2[%add3A_454] : memref<16384xi32, #tpu.memory_space<hbm>> -> memref<128xi32, #tpu.memory_space<hbm>>
      tpu.enqueue_dma source(%dma_start3A_1825 : memref<128xi32, #tpu.memory_space<hbm>>) target(%arg7 : memref<128xi32, #tpu.memory_space<vmem>>) target_semaphore(%run_scoped3A : memref<!tpu.dma_semaphore, #tpu.memory_space<semaphore_mem>>)
      %dma_wait3A_1826 = tpu.memref_slice %arg2[%add3A_454] : memref<16384xi32, #tpu.memory_space<hbm>> -> memref<128xi32, #tpu.memory_space<hbm>>
      %dma_wait3A_1827 = tpu.memref_slice %arg2[%add3A_454] : memref<16384xi32, #tpu.memory_space<hbm>> -> memref<128xi32, #tpu.memory_space<hbm>>
      tpu.wait_dma2 semaphore(%run_scoped3A : memref<!tpu.dma_semaphore, #tpu.memory_space<semaphore_mem>>) src(%dma_wait3A_1827 : memref<128xi32, #tpu.memory_space<hbm>>) dst(%arg7 : memref<128xi32, #tpu.memory_space<vmem>>)
      tpu.yield
    }) : () -> ()
    %add3A_455 = arith.constant 128 : i32
    %add3A_456 = arith.addi %mul3A_6, %add3A_455 : i32
    %get3A_457 = arith.constant 0 : index
    %get3A_458 = tpu.vector_load %arg7[%get3A_457] {strides = array<i32>} : memref<128xi32, #tpu.memory_space<vmem>>, vector<16xi32>,
    %get3A_459 = vector.shape_cast %get3A_458 : vector<16xi32> to vector<16xi32>
    %shift_right_arithmetic3A_460 = arith.constant 13 : i32
    %shift_right_arithmetic3A_461 = vector.broadcast %shift_right_arithmetic3A_460 : i32 to vector<16xi32>
    %shift_right_arithmetic3A_462 = arith.shrsi %get3A_459, %shift_right_arithmetic3A_461 : vector<16xi32>
    %shift_left3A_463 = arith.constant 13 : i32
    %shift_left3A_464 = vector.broadcast %shift_left3A_463 : i32 to vector<16xi32>
    %shift_left3A_465 = arith.shli %shift_right_arithmetic3A_462, %shift_left3A_464 : vector<16xi32>
    %and3A_466 = arith.constant 4095 : i32
    %and3A_467 = vector.broadcast %and3A_466 : i32 to vector<16xi32>
    %and3A_468 = arith.andi %get3A_459, %and3A_467 : vector<16xi32>
    %shift_left3A_469 = arith.constant 1 : i32
    %shift_left3A_470 = vector.broadcast %shift_left3A_469 : i32 to vector<16xi32>
    %shift_left3A_471 = arith.shli %and3A_468, %shift_left3A_470 : vector<16xi32>
    %add3A_472 = arith.addi %shift_left3A_465, %shift_left3A_471 : vector<16xi32>
    %shift_right_arithmetic3A_473 = arith.constant 12 : i32
    %shift_right_arithmetic3A_474 = vector.broadcast %shift_right_arithmetic3A_473 : i32 to vector<16xi32>
    %shift_right_arithmetic3A_475 = arith.shrsi %get3A_459, %shift_right_arithmetic3A_474 : vector<16xi32>
    %and3A_476 = arith.constant 1 : i32
    %and3A_477 = vector.broadcast %and3A_476 : i32 to vector<16xi32>
    %and3A_478 = arith.andi %shift_right_arithmetic3A_475, %and3A_477 : vector<16xi32>
    %add3A_479 = arith.addi %add3A_472, %and3A_478 : vector<16xi32>
    %swap3A_480 = arith.constant 0 : index
    %swap3A_481 = tpu.vector_load %arg8[%swap3A_480] {strides = array<i32>} : memref<128xi32, #tpu.memory_space<vmem>>, vector<16xi32>,
    %swap3A_482 = vector.shape_cast %swap3A_481 : vector<16xi32> to vector<16xi32>
    %swap3A_483 = vector.shape_cast %add3A_479 : vector<16xi32> to vector<16xi32>
    tpu.vector_store %arg8[%swap3A_480], %swap3A_483 {strides = array<i32>} : memref<128xi32, #tpu.memory_space<vmem>>, vector<16xi32>,
    %add3A_484 = arith.constant 0 : i32
    %add3A_485 = arith.addi %add3A_456, %add3A_484 : i32
    %add3A_486 = vector.broadcast %add3A_485 : i32 to vector<16xi32>
    %add3A_487 = arith.addi %add3A_486, %iota3A : vector<16xi32>
    %shift_right_arithmetic3A_488 = arith.constant 11 : i32
    %shift_right_arithmetic3A_489 = vector.broadcast %shift_right_arithmetic3A_488 : i32 to vector<16xi32>
    %shift_right_arithmetic3A_490 = arith.shrsi %add3A_487, %shift_right_arithmetic3A_489 : vector<16xi32>
    %shift_left3A_491 = arith.constant 11 : i32
    %shift_left3A_492 = vector.broadcast %shift_left3A_491 : i32 to vector<16xi32>
    %shift_left3A_493 = arith.shli %shift_right_arithmetic3A_490, %shift_left3A_492 : vector<16xi32>
    %and3A_494 = arith.constant 1023 : i32
    %and3A_495 = vector.broadcast %and3A_494 : i32 to vector<16xi32>
    %and3A_496 = arith.andi %add3A_487, %and3A_495 : vector<16xi32>
    %shift_left3A_497 = arith.constant 1 : i32
    %shift_left3A_498 = vector.broadcast %shift_left3A_497 : i32 to vector<16xi32>
    %shift_left3A_499 = arith.shli %and3A_496, %shift_left3A_498 : vector<16xi32>
    %add3A_500 = arith.addi %shift_left3A_493, %shift_left3A_499 : vector<16xi32>
    %shift_right_arithmetic3A_501 = arith.constant 10 : i32
    %shift_right_arithmetic3A_502 = vector.broadcast %shift_right_arithmetic3A_501 : i32 to vector<16xi32>
    %shift_right_arithmetic3A_503 = arith.shrsi %add3A_487, %shift_right_arithmetic3A_502 : vector<16xi32>
    %and3A_504 = arith.constant 1 : i32
    %and3A_505 = vector.broadcast %and3A_504 : i32 to vector<16xi32>
    %and3A_506 = arith.andi %shift_right_arithmetic3A_503, %and3A_505 : vector<16xi32>
    %add3A_507 = arith.addi %add3A_500, %and3A_506 : vector<16xi32>
    %swap3A_508 = arith.constant 0 : index
    %swap3A_509 = tpu.vector_load %arg9[%swap3A_508] {strides = array<i32>} : memref<128xi32, #tpu.memory_space<vmem>>, vector<16xi32>,
    %swap3A_510 = vector.shape_cast %swap3A_509 : vector<16xi32> to vector<16xi32>
    %swap3A_511 = vector.shape_cast %add3A_507 : vector<16xi32> to vector<16xi32>
    tpu.vector_store %arg9[%swap3A_508], %swap3A_511 {strides = array<i32>} : memref<128xi32, #tpu.memory_space<vmem>>, vector<16xi32>,
    %get3A_512 = arith.constant 16 : index
    %get3A_513 = tpu.vector_load %arg7[%get3A_512] {strides = array<i32>} : memref<128xi32, #tpu.memory_space<vmem>>, vector<16xi32>,
    %get3A_514 = vector.shape_cast %get3A_513 : vector<16xi32> to vector<16xi32>
    %shift_right_arithmetic3A_515 = arith.constant 13 : i32
    %shift_right_arithmetic3A_516 = vector.broadcast %shift_right_arithmetic3A_515 : i32 to vector<16xi32>
    %shift_right_arithmetic3A_517 = arith.shrsi %get3A_514, %shift_right_arithmetic3A_516 : vector<16xi32>
    %shift_left3A_518 = arith.constant 13 : i32
    %shift_left3A_519 = vector.broadcast %shift_left3A_518 : i32 to vector<16xi32>
    %shift_left3A_520 = arith.shli %shift_right_arithmetic3A_517, %shift_left3A_519 : vector<16xi32>
    %and3A_521 = arith.constant 4095 : i32
    %and3A_522 = vector.broadcast %and3A_521 : i32 to vector<16xi32>
    %and3A_523 = arith.andi %get3A_514, %and3A_522 : vector<16xi32>
    %shift_left3A_524 = arith.constant 1 : i32
    %shift_left3A_525 = vector.broadcast %shift_left3A_524 : i32 to vector<16xi32>
    %shift_left3A_526 = arith.shli %and3A_523, %shift_left3A_525 : vector<16xi32>
    %add3A_527 = arith.addi %shift_left3A_520, %shift_left3A_526 : vector<16xi32>
    %shift_right_arithmetic3A_528 = arith.constant 12 : i32
    %shift_right_arithmetic3A_529 = vector.broadcast %shift_right_arithmetic3A_528 : i32 to vector<16xi32>
    %shift_right_arithmetic3A_530 = arith.shrsi %get3A_514, %shift_right_arithmetic3A_529 : vector<16xi32>
    %and3A_531 = arith.constant 1 : i32
    %and3A_532 = vector.broadcast %and3A_531 : i32 to vector<16xi32>
    %and3A_533 = arith.andi %shift_right_arithmetic3A_530, %and3A_532 : vector<16xi32>
    %add3A_534 = arith.addi %add3A_527, %and3A_533 : vector<16xi32>
    %swap3A_535 = arith.constant 16 : index
    %swap3A_536 = tpu.vector_load %arg8[%swap3A_535] {strides = array<i32>} : memref<128xi32, #tpu.memory_space<vmem>>, vector<16xi32>,
    %swap3A_537 = vector.shape_cast %swap3A_536 : vector<16xi32> to vector<16xi32>
    %swap3A_538 = vector.shape_cast %add3A_534 : vector<16xi32> to vector<16xi32>
    tpu.vector_store %arg8[%swap3A_535], %swap3A_538 {strides = array<i32>} : memref<128xi32, #tpu.memory_space<vmem>>, vector<16xi32>,
    %add3A_539 = arith.constant 16 : i32
    %add3A_540 = arith.addi %add3A_456, %add3A_539 : i32
    %add3A_541 = vector.broadcast %add3A_540 : i32 to vector<16xi32>
    %add3A_542 = arith.addi %add3A_541, %iota3A : vector<16xi32>
    %shift_right_arithmetic3A_543 = arith.constant 11 : i32
    %shift_right_arithmetic3A_544 = vector.broadcast %shift_right_arithmetic3A_543 : i32 to vector<16xi32>
    %shift_right_arithmetic3A_545 = arith.shrsi %add3A_542, %shift_right_arithmetic3A_544 : vector<16xi32>
    %shift_left3A_546 = arith.constant 11 : i32
    %shift_left3A_547 = vector.broadcast %shift_left3A_546 : i32 to vector<16xi32>
    %shift_left3A_548 = arith.shli %shift_right_arithmetic3A_545, %shift_left3A_547 : vector<16xi32>
    %and3A_549 = arith.constant 1023 : i32
    %and3A_550 = vector.broadcast %and3A_549 : i32 to vector<16xi32>
    %and3A_551 = arith.andi %add3A_542, %and3A_550 : vector<16xi32>
    %shift_left3A_552 = arith.constant 1 : i32
    %shift_left3A_553 = vector.broadcast %shift_left3A_552 : i32 to vector<16xi32>
    %shift_left3A_554 = arith.shli %and3A_551, %shift_left3A_553 : vector<16xi32>
    %add3A_555 = arith.addi %shift_left3A_548, %shift_left3A_554 : vector<16xi32>
    %shift_right_arithmetic3A_556 = arith.constant 10 : i32
    %shift_right_arithmetic3A_557 = vector.broadcast %shift_right_arithmetic3A_556 : i32 to vector<16xi32>
    %shift_right_arithmetic3A_558 = arith.shrsi %add3A_542, %shift_right_arithmetic3A_557 : vector<16xi32>
    %and3A_559 = arith.constant 1 : i32
    %and3A_560 = vector.broadcast %and3A_559 : i32 to vector<16xi32>
    %and3A_561 = arith.andi %shift_right_arithmetic3A_558, %and3A_560 : vector<16xi32>
    %add3A_562 = arith.addi %add3A_555, %and3A_561 : vector<16xi32>
    %swap3A_563 = arith.constant 16 : index
    %swap3A_564 = tpu.vector_load %arg9[%swap3A_563] {strides = array<i32>} : memref<128xi32, #tpu.memory_space<vmem>>, vector<16xi32>,
    %swap3A_565 = vector.shape_cast %swap3A_564 : vector<16xi32> to vector<16xi32>
    %swap3A_566 = vector.shape_cast %add3A_562 : vector<16xi32> to vector<16xi32>
    tpu.vector_store %arg9[%swap3A_563], %swap3A_566 {strides = array<i32>} : memref<128xi32, #tpu.memory_space<vmem>>, vector<16xi32>,
    %get3A_567 = arith.constant 32 : index
    %get3A_568 = tpu.vector_load %arg7[%get3A_567] {strides = array<i32>} : memref<128xi32, #tpu.memory_space<vmem>>, vector<16xi32>,
    %get3A_569 = vector.shape_cast %get3A_568 : vector<16xi32> to vector<16xi32>
    %shift_right_arithmetic3A_570 = arith.constant 13 : i32
    %shift_right_arithmetic3A_571 = vector.broadcast %shift_right_arithmetic3A_570 : i32 to vector<16xi32>
    %shift_right_arithmetic3A_572 = arith.shrsi %get3A_569, %shift_right_arithmetic3A_571 : vector<16xi32>
    %shift_left3A_573 = arith.constant 13 : i32
    %shift_left3A_574 = vector.broadcast %shift_left3A_573 : i32 to vector<16xi32>
    %shift_left3A_575 = arith.shli %shift_right_arithmetic3A_572, %shift_left3A_574 : vector<16xi32>
    %and3A_576 = arith.constant 4095 : i32
    %and3A_577 = vector.broadcast %and3A_576 : i32 to vector<16xi32>
    %and3A_578 = arith.andi %get3A_569, %and3A_577 : vector<16xi32>
    %shift_left3A_579 = arith.constant 1 : i32
    %shift_left3A_580 = vector.broadcast %shift_left3A_579 : i32 to vector<16xi32>
    %shift_left3A_581 = arith.shli %and3A_578, %shift_left3A_580 : vector<16xi32>
    %add3A_582 = arith.addi %shift_left3A_575, %shift_left3A_581 : vector<16xi32>
    %shift_right_arithmetic3A_583 = arith.constant 12 : i32
    %shift_right_arithmetic3A_584 = vector.broadcast %shift_right_arithmetic3A_583 : i32 to vector<16xi32>
    %shift_right_arithmetic3A_585 = arith.shrsi %get3A_569, %shift_right_arithmetic3A_584 : vector<16xi32>
    %and3A_586 = arith.constant 1 : i32
    %and3A_587 = vector.broadcast %and3A_586 : i32 to vector<16xi32>
    %and3A_588 = arith.andi %shift_right_arithmetic3A_585, %and3A_587 : vector<16xi32>
    %add3A_589 = arith.addi %add3A_582, %and3A_588 : vector<16xi32>
    %swap3A_590 = arith.constant 32 : index
    %swap3A_591 = tpu.vector_load %arg8[%swap3A_590] {strides = array<i32>} : memref<128xi32, #tpu.memory_space<vmem>>, vector<16xi32>,
    %swap3A_592 = vector.shape_cast %swap3A_591 : vector<16xi32> to vector<16xi32>
    %swap3A_593 = vector.shape_cast %add3A_589 : vector<16xi32> to vector<16xi32>
    tpu.vector_store %arg8[%swap3A_590], %swap3A_593 {strides = array<i32>} : memref<128xi32, #tpu.memory_space<vmem>>, vector<16xi32>,
    %add3A_594 = arith.constant 32 : i32
    %add3A_595 = arith.addi %add3A_456, %add3A_594 : i32
    %add3A_596 = vector.broadcast %add3A_595 : i32 to vector<16xi32>
    %add3A_597 = arith.addi %add3A_596, %iota3A : vector<16xi32>
    %shift_right_arithmetic3A_598 = arith.constant 11 : i32
    %shift_right_arithmetic3A_599 = vector.broadcast %shift_right_arithmetic3A_598 : i32 to vector<16xi32>
    %shift_right_arithmetic3A_600 = arith.shrsi %add3A_597, %shift_right_arithmetic3A_599 : vector<16xi32>
    %shift_left3A_601 = arith.constant 11 : i32
    %shift_left3A_602 = vector.broadcast %shift_left3A_601 : i32 to vector<16xi32>
    %shift_left3A_603 = arith.shli %shift_right_arithmetic3A_600, %shift_left3A_602 : vector<16xi32>
    %and3A_604 = arith.constant 1023 : i32
    %and3A_605 = vector.broadcast %and3A_604 : i32 to vector<16xi32>
    %and3A_606 = arith.andi %add3A_597, %and3A_605 : vector<16xi32>
    %shift_left3A_607 = arith.constant 1 : i32
    %shift_left3A_608 = vector.broadcast %shift_left3A_607 : i32 to vector<16xi32>
    %shift_left3A_609 = arith.shli %and3A_606, %shift_left3A_608 : vector<16xi32>
    %add3A_610 = arith.addi %shift_left3A_603, %shift_left3A_609 : vector<16xi32>
    %shift_right_arithmetic3A_611 = arith.constant 10 : i32
    %shift_right_arithmetic3A_612 = vector.broadcast %shift_right_arithmetic3A_611 : i32 to vector<16xi32>
    %shift_right_arithmetic3A_613 = arith.shrsi %add3A_597, %shift_right_arithmetic3A_612 : vector<16xi32>
    %and3A_614 = arith.constant 1 : i32
    %and3A_615 = vector.broadcast %and3A_614 : i32 to vector<16xi32>
    %and3A_616 = arith.andi %shift_right_arithmetic3A_613, %and3A_615 : vector<16xi32>
    %add3A_617 = arith.addi %add3A_610, %and3A_616 : vector<16xi32>
    %swap3A_618 = arith.constant 32 : index
    %swap3A_619 = tpu.vector_load %arg9[%swap3A_618] {strides = array<i32>} : memref<128xi32, #tpu.memory_space<vmem>>, vector<16xi32>,
    %swap3A_620 = vector.shape_cast %swap3A_619 : vector<16xi32> to vector<16xi32>
    %swap3A_621 = vector.shape_cast %add3A_617 : vector<16xi32> to vector<16xi32>
    tpu.vector_store %arg9[%swap3A_618], %swap3A_621 {strides = array<i32>} : memref<128xi32, #tpu.memory_space<vmem>>, vector<16xi32>,
    %get3A_622 = arith.constant 48 : index
    %get3A_623 = tpu.vector_load %arg7[%get3A_622] {strides = array<i32>} : memref<128xi32, #tpu.memory_space<vmem>>, vector<16xi32>,
    %get3A_624 = vector.shape_cast %get3A_623 : vector<16xi32> to vector<16xi32>
    %shift_right_arithmetic3A_625 = arith.constant 13 : i32
    %shift_right_arithmetic3A_626 = vector.broadcast %shift_right_arithmetic3A_625 : i32 to vector<16xi32>
    %shift_right_arithmetic3A_627 = arith.shrsi %get3A_624, %shift_right_arithmetic3A_626 : vector<16xi32>
    %shift_left3A_628 = arith.constant 13 : i32
    %shift_left3A_629 = vector.broadcast %shift_left3A_628 : i32 to vector<16xi32>
    %shift_left3A_630 = arith.shli %shift_right_arithmetic3A_627, %shift_left3A_629 : vector<16xi32>
    %and3A_631 = arith.constant 4095 : i32
    %and3A_632 = vector.broadcast %and3A_631 : i32 to vector<16xi32>
    %and3A_633 = arith.andi %get3A_624, %and3A_632 : vector<16xi32>
    %shift_left3A_634 = arith.constant 1 : i32
    %shift_left3A_635 = vector.broadcast %shift_left3A_634 : i32 to vector<16xi32>
    %shift_left3A_636 = arith.shli %and3A_633, %shift_left3A_635 : vector<16xi32>
    %add3A_637 = arith.addi %shift_left3A_630, %shift_left3A_636 : vector<16xi32>
    %shift_right_arithmetic3A_638 = arith.constant 12 : i32
    %shift_right_arithmetic3A_639 = vector.broadcast %shift_right_arithmetic3A_638 : i32 to vector<16xi32>
    %shift_right_arithmetic3A_640 = arith.shrsi %get3A_624, %shift_right_arithmetic3A_639 : vector<16xi32>
    %and3A_641 = arith.constant 1 : i32
    %and3A_642 = vector.broadcast %and3A_641 : i32 to vector<16xi32>
    %and3A_643 = arith.andi %shift_right_arithmetic3A_640, %and3A_642 : vector<16xi32>
    %add3A_644 = arith.addi %add3A_637, %and3A_643 : vector<16xi32>
    %swap3A_645 = arith.constant 48 : index
    %swap3A_646 = tpu.vector_load %arg8[%swap3A_645] {strides = array<i32>} : memref<128xi32, #tpu.memory_space<vmem>>, vector<16xi32>,
    %swap3A_647 = vector.shape_cast %swap3A_646 : vector<16xi32> to vector<16xi32>
    %swap3A_648 = vector.shape_cast %add3A_644 : vector<16xi32> to vector<16xi32>
    tpu.vector_store %arg8[%swap3A_645], %swap3A_648 {strides = array<i32>} : memref<128xi32, #tpu.memory_space<vmem>>, vector<16xi32>,
    %add3A_649 = arith.constant 48 : i32
    %add3A_650 = arith.addi %add3A_456, %add3A_649 : i32
    %add3A_651 = vector.broadcast %add3A_650 : i32 to vector<16xi32>
    %add3A_652 = arith.addi %add3A_651, %iota3A : vector<16xi32>
    %shift_right_arithmetic3A_653 = arith.constant 11 : i32
    %shift_right_arithmetic3A_654 = vector.broadcast %shift_right_arithmetic3A_653 : i32 to vector<16xi32>
    %shift_right_arithmetic3A_655 = arith.shrsi %add3A_652, %shift_right_arithmetic3A_654 : vector<16xi32>
    %shift_left3A_656 = arith.constant 11 : i32
    %shift_left3A_657 = vector.broadcast %shift_left3A_656 : i32 to vector<16xi32>
    %shift_left3A_658 = arith.shli %shift_right_arithmetic3A_655, %shift_left3A_657 : vector<16xi32>
    %and3A_659 = arith.constant 1023 : i32
    %and3A_660 = vector.broadcast %and3A_659 : i32 to vector<16xi32>
    %and3A_661 = arith.andi %add3A_652, %and3A_660 : vector<16xi32>
    %shift_left3A_662 = arith.constant 1 : i32
    %shift_left3A_663 = vector.broadcast %shift_left3A_662 : i32 to vector<16xi32>
    %shift_left3A_664 = arith.shli %and3A_661, %shift_left3A_663 : vector<16xi32>
    %add3A_665 = arith.addi %shift_left3A_658, %shift_left3A_664 : vector<16xi32>
    %shift_right_arithmetic3A_666 = arith.constant 10 : i32
    %shift_right_arithmetic3A_667 = vector.broadcast %shift_right_arithmetic3A_666 : i32 to vector<16xi32>
    %shift_right_arithmetic3A_668 = arith.shrsi %add3A_652, %shift_right_arithmetic3A_667 : vector<16xi32>
    %and3A_669 = arith.constant 1 : i32
    %and3A_670 = vector.broadcast %and3A_669 : i32 to vector<16xi32>
    %and3A_671 = arith.andi %shift_right_arithmetic3A_668, %and3A_670 : vector<16xi32>
    %add3A_672 = arith.addi %add3A_665, %and3A_671 : vector<16xi32>
    %swap3A_673 = arith.constant 48 : index
    %swap3A_674 = tpu.vector_load %arg9[%swap3A_673] {strides = array<i32>} : memref<128xi32, #tpu.memory_space<vmem>>, vector<16xi32>,
    %swap3A_675 = vector.shape_cast %swap3A_674 : vector<16xi32> to vector<16xi32>
    %swap3A_676 = vector.shape_cast %add3A_672 : vector<16xi32> to vector<16xi32>
    tpu.vector_store %arg9[%swap3A_673], %swap3A_676 {strides = array<i32>} : memref<128xi32, #tpu.memory_space<vmem>>, vector<16xi32>,
    %get3A_677 = arith.constant 64 : index
    %get3A_678 = tpu.vector_load %arg7[%get3A_677] {strides = array<i32>} : memref<128xi32, #tpu.memory_space<vmem>>, vector<16xi32>,
    %get3A_679 = vector.shape_cast %get3A_678 : vector<16xi32> to vector<16xi32>
    %shift_right_arithmetic3A_680 = arith.constant 13 : i32
    %shift_right_arithmetic3A_681 = vector.broadcast %shift_right_arithmetic3A_680 : i32 to vector<16xi32>
    %shift_right_arithmetic3A_682 = arith.shrsi %get3A_679, %shift_right_arithmetic3A_681 : vector<16xi32>
    %shift_left3A_683 = arith.constant 13 : i32
    %shift_left3A_684 = vector.broadcast %shift_left3A_683 : i32 to vector<16xi32>
    %shift_left3A_685 = arith.shli %shift_right_arithmetic3A_682, %shift_left3A_684 : vector<16xi32>
    %and3A_686 = arith.constant 4095 : i32
    %and3A_687 = vector.broadcast %and3A_686 : i32 to vector<16xi32>
    %and3A_688 = arith.andi %get3A_679, %and3A_687 : vector<16xi32>
    %shift_left3A_689 = arith.constant 1 : i32
    %shift_left3A_690 = vector.broadcast %shift_left3A_689 : i32 to vector<16xi32>
    %shift_left3A_691 = arith.shli %and3A_688, %shift_left3A_690 : vector<16xi32>
    %add3A_692 = arith.addi %shift_left3A_685, %shift_left3A_691 : vector<16xi32>
    %shift_right_arithmetic3A_693 = arith.constant 12 : i32
    %shift_right_arithmetic3A_694 = vector.broadcast %shift_right_arithmetic3A_693 : i32 to vector<16xi32>
    %shift_right_arithmetic3A_695 = arith.shrsi %get3A_679, %shift_right_arithmetic3A_694 : vector<16xi32>
    %and3A_696 = arith.constant 1 : i32
    %and3A_697 = vector.broadcast %and3A_696 : i32 to vector<16xi32>
    %and3A_698 = arith.andi %shift_right_arithmetic3A_695, %and3A_697 : vector<16xi32>
    %add3A_699 = arith.addi %add3A_692, %and3A_698 : vector<16xi32>
    %swap3A_700 = arith.constant 64 : index
    %swap3A_701 = tpu.vector_load %arg8[%swap3A_700] {strides = array<i32>} : memref<128xi32, #tpu.memory_space<vmem>>, vector<16xi32>,
    %swap3A_702 = vector.shape_cast %swap3A_701 : vector<16xi32> to vector<16xi32>
    %swap3A_703 = vector.shape_cast %add3A_699 : vector<16xi32> to vector<16xi32>
    tpu.vector_store %arg8[%swap3A_700], %swap3A_703 {strides = array<i32>} : memref<128xi32, #tpu.memory_space<vmem>>, vector<16xi32>,
    %add3A_704 = arith.constant 64 : i32
    %add3A_705 = arith.addi %add3A_456, %add3A_704 : i32
    %add3A_706 = vector.broadcast %add3A_705 : i32 to vector<16xi32>
    %add3A_707 = arith.addi %add3A_706, %iota3A : vector<16xi32>
    %shift_right_arithmetic3A_708 = arith.constant 11 : i32
    %shift_right_arithmetic3A_709 = vector.broadcast %shift_right_arithmetic3A_708 : i32 to vector<16xi32>
    %shift_right_arithmetic3A_710 = arith.shrsi %add3A_707, %shift_right_arithmetic3A_709 : vector<16xi32>
    %shift_left3A_711 = arith.constant 11 : i32
    %shift_left3A_712 = vector.broadcast %shift_left3A_711 : i32 to vector<16xi32>
    %shift_left3A_713 = arith.shli %shift_right_arithmetic3A_710, %shift_left3A_712 : vector<16xi32>
    %and3A_714 = arith.constant 1023 : i32
    %and3A_715 = vector.broadcast %and3A_714 : i32 to vector<16xi32>
    %and3A_716 = arith.andi %add3A_707, %and3A_715 : vector<16xi32>
    %shift_left3A_717 = arith.constant 1 : i32
    %shift_left3A_718 = vector.broadcast %shift_left3A_717 : i32 to vector<16xi32>
    %shift_left3A_719 = arith.shli %and3A_716, %shift_left3A_718 : vector<16xi32>
    %add3A_720 = arith.addi %shift_left3A_713, %shift_left3A_719 : vector<16xi32>
    %shift_right_arithmetic3A_721 = arith.constant 10 : i32
    %shift_right_arithmetic3A_722 = vector.broadcast %shift_right_arithmetic3A_721 : i32 to vector<16xi32>
    %shift_right_arithmetic3A_723 = arith.shrsi %add3A_707, %shift_right_arithmetic3A_722 : vector<16xi32>
    %and3A_724 = arith.constant 1 : i32
    %and3A_725 = vector.broadcast %and3A_724 : i32 to vector<16xi32>
    %and3A_726 = arith.andi %shift_right_arithmetic3A_723, %and3A_725 : vector<16xi32>
    %add3A_727 = arith.addi %add3A_720, %and3A_726 : vector<16xi32>
    %swap3A_728 = arith.constant 64 : index
    %swap3A_729 = tpu.vector_load %arg9[%swap3A_728] {strides = array<i32>} : memref<128xi32, #tpu.memory_space<vmem>>, vector<16xi32>,
    %swap3A_730 = vector.shape_cast %swap3A_729 : vector<16xi32> to vector<16xi32>
    %swap3A_731 = vector.shape_cast %add3A_727 : vector<16xi32> to vector<16xi32>
    tpu.vector_store %arg9[%swap3A_728], %swap3A_731 {strides = array<i32>} : memref<128xi32, #tpu.memory_space<vmem>>, vector<16xi32>,
    %get3A_732 = arith.constant 80 : index
    %get3A_733 = tpu.vector_load %arg7[%get3A_732] {strides = array<i32>} : memref<128xi32, #tpu.memory_space<vmem>>, vector<16xi32>,
    %get3A_734 = vector.shape_cast %get3A_733 : vector<16xi32> to vector<16xi32>
    %shift_right_arithmetic3A_735 = arith.constant 13 : i32
    %shift_right_arithmetic3A_736 = vector.broadcast %shift_right_arithmetic3A_735 : i32 to vector<16xi32>
    %shift_right_arithmetic3A_737 = arith.shrsi %get3A_734, %shift_right_arithmetic3A_736 : vector<16xi32>
    %shift_left3A_738 = arith.constant 13 : i32
    %shift_left3A_739 = vector.broadcast %shift_left3A_738 : i32 to vector<16xi32>
    %shift_left3A_740 = arith.shli %shift_right_arithmetic3A_737, %shift_left3A_739 : vector<16xi32>
    %and3A_741 = arith.constant 4095 : i32
    %and3A_742 = vector.broadcast %and3A_741 : i32 to vector<16xi32>
    %and3A_743 = arith.andi %get3A_734, %and3A_742 : vector<16xi32>
    %shift_left3A_744 = arith.constant 1 : i32
    %shift_left3A_745 = vector.broadcast %shift_left3A_744 : i32 to vector<16xi32>
    %shift_left3A_746 = arith.shli %and3A_743, %shift_left3A_745 : vector<16xi32>
    %add3A_747 = arith.addi %shift_left3A_740, %shift_left3A_746 : vector<16xi32>
    %shift_right_arithmetic3A_748 = arith.constant 12 : i32
    %shift_right_arithmetic3A_749 = vector.broadcast %shift_right_arithmetic3A_748 : i32 to vector<16xi32>
    %shift_right_arithmetic3A_750 = arith.shrsi %get3A_734, %shift_right_arithmetic3A_749 : vector<16xi32>
    %and3A_751 = arith.constant 1 : i32
    %and3A_752 = vector.broadcast %and3A_751 : i32 to vector<16xi32>
    %and3A_753 = arith.andi %shift_right_arithmetic3A_750, %and3A_752 : vector<16xi32>
    %add3A_754 = arith.addi %add3A_747, %and3A_753 : vector<16xi32>
    %swap3A_755 = arith.constant 80 : index
    %swap3A_756 = tpu.vector_load %arg8[%swap3A_755] {strides = array<i32>} : memref<128xi32, #tpu.memory_space<vmem>>, vector<16xi32>,
    %swap3A_757 = vector.shape_cast %swap3A_756 : vector<16xi32> to vector<16xi32>
    %swap3A_758 = vector.shape_cast %add3A_754 : vector<16xi32> to vector<16xi32>
    tpu.vector_store %arg8[%swap3A_755], %swap3A_758 {strides = array<i32>} : memref<128xi32, #tpu.memory_space<vmem>>, vector<16xi32>,
    %add3A_759 = arith.constant 80 : i32
    %add3A_760 = arith.addi %add3A_456, %add3A_759 : i32
    %add3A_761 = vector.broadcast %add3A_760 : i32 to vector<16xi32>
    %add3A_762 = arith.addi %add3A_761, %iota3A : vector<16xi32>
    %shift_right_arithmetic3A_763 = arith.constant 11 : i32
    %shift_right_arithmetic3A_764 = vector.broadcast %shift_right_arithmetic3A_763 : i32 to vector<16xi32>
    %shift_right_arithmetic3A_765 = arith.shrsi %add3A_762, %shift_right_arithmetic3A_764 : vector<16xi32>
    %shift_left3A_766 = arith.constant 11 : i32
    %shift_left3A_767 = vector.broadcast %shift_left3A_766 : i32 to vector<16xi32>
    %shift_left3A_768 = arith.shli %shift_right_arithmetic3A_765, %shift_left3A_767 : vector<16xi32>
    %and3A_769 = arith.constant 1023 : i32
    %and3A_770 = vector.broadcast %and3A_769 : i32 to vector<16xi32>
    %and3A_771 = arith.andi %add3A_762, %and3A_770 : vector<16xi32>
    %shift_left3A_772 = arith.constant 1 : i32
    %shift_left3A_773 = vector.broadcast %shift_left3A_772 : i32 to vector<16xi32>
    %shift_left3A_774 = arith.shli %and3A_771, %shift_left3A_773 : vector<16xi32>
    %add3A_775 = arith.addi %shift_left3A_768, %shift_left3A_774 : vector<16xi32>
    %shift_right_arithmetic3A_776 = arith.constant 10 : i32
    %shift_right_arithmetic3A_777 = vector.broadcast %shift_right_arithmetic3A_776 : i32 to vector<16xi32>
    %shift_right_arithmetic3A_778 = arith.shrsi %add3A_762, %shift_right_arithmetic3A_777 : vector<16xi32>
    %and3A_779 = arith.constant 1 : i32
    %and3A_780 = vector.broadcast %and3A_779 : i32 to vector<16xi32>
    %and3A_781 = arith.andi %shift_right_arithmetic3A_778, %and3A_780 : vector<16xi32>
    %add3A_782 = arith.addi %add3A_775, %and3A_781 : vector<16xi32>
    %swap3A_783 = arith.constant 80 : index
    %swap3A_784 = tpu.vector_load %arg9[%swap3A_783] {strides = array<i32>} : memref<128xi32, #tpu.memory_space<vmem>>, vector<16xi32>,
    %swap3A_785 = vector.shape_cast %swap3A_784 : vector<16xi32> to vector<16xi32>
    %swap3A_786 = vector.shape_cast %add3A_782 : vector<16xi32> to vector<16xi32>
    tpu.vector_store %arg9[%swap3A_783], %swap3A_786 {strides = array<i32>} : memref<128xi32, #tpu.memory_space<vmem>>, vector<16xi32>,
    %get3A_787 = arith.constant 96 : index
    %get3A_788 = tpu.vector_load %arg7[%get3A_787] {strides = array<i32>} : memref<128xi32, #tpu.memory_space<vmem>>, vector<16xi32>,
    %get3A_789 = vector.shape_cast %get3A_788 : vector<16xi32> to vector<16xi32>
    %shift_right_arithmetic3A_790 = arith.constant 13 : i32
    %shift_right_arithmetic3A_791 = vector.broadcast %shift_right_arithmetic3A_790 : i32 to vector<16xi32>
    %shift_right_arithmetic3A_792 = arith.shrsi %get3A_789, %shift_right_arithmetic3A_791 : vector<16xi32>
    %shift_left3A_793 = arith.constant 13 : i32
    %shift_left3A_794 = vector.broadcast %shift_left3A_793 : i32 to vector<16xi32>
    %shift_left3A_795 = arith.shli %shift_right_arithmetic3A_792, %shift_left3A_794 : vector<16xi32>
    %and3A_796 = arith.constant 4095 : i32
    %and3A_797 = vector.broadcast %and3A_796 : i32 to vector<16xi32>
    %and3A_798 = arith.andi %get3A_789, %and3A_797 : vector<16xi32>
    %shift_left3A_799 = arith.constant 1 : i32
    %shift_left3A_800 = vector.broadcast %shift_left3A_799 : i32 to vector<16xi32>
    %shift_left3A_801 = arith.shli %and3A_798, %shift_left3A_800 : vector<16xi32>
    %add3A_802 = arith.addi %shift_left3A_795, %shift_left3A_801 : vector<16xi32>
    %shift_right_arithmetic3A_803 = arith.constant 12 : i32
    %shift_right_arithmetic3A_804 = vector.broadcast %shift_right_arithmetic3A_803 : i32 to vector<16xi32>
    %shift_right_arithmetic3A_805 = arith.shrsi %get3A_789, %shift_right_arithmetic3A_804 : vector<16xi32>
    %and3A_806 = arith.constant 1 : i32
    %and3A_807 = vector.broadcast %and3A_806 : i32 to vector<16xi32>
    %and3A_808 = arith.andi %shift_right_arithmetic3A_805, %and3A_807 : vector<16xi32>
    %add3A_809 = arith.addi %add3A_802, %and3A_808 : vector<16xi32>
    %swap3A_810 = arith.constant 96 : index
    %swap3A_811 = tpu.vector_load %arg8[%swap3A_810] {strides = array<i32>} : memref<128xi32, #tpu.memory_space<vmem>>, vector<16xi32>,
    %swap3A_812 = vector.shape_cast %swap3A_811 : vector<16xi32> to vector<16xi32>
    %swap3A_813 = vector.shape_cast %add3A_809 : vector<16xi32> to vector<16xi32>
    tpu.vector_store %arg8[%swap3A_810], %swap3A_813 {strides = array<i32>} : memref<128xi32, #tpu.memory_space<vmem>>, vector<16xi32>,
    %add3A_814 = arith.constant 96 : i32
    %add3A_815 = arith.addi %add3A_456, %add3A_814 : i32
    %add3A_816 = vector.broadcast %add3A_815 : i32 to vector<16xi32>
    %add3A_817 = arith.addi %add3A_816, %iota3A : vector<16xi32>
    %shift_right_arithmetic3A_818 = arith.constant 11 : i32
    %shift_right_arithmetic3A_819 = vector.broadcast %shift_right_arithmetic3A_818 : i32 to vector<16xi32>
    %shift_right_arithmetic3A_820 = arith.shrsi %add3A_817, %shift_right_arithmetic3A_819 : vector<16xi32>
    %shift_left3A_821 = arith.constant 11 : i32
    %shift_left3A_822 = vector.broadcast %shift_left3A_821 : i32 to vector<16xi32>
    %shift_left3A_823 = arith.shli %shift_right_arithmetic3A_820, %shift_left3A_822 : vector<16xi32>
    %and3A_824 = arith.constant 1023 : i32
    %and3A_825 = vector.broadcast %and3A_824 : i32 to vector<16xi32>
    %and3A_826 = arith.andi %add3A_817, %and3A_825 : vector<16xi32>
    %shift_left3A_827 = arith.constant 1 : i32
    %shift_left3A_828 = vector.broadcast %shift_left3A_827 : i32 to vector<16xi32>
    %shift_left3A_829 = arith.shli %and3A_826, %shift_left3A_828 : vector<16xi32>
    %add3A_830 = arith.addi %shift_left3A_823, %shift_left3A_829 : vector<16xi32>
    %shift_right_arithmetic3A_831 = arith.constant 10 : i32
    %shift_right_arithmetic3A_832 = vector.broadcast %shift_right_arithmetic3A_831 : i32 to vector<16xi32>
    %shift_right_arithmetic3A_833 = arith.shrsi %add3A_817, %shift_right_arithmetic3A_832 : vector<16xi32>
    %and3A_834 = arith.constant 1 : i32
    %and3A_835 = vector.broadcast %and3A_834 : i32 to vector<16xi32>
    %and3A_836 = arith.andi %shift_right_arithmetic3A_833, %and3A_835 : vector<16xi32>
    %add3A_837 = arith.addi %add3A_830, %and3A_836 : vector<16xi32>
    %swap3A_838 = arith.constant 96 : index
    %swap3A_839 = tpu.vector_load %arg9[%swap3A_838] {strides = array<i32>} : memref<128xi32, #tpu.memory_space<vmem>>, vector<16xi32>,
    %swap3A_840 = vector.shape_cast %swap3A_839 : vector<16xi32> to vector<16xi32>
    %swap3A_841 = vector.shape_cast %add3A_837 : vector<16xi32> to vector<16xi32>
    tpu.vector_store %arg9[%swap3A_838], %swap3A_841 {strides = array<i32>} : memref<128xi32, #tpu.memory_space<vmem>>, vector<16xi32>,
    %get3A_842 = arith.constant 112 : index
    %get3A_843 = tpu.vector_load %arg7[%get3A_842] {strides = array<i32>} : memref<128xi32, #tpu.memory_space<vmem>>, vector<16xi32>,
    %get3A_844 = vector.shape_cast %get3A_843 : vector<16xi32> to vector<16xi32>
    %shift_right_arithmetic3A_845 = arith.constant 13 : i32
    %shift_right_arithmetic3A_846 = vector.broadcast %shift_right_arithmetic3A_845 : i32 to vector<16xi32>
    %shift_right_arithmetic3A_847 = arith.shrsi %get3A_844, %shift_right_arithmetic3A_846 : vector<16xi32>
    %shift_left3A_848 = arith.constant 13 : i32
    %shift_left3A_849 = vector.broadcast %shift_left3A_848 : i32 to vector<16xi32>
    %shift_left3A_850 = arith.shli %shift_right_arithmetic3A_847, %shift_left3A_849 : vector<16xi32>
    %and3A_851 = arith.constant 4095 : i32
    %and3A_852 = vector.broadcast %and3A_851 : i32 to vector<16xi32>
    %and3A_853 = arith.andi %get3A_844, %and3A_852 : vector<16xi32>
    %shift_left3A_854 = arith.constant 1 : i32
    %shift_left3A_855 = vector.broadcast %shift_left3A_854 : i32 to vector<16xi32>
    %shift_left3A_856 = arith.shli %and3A_853, %shift_left3A_855 : vector<16xi32>
    %add3A_857 = arith.addi %shift_left3A_850, %shift_left3A_856 : vector<16xi32>
    %shift_right_arithmetic3A_858 = arith.constant 12 : i32
    %shift_right_arithmetic3A_859 = vector.broadcast %shift_right_arithmetic3A_858 : i32 to vector<16xi32>
    %shift_right_arithmetic3A_860 = arith.shrsi %get3A_844, %shift_right_arithmetic3A_859 : vector<16xi32>
    %and3A_861 = arith.constant 1 : i32
    %and3A_862 = vector.broadcast %and3A_861 : i32 to vector<16xi32>
    %and3A_863 = arith.andi %shift_right_arithmetic3A_860, %and3A_862 : vector<16xi32>
    %add3A_864 = arith.addi %add3A_857, %and3A_863 : vector<16xi32>
    %swap3A_865 = arith.constant 112 : index
    %swap3A_866 = tpu.vector_load %arg8[%swap3A_865] {strides = array<i32>} : memref<128xi32, #tpu.memory_space<vmem>>, vector<16xi32>,
    %swap3A_867 = vector.shape_cast %swap3A_866 : vector<16xi32> to vector<16xi32>
    %swap3A_868 = vector.shape_cast %add3A_864 : vector<16xi32> to vector<16xi32>
    tpu.vector_store %arg8[%swap3A_865], %swap3A_868 {strides = array<i32>} : memref<128xi32, #tpu.memory_space<vmem>>, vector<16xi32>,
    %add3A_869 = arith.constant 112 : i32
    %add3A_870 = arith.addi %add3A_456, %add3A_869 : i32
    %add3A_871 = vector.broadcast %add3A_870 : i32 to vector<16xi32>
    %add3A_872 = arith.addi %add3A_871, %iota3A : vector<16xi32>
    %shift_right_arithmetic3A_873 = arith.constant 11 : i32
    %shift_right_arithmetic3A_874 = vector.broadcast %shift_right_arithmetic3A_873 : i32 to vector<16xi32>
    %shift_right_arithmetic3A_875 = arith.shrsi %add3A_872, %shift_right_arithmetic3A_874 : vector<16xi32>
    %shift_left3A_876 = arith.constant 11 : i32
    %shift_left3A_877 = vector.broadcast %shift_left3A_876 : i32 to vector<16xi32>
    %shift_left3A_878 = arith.shli %shift_right_arithmetic3A_875, %shift_left3A_877 : vector<16xi32>
    %and3A_879 = arith.constant 1023 : i32
    %and3A_880 = vector.broadcast %and3A_879 : i32 to vector<16xi32>
    %and3A_881 = arith.andi %add3A_872, %and3A_880 : vector<16xi32>
    %shift_left3A_882 = arith.constant 1 : i32
    %shift_left3A_883 = vector.broadcast %shift_left3A_882 : i32 to vector<16xi32>
    %shift_left3A_884 = arith.shli %and3A_881, %shift_left3A_883 : vector<16xi32>
    %add3A_885 = arith.addi %shift_left3A_878, %shift_left3A_884 : vector<16xi32>
    %shift_right_arithmetic3A_886 = arith.constant 10 : i32
    %shift_right_arithmetic3A_887 = vector.broadcast %shift_right_arithmetic3A_886 : i32 to vector<16xi32>
    %shift_right_arithmetic3A_888 = arith.shrsi %add3A_872, %shift_right_arithmetic3A_887 : vector<16xi32>
    %and3A_889 = arith.constant 1 : i32
    %and3A_890 = vector.broadcast %and3A_889 : i32 to vector<16xi32>
    %and3A_891 = arith.andi %shift_right_arithmetic3A_888, %and3A_890 : vector<16xi32>
    %add3A_892 = arith.addi %add3A_885, %and3A_891 : vector<16xi32>
    %swap3A_893 = arith.constant 112 : index
    %swap3A_894 = tpu.vector_load %arg9[%swap3A_893] {strides = array<i32>} : memref<128xi32, #tpu.memory_space<vmem>>, vector<16xi32>,
    %swap3A_895 = vector.shape_cast %swap3A_894 : vector<16xi32> to vector<16xi32>
    %swap3A_896 = vector.shape_cast %add3A_892 : vector<16xi32> to vector<16xi32>
    tpu.vector_store %arg9[%swap3A_893], %swap3A_896 {strides = array<i32>} : memref<128xi32, #tpu.memory_space<vmem>>, vector<16xi32>,
    %dma_start3A_897 = arith.constant 0 : i32
    %dma_start3A_898 = arith.constant 0 : i32
    %dma_start3A_899 = tpu.memref_slice %arg4[%dma_start3A_897, %dma_start3A_898] : memref<106496x64xi32, #tpu.memory_space<hbm>> -> memref<106496x64xi32, #tpu.memory_space<hbm>>
    tpu.enqueue_indirect_dma source(%dma_start3A_899 : memref<106496x64xi32, #tpu.memory_space<hbm>>) target(%arg11 : memref<128x64xi32, #tpu.memory_space<vmem>>) offsets(%arg8 : memref<128xi32, #tpu.memory_space<vmem>>) semaphore(%arg12 : memref<!tpu.dma_semaphore, #tpu.memory_space<semaphore_mem>>)
    %dma_wait3A_900 = arith.constant 0 : i32
    %dma_wait3A_901 = arith.constant 0 : i32
    %dma_wait3A_902 = tpu.memref_slice %arg4[%dma_wait3A_900, %dma_wait3A_901] : memref<106496x64xi32, #tpu.memory_space<hbm>> -> memref<106496x64xi32, #tpu.memory_space<hbm>>
    tpu.wait_indirect_dma semaphore(%arg12 : memref<!tpu.dma_semaphore, #tpu.memory_space<semaphore_mem>>) src(%dma_wait3A_902 : memref<106496x64xi32, #tpu.memory_space<hbm>>) dst(%arg11 : memref<128x64xi32, #tpu.memory_space<vmem>>)
    %dma_start3A_903 = arith.constant 0 : i32
    %dma_start3A_904 = arith.constant 0 : i32
    %dma_start3A_905 = tpu.memref_slice %arg5[%dma_start3A_903, %dma_start3A_904] : memref<8192x64xi32, #tpu.memory_space<hbm>> -> memref<8192x64xi32, #tpu.memory_space<hbm>>
    tpu.enqueue_indirect_dma source(%arg11 : memref<128x64xi32, #tpu.memory_space<vmem>>) target(%dma_start3A_905 : memref<8192x64xi32, #tpu.memory_space<hbm>>) offsets(%arg9 : memref<128xi32, #tpu.memory_space<vmem>>) semaphore(%arg13 : memref<!tpu.dma_semaphore, #tpu.memory_space<semaphore_mem>>)
    %add3A_906 = arith.constant 0 : i32
    %add3A_907 = arith.addi %add3A_4, %add3A_906 : i32
    "tpu.region"() ({
      %run_scoped3A = tpu.sem_alloc : memref<!tpu.dma_semaphore, #tpu.memory_space<semaphore_mem>>
      %dma_start3A_1824 = tpu.memref_slice %arg3[%add3A_907] : memref<16384xi32, #tpu.memory_space<hbm>> -> memref<128xi32, #tpu.memory_space<hbm>>
      %dma_start3A_1825 = tpu.memref_slice %arg3[%add3A_907] : memref<16384xi32, #tpu.memory_space<hbm>> -> memref<128xi32, #tpu.memory_space<hbm>>
      tpu.enqueue_dma source(%dma_start3A_1825 : memref<128xi32, #tpu.memory_space<hbm>>) target(%arg7 : memref<128xi32, #tpu.memory_space<vmem>>) target_semaphore(%run_scoped3A : memref<!tpu.dma_semaphore, #tpu.memory_space<semaphore_mem>>)
      %dma_wait3A_1826 = tpu.memref_slice %arg3[%add3A_907] : memref<16384xi32, #tpu.memory_space<hbm>> -> memref<128xi32, #tpu.memory_space<hbm>>
      %dma_wait3A_1827 = tpu.memref_slice %arg3[%add3A_907] : memref<16384xi32, #tpu.memory_space<hbm>> -> memref<128xi32, #tpu.memory_space<hbm>>
      tpu.wait_dma2 semaphore(%run_scoped3A : memref<!tpu.dma_semaphore, #tpu.memory_space<semaphore_mem>>) src(%dma_wait3A_1827 : memref<128xi32, #tpu.memory_space<hbm>>) dst(%arg7 : memref<128xi32, #tpu.memory_space<vmem>>)
      tpu.yield
    }) : () -> ()
    %add3A_908 = arith.constant 0 : i32
    %add3A_909 = arith.addi %mul3A_6, %add3A_908 : i32
    %get3A_910 = arith.constant 0 : index
    %get3A_911 = tpu.vector_load %arg7[%get3A_910] {strides = array<i32>} : memref<128xi32, #tpu.memory_space<vmem>>, vector<16xi32>,
    %get3A_912 = vector.shape_cast %get3A_911 : vector<16xi32> to vector<16xi32>
    %shift_right_arithmetic3A_913 = arith.constant 13 : i32
    %shift_right_arithmetic3A_914 = vector.broadcast %shift_right_arithmetic3A_913 : i32 to vector<16xi32>
    %shift_right_arithmetic3A_915 = arith.shrsi %get3A_912, %shift_right_arithmetic3A_914 : vector<16xi32>
    %shift_left3A_916 = arith.constant 13 : i32
    %shift_left3A_917 = vector.broadcast %shift_left3A_916 : i32 to vector<16xi32>
    %shift_left3A_918 = arith.shli %shift_right_arithmetic3A_915, %shift_left3A_917 : vector<16xi32>
    %and3A_919 = arith.constant 4095 : i32
    %and3A_920 = vector.broadcast %and3A_919 : i32 to vector<16xi32>
    %and3A_921 = arith.andi %get3A_912, %and3A_920 : vector<16xi32>
    %shift_left3A_922 = arith.constant 1 : i32
    %shift_left3A_923 = vector.broadcast %shift_left3A_922 : i32 to vector<16xi32>
    %shift_left3A_924 = arith.shli %and3A_921, %shift_left3A_923 : vector<16xi32>
    %add3A_925 = arith.addi %shift_left3A_918, %shift_left3A_924 : vector<16xi32>
    %shift_right_arithmetic3A_926 = arith.constant 12 : i32
    %shift_right_arithmetic3A_927 = vector.broadcast %shift_right_arithmetic3A_926 : i32 to vector<16xi32>
    %shift_right_arithmetic3A_928 = arith.shrsi %get3A_912, %shift_right_arithmetic3A_927 : vector<16xi32>
    %and3A_929 = arith.constant 1 : i32
    %and3A_930 = vector.broadcast %and3A_929 : i32 to vector<16xi32>
    %and3A_931 = arith.andi %shift_right_arithmetic3A_928, %and3A_930 : vector<16xi32>
    %add3A_932 = arith.addi %add3A_925, %and3A_931 : vector<16xi32>
    %swap3A_933 = arith.constant 0 : index
    %swap3A_934 = tpu.vector_load %arg8[%swap3A_933] {strides = array<i32>} : memref<128xi32, #tpu.memory_space<vmem>>, vector<16xi32>,
    %swap3A_935 = vector.shape_cast %swap3A_934 : vector<16xi32> to vector<16xi32>
    %swap3A_936 = vector.shape_cast %add3A_932 : vector<16xi32> to vector<16xi32>
    tpu.vector_store %arg8[%swap3A_933], %swap3A_936 {strides = array<i32>} : memref<128xi32, #tpu.memory_space<vmem>>, vector<16xi32>,
    %add3A_937 = arith.constant 0 : i32
    %add3A_938 = arith.addi %add3A_909, %add3A_937 : i32
    %add3A_939 = vector.broadcast %add3A_938 : i32 to vector<16xi32>
    %add3A_940 = arith.addi %add3A_939, %iota3A : vector<16xi32>
    %shift_right_arithmetic3A_941 = arith.constant 11 : i32
    %shift_right_arithmetic3A_942 = vector.broadcast %shift_right_arithmetic3A_941 : i32 to vector<16xi32>
    %shift_right_arithmetic3A_943 = arith.shrsi %add3A_940, %shift_right_arithmetic3A_942 : vector<16xi32>
    %shift_left3A_944 = arith.constant 11 : i32
    %shift_left3A_945 = vector.broadcast %shift_left3A_944 : i32 to vector<16xi32>
    %shift_left3A_946 = arith.shli %shift_right_arithmetic3A_943, %shift_left3A_945 : vector<16xi32>
    %and3A_947 = arith.constant 1023 : i32
    %and3A_948 = vector.broadcast %and3A_947 : i32 to vector<16xi32>
    %and3A_949 = arith.andi %add3A_940, %and3A_948 : vector<16xi32>
    %shift_left3A_950 = arith.constant 1 : i32
    %shift_left3A_951 = vector.broadcast %shift_left3A_950 : i32 to vector<16xi32>
    %shift_left3A_952 = arith.shli %and3A_949, %shift_left3A_951 : vector<16xi32>
    %add3A_953 = arith.addi %shift_left3A_946, %shift_left3A_952 : vector<16xi32>
    %shift_right_arithmetic3A_954 = arith.constant 10 : i32
    %shift_right_arithmetic3A_955 = vector.broadcast %shift_right_arithmetic3A_954 : i32 to vector<16xi32>
    %shift_right_arithmetic3A_956 = arith.shrsi %add3A_940, %shift_right_arithmetic3A_955 : vector<16xi32>
    %and3A_957 = arith.constant 1 : i32
    %and3A_958 = vector.broadcast %and3A_957 : i32 to vector<16xi32>
    %and3A_959 = arith.andi %shift_right_arithmetic3A_956, %and3A_958 : vector<16xi32>
    %add3A_960 = arith.addi %add3A_953, %and3A_959 : vector<16xi32>
    %swap3A_961 = arith.constant 0 : index
    %swap3A_962 = tpu.vector_load %arg9[%swap3A_961] {strides = array<i32>} : memref<128xi32, #tpu.memory_space<vmem>>, vector<16xi32>,
    %swap3A_963 = vector.shape_cast %swap3A_962 : vector<16xi32> to vector<16xi32>
    %swap3A_964 = vector.shape_cast %add3A_960 : vector<16xi32> to vector<16xi32>
    tpu.vector_store %arg9[%swap3A_961], %swap3A_964 {strides = array<i32>} : memref<128xi32, #tpu.memory_space<vmem>>, vector<16xi32>,
    %get3A_965 = arith.constant 16 : index
    %get3A_966 = tpu.vector_load %arg7[%get3A_965] {strides = array<i32>} : memref<128xi32, #tpu.memory_space<vmem>>, vector<16xi32>,
    %get3A_967 = vector.shape_cast %get3A_966 : vector<16xi32> to vector<16xi32>
    %shift_right_arithmetic3A_968 = arith.constant 13 : i32
    %shift_right_arithmetic3A_969 = vector.broadcast %shift_right_arithmetic3A_968 : i32 to vector<16xi32>
    %shift_right_arithmetic3A_970 = arith.shrsi %get3A_967, %shift_right_arithmetic3A_969 : vector<16xi32>
    %shift_left3A_971 = arith.constant 13 : i32
    %shift_left3A_972 = vector.broadcast %shift_left3A_971 : i32 to vector<16xi32>
    %shift_left3A_973 = arith.shli %shift_right_arithmetic3A_970, %shift_left3A_972 : vector<16xi32>
    %and3A_974 = arith.constant 4095 : i32
    %and3A_975 = vector.broadcast %and3A_974 : i32 to vector<16xi32>
    %and3A_976 = arith.andi %get3A_967, %and3A_975 : vector<16xi32>
    %shift_left3A_977 = arith.constant 1 : i32
    %shift_left3A_978 = vector.broadcast %shift_left3A_977 : i32 to vector<16xi32>
    %shift_left3A_979 = arith.shli %and3A_976, %shift_left3A_978 : vector<16xi32>
    %add3A_980 = arith.addi %shift_left3A_973, %shift_left3A_979 : vector<16xi32>
    %shift_right_arithmetic3A_981 = arith.constant 12 : i32
    %shift_right_arithmetic3A_982 = vector.broadcast %shift_right_arithmetic3A_981 : i32 to vector<16xi32>
    %shift_right_arithmetic3A_983 = arith.shrsi %get3A_967, %shift_right_arithmetic3A_982 : vector<16xi32>
    %and3A_984 = arith.constant 1 : i32
    %and3A_985 = vector.broadcast %and3A_984 : i32 to vector<16xi32>
    %and3A_986 = arith.andi %shift_right_arithmetic3A_983, %and3A_985 : vector<16xi32>
    %add3A_987 = arith.addi %add3A_980, %and3A_986 : vector<16xi32>
    %swap3A_988 = arith.constant 16 : index
    %swap3A_989 = tpu.vector_load %arg8[%swap3A_988] {strides = array<i32>} : memref<128xi32, #tpu.memory_space<vmem>>, vector<16xi32>,
    %swap3A_990 = vector.shape_cast %swap3A_989 : vector<16xi32> to vector<16xi32>
    %swap3A_991 = vector.shape_cast %add3A_987 : vector<16xi32> to vector<16xi32>
    tpu.vector_store %arg8[%swap3A_988], %swap3A_991 {strides = array<i32>} : memref<128xi32, #tpu.memory_space<vmem>>, vector<16xi32>,
    %add3A_992 = arith.constant 16 : i32
    %add3A_993 = arith.addi %add3A_909, %add3A_992 : i32
    %add3A_994 = vector.broadcast %add3A_993 : i32 to vector<16xi32>
    %add3A_995 = arith.addi %add3A_994, %iota3A : vector<16xi32>
    %shift_right_arithmetic3A_996 = arith.constant 11 : i32
    %shift_right_arithmetic3A_997 = vector.broadcast %shift_right_arithmetic3A_996 : i32 to vector<16xi32>
    %shift_right_arithmetic3A_998 = arith.shrsi %add3A_995, %shift_right_arithmetic3A_997 : vector<16xi32>
    %shift_left3A_999 = arith.constant 11 : i32
    %shift_left3A_1000 = vector.broadcast %shift_left3A_999 : i32 to vector<16xi32>
    %shift_left3A_1001 = arith.shli %shift_right_arithmetic3A_998, %shift_left3A_1000 : vector<16xi32>
    %and3A_1002 = arith.constant 1023 : i32
    %and3A_1003 = vector.broadcast %and3A_1002 : i32 to vector<16xi32>
    %and3A_1004 = arith.andi %add3A_995, %and3A_1003 : vector<16xi32>
    %shift_left3A_1005 = arith.constant 1 : i32
    %shift_left3A_1006 = vector.broadcast %shift_left3A_1005 : i32 to vector<16xi32>
    %shift_left3A_1007 = arith.shli %and3A_1004, %shift_left3A_1006 : vector<16xi32>
    %add3A_1008 = arith.addi %shift_left3A_1001, %shift_left3A_1007 : vector<16xi32>
    %shift_right_arithmetic3A_1009 = arith.constant 10 : i32
    %shift_right_arithmetic3A_1010 = vector.broadcast %shift_right_arithmetic3A_1009 : i32 to vector<16xi32>
    %shift_right_arithmetic3A_1011 = arith.shrsi %add3A_995, %shift_right_arithmetic3A_1010 : vector<16xi32>
    %and3A_1012 = arith.constant 1 : i32
    %and3A_1013 = vector.broadcast %and3A_1012 : i32 to vector<16xi32>
    %and3A_1014 = arith.andi %shift_right_arithmetic3A_1011, %and3A_1013 : vector<16xi32>
    %add3A_1015 = arith.addi %add3A_1008, %and3A_1014 : vector<16xi32>
    %swap3A_1016 = arith.constant 16 : index
    %swap3A_1017 = tpu.vector_load %arg9[%swap3A_1016] {strides = array<i32>} : memref<128xi32, #tpu.memory_space<vmem>>, vector<16xi32>,
    %swap3A_1018 = vector.shape_cast %swap3A_1017 : vector<16xi32> to vector<16xi32>
    %swap3A_1019 = vector.shape_cast %add3A_1015 : vector<16xi32> to vector<16xi32>
    tpu.vector_store %arg9[%swap3A_1016], %swap3A_1019 {strides = array<i32>} : memref<128xi32, #tpu.memory_space<vmem>>, vector<16xi32>,
    %get3A_1020 = arith.constant 32 : index
    %get3A_1021 = tpu.vector_load %arg7[%get3A_1020] {strides = array<i32>} : memref<128xi32, #tpu.memory_space<vmem>>, vector<16xi32>,
    %get3A_1022 = vector.shape_cast %get3A_1021 : vector<16xi32> to vector<16xi32>
    %shift_right_arithmetic3A_1023 = arith.constant 13 : i32
    %shift_right_arithmetic3A_1024 = vector.broadcast %shift_right_arithmetic3A_1023 : i32 to vector<16xi32>
    %shift_right_arithmetic3A_1025 = arith.shrsi %get3A_1022, %shift_right_arithmetic3A_1024 : vector<16xi32>
    %shift_left3A_1026 = arith.constant 13 : i32
    %shift_left3A_1027 = vector.broadcast %shift_left3A_1026 : i32 to vector<16xi32>
    %shift_left3A_1028 = arith.shli %shift_right_arithmetic3A_1025, %shift_left3A_1027 : vector<16xi32>
    %and3A_1029 = arith.constant 4095 : i32
    %and3A_1030 = vector.broadcast %and3A_1029 : i32 to vector<16xi32>
    %and3A_1031 = arith.andi %get3A_1022, %and3A_1030 : vector<16xi32>
    %shift_left3A_1032 = arith.constant 1 : i32
    %shift_left3A_1033 = vector.broadcast %shift_left3A_1032 : i32 to vector<16xi32>
    %shift_left3A_1034 = arith.shli %and3A_1031, %shift_left3A_1033 : vector<16xi32>
    %add3A_1035 = arith.addi %shift_left3A_1028, %shift_left3A_1034 : vector<16xi32>
    %shift_right_arithmetic3A_1036 = arith.constant 12 : i32
    %shift_right_arithmetic3A_1037 = vector.broadcast %shift_right_arithmetic3A_1036 : i32 to vector<16xi32>
    %shift_right_arithmetic3A_1038 = arith.shrsi %get3A_1022, %shift_right_arithmetic3A_1037 : vector<16xi32>
    %and3A_1039 = arith.constant 1 : i32
    %and3A_1040 = vector.broadcast %and3A_1039 : i32 to vector<16xi32>
    %and3A_1041 = arith.andi %shift_right_arithmetic3A_1038, %and3A_1040 : vector<16xi32>
    %add3A_1042 = arith.addi %add3A_1035, %and3A_1041 : vector<16xi32>
    %swap3A_1043 = arith.constant 32 : index
    %swap3A_1044 = tpu.vector_load %arg8[%swap3A_1043] {strides = array<i32>} : memref<128xi32, #tpu.memory_space<vmem>>, vector<16xi32>,
    %swap3A_1045 = vector.shape_cast %swap3A_1044 : vector<16xi32> to vector<16xi32>
    %swap3A_1046 = vector.shape_cast %add3A_1042 : vector<16xi32> to vector<16xi32>
    tpu.vector_store %arg8[%swap3A_1043], %swap3A_1046 {strides = array<i32>} : memref<128xi32, #tpu.memory_space<vmem>>, vector<16xi32>,
    %add3A_1047 = arith.constant 32 : i32
    %add3A_1048 = arith.addi %add3A_909, %add3A_1047 : i32
    %add3A_1049 = vector.broadcast %add3A_1048 : i32 to vector<16xi32>
    %add3A_1050 = arith.addi %add3A_1049, %iota3A : vector<16xi32>
    %shift_right_arithmetic3A_1051 = arith.constant 11 : i32
    %shift_right_arithmetic3A_1052 = vector.broadcast %shift_right_arithmetic3A_1051 : i32 to vector<16xi32>
    %shift_right_arithmetic3A_1053 = arith.shrsi %add3A_1050, %shift_right_arithmetic3A_1052 : vector<16xi32>
    %shift_left3A_1054 = arith.constant 11 : i32
    %shift_left3A_1055 = vector.broadcast %shift_left3A_1054 : i32 to vector<16xi32>
    %shift_left3A_1056 = arith.shli %shift_right_arithmetic3A_1053, %shift_left3A_1055 : vector<16xi32>
    %and3A_1057 = arith.constant 1023 : i32
    %and3A_1058 = vector.broadcast %and3A_1057 : i32 to vector<16xi32>
    %and3A_1059 = arith.andi %add3A_1050, %and3A_1058 : vector<16xi32>
    %shift_left3A_1060 = arith.constant 1 : i32
    %shift_left3A_1061 = vector.broadcast %shift_left3A_1060 : i32 to vector<16xi32>
    %shift_left3A_1062 = arith.shli %and3A_1059, %shift_left3A_1061 : vector<16xi32>
    %add3A_1063 = arith.addi %shift_left3A_1056, %shift_left3A_1062 : vector<16xi32>
    %shift_right_arithmetic3A_1064 = arith.constant 10 : i32
    %shift_right_arithmetic3A_1065 = vector.broadcast %shift_right_arithmetic3A_1064 : i32 to vector<16xi32>
    %shift_right_arithmetic3A_1066 = arith.shrsi %add3A_1050, %shift_right_arithmetic3A_1065 : vector<16xi32>
    %and3A_1067 = arith.constant 1 : i32
    %and3A_1068 = vector.broadcast %and3A_1067 : i32 to vector<16xi32>
    %and3A_1069 = arith.andi %shift_right_arithmetic3A_1066, %and3A_1068 : vector<16xi32>
    %add3A_1070 = arith.addi %add3A_1063, %and3A_1069 : vector<16xi32>
    %swap3A_1071 = arith.constant 32 : index
    %swap3A_1072 = tpu.vector_load %arg9[%swap3A_1071] {strides = array<i32>} : memref<128xi32, #tpu.memory_space<vmem>>, vector<16xi32>,
    %swap3A_1073 = vector.shape_cast %swap3A_1072 : vector<16xi32> to vector<16xi32>
    %swap3A_1074 = vector.shape_cast %add3A_1070 : vector<16xi32> to vector<16xi32>
    tpu.vector_store %arg9[%swap3A_1071], %swap3A_1074 {strides = array<i32>} : memref<128xi32, #tpu.memory_space<vmem>>, vector<16xi32>,
    %get3A_1075 = arith.constant 48 : index
    %get3A_1076 = tpu.vector_load %arg7[%get3A_1075] {strides = array<i32>} : memref<128xi32, #tpu.memory_space<vmem>>, vector<16xi32>,
    %get3A_1077 = vector.shape_cast %get3A_1076 : vector<16xi32> to vector<16xi32>
    %shift_right_arithmetic3A_1078 = arith.constant 13 : i32
    %shift_right_arithmetic3A_1079 = vector.broadcast %shift_right_arithmetic3A_1078 : i32 to vector<16xi32>
    %shift_right_arithmetic3A_1080 = arith.shrsi %get3A_1077, %shift_right_arithmetic3A_1079 : vector<16xi32>
    %shift_left3A_1081 = arith.constant 13 : i32
    %shift_left3A_1082 = vector.broadcast %shift_left3A_1081 : i32 to vector<16xi32>
    %shift_left3A_1083 = arith.shli %shift_right_arithmetic3A_1080, %shift_left3A_1082 : vector<16xi32>
    %and3A_1084 = arith.constant 4095 : i32
    %and3A_1085 = vector.broadcast %and3A_1084 : i32 to vector<16xi32>
    %and3A_1086 = arith.andi %get3A_1077, %and3A_1085 : vector<16xi32>
    %shift_left3A_1087 = arith.constant 1 : i32
    %shift_left3A_1088 = vector.broadcast %shift_left3A_1087 : i32 to vector<16xi32>
    %shift_left3A_1089 = arith.shli %and3A_1086, %shift_left3A_1088 : vector<16xi32>
    %add3A_1090 = arith.addi %shift_left3A_1083, %shift_left3A_1089 : vector<16xi32>
    %shift_right_arithmetic3A_1091 = arith.constant 12 : i32
    %shift_right_arithmetic3A_1092 = vector.broadcast %shift_right_arithmetic3A_1091 : i32 to vector<16xi32>
    %shift_right_arithmetic3A_1093 = arith.shrsi %get3A_1077, %shift_right_arithmetic3A_1092 : vector<16xi32>
    %and3A_1094 = arith.constant 1 : i32
    %and3A_1095 = vector.broadcast %and3A_1094 : i32 to vector<16xi32>
    %and3A_1096 = arith.andi %shift_right_arithmetic3A_1093, %and3A_1095 : vector<16xi32>
    %add3A_1097 = arith.addi %add3A_1090, %and3A_1096 : vector<16xi32>
    %swap3A_1098 = arith.constant 48 : index
    %swap3A_1099 = tpu.vector_load %arg8[%swap3A_1098] {strides = array<i32>} : memref<128xi32, #tpu.memory_space<vmem>>, vector<16xi32>,
    %swap3A_1100 = vector.shape_cast %swap3A_1099 : vector<16xi32> to vector<16xi32>
    %swap3A_1101 = vector.shape_cast %add3A_1097 : vector<16xi32> to vector<16xi32>
    tpu.vector_store %arg8[%swap3A_1098], %swap3A_1101 {strides = array<i32>} : memref<128xi32, #tpu.memory_space<vmem>>, vector<16xi32>,
    %add3A_1102 = arith.constant 48 : i32
    %add3A_1103 = arith.addi %add3A_909, %add3A_1102 : i32
    %add3A_1104 = vector.broadcast %add3A_1103 : i32 to vector<16xi32>
    %add3A_1105 = arith.addi %add3A_1104, %iota3A : vector<16xi32>
    %shift_right_arithmetic3A_1106 = arith.constant 11 : i32
    %shift_right_arithmetic3A_1107 = vector.broadcast %shift_right_arithmetic3A_1106 : i32 to vector<16xi32>
    %shift_right_arithmetic3A_1108 = arith.shrsi %add3A_1105, %shift_right_arithmetic3A_1107 : vector<16xi32>
    %shift_left3A_1109 = arith.constant 11 : i32
    %shift_left3A_1110 = vector.broadcast %shift_left3A_1109 : i32 to vector<16xi32>
    %shift_left3A_1111 = arith.shli %shift_right_arithmetic3A_1108, %shift_left3A_1110 : vector<16xi32>
    %and3A_1112 = arith.constant 1023 : i32
    %and3A_1113 = vector.broadcast %and3A_1112 : i32 to vector<16xi32>
    %and3A_1114 = arith.andi %add3A_1105, %and3A_1113 : vector<16xi32>
    %shift_left3A_1115 = arith.constant 1 : i32
    %shift_left3A_1116 = vector.broadcast %shift_left3A_1115 : i32 to vector<16xi32>
    %shift_left3A_1117 = arith.shli %and3A_1114, %shift_left3A_1116 : vector<16xi32>
    %add3A_1118 = arith.addi %shift_left3A_1111, %shift_left3A_1117 : vector<16xi32>
    %shift_right_arithmetic3A_1119 = arith.constant 10 : i32
    %shift_right_arithmetic3A_1120 = vector.broadcast %shift_right_arithmetic3A_1119 : i32 to vector<16xi32>
    %shift_right_arithmetic3A_1121 = arith.shrsi %add3A_1105, %shift_right_arithmetic3A_1120 : vector<16xi32>
    %and3A_1122 = arith.constant 1 : i32
    %and3A_1123 = vector.broadcast %and3A_1122 : i32 to vector<16xi32>
    %and3A_1124 = arith.andi %shift_right_arithmetic3A_1121, %and3A_1123 : vector<16xi32>
    %add3A_1125 = arith.addi %add3A_1118, %and3A_1124 : vector<16xi32>
    %swap3A_1126 = arith.constant 48 : index
    %swap3A_1127 = tpu.vector_load %arg9[%swap3A_1126] {strides = array<i32>} : memref<128xi32, #tpu.memory_space<vmem>>, vector<16xi32>,
    %swap3A_1128 = vector.shape_cast %swap3A_1127 : vector<16xi32> to vector<16xi32>
    %swap3A_1129 = vector.shape_cast %add3A_1125 : vector<16xi32> to vector<16xi32>
    tpu.vector_store %arg9[%swap3A_1126], %swap3A_1129 {strides = array<i32>} : memref<128xi32, #tpu.memory_space<vmem>>, vector<16xi32>,
    %get3A_1130 = arith.constant 64 : index
    %get3A_1131 = tpu.vector_load %arg7[%get3A_1130] {strides = array<i32>} : memref<128xi32, #tpu.memory_space<vmem>>, vector<16xi32>,
    %get3A_1132 = vector.shape_cast %get3A_1131 : vector<16xi32> to vector<16xi32>
    %shift_right_arithmetic3A_1133 = arith.constant 13 : i32
    %shift_right_arithmetic3A_1134 = vector.broadcast %shift_right_arithmetic3A_1133 : i32 to vector<16xi32>
    %shift_right_arithmetic3A_1135 = arith.shrsi %get3A_1132, %shift_right_arithmetic3A_1134 : vector<16xi32>
    %shift_left3A_1136 = arith.constant 13 : i32
    %shift_left3A_1137 = vector.broadcast %shift_left3A_1136 : i32 to vector<16xi32>
    %shift_left3A_1138 = arith.shli %shift_right_arithmetic3A_1135, %shift_left3A_1137 : vector<16xi32>
    %and3A_1139 = arith.constant 4095 : i32
    %and3A_1140 = vector.broadcast %and3A_1139 : i32 to vector<16xi32>
    %and3A_1141 = arith.andi %get3A_1132, %and3A_1140 : vector<16xi32>
    %shift_left3A_1142 = arith.constant 1 : i32
    %shift_left3A_1143 = vector.broadcast %shift_left3A_1142 : i32 to vector<16xi32>
    %shift_left3A_1144 = arith.shli %and3A_1141, %shift_left3A_1143 : vector<16xi32>
    %add3A_1145 = arith.addi %shift_left3A_1138, %shift_left3A_1144 : vector<16xi32>
    %shift_right_arithmetic3A_1146 = arith.constant 12 : i32
    %shift_right_arithmetic3A_1147 = vector.broadcast %shift_right_arithmetic3A_1146 : i32 to vector<16xi32>
    %shift_right_arithmetic3A_1148 = arith.shrsi %get3A_1132, %shift_right_arithmetic3A_1147 : vector<16xi32>
    %and3A_1149 = arith.constant 1 : i32
    %and3A_1150 = vector.broadcast %and3A_1149 : i32 to vector<16xi32>
    %and3A_1151 = arith.andi %shift_right_arithmetic3A_1148, %and3A_1150 : vector<16xi32>
    %add3A_1152 = arith.addi %add3A_1145, %and3A_1151 : vector<16xi32>
    %swap3A_1153 = arith.constant 64 : index
    %swap3A_1154 = tpu.vector_load %arg8[%swap3A_1153] {strides = array<i32>} : memref<128xi32, #tpu.memory_space<vmem>>, vector<16xi32>,
    %swap3A_1155 = vector.shape_cast %swap3A_1154 : vector<16xi32> to vector<16xi32>
    %swap3A_1156 = vector.shape_cast %add3A_1152 : vector<16xi32> to vector<16xi32>
    tpu.vector_store %arg8[%swap3A_1153], %swap3A_1156 {strides = array<i32>} : memref<128xi32, #tpu.memory_space<vmem>>, vector<16xi32>,
    %add3A_1157 = arith.constant 64 : i32
    %add3A_1158 = arith.addi %add3A_909, %add3A_1157 : i32
    %add3A_1159 = vector.broadcast %add3A_1158 : i32 to vector<16xi32>
    %add3A_1160 = arith.addi %add3A_1159, %iota3A : vector<16xi32>
    %shift_right_arithmetic3A_1161 = arith.constant 11 : i32
    %shift_right_arithmetic3A_1162 = vector.broadcast %shift_right_arithmetic3A_1161 : i32 to vector<16xi32>
    %shift_right_arithmetic3A_1163 = arith.shrsi %add3A_1160, %shift_right_arithmetic3A_1162 : vector<16xi32>
    %shift_left3A_1164 = arith.constant 11 : i32
    %shift_left3A_1165 = vector.broadcast %shift_left3A_1164 : i32 to vector<16xi32>
    %shift_left3A_1166 = arith.shli %shift_right_arithmetic3A_1163, %shift_left3A_1165 : vector<16xi32>
    %and3A_1167 = arith.constant 1023 : i32
    %and3A_1168 = vector.broadcast %and3A_1167 : i32 to vector<16xi32>
    %and3A_1169 = arith.andi %add3A_1160, %and3A_1168 : vector<16xi32>
    %shift_left3A_1170 = arith.constant 1 : i32
    %shift_left3A_1171 = vector.broadcast %shift_left3A_1170 : i32 to vector<16xi32>
    %shift_left3A_1172 = arith.shli %and3A_1169, %shift_left3A_1171 : vector<16xi32>
    %add3A_1173 = arith.addi %shift_left3A_1166, %shift_left3A_1172 : vector<16xi32>
    %shift_right_arithmetic3A_1174 = arith.constant 10 : i32
    %shift_right_arithmetic3A_1175 = vector.broadcast %shift_right_arithmetic3A_1174 : i32 to vector<16xi32>
    %shift_right_arithmetic3A_1176 = arith.shrsi %add3A_1160, %shift_right_arithmetic3A_1175 : vector<16xi32>
    %and3A_1177 = arith.constant 1 : i32
    %and3A_1178 = vector.broadcast %and3A_1177 : i32 to vector<16xi32>
    %and3A_1179 = arith.andi %shift_right_arithmetic3A_1176, %and3A_1178 : vector<16xi32>
    %add3A_1180 = arith.addi %add3A_1173, %and3A_1179 : vector<16xi32>
    %swap3A_1181 = arith.constant 64 : index
    %swap3A_1182 = tpu.vector_load %arg9[%swap3A_1181] {strides = array<i32>} : memref<128xi32, #tpu.memory_space<vmem>>, vector<16xi32>,
    %swap3A_1183 = vector.shape_cast %swap3A_1182 : vector<16xi32> to vector<16xi32>
    %swap3A_1184 = vector.shape_cast %add3A_1180 : vector<16xi32> to vector<16xi32>
    tpu.vector_store %arg9[%swap3A_1181], %swap3A_1184 {strides = array<i32>} : memref<128xi32, #tpu.memory_space<vmem>>, vector<16xi32>,
    %get3A_1185 = arith.constant 80 : index
    %get3A_1186 = tpu.vector_load %arg7[%get3A_1185] {strides = array<i32>} : memref<128xi32, #tpu.memory_space<vmem>>, vector<16xi32>,
    %get3A_1187 = vector.shape_cast %get3A_1186 : vector<16xi32> to vector<16xi32>
    %shift_right_arithmetic3A_1188 = arith.constant 13 : i32
    %shift_right_arithmetic3A_1189 = vector.broadcast %shift_right_arithmetic3A_1188 : i32 to vector<16xi32>
    %shift_right_arithmetic3A_1190 = arith.shrsi %get3A_1187, %shift_right_arithmetic3A_1189 : vector<16xi32>
    %shift_left3A_1191 = arith.constant 13 : i32
    %shift_left3A_1192 = vector.broadcast %shift_left3A_1191 : i32 to vector<16xi32>
    %shift_left3A_1193 = arith.shli %shift_right_arithmetic3A_1190, %shift_left3A_1192 : vector<16xi32>
    %and3A_1194 = arith.constant 4095 : i32
    %and3A_1195 = vector.broadcast %and3A_1194 : i32 to vector<16xi32>
    %and3A_1196 = arith.andi %get3A_1187, %and3A_1195 : vector<16xi32>
    %shift_left3A_1197 = arith.constant 1 : i32
    %shift_left3A_1198 = vector.broadcast %shift_left3A_1197 : i32 to vector<16xi32>
    %shift_left3A_1199 = arith.shli %and3A_1196, %shift_left3A_1198 : vector<16xi32>
    %add3A_1200 = arith.addi %shift_left3A_1193, %shift_left3A_1199 : vector<16xi32>
    %shift_right_arithmetic3A_1201 = arith.constant 12 : i32
    %shift_right_arithmetic3A_1202 = vector.broadcast %shift_right_arithmetic3A_1201 : i32 to vector<16xi32>
    %shift_right_arithmetic3A_1203 = arith.shrsi %get3A_1187, %shift_right_arithmetic3A_1202 : vector<16xi32>
    %and3A_1204 = arith.constant 1 : i32
    %and3A_1205 = vector.broadcast %and3A_1204 : i32 to vector<16xi32>
    %and3A_1206 = arith.andi %shift_right_arithmetic3A_1203, %and3A_1205 : vector<16xi32>
    %add3A_1207 = arith.addi %add3A_1200, %and3A_1206 : vector<16xi32>
    %swap3A_1208 = arith.constant 80 : index
    %swap3A_1209 = tpu.vector_load %arg8[%swap3A_1208] {strides = array<i32>} : memref<128xi32, #tpu.memory_space<vmem>>, vector<16xi32>,
    %swap3A_1210 = vector.shape_cast %swap3A_1209 : vector<16xi32> to vector<16xi32>
    %swap3A_1211 = vector.shape_cast %add3A_1207 : vector<16xi32> to vector<16xi32>
    tpu.vector_store %arg8[%swap3A_1208], %swap3A_1211 {strides = array<i32>} : memref<128xi32, #tpu.memory_space<vmem>>, vector<16xi32>,
    %add3A_1212 = arith.constant 80 : i32
    %add3A_1213 = arith.addi %add3A_909, %add3A_1212 : i32
    %add3A_1214 = vector.broadcast %add3A_1213 : i32 to vector<16xi32>
    %add3A_1215 = arith.addi %add3A_1214, %iota3A : vector<16xi32>
    %shift_right_arithmetic3A_1216 = arith.constant 11 : i32
    %shift_right_arithmetic3A_1217 = vector.broadcast %shift_right_arithmetic3A_1216 : i32 to vector<16xi32>
    %shift_right_arithmetic3A_1218 = arith.shrsi %add3A_1215, %shift_right_arithmetic3A_1217 : vector<16xi32>
    %shift_left3A_1219 = arith.constant 11 : i32
    %shift_left3A_1220 = vector.broadcast %shift_left3A_1219 : i32 to vector<16xi32>
    %shift_left3A_1221 = arith.shli %shift_right_arithmetic3A_1218, %shift_left3A_1220 : vector<16xi32>
    %and3A_1222 = arith.constant 1023 : i32
    %and3A_1223 = vector.broadcast %and3A_1222 : i32 to vector<16xi32>
    %and3A_1224 = arith.andi %add3A_1215, %and3A_1223 : vector<16xi32>
    %shift_left3A_1225 = arith.constant 1 : i32
    %shift_left3A_1226 = vector.broadcast %shift_left3A_1225 : i32 to vector<16xi32>
    %shift_left3A_1227 = arith.shli %and3A_1224, %shift_left3A_1226 : vector<16xi32>
    %add3A_1228 = arith.addi %shift_left3A_1221, %shift_left3A_1227 : vector<16xi32>
    %shift_right_arithmetic3A_1229 = arith.constant 10 : i32
    %shift_right_arithmetic3A_1230 = vector.broadcast %shift_right_arithmetic3A_1229 : i32 to vector<16xi32>
    %shift_right_arithmetic3A_1231 = arith.shrsi %add3A_1215, %shift_right_arithmetic3A_1230 : vector<16xi32>
    %and3A_1232 = arith.constant 1 : i32
    %and3A_1233 = vector.broadcast %and3A_1232 : i32 to vector<16xi32>
    %and3A_1234 = arith.andi %shift_right_arithmetic3A_1231, %and3A_1233 : vector<16xi32>
    %add3A_1235 = arith.addi %add3A_1228, %and3A_1234 : vector<16xi32>
    %swap3A_1236 = arith.constant 80 : index
    %swap3A_1237 = tpu.vector_load %arg9[%swap3A_1236] {strides = array<i32>} : memref<128xi32, #tpu.memory_space<vmem>>, vector<16xi32>,
    %swap3A_1238 = vector.shape_cast %swap3A_1237 : vector<16xi32> to vector<16xi32>
    %swap3A_1239 = vector.shape_cast %add3A_1235 : vector<16xi32> to vector<16xi32>
    tpu.vector_store %arg9[%swap3A_1236], %swap3A_1239 {strides = array<i32>} : memref<128xi32, #tpu.memory_space<vmem>>, vector<16xi32>,
    %get3A_1240 = arith.constant 96 : index
    %get3A_1241 = tpu.vector_load %arg7[%get3A_1240] {strides = array<i32>} : memref<128xi32, #tpu.memory_space<vmem>>, vector<16xi32>,
    %get3A_1242 = vector.shape_cast %get3A_1241 : vector<16xi32> to vector<16xi32>
    %shift_right_arithmetic3A_1243 = arith.constant 13 : i32
    %shift_right_arithmetic3A_1244 = vector.broadcast %shift_right_arithmetic3A_1243 : i32 to vector<16xi32>
    %shift_right_arithmetic3A_1245 = arith.shrsi %get3A_1242, %shift_right_arithmetic3A_1244 : vector<16xi32>
    %shift_left3A_1246 = arith.constant 13 : i32
    %shift_left3A_1247 = vector.broadcast %shift_left3A_1246 : i32 to vector<16xi32>
    %shift_left3A_1248 = arith.shli %shift_right_arithmetic3A_1245, %shift_left3A_1247 : vector<16xi32>
    %and3A_1249 = arith.constant 4095 : i32
    %and3A_1250 = vector.broadcast %and3A_1249 : i32 to vector<16xi32>
    %and3A_1251 = arith.andi %get3A_1242, %and3A_1250 : vector<16xi32>
    %shift_left3A_1252 = arith.constant 1 : i32
    %shift_left3A_1253 = vector.broadcast %shift_left3A_1252 : i32 to vector<16xi32>
    %shift_left3A_1254 = arith.shli %and3A_1251, %shift_left3A_1253 : vector<16xi32>
    %add3A_1255 = arith.addi %shift_left3A_1248, %shift_left3A_1254 : vector<16xi32>
    %shift_right_arithmetic3A_1256 = arith.constant 12 : i32
    %shift_right_arithmetic3A_1257 = vector.broadcast %shift_right_arithmetic3A_1256 : i32 to vector<16xi32>
    %shift_right_arithmetic3A_1258 = arith.shrsi %get3A_1242, %shift_right_arithmetic3A_1257 : vector<16xi32>
    %and3A_1259 = arith.constant 1 : i32
    %and3A_1260 = vector.broadcast %and3A_1259 : i32 to vector<16xi32>
    %and3A_1261 = arith.andi %shift_right_arithmetic3A_1258, %and3A_1260 : vector<16xi32>
    %add3A_1262 = arith.addi %add3A_1255, %and3A_1261 : vector<16xi32>
    %swap3A_1263 = arith.constant 96 : index
    %swap3A_1264 = tpu.vector_load %arg8[%swap3A_1263] {strides = array<i32>} : memref<128xi32, #tpu.memory_space<vmem>>, vector<16xi32>,
    %swap3A_1265 = vector.shape_cast %swap3A_1264 : vector<16xi32> to vector<16xi32>
    %swap3A_1266 = vector.shape_cast %add3A_1262 : vector<16xi32> to vector<16xi32>
    tpu.vector_store %arg8[%swap3A_1263], %swap3A_1266 {strides = array<i32>} : memref<128xi32, #tpu.memory_space<vmem>>, vector<16xi32>,
    %add3A_1267 = arith.constant 96 : i32
    %add3A_1268 = arith.addi %add3A_909, %add3A_1267 : i32
    %add3A_1269 = vector.broadcast %add3A_1268 : i32 to vector<16xi32>
    %add3A_1270 = arith.addi %add3A_1269, %iota3A : vector<16xi32>
    %shift_right_arithmetic3A_1271 = arith.constant 11 : i32
    %shift_right_arithmetic3A_1272 = vector.broadcast %shift_right_arithmetic3A_1271 : i32 to vector<16xi32>
    %shift_right_arithmetic3A_1273 = arith.shrsi %add3A_1270, %shift_right_arithmetic3A_1272 : vector<16xi32>
    %shift_left3A_1274 = arith.constant 11 : i32
    %shift_left3A_1275 = vector.broadcast %shift_left3A_1274 : i32 to vector<16xi32>
    %shift_left3A_1276 = arith.shli %shift_right_arithmetic3A_1273, %shift_left3A_1275 : vector<16xi32>
    %and3A_1277 = arith.constant 1023 : i32
    %and3A_1278 = vector.broadcast %and3A_1277 : i32 to vector<16xi32>
    %and3A_1279 = arith.andi %add3A_1270, %and3A_1278 : vector<16xi32>
    %shift_left3A_1280 = arith.constant 1 : i32
    %shift_left3A_1281 = vector.broadcast %shift_left3A_1280 : i32 to vector<16xi32>
    %shift_left3A_1282 = arith.shli %and3A_1279, %shift_left3A_1281 : vector<16xi32>
    %add3A_1283 = arith.addi %shift_left3A_1276, %shift_left3A_1282 : vector<16xi32>
    %shift_right_arithmetic3A_1284 = arith.constant 10 : i32
    %shift_right_arithmetic3A_1285 = vector.broadcast %shift_right_arithmetic3A_1284 : i32 to vector<16xi32>
    %shift_right_arithmetic3A_1286 = arith.shrsi %add3A_1270, %shift_right_arithmetic3A_1285 : vector<16xi32>
    %and3A_1287 = arith.constant 1 : i32
    %and3A_1288 = vector.broadcast %and3A_1287 : i32 to vector<16xi32>
    %and3A_1289 = arith.andi %shift_right_arithmetic3A_1286, %and3A_1288 : vector<16xi32>
    %add3A_1290 = arith.addi %add3A_1283, %and3A_1289 : vector<16xi32>
    %swap3A_1291 = arith.constant 96 : index
    %swap3A_1292 = tpu.vector_load %arg9[%swap3A_1291] {strides = array<i32>} : memref<128xi32, #tpu.memory_space<vmem>>, vector<16xi32>,
    %swap3A_1293 = vector.shape_cast %swap3A_1292 : vector<16xi32> to vector<16xi32>
    %swap3A_1294 = vector.shape_cast %add3A_1290 : vector<16xi32> to vector<16xi32>
    tpu.vector_store %arg9[%swap3A_1291], %swap3A_1294 {strides = array<i32>} : memref<128xi32, #tpu.memory_space<vmem>>, vector<16xi32>,
    %get3A_1295 = arith.constant 112 : index
    %get3A_1296 = tpu.vector_load %arg7[%get3A_1295] {strides = array<i32>} : memref<128xi32, #tpu.memory_space<vmem>>, vector<16xi32>,
    %get3A_1297 = vector.shape_cast %get3A_1296 : vector<16xi32> to vector<16xi32>
    %shift_right_arithmetic3A_1298 = arith.constant 13 : i32
    %shift_right_arithmetic3A_1299 = vector.broadcast %shift_right_arithmetic3A_1298 : i32 to vector<16xi32>
    %shift_right_arithmetic3A_1300 = arith.shrsi %get3A_1297, %shift_right_arithmetic3A_1299 : vector<16xi32>
    %shift_left3A_1301 = arith.constant 13 : i32
    %shift_left3A_1302 = vector.broadcast %shift_left3A_1301 : i32 to vector<16xi32>
    %shift_left3A_1303 = arith.shli %shift_right_arithmetic3A_1300, %shift_left3A_1302 : vector<16xi32>
    %and3A_1304 = arith.constant 4095 : i32
    %and3A_1305 = vector.broadcast %and3A_1304 : i32 to vector<16xi32>
    %and3A_1306 = arith.andi %get3A_1297, %and3A_1305 : vector<16xi32>
    %shift_left3A_1307 = arith.constant 1 : i32
    %shift_left3A_1308 = vector.broadcast %shift_left3A_1307 : i32 to vector<16xi32>
    %shift_left3A_1309 = arith.shli %and3A_1306, %shift_left3A_1308 : vector<16xi32>
    %add3A_1310 = arith.addi %shift_left3A_1303, %shift_left3A_1309 : vector<16xi32>
    %shift_right_arithmetic3A_1311 = arith.constant 12 : i32
    %shift_right_arithmetic3A_1312 = vector.broadcast %shift_right_arithmetic3A_1311 : i32 to vector<16xi32>
    %shift_right_arithmetic3A_1313 = arith.shrsi %get3A_1297, %shift_right_arithmetic3A_1312 : vector<16xi32>
    %and3A_1314 = arith.constant 1 : i32
    %and3A_1315 = vector.broadcast %and3A_1314 : i32 to vector<16xi32>
    %and3A_1316 = arith.andi %shift_right_arithmetic3A_1313, %and3A_1315 : vector<16xi32>
    %add3A_1317 = arith.addi %add3A_1310, %and3A_1316 : vector<16xi32>
    %swap3A_1318 = arith.constant 112 : index
    %swap3A_1319 = tpu.vector_load %arg8[%swap3A_1318] {strides = array<i32>} : memref<128xi32, #tpu.memory_space<vmem>>, vector<16xi32>,
    %swap3A_1320 = vector.shape_cast %swap3A_1319 : vector<16xi32> to vector<16xi32>
    %swap3A_1321 = vector.shape_cast %add3A_1317 : vector<16xi32> to vector<16xi32>
    tpu.vector_store %arg8[%swap3A_1318], %swap3A_1321 {strides = array<i32>} : memref<128xi32, #tpu.memory_space<vmem>>, vector<16xi32>,
    %add3A_1322 = arith.constant 112 : i32
    %add3A_1323 = arith.addi %add3A_909, %add3A_1322 : i32
    %add3A_1324 = vector.broadcast %add3A_1323 : i32 to vector<16xi32>
    %add3A_1325 = arith.addi %add3A_1324, %iota3A : vector<16xi32>
    %shift_right_arithmetic3A_1326 = arith.constant 11 : i32
    %shift_right_arithmetic3A_1327 = vector.broadcast %shift_right_arithmetic3A_1326 : i32 to vector<16xi32>
    %shift_right_arithmetic3A_1328 = arith.shrsi %add3A_1325, %shift_right_arithmetic3A_1327 : vector<16xi32>
    %shift_left3A_1329 = arith.constant 11 : i32
    %shift_left3A_1330 = vector.broadcast %shift_left3A_1329 : i32 to vector<16xi32>
    %shift_left3A_1331 = arith.shli %shift_right_arithmetic3A_1328, %shift_left3A_1330 : vector<16xi32>
    %and3A_1332 = arith.constant 1023 : i32
    %and3A_1333 = vector.broadcast %and3A_1332 : i32 to vector<16xi32>
    %and3A_1334 = arith.andi %add3A_1325, %and3A_1333 : vector<16xi32>
    %shift_left3A_1335 = arith.constant 1 : i32
    %shift_left3A_1336 = vector.broadcast %shift_left3A_1335 : i32 to vector<16xi32>
    %shift_left3A_1337 = arith.shli %and3A_1334, %shift_left3A_1336 : vector<16xi32>
    %add3A_1338 = arith.addi %shift_left3A_1331, %shift_left3A_1337 : vector<16xi32>
    %shift_right_arithmetic3A_1339 = arith.constant 10 : i32
    %shift_right_arithmetic3A_1340 = vector.broadcast %shift_right_arithmetic3A_1339 : i32 to vector<16xi32>
    %shift_right_arithmetic3A_1341 = arith.shrsi %add3A_1325, %shift_right_arithmetic3A_1340 : vector<16xi32>
    %and3A_1342 = arith.constant 1 : i32
    %and3A_1343 = vector.broadcast %and3A_1342 : i32 to vector<16xi32>
    %and3A_1344 = arith.andi %shift_right_arithmetic3A_1341, %and3A_1343 : vector<16xi32>
    %add3A_1345 = arith.addi %add3A_1338, %and3A_1344 : vector<16xi32>
    %swap3A_1346 = arith.constant 112 : index
    %swap3A_1347 = tpu.vector_load %arg9[%swap3A_1346] {strides = array<i32>} : memref<128xi32, #tpu.memory_space<vmem>>, vector<16xi32>,
    %swap3A_1348 = vector.shape_cast %swap3A_1347 : vector<16xi32> to vector<16xi32>
    %swap3A_1349 = vector.shape_cast %add3A_1345 : vector<16xi32> to vector<16xi32>
    tpu.vector_store %arg9[%swap3A_1346], %swap3A_1349 {strides = array<i32>} : memref<128xi32, #tpu.memory_space<vmem>>, vector<16xi32>,
    %dma_wait3A_1350 = arith.constant 0 : i32
    %dma_wait3A_1351 = arith.constant 0 : i32
    %dma_wait3A_1352 = tpu.memref_slice %arg5[%dma_wait3A_1350, %dma_wait3A_1351] : memref<8192x64xi32, #tpu.memory_space<hbm>> -> memref<8192x64xi32, #tpu.memory_space<hbm>>
    tpu.wait_indirect_dma semaphore(%arg13 : memref<!tpu.dma_semaphore, #tpu.memory_space<semaphore_mem>>) src(%arg10 : memref<128x64xi32, #tpu.memory_space<vmem>>) dst(%dma_wait3A_1352 : memref<8192x64xi32, #tpu.memory_space<hbm>>)
    %dma_start3A_1353 = arith.constant 0 : i32
    %dma_start3A_1354 = arith.constant 0 : i32
    %dma_start3A_1355 = tpu.memref_slice %arg4[%dma_start3A_1353, %dma_start3A_1354] : memref<106496x64xi32, #tpu.memory_space<hbm>> -> memref<106496x64xi32, #tpu.memory_space<hbm>>
    tpu.enqueue_indirect_dma source(%dma_start3A_1355 : memref<106496x64xi32, #tpu.memory_space<hbm>>) target(%arg10 : memref<128x64xi32, #tpu.memory_space<vmem>>) offsets(%arg8 : memref<128xi32, #tpu.memory_space<vmem>>) semaphore(%arg12 : memref<!tpu.dma_semaphore, #tpu.memory_space<semaphore_mem>>)
    %dma_wait3A_1356 = arith.constant 0 : i32
    %dma_wait3A_1357 = arith.constant 0 : i32
    %dma_wait3A_1358 = tpu.memref_slice %arg4[%dma_wait3A_1356, %dma_wait3A_1357] : memref<106496x64xi32, #tpu.memory_space<hbm>> -> memref<106496x64xi32, #tpu.memory_space<hbm>>
    tpu.wait_indirect_dma semaphore(%arg12 : memref<!tpu.dma_semaphore, #tpu.memory_space<semaphore_mem>>) src(%dma_wait3A_1358 : memref<106496x64xi32, #tpu.memory_space<hbm>>) dst(%arg10 : memref<128x64xi32, #tpu.memory_space<vmem>>)
    %dma_start3A_1359 = arith.constant 0 : i32
    %dma_start3A_1360 = arith.constant 0 : i32
    %dma_start3A_1361 = tpu.memref_slice %arg6[%dma_start3A_1359, %dma_start3A_1360] : memref<8192x64xi32, #tpu.memory_space<hbm>> -> memref<8192x64xi32, #tpu.memory_space<hbm>>
    tpu.enqueue_indirect_dma source(%arg10 : memref<128x64xi32, #tpu.memory_space<vmem>>) target(%dma_start3A_1361 : memref<8192x64xi32, #tpu.memory_space<hbm>>) offsets(%arg9 : memref<128xi32, #tpu.memory_space<vmem>>) semaphore(%arg13 : memref<!tpu.dma_semaphore, #tpu.memory_space<semaphore_mem>>)
    %add3A_1362 = arith.constant 128 : i32
    %add3A_1363 = arith.addi %add3A_4, %add3A_1362 : i32
    "tpu.region"() ({
      %run_scoped3A = tpu.sem_alloc : memref<!tpu.dma_semaphore, #tpu.memory_space<semaphore_mem>>
      %dma_start3A_1824 = tpu.memref_slice %arg3[%add3A_1363] : memref<16384xi32, #tpu.memory_space<hbm>> -> memref<128xi32, #tpu.memory_space<hbm>>
      %dma_start3A_1825 = tpu.memref_slice %arg3[%add3A_1363] : memref<16384xi32, #tpu.memory_space<hbm>> -> memref<128xi32, #tpu.memory_space<hbm>>
      tpu.enqueue_dma source(%dma_start3A_1825 : memref<128xi32, #tpu.memory_space<hbm>>) target(%arg7 : memref<128xi32, #tpu.memory_space<vmem>>) target_semaphore(%run_scoped3A : memref<!tpu.dma_semaphore, #tpu.memory_space<semaphore_mem>>)
      %dma_wait3A_1826 = tpu.memref_slice %arg3[%add3A_1363] : memref<16384xi32, #tpu.memory_space<hbm>> -> memref<128xi32, #tpu.memory_space<hbm>>
      %dma_wait3A_1827 = tpu.memref_slice %arg3[%add3A_1363] : memref<16384xi32, #tpu.memory_space<hbm>> -> memref<128xi32, #tpu.memory_space<hbm>>
      tpu.wait_dma2 semaphore(%run_scoped3A : memref<!tpu.dma_semaphore, #tpu.memory_space<semaphore_mem>>) src(%dma_wait3A_1827 : memref<128xi32, #tpu.memory_space<hbm>>) dst(%arg7 : memref<128xi32, #tpu.memory_space<vmem>>)
      tpu.yield
    }) : () -> ()
    %add3A_1364 = arith.constant 128 : i32
    %add3A_1365 = arith.addi %mul3A_6, %add3A_1364 : i32
    %get3A_1366 = arith.constant 0 : index
    %get3A_1367 = tpu.vector_load %arg7[%get3A_1366] {strides = array<i32>} : memref<128xi32, #tpu.memory_space<vmem>>, vector<16xi32>,
    %get3A_1368 = vector.shape_cast %get3A_1367 : vector<16xi32> to vector<16xi32>
    %shift_right_arithmetic3A_1369 = arith.constant 13 : i32
    %shift_right_arithmetic3A_1370 = vector.broadcast %shift_right_arithmetic3A_1369 : i32 to vector<16xi32>
    %shift_right_arithmetic3A_1371 = arith.shrsi %get3A_1368, %shift_right_arithmetic3A_1370 : vector<16xi32>
    %shift_left3A_1372 = arith.constant 13 : i32
    %shift_left3A_1373 = vector.broadcast %shift_left3A_1372 : i32 to vector<16xi32>
    %shift_left3A_1374 = arith.shli %shift_right_arithmetic3A_1371, %shift_left3A_1373 : vector<16xi32>
    %and3A_1375 = arith.constant 4095 : i32
    %and3A_1376 = vector.broadcast %and3A_1375 : i32 to vector<16xi32>
    %and3A_1377 = arith.andi %get3A_1368, %and3A_1376 : vector<16xi32>
    %shift_left3A_1378 = arith.constant 1 : i32
    %shift_left3A_1379 = vector.broadcast %shift_left3A_1378 : i32 to vector<16xi32>
    %shift_left3A_1380 = arith.shli %and3A_1377, %shift_left3A_1379 : vector<16xi32>
    %add3A_1381 = arith.addi %shift_left3A_1374, %shift_left3A_1380 : vector<16xi32>
    %shift_right_arithmetic3A_1382 = arith.constant 12 : i32
    %shift_right_arithmetic3A_1383 = vector.broadcast %shift_right_arithmetic3A_1382 : i32 to vector<16xi32>
    %shift_right_arithmetic3A_1384 = arith.shrsi %get3A_1368, %shift_right_arithmetic3A_1383 : vector<16xi32>
    %and3A_1385 = arith.constant 1 : i32
    %and3A_1386 = vector.broadcast %and3A_1385 : i32 to vector<16xi32>
    %and3A_1387 = arith.andi %shift_right_arithmetic3A_1384, %and3A_1386 : vector<16xi32>
    %add3A_1388 = arith.addi %add3A_1381, %and3A_1387 : vector<16xi32>
    %swap3A_1389 = arith.constant 0 : index
    %swap3A_1390 = tpu.vector_load %arg8[%swap3A_1389] {strides = array<i32>} : memref<128xi32, #tpu.memory_space<vmem>>, vector<16xi32>,
    %swap3A_1391 = vector.shape_cast %swap3A_1390 : vector<16xi32> to vector<16xi32>
    %swap3A_1392 = vector.shape_cast %add3A_1388 : vector<16xi32> to vector<16xi32>
    tpu.vector_store %arg8[%swap3A_1389], %swap3A_1392 {strides = array<i32>} : memref<128xi32, #tpu.memory_space<vmem>>, vector<16xi32>,
    %add3A_1393 = arith.constant 0 : i32
    %add3A_1394 = arith.addi %add3A_1365, %add3A_1393 : i32
    %add3A_1395 = vector.broadcast %add3A_1394 : i32 to vector<16xi32>
    %add3A_1396 = arith.addi %add3A_1395, %iota3A : vector<16xi32>
    %shift_right_arithmetic3A_1397 = arith.constant 11 : i32
    %shift_right_arithmetic3A_1398 = vector.broadcast %shift_right_arithmetic3A_1397 : i32 to vector<16xi32>
    %shift_right_arithmetic3A_1399 = arith.shrsi %add3A_1396, %shift_right_arithmetic3A_1398 : vector<16xi32>
    %shift_left3A_1400 = arith.constant 11 : i32
    %shift_left3A_1401 = vector.broadcast %shift_left3A_1400 : i32 to vector<16xi32>
    %shift_left3A_1402 = arith.shli %shift_right_arithmetic3A_1399, %shift_left3A_1401 : vector<16xi32>
    %and3A_1403 = arith.constant 1023 : i32
    %and3A_1404 = vector.broadcast %and3A_1403 : i32 to vector<16xi32>
    %and3A_1405 = arith.andi %add3A_1396, %and3A_1404 : vector<16xi32>
    %shift_left3A_1406 = arith.constant 1 : i32
    %shift_left3A_1407 = vector.broadcast %shift_left3A_1406 : i32 to vector<16xi32>
    %shift_left3A_1408 = arith.shli %and3A_1405, %shift_left3A_1407 : vector<16xi32>
    %add3A_1409 = arith.addi %shift_left3A_1402, %shift_left3A_1408 : vector<16xi32>
    %shift_right_arithmetic3A_1410 = arith.constant 10 : i32
    %shift_right_arithmetic3A_1411 = vector.broadcast %shift_right_arithmetic3A_1410 : i32 to vector<16xi32>
    %shift_right_arithmetic3A_1412 = arith.shrsi %add3A_1396, %shift_right_arithmetic3A_1411 : vector<16xi32>
    %and3A_1413 = arith.constant 1 : i32
    %and3A_1414 = vector.broadcast %and3A_1413 : i32 to vector<16xi32>
    %and3A_1415 = arith.andi %shift_right_arithmetic3A_1412, %and3A_1414 : vector<16xi32>
    %add3A_1416 = arith.addi %add3A_1409, %and3A_1415 : vector<16xi32>
    %swap3A_1417 = arith.constant 0 : index
    %swap3A_1418 = tpu.vector_load %arg9[%swap3A_1417] {strides = array<i32>} : memref<128xi32, #tpu.memory_space<vmem>>, vector<16xi32>,
    %swap3A_1419 = vector.shape_cast %swap3A_1418 : vector<16xi32> to vector<16xi32>
    %swap3A_1420 = vector.shape_cast %add3A_1416 : vector<16xi32> to vector<16xi32>
    tpu.vector_store %arg9[%swap3A_1417], %swap3A_1420 {strides = array<i32>} : memref<128xi32, #tpu.memory_space<vmem>>, vector<16xi32>,
    %get3A_1421 = arith.constant 16 : index
    %get3A_1422 = tpu.vector_load %arg7[%get3A_1421] {strides = array<i32>} : memref<128xi32, #tpu.memory_space<vmem>>, vector<16xi32>,
    %get3A_1423 = vector.shape_cast %get3A_1422 : vector<16xi32> to vector<16xi32>
    %shift_right_arithmetic3A_1424 = arith.constant 13 : i32
    %shift_right_arithmetic3A_1425 = vector.broadcast %shift_right_arithmetic3A_1424 : i32 to vector<16xi32>
    %shift_right_arithmetic3A_1426 = arith.shrsi %get3A_1423, %shift_right_arithmetic3A_1425 : vector<16xi32>
    %shift_left3A_1427 = arith.constant 13 : i32
    %shift_left3A_1428 = vector.broadcast %shift_left3A_1427 : i32 to vector<16xi32>
    %shift_left3A_1429 = arith.shli %shift_right_arithmetic3A_1426, %shift_left3A_1428 : vector<16xi32>
    %and3A_1430 = arith.constant 4095 : i32
    %and3A_1431 = vector.broadcast %and3A_1430 : i32 to vector<16xi32>
    %and3A_1432 = arith.andi %get3A_1423, %and3A_1431 : vector<16xi32>
    %shift_left3A_1433 = arith.constant 1 : i32
    %shift_left3A_1434 = vector.broadcast %shift_left3A_1433 : i32 to vector<16xi32>
    %shift_left3A_1435 = arith.shli %and3A_1432, %shift_left3A_1434 : vector<16xi32>
    %add3A_1436 = arith.addi %shift_left3A_1429, %shift_left3A_1435 : vector<16xi32>
    %shift_right_arithmetic3A_1437 = arith.constant 12 : i32
    %shift_right_arithmetic3A_1438 = vector.broadcast %shift_right_arithmetic3A_1437 : i32 to vector<16xi32>
    %shift_right_arithmetic3A_1439 = arith.shrsi %get3A_1423, %shift_right_arithmetic3A_1438 : vector<16xi32>
    %and3A_1440 = arith.constant 1 : i32
    %and3A_1441 = vector.broadcast %and3A_1440 : i32 to vector<16xi32>
    %and3A_1442 = arith.andi %shift_right_arithmetic3A_1439, %and3A_1441 : vector<16xi32>
    %add3A_1443 = arith.addi %add3A_1436, %and3A_1442 : vector<16xi32>
    %swap3A_1444 = arith.constant 16 : index
    %swap3A_1445 = tpu.vector_load %arg8[%swap3A_1444] {strides = array<i32>} : memref<128xi32, #tpu.memory_space<vmem>>, vector<16xi32>,
    %swap3A_1446 = vector.shape_cast %swap3A_1445 : vector<16xi32> to vector<16xi32>
    %swap3A_1447 = vector.shape_cast %add3A_1443 : vector<16xi32> to vector<16xi32>
    tpu.vector_store %arg8[%swap3A_1444], %swap3A_1447 {strides = array<i32>} : memref<128xi32, #tpu.memory_space<vmem>>, vector<16xi32>,
    %add3A_1448 = arith.constant 16 : i32
    %add3A_1449 = arith.addi %add3A_1365, %add3A_1448 : i32
    %add3A_1450 = vector.broadcast %add3A_1449 : i32 to vector<16xi32>
    %add3A_1451 = arith.addi %add3A_1450, %iota3A : vector<16xi32>
    %shift_right_arithmetic3A_1452 = arith.constant 11 : i32
    %shift_right_arithmetic3A_1453 = vector.broadcast %shift_right_arithmetic3A_1452 : i32 to vector<16xi32>
    %shift_right_arithmetic3A_1454 = arith.shrsi %add3A_1451, %shift_right_arithmetic3A_1453 : vector<16xi32>
    %shift_left3A_1455 = arith.constant 11 : i32
    %shift_left3A_1456 = vector.broadcast %shift_left3A_1455 : i32 to vector<16xi32>
    %shift_left3A_1457 = arith.shli %shift_right_arithmetic3A_1454, %shift_left3A_1456 : vector<16xi32>
    %and3A_1458 = arith.constant 1023 : i32
    %and3A_1459 = vector.broadcast %and3A_1458 : i32 to vector<16xi32>
    %and3A_1460 = arith.andi %add3A_1451, %and3A_1459 : vector<16xi32>
    %shift_left3A_1461 = arith.constant 1 : i32
    %shift_left3A_1462 = vector.broadcast %shift_left3A_1461 : i32 to vector<16xi32>
    %shift_left3A_1463 = arith.shli %and3A_1460, %shift_left3A_1462 : vector<16xi32>
    %add3A_1464 = arith.addi %shift_left3A_1457, %shift_left3A_1463 : vector<16xi32>
    %shift_right_arithmetic3A_1465 = arith.constant 10 : i32
    %shift_right_arithmetic3A_1466 = vector.broadcast %shift_right_arithmetic3A_1465 : i32 to vector<16xi32>
    %shift_right_arithmetic3A_1467 = arith.shrsi %add3A_1451, %shift_right_arithmetic3A_1466 : vector<16xi32>
    %and3A_1468 = arith.constant 1 : i32
    %and3A_1469 = vector.broadcast %and3A_1468 : i32 to vector<16xi32>
    %and3A_1470 = arith.andi %shift_right_arithmetic3A_1467, %and3A_1469 : vector<16xi32>
    %add3A_1471 = arith.addi %add3A_1464, %and3A_1470 : vector<16xi32>
    %swap3A_1472 = arith.constant 16 : index
    %swap3A_1473 = tpu.vector_load %arg9[%swap3A_1472] {strides = array<i32>} : memref<128xi32, #tpu.memory_space<vmem>>, vector<16xi32>,
    %swap3A_1474 = vector.shape_cast %swap3A_1473 : vector<16xi32> to vector<16xi32>
    %swap3A_1475 = vector.shape_cast %add3A_1471 : vector<16xi32> to vector<16xi32>
    tpu.vector_store %arg9[%swap3A_1472], %swap3A_1475 {strides = array<i32>} : memref<128xi32, #tpu.memory_space<vmem>>, vector<16xi32>,
    %get3A_1476 = arith.constant 32 : index
    %get3A_1477 = tpu.vector_load %arg7[%get3A_1476] {strides = array<i32>} : memref<128xi32, #tpu.memory_space<vmem>>, vector<16xi32>,
    %get3A_1478 = vector.shape_cast %get3A_1477 : vector<16xi32> to vector<16xi32>
    %shift_right_arithmetic3A_1479 = arith.constant 13 : i32
    %shift_right_arithmetic3A_1480 = vector.broadcast %shift_right_arithmetic3A_1479 : i32 to vector<16xi32>
    %shift_right_arithmetic3A_1481 = arith.shrsi %get3A_1478, %shift_right_arithmetic3A_1480 : vector<16xi32>
    %shift_left3A_1482 = arith.constant 13 : i32
    %shift_left3A_1483 = vector.broadcast %shift_left3A_1482 : i32 to vector<16xi32>
    %shift_left3A_1484 = arith.shli %shift_right_arithmetic3A_1481, %shift_left3A_1483 : vector<16xi32>
    %and3A_1485 = arith.constant 4095 : i32
    %and3A_1486 = vector.broadcast %and3A_1485 : i32 to vector<16xi32>
    %and3A_1487 = arith.andi %get3A_1478, %and3A_1486 : vector<16xi32>
    %shift_left3A_1488 = arith.constant 1 : i32
    %shift_left3A_1489 = vector.broadcast %shift_left3A_1488 : i32 to vector<16xi32>
    %shift_left3A_1490 = arith.shli %and3A_1487, %shift_left3A_1489 : vector<16xi32>
    %add3A_1491 = arith.addi %shift_left3A_1484, %shift_left3A_1490 : vector<16xi32>
    %shift_right_arithmetic3A_1492 = arith.constant 12 : i32
    %shift_right_arithmetic3A_1493 = vector.broadcast %shift_right_arithmetic3A_1492 : i32 to vector<16xi32>
    %shift_right_arithmetic3A_1494 = arith.shrsi %get3A_1478, %shift_right_arithmetic3A_1493 : vector<16xi32>
    %and3A_1495 = arith.constant 1 : i32
    %and3A_1496 = vector.broadcast %and3A_1495 : i32 to vector<16xi32>
    %and3A_1497 = arith.andi %shift_right_arithmetic3A_1494, %and3A_1496 : vector<16xi32>
    %add3A_1498 = arith.addi %add3A_1491, %and3A_1497 : vector<16xi32>
    %swap3A_1499 = arith.constant 32 : index
    %swap3A_1500 = tpu.vector_load %arg8[%swap3A_1499] {strides = array<i32>} : memref<128xi32, #tpu.memory_space<vmem>>, vector<16xi32>,
    %swap3A_1501 = vector.shape_cast %swap3A_1500 : vector<16xi32> to vector<16xi32>
    %swap3A_1502 = vector.shape_cast %add3A_1498 : vector<16xi32> to vector<16xi32>
    tpu.vector_store %arg8[%swap3A_1499], %swap3A_1502 {strides = array<i32>} : memref<128xi32, #tpu.memory_space<vmem>>, vector<16xi32>,
    %add3A_1503 = arith.constant 32 : i32
    %add3A_1504 = arith.addi %add3A_1365, %add3A_1503 : i32
    %add3A_1505 = vector.broadcast %add3A_1504 : i32 to vector<16xi32>
    %add3A_1506 = arith.addi %add3A_1505, %iota3A : vector<16xi32>
    %shift_right_arithmetic3A_1507 = arith.constant 11 : i32
    %shift_right_arithmetic3A_1508 = vector.broadcast %shift_right_arithmetic3A_1507 : i32 to vector<16xi32>
    %shift_right_arithmetic3A_1509 = arith.shrsi %add3A_1506, %shift_right_arithmetic3A_1508 : vector<16xi32>
    %shift_left3A_1510 = arith.constant 11 : i32
    %shift_left3A_1511 = vector.broadcast %shift_left3A_1510 : i32 to vector<16xi32>
    %shift_left3A_1512 = arith.shli %shift_right_arithmetic3A_1509, %shift_left3A_1511 : vector<16xi32>
    %and3A_1513 = arith.constant 1023 : i32
    %and3A_1514 = vector.broadcast %and3A_1513 : i32 to vector<16xi32>
    %and3A_1515 = arith.andi %add3A_1506, %and3A_1514 : vector<16xi32>
    %shift_left3A_1516 = arith.constant 1 : i32
    %shift_left3A_1517 = vector.broadcast %shift_left3A_1516 : i32 to vector<16xi32>
    %shift_left3A_1518 = arith.shli %and3A_1515, %shift_left3A_1517 : vector<16xi32>
    %add3A_1519 = arith.addi %shift_left3A_1512, %shift_left3A_1518 : vector<16xi32>
    %shift_right_arithmetic3A_1520 = arith.constant 10 : i32
    %shift_right_arithmetic3A_1521 = vector.broadcast %shift_right_arithmetic3A_1520 : i32 to vector<16xi32>
    %shift_right_arithmetic3A_1522 = arith.shrsi %add3A_1506, %shift_right_arithmetic3A_1521 : vector<16xi32>
    %and3A_1523 = arith.constant 1 : i32
    %and3A_1524 = vector.broadcast %and3A_1523 : i32 to vector<16xi32>
    %and3A_1525 = arith.andi %shift_right_arithmetic3A_1522, %and3A_1524 : vector<16xi32>
    %add3A_1526 = arith.addi %add3A_1519, %and3A_1525 : vector<16xi32>
    %swap3A_1527 = arith.constant 32 : index
    %swap3A_1528 = tpu.vector_load %arg9[%swap3A_1527] {strides = array<i32>} : memref<128xi32, #tpu.memory_space<vmem>>, vector<16xi32>,
    %swap3A_1529 = vector.shape_cast %swap3A_1528 : vector<16xi32> to vector<16xi32>
    %swap3A_1530 = vector.shape_cast %add3A_1526 : vector<16xi32> to vector<16xi32>
    tpu.vector_store %arg9[%swap3A_1527], %swap3A_1530 {strides = array<i32>} : memref<128xi32, #tpu.memory_space<vmem>>, vector<16xi32>,
    %get3A_1531 = arith.constant 48 : index
    %get3A_1532 = tpu.vector_load %arg7[%get3A_1531] {strides = array<i32>} : memref<128xi32, #tpu.memory_space<vmem>>, vector<16xi32>,
    %get3A_1533 = vector.shape_cast %get3A_1532 : vector<16xi32> to vector<16xi32>
    %shift_right_arithmetic3A_1534 = arith.constant 13 : i32
    %shift_right_arithmetic3A_1535 = vector.broadcast %shift_right_arithmetic3A_1534 : i32 to vector<16xi32>
    %shift_right_arithmetic3A_1536 = arith.shrsi %get3A_1533, %shift_right_arithmetic3A_1535 : vector<16xi32>
    %shift_left3A_1537 = arith.constant 13 : i32
    %shift_left3A_1538 = vector.broadcast %shift_left3A_1537 : i32 to vector<16xi32>
    %shift_left3A_1539 = arith.shli %shift_right_arithmetic3A_1536, %shift_left3A_1538 : vector<16xi32>
    %and3A_1540 = arith.constant 4095 : i32
    %and3A_1541 = vector.broadcast %and3A_1540 : i32 to vector<16xi32>
    %and3A_1542 = arith.andi %get3A_1533, %and3A_1541 : vector<16xi32>
    %shift_left3A_1543 = arith.constant 1 : i32
    %shift_left3A_1544 = vector.broadcast %shift_left3A_1543 : i32 to vector<16xi32>
    %shift_left3A_1545 = arith.shli %and3A_1542, %shift_left3A_1544 : vector<16xi32>
    %add3A_1546 = arith.addi %shift_left3A_1539, %shift_left3A_1545 : vector<16xi32>
    %shift_right_arithmetic3A_1547 = arith.constant 12 : i32
    %shift_right_arithmetic3A_1548 = vector.broadcast %shift_right_arithmetic3A_1547 : i32 to vector<16xi32>
    %shift_right_arithmetic3A_1549 = arith.shrsi %get3A_1533, %shift_right_arithmetic3A_1548 : vector<16xi32>
    %and3A_1550 = arith.constant 1 : i32
    %and3A_1551 = vector.broadcast %and3A_1550 : i32 to vector<16xi32>
    %and3A_1552 = arith.andi %shift_right_arithmetic3A_1549, %and3A_1551 : vector<16xi32>
    %add3A_1553 = arith.addi %add3A_1546, %and3A_1552 : vector<16xi32>
    %swap3A_1554 = arith.constant 48 : index
    %swap3A_1555 = tpu.vector_load %arg8[%swap3A_1554] {strides = array<i32>} : memref<128xi32, #tpu.memory_space<vmem>>, vector<16xi32>,
    %swap3A_1556 = vector.shape_cast %swap3A_1555 : vector<16xi32> to vector<16xi32>
    %swap3A_1557 = vector.shape_cast %add3A_1553 : vector<16xi32> to vector<16xi32>
    tpu.vector_store %arg8[%swap3A_1554], %swap3A_1557 {strides = array<i32>} : memref<128xi32, #tpu.memory_space<vmem>>, vector<16xi32>,
    %add3A_1558 = arith.constant 48 : i32
    %add3A_1559 = arith.addi %add3A_1365, %add3A_1558 : i32
    %add3A_1560 = vector.broadcast %add3A_1559 : i32 to vector<16xi32>
    %add3A_1561 = arith.addi %add3A_1560, %iota3A : vector<16xi32>
    %shift_right_arithmetic3A_1562 = arith.constant 11 : i32
    %shift_right_arithmetic3A_1563 = vector.broadcast %shift_right_arithmetic3A_1562 : i32 to vector<16xi32>
    %shift_right_arithmetic3A_1564 = arith.shrsi %add3A_1561, %shift_right_arithmetic3A_1563 : vector<16xi32>
    %shift_left3A_1565 = arith.constant 11 : i32
    %shift_left3A_1566 = vector.broadcast %shift_left3A_1565 : i32 to vector<16xi32>
    %shift_left3A_1567 = arith.shli %shift_right_arithmetic3A_1564, %shift_left3A_1566 : vector<16xi32>
    %and3A_1568 = arith.constant 1023 : i32
    %and3A_1569 = vector.broadcast %and3A_1568 : i32 to vector<16xi32>
    %and3A_1570 = arith.andi %add3A_1561, %and3A_1569 : vector<16xi32>
    %shift_left3A_1571 = arith.constant 1 : i32
    %shift_left3A_1572 = vector.broadcast %shift_left3A_1571 : i32 to vector<16xi32>
    %shift_left3A_1573 = arith.shli %and3A_1570, %shift_left3A_1572 : vector<16xi32>
    %add3A_1574 = arith.addi %shift_left3A_1567, %shift_left3A_1573 : vector<16xi32>
    %shift_right_arithmetic3A_1575 = arith.constant 10 : i32
    %shift_right_arithmetic3A_1576 = vector.broadcast %shift_right_arithmetic3A_1575 : i32 to vector<16xi32>
    %shift_right_arithmetic3A_1577 = arith.shrsi %add3A_1561, %shift_right_arithmetic3A_1576 : vector<16xi32>
    %and3A_1578 = arith.constant 1 : i32
    %and3A_1579 = vector.broadcast %and3A_1578 : i32 to vector<16xi32>
    %and3A_1580 = arith.andi %shift_right_arithmetic3A_1577, %and3A_1579 : vector<16xi32>
    %add3A_1581 = arith.addi %add3A_1574, %and3A_1580 : vector<16xi32>
    %swap3A_1582 = arith.constant 48 : index
    %swap3A_1583 = tpu.vector_load %arg9[%swap3A_1582] {strides = array<i32>} : memref<128xi32, #tpu.memory_space<vmem>>, vector<16xi32>,
    %swap3A_1584 = vector.shape_cast %swap3A_1583 : vector<16xi32> to vector<16xi32>
    %swap3A_1585 = vector.shape_cast %add3A_1581 : vector<16xi32> to vector<16xi32>
    tpu.vector_store %arg9[%swap3A_1582], %swap3A_1585 {strides = array<i32>} : memref<128xi32, #tpu.memory_space<vmem>>, vector<16xi32>,
    %get3A_1586 = arith.constant 64 : index
    %get3A_1587 = tpu.vector_load %arg7[%get3A_1586] {strides = array<i32>} : memref<128xi32, #tpu.memory_space<vmem>>, vector<16xi32>,
    %get3A_1588 = vector.shape_cast %get3A_1587 : vector<16xi32> to vector<16xi32>
    %shift_right_arithmetic3A_1589 = arith.constant 13 : i32
    %shift_right_arithmetic3A_1590 = vector.broadcast %shift_right_arithmetic3A_1589 : i32 to vector<16xi32>
    %shift_right_arithmetic3A_1591 = arith.shrsi %get3A_1588, %shift_right_arithmetic3A_1590 : vector<16xi32>
    %shift_left3A_1592 = arith.constant 13 : i32
    %shift_left3A_1593 = vector.broadcast %shift_left3A_1592 : i32 to vector<16xi32>
    %shift_left3A_1594 = arith.shli %shift_right_arithmetic3A_1591, %shift_left3A_1593 : vector<16xi32>
    %and3A_1595 = arith.constant 4095 : i32
    %and3A_1596 = vector.broadcast %and3A_1595 : i32 to vector<16xi32>
    %and3A_1597 = arith.andi %get3A_1588, %and3A_1596 : vector<16xi32>
    %shift_left3A_1598 = arith.constant 1 : i32
    %shift_left3A_1599 = vector.broadcast %shift_left3A_1598 : i32 to vector<16xi32>
    %shift_left3A_1600 = arith.shli %and3A_1597, %shift_left3A_1599 : vector<16xi32>
    %add3A_1601 = arith.addi %shift_left3A_1594, %shift_left3A_1600 : vector<16xi32>
    %shift_right_arithmetic3A_1602 = arith.constant 12 : i32
    %shift_right_arithmetic3A_1603 = vector.broadcast %shift_right_arithmetic3A_1602 : i32 to vector<16xi32>
    %shift_right_arithmetic3A_1604 = arith.shrsi %get3A_1588, %shift_right_arithmetic3A_1603 : vector<16xi32>
    %and3A_1605 = arith.constant 1 : i32
    %and3A_1606 = vector.broadcast %and3A_1605 : i32 to vector<16xi32>
    %and3A_1607 = arith.andi %shift_right_arithmetic3A_1604, %and3A_1606 : vector<16xi32>
    %add3A_1608 = arith.addi %add3A_1601, %and3A_1607 : vector<16xi32>
    %swap3A_1609 = arith.constant 64 : index
    %swap3A_1610 = tpu.vector_load %arg8[%swap3A_1609] {strides = array<i32>} : memref<128xi32, #tpu.memory_space<vmem>>, vector<16xi32>,
    %swap3A_1611 = vector.shape_cast %swap3A_1610 : vector<16xi32> to vector<16xi32>
    %swap3A_1612 = vector.shape_cast %add3A_1608 : vector<16xi32> to vector<16xi32>
    tpu.vector_store %arg8[%swap3A_1609], %swap3A_1612 {strides = array<i32>} : memref<128xi32, #tpu.memory_space<vmem>>, vector<16xi32>,
    %add3A_1613 = arith.constant 64 : i32
    %add3A_1614 = arith.addi %add3A_1365, %add3A_1613 : i32
    %add3A_1615 = vector.broadcast %add3A_1614 : i32 to vector<16xi32>
    %add3A_1616 = arith.addi %add3A_1615, %iota3A : vector<16xi32>
    %shift_right_arithmetic3A_1617 = arith.constant 11 : i32
    %shift_right_arithmetic3A_1618 = vector.broadcast %shift_right_arithmetic3A_1617 : i32 to vector<16xi32>
    %shift_right_arithmetic3A_1619 = arith.shrsi %add3A_1616, %shift_right_arithmetic3A_1618 : vector<16xi32>
    %shift_left3A_1620 = arith.constant 11 : i32
    %shift_left3A_1621 = vector.broadcast %shift_left3A_1620 : i32 to vector<16xi32>
    %shift_left3A_1622 = arith.shli %shift_right_arithmetic3A_1619, %shift_left3A_1621 : vector<16xi32>
    %and3A_1623 = arith.constant 1023 : i32
    %and3A_1624 = vector.broadcast %and3A_1623 : i32 to vector<16xi32>
    %and3A_1625 = arith.andi %add3A_1616, %and3A_1624 : vector<16xi32>
    %shift_left3A_1626 = arith.constant 1 : i32
    %shift_left3A_1627 = vector.broadcast %shift_left3A_1626 : i32 to vector<16xi32>
    %shift_left3A_1628 = arith.shli %and3A_1625, %shift_left3A_1627 : vector<16xi32>
    %add3A_1629 = arith.addi %shift_left3A_1622, %shift_left3A_1628 : vector<16xi32>
    %shift_right_arithmetic3A_1630 = arith.constant 10 : i32
    %shift_right_arithmetic3A_1631 = vector.broadcast %shift_right_arithmetic3A_1630 : i32 to vector<16xi32>
    %shift_right_arithmetic3A_1632 = arith.shrsi %add3A_1616, %shift_right_arithmetic3A_1631 : vector<16xi32>
    %and3A_1633 = arith.constant 1 : i32
    %and3A_1634 = vector.broadcast %and3A_1633 : i32 to vector<16xi32>
    %and3A_1635 = arith.andi %shift_right_arithmetic3A_1632, %and3A_1634 : vector<16xi32>
    %add3A_1636 = arith.addi %add3A_1629, %and3A_1635 : vector<16xi32>
    %swap3A_1637 = arith.constant 64 : index
    %swap3A_1638 = tpu.vector_load %arg9[%swap3A_1637] {strides = array<i32>} : memref<128xi32, #tpu.memory_space<vmem>>, vector<16xi32>,
    %swap3A_1639 = vector.shape_cast %swap3A_1638 : vector<16xi32> to vector<16xi32>
    %swap3A_1640 = vector.shape_cast %add3A_1636 : vector<16xi32> to vector<16xi32>
    tpu.vector_store %arg9[%swap3A_1637], %swap3A_1640 {strides = array<i32>} : memref<128xi32, #tpu.memory_space<vmem>>, vector<16xi32>,
    %get3A_1641 = arith.constant 80 : index
    %get3A_1642 = tpu.vector_load %arg7[%get3A_1641] {strides = array<i32>} : memref<128xi32, #tpu.memory_space<vmem>>, vector<16xi32>,
    %get3A_1643 = vector.shape_cast %get3A_1642 : vector<16xi32> to vector<16xi32>
    %shift_right_arithmetic3A_1644 = arith.constant 13 : i32
    %shift_right_arithmetic3A_1645 = vector.broadcast %shift_right_arithmetic3A_1644 : i32 to vector<16xi32>
    %shift_right_arithmetic3A_1646 = arith.shrsi %get3A_1643, %shift_right_arithmetic3A_1645 : vector<16xi32>
    %shift_left3A_1647 = arith.constant 13 : i32
    %shift_left3A_1648 = vector.broadcast %shift_left3A_1647 : i32 to vector<16xi32>
    %shift_left3A_1649 = arith.shli %shift_right_arithmetic3A_1646, %shift_left3A_1648 : vector<16xi32>
    %and3A_1650 = arith.constant 4095 : i32
    %and3A_1651 = vector.broadcast %and3A_1650 : i32 to vector<16xi32>
    %and3A_1652 = arith.andi %get3A_1643, %and3A_1651 : vector<16xi32>
    %shift_left3A_1653 = arith.constant 1 : i32
    %shift_left3A_1654 = vector.broadcast %shift_left3A_1653 : i32 to vector<16xi32>
    %shift_left3A_1655 = arith.shli %and3A_1652, %shift_left3A_1654 : vector<16xi32>
    %add3A_1656 = arith.addi %shift_left3A_1649, %shift_left3A_1655 : vector<16xi32>
    %shift_right_arithmetic3A_1657 = arith.constant 12 : i32
    %shift_right_arithmetic3A_1658 = vector.broadcast %shift_right_arithmetic3A_1657 : i32 to vector<16xi32>
    %shift_right_arithmetic3A_1659 = arith.shrsi %get3A_1643, %shift_right_arithmetic3A_1658 : vector<16xi32>
    %and3A_1660 = arith.constant 1 : i32
    %and3A_1661 = vector.broadcast %and3A_1660 : i32 to vector<16xi32>
    %and3A_1662 = arith.andi %shift_right_arithmetic3A_1659, %and3A_1661 : vector<16xi32>
    %add3A_1663 = arith.addi %add3A_1656, %and3A_1662 : vector<16xi32>
    %swap3A_1664 = arith.constant 80 : index
    %swap3A_1665 = tpu.vector_load %arg8[%swap3A_1664] {strides = array<i32>} : memref<128xi32, #tpu.memory_space<vmem>>, vector<16xi32>,
    %swap3A_1666 = vector.shape_cast %swap3A_1665 : vector<16xi32> to vector<16xi32>
    %swap3A_1667 = vector.shape_cast %add3A_1663 : vector<16xi32> to vector<16xi32>
    tpu.vector_store %arg8[%swap3A_1664], %swap3A_1667 {strides = array<i32>} : memref<128xi32, #tpu.memory_space<vmem>>, vector<16xi32>,
    %add3A_1668 = arith.constant 80 : i32
    %add3A_1669 = arith.addi %add3A_1365, %add3A_1668 : i32
    %add3A_1670 = vector.broadcast %add3A_1669 : i32 to vector<16xi32>
    %add3A_1671 = arith.addi %add3A_1670, %iota3A : vector<16xi32>
    %shift_right_arithmetic3A_1672 = arith.constant 11 : i32
    %shift_right_arithmetic3A_1673 = vector.broadcast %shift_right_arithmetic3A_1672 : i32 to vector<16xi32>
    %shift_right_arithmetic3A_1674 = arith.shrsi %add3A_1671, %shift_right_arithmetic3A_1673 : vector<16xi32>
    %shift_left3A_1675 = arith.constant 11 : i32
    %shift_left3A_1676 = vector.broadcast %shift_left3A_1675 : i32 to vector<16xi32>
    %shift_left3A_1677 = arith.shli %shift_right_arithmetic3A_1674, %shift_left3A_1676 : vector<16xi32>
    %and3A_1678 = arith.constant 1023 : i32
    %and3A_1679 = vector.broadcast %and3A_1678 : i32 to vector<16xi32>
    %and3A_1680 = arith.andi %add3A_1671, %and3A_1679 : vector<16xi32>
    %shift_left3A_1681 = arith.constant 1 : i32
    %shift_left3A_1682 = vector.broadcast %shift_left3A_1681 : i32 to vector<16xi32>
    %shift_left3A_1683 = arith.shli %and3A_1680, %shift_left3A_1682 : vector<16xi32>
    %add3A_1684 = arith.addi %shift_left3A_1677, %shift_left3A_1683 : vector<16xi32>
    %shift_right_arithmetic3A_1685 = arith.constant 10 : i32
    %shift_right_arithmetic3A_1686 = vector.broadcast %shift_right_arithmetic3A_1685 : i32 to vector<16xi32>
    %shift_right_arithmetic3A_1687 = arith.shrsi %add3A_1671, %shift_right_arithmetic3A_1686 : vector<16xi32>
    %and3A_1688 = arith.constant 1 : i32
    %and3A_1689 = vector.broadcast %and3A_1688 : i32 to vector<16xi32>
    %and3A_1690 = arith.andi %shift_right_arithmetic3A_1687, %and3A_1689 : vector<16xi32>
    %add3A_1691 = arith.addi %add3A_1684, %and3A_1690 : vector<16xi32>
    %swap3A_1692 = arith.constant 80 : index
    %swap3A_1693 = tpu.vector_load %arg9[%swap3A_1692] {strides = array<i32>} : memref<128xi32, #tpu.memory_space<vmem>>, vector<16xi32>,
    %swap3A_1694 = vector.shape_cast %swap3A_1693 : vector<16xi32> to vector<16xi32>
    %swap3A_1695 = vector.shape_cast %add3A_1691 : vector<16xi32> to vector<16xi32>
    tpu.vector_store %arg9[%swap3A_1692], %swap3A_1695 {strides = array<i32>} : memref<128xi32, #tpu.memory_space<vmem>>, vector<16xi32>,
    %get3A_1696 = arith.constant 96 : index
    %get3A_1697 = tpu.vector_load %arg7[%get3A_1696] {strides = array<i32>} : memref<128xi32, #tpu.memory_space<vmem>>, vector<16xi32>,
    %get3A_1698 = vector.shape_cast %get3A_1697 : vector<16xi32> to vector<16xi32>
    %shift_right_arithmetic3A_1699 = arith.constant 13 : i32
    %shift_right_arithmetic3A_1700 = vector.broadcast %shift_right_arithmetic3A_1699 : i32 to vector<16xi32>
    %shift_right_arithmetic3A_1701 = arith.shrsi %get3A_1698, %shift_right_arithmetic3A_1700 : vector<16xi32>
    %shift_left3A_1702 = arith.constant 13 : i32
    %shift_left3A_1703 = vector.broadcast %shift_left3A_1702 : i32 to vector<16xi32>
    %shift_left3A_1704 = arith.shli %shift_right_arithmetic3A_1701, %shift_left3A_1703 : vector<16xi32>
    %and3A_1705 = arith.constant 4095 : i32
    %and3A_1706 = vector.broadcast %and3A_1705 : i32 to vector<16xi32>
    %and3A_1707 = arith.andi %get3A_1698, %and3A_1706 : vector<16xi32>
    %shift_left3A_1708 = arith.constant 1 : i32
    %shift_left3A_1709 = vector.broadcast %shift_left3A_1708 : i32 to vector<16xi32>
    %shift_left3A_1710 = arith.shli %and3A_1707, %shift_left3A_1709 : vector<16xi32>
    %add3A_1711 = arith.addi %shift_left3A_1704, %shift_left3A_1710 : vector<16xi32>
    %shift_right_arithmetic3A_1712 = arith.constant 12 : i32
    %shift_right_arithmetic3A_1713 = vector.broadcast %shift_right_arithmetic3A_1712 : i32 to vector<16xi32>
    %shift_right_arithmetic3A_1714 = arith.shrsi %get3A_1698, %shift_right_arithmetic3A_1713 : vector<16xi32>
    %and3A_1715 = arith.constant 1 : i32
    %and3A_1716 = vector.broadcast %and3A_1715 : i32 to vector<16xi32>
    %and3A_1717 = arith.andi %shift_right_arithmetic3A_1714, %and3A_1716 : vector<16xi32>
    %add3A_1718 = arith.addi %add3A_1711, %and3A_1717 : vector<16xi32>
    %swap3A_1719 = arith.constant 96 : index
    %swap3A_1720 = tpu.vector_load %arg8[%swap3A_1719] {strides = array<i32>} : memref<128xi32, #tpu.memory_space<vmem>>, vector<16xi32>,
    %swap3A_1721 = vector.shape_cast %swap3A_1720 : vector<16xi32> to vector<16xi32>
    %swap3A_1722 = vector.shape_cast %add3A_1718 : vector<16xi32> to vector<16xi32>
    tpu.vector_store %arg8[%swap3A_1719], %swap3A_1722 {strides = array<i32>} : memref<128xi32, #tpu.memory_space<vmem>>, vector<16xi32>,
    %add3A_1723 = arith.constant 96 : i32
    %add3A_1724 = arith.addi %add3A_1365, %add3A_1723 : i32
    %add3A_1725 = vector.broadcast %add3A_1724 : i32 to vector<16xi32>
    %add3A_1726 = arith.addi %add3A_1725, %iota3A : vector<16xi32>
    %shift_right_arithmetic3A_1727 = arith.constant 11 : i32
    %shift_right_arithmetic3A_1728 = vector.broadcast %shift_right_arithmetic3A_1727 : i32 to vector<16xi32>
    %shift_right_arithmetic3A_1729 = arith.shrsi %add3A_1726, %shift_right_arithmetic3A_1728 : vector<16xi32>
    %shift_left3A_1730 = arith.constant 11 : i32
    %shift_left3A_1731 = vector.broadcast %shift_left3A_1730 : i32 to vector<16xi32>
    %shift_left3A_1732 = arith.shli %shift_right_arithmetic3A_1729, %shift_left3A_1731 : vector<16xi32>
    %and3A_1733 = arith.constant 1023 : i32
    %and3A_1734 = vector.broadcast %and3A_1733 : i32 to vector<16xi32>
    %and3A_1735 = arith.andi %add3A_1726, %and3A_1734 : vector<16xi32>
    %shift_left3A_1736 = arith.constant 1 : i32
    %shift_left3A_1737 = vector.broadcast %shift_left3A_1736 : i32 to vector<16xi32>
    %shift_left3A_1738 = arith.shli %and3A_1735, %shift_left3A_1737 : vector<16xi32>
    %add3A_1739 = arith.addi %shift_left3A_1732, %shift_left3A_1738 : vector<16xi32>
    %shift_right_arithmetic3A_1740 = arith.constant 10 : i32
    %shift_right_arithmetic3A_1741 = vector.broadcast %shift_right_arithmetic3A_1740 : i32 to vector<16xi32>
    %shift_right_arithmetic3A_1742 = arith.shrsi %add3A_1726, %shift_right_arithmetic3A_1741 : vector<16xi32>
    %and3A_1743 = arith.constant 1 : i32
    %and3A_1744 = vector.broadcast %and3A_1743 : i32 to vector<16xi32>
    %and3A_1745 = arith.andi %shift_right_arithmetic3A_1742, %and3A_1744 : vector<16xi32>
    %add3A_1746 = arith.addi %add3A_1739, %and3A_1745 : vector<16xi32>
    %swap3A_1747 = arith.constant 96 : index
    %swap3A_1748 = tpu.vector_load %arg9[%swap3A_1747] {strides = array<i32>} : memref<128xi32, #tpu.memory_space<vmem>>, vector<16xi32>,
    %swap3A_1749 = vector.shape_cast %swap3A_1748 : vector<16xi32> to vector<16xi32>
    %swap3A_1750 = vector.shape_cast %add3A_1746 : vector<16xi32> to vector<16xi32>
    tpu.vector_store %arg9[%swap3A_1747], %swap3A_1750 {strides = array<i32>} : memref<128xi32, #tpu.memory_space<vmem>>, vector<16xi32>,
    %get3A_1751 = arith.constant 112 : index
    %get3A_1752 = tpu.vector_load %arg7[%get3A_1751] {strides = array<i32>} : memref<128xi32, #tpu.memory_space<vmem>>, vector<16xi32>,
    %get3A_1753 = vector.shape_cast %get3A_1752 : vector<16xi32> to vector<16xi32>
    %shift_right_arithmetic3A_1754 = arith.constant 13 : i32
    %shift_right_arithmetic3A_1755 = vector.broadcast %shift_right_arithmetic3A_1754 : i32 to vector<16xi32>
    %shift_right_arithmetic3A_1756 = arith.shrsi %get3A_1753, %shift_right_arithmetic3A_1755 : vector<16xi32>
    %shift_left3A_1757 = arith.constant 13 : i32
    %shift_left3A_1758 = vector.broadcast %shift_left3A_1757 : i32 to vector<16xi32>
    %shift_left3A_1759 = arith.shli %shift_right_arithmetic3A_1756, %shift_left3A_1758 : vector<16xi32>
    %and3A_1760 = arith.constant 4095 : i32
    %and3A_1761 = vector.broadcast %and3A_1760 : i32 to vector<16xi32>
    %and3A_1762 = arith.andi %get3A_1753, %and3A_1761 : vector<16xi32>
    %shift_left3A_1763 = arith.constant 1 : i32
    %shift_left3A_1764 = vector.broadcast %shift_left3A_1763 : i32 to vector<16xi32>
    %shift_left3A_1765 = arith.shli %and3A_1762, %shift_left3A_1764 : vector<16xi32>
    %add3A_1766 = arith.addi %shift_left3A_1759, %shift_left3A_1765 : vector<16xi32>
    %shift_right_arithmetic3A_1767 = arith.constant 12 : i32
    %shift_right_arithmetic3A_1768 = vector.broadcast %shift_right_arithmetic3A_1767 : i32 to vector<16xi32>
    %shift_right_arithmetic3A_1769 = arith.shrsi %get3A_1753, %shift_right_arithmetic3A_1768 : vector<16xi32>
    %and3A_1770 = arith.constant 1 : i32
    %and3A_1771 = vector.broadcast %and3A_1770 : i32 to vector<16xi32>
    %and3A_1772 = arith.andi %shift_right_arithmetic3A_1769, %and3A_1771 : vector<16xi32>
    %add3A_1773 = arith.addi %add3A_1766, %and3A_1772 : vector<16xi32>
    %swap3A_1774 = arith.constant 112 : index
    %swap3A_1775 = tpu.vector_load %arg8[%swap3A_1774] {strides = array<i32>} : memref<128xi32, #tpu.memory_space<vmem>>, vector<16xi32>,
    %swap3A_1776 = vector.shape_cast %swap3A_1775 : vector<16xi32> to vector<16xi32>
    %swap3A_1777 = vector.shape_cast %add3A_1773 : vector<16xi32> to vector<16xi32>
    tpu.vector_store %arg8[%swap3A_1774], %swap3A_1777 {strides = array<i32>} : memref<128xi32, #tpu.memory_space<vmem>>, vector<16xi32>,
    %add3A_1778 = arith.constant 112 : i32
    %add3A_1779 = arith.addi %add3A_1365, %add3A_1778 : i32
    %add3A_1780 = vector.broadcast %add3A_1779 : i32 to vector<16xi32>
    %add3A_1781 = arith.addi %add3A_1780, %iota3A : vector<16xi32>
    %shift_right_arithmetic3A_1782 = arith.constant 11 : i32
    %shift_right_arithmetic3A_1783 = vector.broadcast %shift_right_arithmetic3A_1782 : i32 to vector<16xi32>
    %shift_right_arithmetic3A_1784 = arith.shrsi %add3A_1781, %shift_right_arithmetic3A_1783 : vector<16xi32>
    %shift_left3A_1785 = arith.constant 11 : i32
    %shift_left3A_1786 = vector.broadcast %shift_left3A_1785 : i32 to vector<16xi32>
    %shift_left3A_1787 = arith.shli %shift_right_arithmetic3A_1784, %shift_left3A_1786 : vector<16xi32>
    %and3A_1788 = arith.constant 1023 : i32
    %and3A_1789 = vector.broadcast %and3A_1788 : i32 to vector<16xi32>
    %and3A_1790 = arith.andi %add3A_1781, %and3A_1789 : vector<16xi32>
    %shift_left3A_1791 = arith.constant 1 : i32
    %shift_left3A_1792 = vector.broadcast %shift_left3A_1791 : i32 to vector<16xi32>
    %shift_left3A_1793 = arith.shli %and3A_1790, %shift_left3A_1792 : vector<16xi32>
    %add3A_1794 = arith.addi %shift_left3A_1787, %shift_left3A_1793 : vector<16xi32>
    %shift_right_arithmetic3A_1795 = arith.constant 10 : i32
    %shift_right_arithmetic3A_1796 = vector.broadcast %shift_right_arithmetic3A_1795 : i32 to vector<16xi32>
    %shift_right_arithmetic3A_1797 = arith.shrsi %add3A_1781, %shift_right_arithmetic3A_1796 : vector<16xi32>
    %and3A_1798 = arith.constant 1 : i32
    %and3A_1799 = vector.broadcast %and3A_1798 : i32 to vector<16xi32>
    %and3A_1800 = arith.andi %shift_right_arithmetic3A_1797, %and3A_1799 : vector<16xi32>
    %add3A_1801 = arith.addi %add3A_1794, %and3A_1800 : vector<16xi32>
    %swap3A_1802 = arith.constant 112 : index
    %swap3A_1803 = tpu.vector_load %arg9[%swap3A_1802] {strides = array<i32>} : memref<128xi32, #tpu.memory_space<vmem>>, vector<16xi32>,
    %swap3A_1804 = vector.shape_cast %swap3A_1803 : vector<16xi32> to vector<16xi32>
    %swap3A_1805 = vector.shape_cast %add3A_1801 : vector<16xi32> to vector<16xi32>
    tpu.vector_store %arg9[%swap3A_1802], %swap3A_1805 {strides = array<i32>} : memref<128xi32, #tpu.memory_space<vmem>>, vector<16xi32>,
    %dma_wait3A_1806 = arith.constant 0 : i32
    %dma_wait3A_1807 = arith.constant 0 : i32
    %dma_wait3A_1808 = tpu.memref_slice %arg5[%dma_wait3A_1806, %dma_wait3A_1807] : memref<8192x64xi32, #tpu.memory_space<hbm>> -> memref<8192x64xi32, #tpu.memory_space<hbm>>
    tpu.wait_indirect_dma semaphore(%arg13 : memref<!tpu.dma_semaphore, #tpu.memory_space<semaphore_mem>>) src(%arg11 : memref<128x64xi32, #tpu.memory_space<vmem>>) dst(%dma_wait3A_1808 : memref<8192x64xi32, #tpu.memory_space<hbm>>)
    %dma_start3A_1809 = arith.constant 0 : i32
    %dma_start3A_1810 = arith.constant 0 : i32
    %dma_start3A_1811 = tpu.memref_slice %arg4[%dma_start3A_1809, %dma_start3A_1810] : memref<106496x64xi32, #tpu.memory_space<hbm>> -> memref<106496x64xi32, #tpu.memory_space<hbm>>
    tpu.enqueue_indirect_dma source(%dma_start3A_1811 : memref<106496x64xi32, #tpu.memory_space<hbm>>) target(%arg11 : memref<128x64xi32, #tpu.memory_space<vmem>>) offsets(%arg8 : memref<128xi32, #tpu.memory_space<vmem>>) semaphore(%arg12 : memref<!tpu.dma_semaphore, #tpu.memory_space<semaphore_mem>>)
    %dma_wait3A_1812 = arith.constant 0 : i32
    %dma_wait3A_1813 = arith.constant 0 : i32
    %dma_wait3A_1814 = tpu.memref_slice %arg4[%dma_wait3A_1812, %dma_wait3A_1813] : memref<106496x64xi32, #tpu.memory_space<hbm>> -> memref<106496x64xi32, #tpu.memory_space<hbm>>
    tpu.wait_indirect_dma semaphore(%arg12 : memref<!tpu.dma_semaphore, #tpu.memory_space<semaphore_mem>>) src(%dma_wait3A_1814 : memref<106496x64xi32, #tpu.memory_space<hbm>>) dst(%arg11 : memref<128x64xi32, #tpu.memory_space<vmem>>)
    %dma_start3A_1815 = arith.constant 0 : i32
    %dma_start3A_1816 = arith.constant 0 : i32
    %dma_start3A_1817 = tpu.memref_slice %arg6[%dma_start3A_1815, %dma_start3A_1816] : memref<8192x64xi32, #tpu.memory_space<hbm>> -> memref<8192x64xi32, #tpu.memory_space<hbm>>
    tpu.enqueue_indirect_dma source(%arg11 : memref<128x64xi32, #tpu.memory_space<vmem>>) target(%dma_start3A_1817 : memref<8192x64xi32, #tpu.memory_space<hbm>>) offsets(%arg9 : memref<128xi32, #tpu.memory_space<vmem>>) semaphore(%arg13 : memref<!tpu.dma_semaphore, #tpu.memory_space<semaphore_mem>>)
    %dma_wait3A_1818 = arith.constant 0 : i32
    %dma_wait3A_1819 = arith.constant 0 : i32
    %dma_wait3A_1820 = tpu.memref_slice %arg6[%dma_wait3A_1818, %dma_wait3A_1819] : memref<8192x64xi32, #tpu.memory_space<hbm>> -> memref<8192x64xi32, #tpu.memory_space<hbm>>
    tpu.wait_indirect_dma semaphore(%arg13 : memref<!tpu.dma_semaphore, #tpu.memory_space<semaphore_mem>>) src(%arg10 : memref<128x64xi32, #tpu.memory_space<vmem>>) dst(%dma_wait3A_1820 : memref<8192x64xi32, #tpu.memory_space<hbm>>)
    %dma_wait3A_1821 = arith.constant 0 : i32
    %dma_wait3A_1822 = arith.constant 0 : i32
    %dma_wait3A_1823 = tpu.memref_slice %arg6[%dma_wait3A_1821, %dma_wait3A_1822] : memref<8192x64xi32, #tpu.memory_space<hbm>> -> memref<8192x64xi32, #tpu.memory_space<hbm>>
    tpu.wait_indirect_dma semaphore(%arg13 : memref<!tpu.dma_semaphore, #tpu.memory_space<semaphore_mem>>) src(%arg11 : memref<128x64xi32, #tpu.memory_space<vmem>>) dst(%dma_wait3A_1823 : memref<8192x64xi32, #tpu.memory_space<hbm>>)
    return
  }
}

module attributes {stable_mosaic.version = 14 : i64} {
  func.func @_tr_body(%arg0: i32, %arg1: memref<100x8192xf32, #tpu.memory_space<vmem>>, %arg2: memref<4096x128xi32, #tpu.memory_space<vmem>>) attributes {dimension_semantics = [#tpu.dimension_semantics<arbitrary>], iteration_bounds = array<i64: 13>, scalar_prefetch = 0 : i64, scratch_operands = 0 : i64, tpu.core_type = #tpu.core_type<tc>, window_params = [{transform_indices = @transform_0, window_bounds = array<i64: 100, 8192>}, {transform_indices = @transform_1, window_bounds = array<i64: 4096, 128>}]} {
    %get3A = arith.constant 0 : index
    %get3A_0 = arith.constant 0 : index
    %get3A_1 = vector.load %arg1[%get3A, %get3A_0] : memref<100x8192xf32, #tpu.memory_space<vmem>>, vector<100x8192xf32>
    %transpose3A = tpu.transpose %get3A_1, [1, 0] : vector<100x8192xf32> -> vector<8192x100xf32>
    %jit3A = arith.constant 0 : i32
    %convert_element_type3A = arith.sitofp %jit3A : i32 to f32
    %pad3A = vector.broadcast %convert_element_type3A : f32 to vector<8192x28xf32>
    %pad3A_2 = tpu.concatenate %transpose3A, %pad3A in 1 : vector<8192x100xf32>, vector<8192x28xf32> -> vector<8192x128xf32>
    %bitcast_convert_type3A = tpu.bitcast %pad3A_2 : vector<8192x128xf32> -> vector<8192x128xi32>
    %add3A = arith.constant 32767 : i32
    %add3A_3 = vector.broadcast %add3A : i32 to vector<8192x128xi32>
    %add3A_4 = arith.addi %bitcast_convert_type3A, %add3A_3 : vector<8192x128xi32>
    %shift_right_logical3A = arith.constant 16 : i32
    %shift_right_logical3A_5 = vector.broadcast %shift_right_logical3A : i32 to vector<8192x128xi32>
    %shift_right_logical3A_6 = arith.shrui %bitcast_convert_type3A, %shift_right_logical3A_5 : vector<8192x128xi32>
    %and3A = arith.constant 1 : i32
    %and3A_7 = vector.broadcast %and3A : i32 to vector<8192x128xi32>
    %and3A_8 = arith.andi %shift_right_logical3A_6, %and3A_7 : vector<8192x128xi32>
    %add3A_9 = arith.addi %add3A_4, %and3A_8 : vector<8192x128xi32>
    %shift_right_logical3A_10 = arith.constant 16 : i32
    %shift_right_logical3A_11 = vector.broadcast %shift_right_logical3A_10 : i32 to vector<8192x128xi32>
    %shift_right_logical3A_12 = arith.shrui %add3A_9, %shift_right_logical3A_11 : vector<8192x128xi32>
    %slice3A = vector.extract_strided_slice %shift_right_logical3A_12 {offsets = [0, 0], sizes = [8192, 64], strides = [1, 1]} : vector<8192x128xi32> to vector<8192x64xi32>
    %slice3A_13 = vector.extract_strided_slice %shift_right_logical3A_12 {offsets = [0, 64], sizes = [8192, 64], strides = [1, 1]} : vector<8192x128xi32> to vector<8192x64xi32>
    %shift_left3A = arith.constant 16 : i32
    %shift_left3A_14 = vector.broadcast %shift_left3A : i32 to vector<8192x64xi32>
    %shift_left3A_15 = arith.shli %slice3A_13, %shift_left3A_14 : vector<8192x64xi32>
    %or3A = arith.ori %slice3A, %shift_left3A_15 : vector<8192x64xi32>
    %slice3A_16 = vector.extract_strided_slice %or3A {offsets = [0, 0], sizes = [4096, 64], strides = [1, 1]} : vector<8192x64xi32> to vector<4096x64xi32>
    %slice3A_17 = vector.extract_strided_slice %or3A {offsets = [4096, 0], sizes = [4096, 64], strides = [1, 1]} : vector<8192x64xi32> to vector<4096x64xi32>
    %concatenate3A = tpu.concatenate %slice3A_16, %slice3A_17 in 1 : vector<4096x64xi32>, vector<4096x64xi32> -> vector<4096x128xi32>
    %swap3A = arith.constant 0 : index
    %swap3A_18 = arith.constant 0 : index
    %swap3A_19 = vector.load %arg2[%swap3A, %swap3A_18] : memref<4096x128xi32, #tpu.memory_space<vmem>>, vector<4096x128xi32>
    tpu.vector_store %arg2[%swap3A, %swap3A_18], %concatenate3A {strides = array<i32>} : memref<4096x128xi32, #tpu.memory_space<vmem>>, vector<4096x128xi32>,
    return
  }
  func.func @transform_0(%arg0: i32) -> (i32, i32) {
    %c0_i32 = arith.constant 0 : i32
    %c0_i32_0 = arith.constant 0 : i32
    return %c0_i32, %arg0 : i32, i32
  }
  func.func @transform_1(%arg0: i32) -> (i32, i32) {
    %c0_i32 = arith.constant 0 : i32
    %c0_i32_0 = arith.constant 0 : i32
    return %arg0, %c0_i32 : i32, i32
  }
}

module attributes {stable_mosaic.version = 14 : i64} {
  func.func @_mlp_body(%arg0: i32, %arg1: memref<1024x128xi32, #tpu.memory_space<vmem>>, %arg2: memref<1024x128xi32, #tpu.memory_space<vmem>>, %arg3: memref<384x64xbf16, #tpu.memory_space<vmem>>, %arg4: memref<1x64xf32, #tpu.memory_space<vmem>>, %arg5: memref<64x1xf32, #tpu.memory_space<vmem>>, %arg6: memref<1x1xf32, #tpu.memory_space<vmem>>, %arg7: memref<1x2048xf32, #tpu.memory_space<vmem>>) attributes {dimension_semantics = [#tpu.dimension_semantics<arbitrary>], iteration_bounds = array<i64: 4>, scalar_prefetch = 0 : i64, scratch_operands = 0 : i64, tpu.core_type = #tpu.core_type<tc>, window_params = [{transform_indices = @transform_0, window_bounds = array<i64: 1024, 128>}, {transform_indices = @transform_1, window_bounds = array<i64: 1024, 128>}, {pipeline_mode = #tpu.pipeline_mode<synchronous>, transform_indices = @transform_2, window_bounds = array<i64: 384, 64>}, {pipeline_mode = #tpu.pipeline_mode<synchronous>, transform_indices = @transform_3, window_bounds = array<i64: 1, 64>}, {pipeline_mode = #tpu.pipeline_mode<synchronous>, transform_indices = @transform_4, window_bounds = array<i64: 64, 1>}, {pipeline_mode = #tpu.pipeline_mode<synchronous>, transform_indices = @transform_5, window_bounds = array<i64: 1, 1>}, {transform_indices = @transform_6, window_bounds = array<i64: 1, 2048>}]} {
    %get3A = arith.constant 0 : index
    %get3A_0 = arith.constant 0 : index
    %get3A_1 = vector.load %arg1[%get3A, %get3A_0] : memref<1024x128xi32, #tpu.memory_space<vmem>>, vector<1024x128xi32>
    %get3A_2 = arith.constant 0 : index
    %get3A_3 = arith.constant 0 : index
    %get3A_4 = vector.load %arg2[%get3A_2, %get3A_3] : memref<1024x128xi32, #tpu.memory_space<vmem>>, vector<1024x128xi32>
    %shift_left3A = arith.constant 16 : i32
    %shift_left3A_5 = vector.broadcast %shift_left3A : i32 to vector<1024x128xi32>
    %shift_left3A_6 = arith.shli %get3A_1, %shift_left3A_5 : vector<1024x128xi32>
    %bitcast_convert_type3A = tpu.bitcast %shift_left3A_6 : vector<1024x128xi32> -> vector<1024x128xf32>
    %and3A = arith.constant -65536 : i32
    %and3A_7 = vector.broadcast %and3A : i32 to vector<1024x128xi32>
    %and3A_8 = arith.andi %get3A_1, %and3A_7 : vector<1024x128xi32>
    %bitcast_convert_type3A_9 = tpu.bitcast %and3A_8 : vector<1024x128xi32> -> vector<1024x128xf32>
    %shift_left3A_10 = arith.constant 16 : i32
    %shift_left3A_11 = vector.broadcast %shift_left3A_10 : i32 to vector<1024x128xi32>
    %shift_left3A_12 = arith.shli %get3A_4, %shift_left3A_11 : vector<1024x128xi32>
    %bitcast_convert_type3A_13 = tpu.bitcast %shift_left3A_12 : vector<1024x128xi32> -> vector<1024x128xf32>
    %and3A_14 = arith.constant -65536 : i32
    %and3A_15 = vector.broadcast %and3A_14 : i32 to vector<1024x128xi32>
    %and3A_16 = arith.andi %get3A_4, %and3A_15 : vector<1024x128xi32>
    %bitcast_convert_type3A_17 = tpu.bitcast %and3A_16 : vector<1024x128xi32> -> vector<1024x128xf32>
    %slice3A = vector.extract_strided_slice %bitcast_convert_type3A {offsets = [0, 0], sizes = [1024, 64], strides = [1, 1]} : vector<1024x128xf32> to vector<1024x64xf32>
    %slice3A_18 = vector.extract_strided_slice %bitcast_convert_type3A_9 {offsets = [0, 0], sizes = [1024, 64], strides = [1, 1]} : vector<1024x128xf32> to vector<1024x64xf32>
    %slice3A_19 = vector.extract_strided_slice %bitcast_convert_type3A_13 {offsets = [0, 0], sizes = [1024, 64], strides = [1, 1]} : vector<1024x128xf32> to vector<1024x64xf32>
    %slice3A_20 = vector.extract_strided_slice %bitcast_convert_type3A_17 {offsets = [0, 0], sizes = [1024, 64], strides = [1, 1]} : vector<1024x128xf32> to vector<1024x64xf32>
    %mul3A = arith.mulf %slice3A, %slice3A_19 : vector<1024x64xf32>
    %mul3A_21 = arith.mulf %slice3A_18, %slice3A_20 : vector<1024x64xf32>
    %concatenate3A = tpu.concatenate %slice3A, %slice3A_18, %slice3A_19, %slice3A_20, %mul3A, %mul3A_21 in 1 : vector<1024x64xf32>, vector<1024x64xf32>, vector<1024x64xf32>, vector<1024x64xf32>, vector<1024x64xf32>, vector<1024x64xf32> -> vector<1024x384xf32>
    %slice3A_22 = vector.extract_strided_slice %bitcast_convert_type3A {offsets = [0, 64], sizes = [1024, 64], strides = [1, 1]} : vector<1024x128xf32> to vector<1024x64xf32>
    %slice3A_23 = vector.extract_strided_slice %bitcast_convert_type3A_9 {offsets = [0, 64], sizes = [1024, 64], strides = [1, 1]} : vector<1024x128xf32> to vector<1024x64xf32>
    %slice3A_24 = vector.extract_strided_slice %bitcast_convert_type3A_13 {offsets = [0, 64], sizes = [1024, 64], strides = [1, 1]} : vector<1024x128xf32> to vector<1024x64xf32>
    %slice3A_25 = vector.extract_strided_slice %bitcast_convert_type3A_17 {offsets = [0, 64], sizes = [1024, 64], strides = [1, 1]} : vector<1024x128xf32> to vector<1024x64xf32>
    %mul3A_26 = arith.mulf %slice3A_22, %slice3A_24 : vector<1024x64xf32>
    %mul3A_27 = arith.mulf %slice3A_23, %slice3A_25 : vector<1024x64xf32>
    %concatenate3A_28 = tpu.concatenate %slice3A_22, %slice3A_23, %slice3A_24, %slice3A_25, %mul3A_26, %mul3A_27 in 1 : vector<1024x64xf32>, vector<1024x64xf32>, vector<1024x64xf32>, vector<1024x64xf32>, vector<1024x64xf32>, vector<1024x64xf32> -> vector<1024x384xf32>
    %concatenate3A_29 = tpu.concatenate %concatenate3A, %concatenate3A_28 in 0 : vector<1024x384xf32>, vector<1024x384xf32> -> vector<2048x384xf32>
    %convert_element_type3A = arith.truncf %concatenate3A_29 : vector<2048x384xf32> to vector<2048x384xbf16>
    %get3A_30 = arith.constant 0 : index
    %get3A_31 = arith.constant 0 : index
    %get3A_32 = vector.load %arg3[%get3A_30, %get3A_31] : memref<384x64xbf16, #tpu.memory_space<vmem>>, vector<384x64xbf16>
    %dot_general3A = arith.constant dense<0.000000e+00> : vector<2048x64xf32>
    %dot_general3A_33 = tpu.matmul %convert_element_type3A, %get3A_32, %dot_general3A {dimension_numbers = #tpu.dot_dimension_numbers<[1], [0], [0], [1], [0, 0, 1, 1], [], []>, transpose_lhs_hint = false} : vector<2048x384xbf16>, vector<384x64xbf16>, vector<2048x64xf32> -> vector<2048x64xf32>
    %get3A_34 = arith.constant 0 : index
    %get3A_35 = arith.constant 0 : index
    %get3A_36 = vector.load %arg4[%get3A_34, %get3A_35] : memref<1x64xf32, #tpu.memory_space<vmem>>, vector<1x64xf32>
    %add3A = vector.broadcast %get3A_36 : vector<1x64xf32> to vector<2048x64xf32>
    %add3A_37 = arith.addf %dot_general3A_33, %add3A : vector<2048x64xf32>
    %max3A = arith.constant 0.000000e+00 : f32
    %max3A_38 = vector.broadcast %max3A : f32 to vector<2048x64xf32>
    %max3A_39 = arith.maximumf %add3A_37, %max3A_38 : vector<2048x64xf32>
    %get3A_40 = arith.constant 0 : index
    %get3A_41 = arith.constant 0 : index
    %get3A_42 = vector.load %arg5[%get3A_40, %get3A_41] : memref<64x1xf32, #tpu.memory_space<vmem>>, vector<64x1xf32>
    %dot_general3A_43 = arith.constant dense<0.000000e+00> : vector<1x2048xf32>
    %dot_general3A_44 = tpu.matmul %get3A_42, %max3A_39, %dot_general3A_43 {dimension_numbers = #tpu.dot_dimension_numbers<[0], [1], [1], [0], [0, 1, 1, 0], [], []>, transpose_lhs_hint = false} : vector<64x1xf32>, vector<2048x64xf32>, vector<1x2048xf32> -> vector<1x2048xf32>
    %get3A_45 = arith.constant 0 : index
    %get3A_46 = arith.constant 0 : index
    %get3A_47 = vector.load %arg6[%get3A_45, %get3A_46] : memref<1x1xf32, #tpu.memory_space<vmem>>, vector<1x1xf32>
    %add3A_48 = vector.broadcast %get3A_47 : vector<1x1xf32> to vector<1x2048xf32>
    %add3A_49 = arith.addf %dot_general3A_44, %add3A_48 : vector<1x2048xf32>
    %swap3A = arith.constant 0 : index
    %swap3A_50 = arith.constant 0 : index
    %swap3A_51 = vector.load %arg7[%swap3A, %swap3A_50] : memref<1x2048xf32, #tpu.memory_space<vmem>>, vector<1x2048xf32>
    tpu.vector_store %arg7[%swap3A, %swap3A_50], %add3A_49 {strides = array<i32>} : memref<1x2048xf32, #tpu.memory_space<vmem>>, vector<1x2048xf32>,
    return
  }
  func.func @transform_0(%arg0: i32) -> (i32, i32) {
    %c0_i32 = arith.constant 0 : i32
    %c0_i32_0 = arith.constant 0 : i32
    return %arg0, %c0_i32 : i32, i32
  }
  func.func @transform_1(%arg0: i32) -> (i32, i32) {
    %c0_i32 = arith.constant 0 : i32
    %c0_i32_0 = arith.constant 0 : i32
    return %arg0, %c0_i32 : i32, i32
  }
  func.func @transform_2(%arg0: i32) -> (i32, i32) {
    %c0_i32 = arith.constant 0 : i32
    %c0_i32_0 = arith.constant 0 : i32
    %c0_i32_1 = arith.constant 0 : i32
    return %c0_i32, %c0_i32_0 : i32, i32
  }
  func.func @transform_3(%arg0: i32) -> (i32, i32) {
    %c0_i32 = arith.constant 0 : i32
    %c0_i32_0 = arith.constant 0 : i32
    %c0_i32_1 = arith.constant 0 : i32
    return %c0_i32, %c0_i32_0 : i32, i32
  }
  func.func @transform_4(%arg0: i32) -> (i32, i32) {
    %c0_i32 = arith.constant 0 : i32
    %c0_i32_0 = arith.constant 0 : i32
    %c0_i32_1 = arith.constant 0 : i32
    return %c0_i32, %c0_i32_0 : i32, i32
  }
  func.func @transform_5(%arg0: i32) -> (i32, i32) {
    %c0_i32 = arith.constant 0 : i32
    %c0_i32_0 = arith.constant 0 : i32
    %c0_i32_1 = arith.constant 0 : i32
    return %c0_i32, %c0_i32_0 : i32, i32
  }
  func.func @transform_6(%arg0: i32) -> (i32, i32) {
    %c0_i32 = arith.constant 0 : i32
    %c0_i32_0 = arith.constant 0 : i32
    return %c0_i32, %arg0 : i32, i32
  }
}

</mosaic_0001>

<sc_bundles>
// kernel: kernel.10.cloned.1.call-start
scs
__scs_entry_jumppad:
0x0: {  	(pc) =	sbr.rel $0x88, $3  }
0x1: {  	(tag) =	ssettag $0x0;
	lr =	simm.s32 $0x1  }
0x2: {  	[smem:$0x3F9A] =	sst lr;
	_ =	strace $0xD0000000  }
0x3: {  	_ = 	snop  }
0x4: {  	_ = 	snop  }
0x5: {  	_ = 	snop  }
0x6: {  	_ = 	snop  }
0x7: {  	_ = 	snop  }
__scs_overlays_trampoline_lowered:
0x8: {  	[smem:$0x3FA9] =	sst s0  }
0x9: {  	[smem:$0x3FAA] =	sst s1  }
0xa: {  	[smem:$0x3FAB] =	sst s2  }
0xb: {  	[smem:$0x3FAC] =	sst s3  }
0xc: {  	[smem:$0x3FAD] =	sst s4  }
0xd: {  	[smem:$0x3FAE] =	sst s5  }
0xe: {  	[smem:$0x3FAF] =	sst s6  }
0xf: {  	[smem:$0x3FB0] =	sst s7  }
0x10: {  	[smem:$0x3FB1] =	sst s8  }
0x11: {  	[smem:$0x3FB2] =	sst s9;
	s0 =	simm.s32 @!p0 $0x0  }
0x12: {  	s1 =	sld [smem:$0x3F98];
	s0 =	simm.s32 @p0 $0x1  }
0x13: {  	[smem:$0x3FB3] =	sst s0;
	s0 =	simm.s32 @!p1 $0x0  }
0x14: {  	s2 =	sld [smem:$0x3F97];
	s0 =	simm.s32 @p1 $0x1  }
0x15: {  	[smem:$0x3FB4] =	sst s0;
	s0 =	simm.s32 @!p2 $0x0  }
0x16: {  	s3 =	sld [smem:$0x3FDB];
	s0 =	simm.s32 @p2 $0x1  }
0x17: {  	s4 =	simm.s32 $0x1BF5;
	[smem:$0x3FB6] =	sst s0  }
0x18: {  	s0 =	sld [smem:$0x3F99];
	_ =	swait.ge [sflag:s4], $0x0  }
0x19: {  	s7 =	sld [smem:$0x3F9A]  }
0x1a: {  	s8 =	sadd.s32 $0xFFFFE003, lr  }
0x1b: {  	s9 =	sadd.s32 $0xFFFFFEF7, lr;
	s5 =	simm.s32 $0xFFFFFFFF;
	p2 =	slt.u32 s8, $0xFFFFF086  }
0x1c: {  	p1 =	slt.u32 s9, $0xF7A;
	s5 =	simm.s32 @!p2 $0x0  }
0x1d: {  	s5 =	simm.s32 @p1 $0x1;
	p0 =	seq.s32 s7, s2  }
0x1e: {  	s7 =	smul.u32 @!p0 $0xF7A, s2;
	p2 =	seq.s32 @!p0 s5, $0x0  }
0x1f: {  	s9 =	smul.u32 $0xF7A, s1;
	s8 =	simm.s32 @!p0 $0x1BF5;
	p2 =	por !p2, p0  }
0x20: {  	[sflag:s8] =	ssyncset.s32 @!p0 $0xFFFFF086;
	s6 =	sadd.s32 @!p0 s3, s7;
	s7 =	simm.s32 @!p0 $0x108  }
0x21: {  	s3 =	sadd.s32 s3, s9;
	s6 =	sadd.s32 @!p0 $0x88, s6;
	s7 =	simm.s32 @p2 $0x1082  }
0x22: {  	[simem:s7], [sflag:s8] =	dma.local @!p0 [hbm:s6], $0xF7A  }
0x23: {  	s9 =	sor.u32 $0xD0000000, s2;
	s6 =	simm.s32 $0x108;
	_ =	swait.ge @!p0 [sflag:s8], $0x0  }
0x24: {  	s3 =	sadd.s32 $0x88, s3;
	s6 =	simm.s32 @!p1 $0x1082;
	[sflag:s4] =	ssyncset.s32 $0xFFFFF086  }
0x25: {  	[simem:s6], [sflag:s4] =	dma.local [hbm:s3], $0xF7A  }
0x26: {  	[smem:$0x3F9A] =	sst s1;
	(tag) =	ssettag s2;
	_ =	strace s9  }
0x27: {  	s1 =	sld [smem:$0x3FAA]  }
0x28: {  	s2 =	sld [smem:$0x3FAB]  }
0x29: {  	s4 =	sld [smem:$0x3FAD]  }
0x2a: {  	p0 =	seq.s32 s5, $0x0;
	s5 =	sld [smem:$0x3FAE]  }
0x2b: {  	s6 =	sld [smem:$0x3FAF]  }
0x2c: {  	s7 =	sld [smem:$0x3FB0]  }
0x2d: {  	s3 =	simm.s32 $0x108;
	s8 =	sld [smem:$0x3FB1]  }
0x2e: {  	s3 =	simm.s32 @!p0 $0x1082;
	s9 =	sld [smem:$0x3FB2]  }
0x2f: {  	lr =	sadd.s32 s0, s3;
	s0 =	sld [smem:$0x3FA9]  }
0x30: {  	s3 =	sld [smem:$0x3FAC]  }
0x31: {  	[smem:$0x3FB5] =	sst s10  }
0x32: {  	s10 =	sld [smem:$0x3FB3];
	_ =	sdelay $0x3  }
0x33: {  	p0 =	seq.s32 s10, $0x1;
	s10 =	sld [smem:$0x3FB5];
	_ =	sdelay $0x3  }
0x34: {  	[smem:$0x3FB5] =	sst s10  }
0x35: {  	s10 =	sld [smem:$0x3FB4];
	_ =	sdelay $0x3  }
0x36: {  	p1 =	seq.s32 s10, $0x1;
	s10 =	sld [smem:$0x3FB5];
	_ =	sdelay $0x3  }
0x37: {  	[smem:$0x3FB5] =	sst s10  }
0x38: {  	s10 =	sld [smem:$0x3FB6]  }
0x39: {  	_ = 	snop;
	(pc) =	sbr.ind lr, $3  }
0x3a: {  	_ = 	snop  }
0x3b: {  	_ = 	snop  }
0x3c: {  	p2 =	seq.s32 s10, $0x1;
	s10 =	sld [smem:$0x3FB5]  }
0x3d: {  	_ =	shalt  }
0x3e: {  	_ =	shalt  }
0x3f: {  	_ =	shalt  }
0x40: {  	_ =	shalt  }
0x41: {  	_ =	shalt  }
0x42: {  	_ =	shalt  }
0x43: {  	_ =	shalt  }
0x44: {  	_ =	shalt  }
0x45: {  	_ =	shalt  }
0x46: {  	_ =	shalt  }
0x47: {  	_ =	shalt  }
0x48: {  	_ =	shalt  }
0x49: {  	_ =	shalt  }
0x4a: {  	_ =	shalt  }
0x4b: {  	_ =	shalt  }
0x4c: {  	_ =	shalt  }
0x4d: {  	_ =	shalt  }
0x4e: {  	_ =	shalt  }
0x4f: {  	_ =	shalt  }
0x50: {  	_ =	shalt  }
0x51: {  	_ =	shalt  }
0x52: {  	_ =	shalt  }
0x53: {  	_ =	shalt  }
0x54: {  	_ =	shalt  }
0x55: {  	_ =	shalt  }
0x56: {  	_ =	shalt  }
0x57: {  	_ =	shalt  }
0x58: {  	_ =	shalt  }
0x59: {  	_ =	shalt  }
0x5a: {  	_ =	shalt  }
0x5b: {  	_ =	shalt  }
0x5c: {  	_ =	shalt  }
0x5d: {  	_ =	shalt  }
0x5e: {  	_ =	shalt  }
0x5f: {  	_ =	shalt  }
0x60: {  	_ =	shalt  }
0x61: {  	_ =	shalt  }
0x62: {  	_ =	shalt  }
0x63: {  	_ =	shalt  }
0x64: {  	_ =	shalt  }
0x65: {  	_ =	shalt  }
0x66: {  	_ =	shalt  }
0x67: {  	_ =	shalt  }
0x68: {  	_ =	shalt  }
0x69: {  	_ =	shalt  }
0x6a: {  	_ =	shalt  }
0x6b: {  	_ =	shalt  }
0x6c: {  	_ =	shalt  }
0x6d: {  	_ =	shalt  }
0x6e: {  	_ =	shalt  }
0x6f: {  	_ =	shalt  }
0x70: {  	_ =	shalt  }
0x71: {  	_ =	shalt  }
0x72: {  	_ =	shalt  }
0x73: {  	_ =	shalt  }
0x74: {  	_ =	shalt  }
0x75: {  	_ =	shalt  }
0x76: {  	_ =	shalt  }
0x77: {  	_ =	shalt  }
0x78: {  	_ =	shalt  }
0x79: {  	_ =	shalt  }
0x7a: {  	_ =	shalt  }
0x7b: {  	_ =	shalt  }
0x7c: {  	_ =	shalt  }
0x7d: {  	_ =	shalt  }
0x7e: {  	_ =	shalt  }
0x7f: {  	_ =	shalt  }
0x80: {  	_ =	shalt  }
0x81: {  	_ =	shalt  }
0x82: {  	_ =	shalt  }
0x83: {  	_ =	shalt  }
0x84: {  	_ =	shalt  }
0x85: {  	_ =	shalt  }
0x86: {  	_ =	shalt  }
0x87: {  	_ =	shalt  }
.Lfunc_end0:
.L_simem_size_0:
called_computation.1_lowered:
.L_overlay_start_0:
0x88: {  	s2 =	sld [smem:$0x3FD9]  }
0x89: {  	s3 =	sld [smem:$0x3FFE];
	_ =	sdelay $0x1  }
0x8a: {  	s1 =	srdreg.scid  }
0x8b: {  	s0 =	sand.u32 $0x1, s1  }
0x8c: {  	s17 =	sshll.u32 s0, $0xA;
	s2 =	sadd.s32 s3, s2  }
0x8d: {  	s2 =	sadd.s32 s2, s17  }
0x8e: {  	[smem:$0x3FC1] =	sst s2  }
0x8f: {  	_ = 	snop  }
0x90: {  	s2 =	sld [smem:$0x3FC9]  }
0x91: {  	s18 =	sld [smem:$0x3FC8];
	(tm) =	ssettm $0x1  }
0x92: {  	s4 =	sld [smem:$0x3FFB];
	_ =	sdelay $0x3  }
0x93: {  	_ =	strace s4  }
0x94: {  	s4 =	sld [smem:$0x3FFC];
	_ =	sdelay $0x3  }
0x95: {  	_ =	strace s4  }
0x96: {  	s4 =	sld [smem:$0x3FFD];
	_ =	sdelay $0x3  }
0x97: {  	_ =	strace s4  }
0x98: {  	_ =	strace $0x8FFFFFFF  }
0x99: {  	s19 =	sld [smem:$0x3FDB];
	_ =	sdelay $0x1  }
0x9a: {  	s5 =	simm.s32 $_scs_section_size  }
0x9b: {  	s6 =	simm.s32 $_size__tile_overlayer_lowered;
	s7 =	simm.s32 $_tile_overlayer_lowered  }
0x9c: {  	s22 =	simm.s32 $0x1BFF;
	s21 =	sshll.u32 s7, $0x1;
	s4 =	sadd.s32 s5, s19  }
0x9d: {  	s8 =	simm.s32 $0x0;
	s20 =	sshll.u32 s6, $0x1;
	s6 =	sadd.s32 s21, s4  }
0x9e: {  	[timem:s8], [sflag:s22] =	dma.local [hbm:s6], s20  }
0x9f: {  	_ =	swait.ge [sflag:s22], s20  }
0xa0: {  	s5 =	ssub.s32 $0x0, s20;
	[sflag:s22] =	ssyncset.done $0x0  }
0xa1: {  	[sflag:s22] =	ssyncadd.s32 s5;
	_ =	sdelay $0x1  }
0xa2: {  	s23 =	simm.s32 $0x1B8B  }
0xa3: {  	_ =	swait.ge [sflag:s23], $0x1  }
0xa4: {  	[sflag:s23] =	ssyncset.done $0x0  }
0xa5: {  	s25 =	simm.s32 $0x1B8E;
	s24 =	sld [smem:$0x3FFE];
	[sflag:s23] =	ssyncadd.s32 $0xFFFFFFFF  }
0xa6: {  	s26 =	simm.s32 $execute0_lowered;
	[smem:$0x3FD2] =	sst s25  }
0xa7: {  	s6 =	sshll.u32 s26, $0x1;
	_ =	strace $0x80000046;
	[dreg:$0x1] =	wrdreg $0xFFFFFFFF  }
0xa8: {  	s28 =	simm.s32 $_size_execute0_lowered;
	s4 =	sadd.s32 s4, s6;
	[dreg:$0x0] =	wrdreg $0x0  }
0xa9: {  	s6 =	sshll.u32 s28, $0x1;
	[dreg:$0x2] =	wrdreg s4  }
0xaa: {  	[dreg:$0x3] =	wrdreg s6  }
0xab: {  	[dreg:$0x4] =	wrdreg $0xC0  }
0xac: {  	_ =	task [dreg:s8], $0x5FFFF  }
0xad: {  	[dreg:$0x1] =	wrdreg $0xFFFFFFFF  }
0xae: {  	[dreg:$0x0] =	wrdreg $0x60  }
0xaf: {  	[dreg:$0x2] =	wrdreg s2  }
0xb0: {  	[dreg:$0x3] =	wrdreg s18  }
0xb1: {  	[dreg:$0x4] =	wrdreg s24  }
0xb2: {  	[dreg:$0x5] =	wrdreg $0xA  }
0xb3: {  	_ =	task.clear_ibuf [dreg:s8], $0x6FFFF;
	_ =	strace $0x90000046  }
0xb4: {  	s29 =	simm.s32 $0xA;
	_ =	strace $0x80000048  }
0xb5: {  	_ =	swait.ge [sflag:s29], $0x1  }
0xb6: {  	[sflag:s29] =	ssyncadd.s32 $0xFFFFFFFF  }
0xb7: {  	_ =	strace $0x90000048  }
0xb8: {  	_ =	sfence  }
0xb9: {  	s30 =	sld [smem:$0x0];
	_ =	sdelay $0x2  }
0xba: {  	s31 =	sshll.u32 s1, $0xD;
	s1 =	sshrl.u32 s1, $0x2  }
0xbb: {  	s3 =	sand.u32 $0x4000, s31;
	s1 =	sadd.s32 s1, s30  }
0xbc: {  	s0 =	sor.u32 s3, s0;
	s1 =	sshll.u32 s1, $0x11  }
0xbd: {  	s0 =	sor.u32 s1, s0  }
0xbe: {  	s0 =	sadd.s32 $0x8F2B, s0  }
0xbf: {  	[sflag:s0] =	ssyncadd.remote.s32 $0x1  }
0xc0: {  	_ =	sfence.sel $0xFFFF  }
0xc1: {  	[dreg:$0x0] =	wrdreg $0xFFFFFFFF;
	(pc) =	sbr.abs _section_cstart, $3  }
0xc2: {  	[dreg:$0x1] =	wrdreg $0xFFFFFFFF  }
0xc3: {  	_ =	task.clear_ibuf [dreg:s8], $0x2FFFF;
	_ =	strace $0x9FFFFFFF  }
0xc4: {  	(tm) =	ssettm $0x7FFFFFFF  }
0xc5: {  	_ =	shalt  }
tec
execute0_lowered:
.L_overlay_start_1:
0x0: {  	(tag) =	ssettag $0x1  }
0x1: {  	s1 =	srdreg.scid  }
0x2: {  	s0 =	stileid.u32;
	s5 =	sand.u32 $0x1, s1  }
0x3: {  	s16 =	sshll.u32 s0, $0x9;
	s2 =	sshll.u32 s5, $0x8  }
0x4: {  	s6 =	sor.u32 s2, s16  }
0x5: {  	v0 =	vlaneseq.u32;
	v1 =	vmov s6  }
0x6: {  	v13 =	vmul.u32 $0x2, v0;
	s4 =	sor.u32 $0xE0, s6;
	s11 =	sor.u32 $0xF0, s6;
	v0 =	vshll.u32 v1, $0x1;
	v2 =	vshrl.u32 v1, $0xA  }
0x7: {  	v1 =	vand.u32 $0x1800, v1;
	v17 =	vmov s4;
	v19 =	vmov s11  }
0x8: {  	v0 =	vor.u32 v13, v0;
	v2 =	vand.u32 $0x1, v2;
	v18 =	vand.u32 $0x1800, v17  }
0x9: {  	s1 =	sor.u32 $0x10, s6;
	v62 =	vshrl.u32 v19, $0xA;
	v20 =	vshll.u32 v19, $0x1;
	v19 =	vand.u32 $0x1800, v19  }
0xa: {  	v0 =	vand.u32 $0x61E, v0;
	v1 =	vor.u32 v1, v2;
	v2 =	vmov s1  }
0xb: {  	v0 =	vor.u32 v0, v1;
	v1 =	vshll.u32 v2, $0x1;
	v3 =	vshrl.u32 v2, $0xA  }
0xc: {  	s17 =	sor.u32 $0x20, s6;
	v2 =	vand.u32 $0x1800, v2;
	v1 =	vor.u32 v13, v1;
	v3 =	vand.u32 $0x1, v3  }
0xd: {  	v1 =	vand.u32 $0x63E, v1;
	v2 =	vor.u32 v2, v3;
	v3 =	vmov s17  }
0xe: {  	v1 =	vor.u32 v1, v2;
	v2 =	vshll.u32 v3, $0x1;
	v4 =	vshrl.u32 v3, $0xA  }
0xf: {  	s18 =	sor.u32 $0x30, s6;
	v3 =	vand.u32 $0x1800, v3;
	v2 =	vor.u32 v13, v2;
	v4 =	vand.u32 $0x1, v4  }
0x10: {  	v2 =	vand.u32 $0x65E, v2;
	v3 =	vor.u32 v3, v4;
	v4 =	vmov s18  }
0x11: {  	v2 =	vor.u32 v2, v3;
	v3 =	vshll.u32 v4, $0x1;
	v5 =	vshrl.u32 v4, $0xA  }
0x12: {  	s19 =	sor.u32 $0x40, s6;
	v4 =	vand.u32 $0x1800, v4;
	v3 =	vor.u32 v13, v3;
	v5 =	vand.u32 $0x1, v5  }
0x13: {  	v3 =	vand.u32 $0x67E, v3;
	v4 =	vor.u32 v4, v5;
	v5 =	vmov s19  }
0x14: {  	v3 =	vor.u32 v3, v4;
	v4 =	vshll.u32 v5, $0x1;
	v6 =	vshrl.u32 v5, $0xA  }
0x15: {  	s20 =	sor.u32 $0x50, s6;
	v5 =	vand.u32 $0x1800, v5;
	v4 =	vor.u32 v13, v4;
	v6 =	vand.u32 $0x1, v6  }
0x16: {  	v4 =	vand.u32 $0x69E, v4;
	v5 =	vor.u32 v5, v6;
	v6 =	vmov s20  }
0x17: {  	v4 =	vor.u32 v4, v5;
	v5 =	vshll.u32 v6, $0x1;
	v7 =	vshrl.u32 v6, $0xA  }
0x18: {  	s21 =	sor.u32 $0x60, s6;
	v6 =	vand.u32 $0x1800, v6;
	v5 =	vor.u32 v13, v5;
	v7 =	vand.u32 $0x1, v7  }
0x19: {  	v5 =	vand.u32 $0x6BE, v5;
	v6 =	vor.u32 v6, v7;
	v7 =	vmov s21  }
0x1a: {  	v5 =	vor.u32 v5, v6;
	v6 =	vshll.u32 v7, $0x1;
	v8 =	vshrl.u32 v7, $0xA  }
0x1b: {  	s22 =	sor.u32 $0x70, s6;
	v7 =	vand.u32 $0x1800, v7;
	v6 =	vor.u32 v13, v6;
	v8 =	vand.u32 $0x1, v8  }
0x1c: {  	v6 =	vand.u32 $0x6DE, v6;
	v7 =	vor.u32 v7, v8;
	v8 =	vmov s22  }
0x1d: {  	v6 =	vor.u32 v6, v7;
	v7 =	vshll.u32 v8, $0x1;
	v9 =	vshrl.u32 v8, $0xA  }
0x1e: {  	s23 =	sor.u32 $0x80, s6;
	v8 =	vand.u32 $0x1800, v8;
	v7 =	vor.u32 v13, v7;
	v9 =	vand.u32 $0x1, v9  }
0x1f: {  	v7 =	vand.u32 $0x6FE, v7;
	v8 =	vor.u32 v8, v9;
	v9 =	vmov s23  }
0x20: {  	v7 =	vor.u32 v7, v8;
	v8 =	vshll.u32 v9, $0x1;
	v10 =	vshrl.u32 v9, $0xA  }
0x21: {  	s24 =	sor.u32 $0x90, s6;
	v9 =	vand.u32 $0x1800, v9;
	v8 =	vor.u32 v13, v8;
	v10 =	vand.u32 $0x1, v10  }
0x22: {  	v8 =	vand.u32 $0x71E, v8;
	v9 =	vor.u32 v9, v10;
	v10 =	vmov s24  }
0x23: {  	v8 =	vor.u32 v8, v9;
	v9 =	vshll.u32 v10, $0x1;
	v11 =	vshrl.u32 v10, $0xA  }
0x24: {  	s25 =	sor.u32 $0xA0, s6;
	v10 =	vand.u32 $0x1800, v10;
	v9 =	vor.u32 v13, v9;
	v11 =	vand.u32 $0x1, v11  }
0x25: {  	v9 =	vand.u32 $0x73E, v9;
	v10 =	vor.u32 v10, v11;
	v11 =	vmov s25  }
0x26: {  	v9 =	vor.u32 v9, v10;
	v10 =	vshll.u32 v11, $0x1;
	v12 =	vshrl.u32 v11, $0xA  }
0x27: {  	s26 =	sor.u32 $0xB0, s6;
	v11 =	vand.u32 $0x1800, v11;
	v10 =	vor.u32 v13, v10;
	v12 =	vand.u32 $0x1, v12  }
0x28: {  	v10 =	vand.u32 $0x75E, v10;
	v11 =	vor.u32 v11, v12;
	v12 =	vmov s26  }
0x29: {  	v10 =	vor.u32 v10, v11;
	v11 =	vshll.u32 v12, $0x1;
	v14 =	vshrl.u32 v12, $0xA  }
0x2a: {  	s28 =	sor.u32 $0xC0, s6;
	v12 =	vand.u32 $0x1800, v12;
	v11 =	vor.u32 v13, v11;
	v14 =	vand.u32 $0x1, v14  }
0x2b: {  	s7 =	rddreg [dreg:$0x0];
	v11 =	vand.u32 $0x77E, v11;
	v12 =	vor.u32 v12, v14;
	v14 =	vmov s28  }
0x2c: {  	s9 =	rddreg [dreg:$0x1];
	v11 =	vor.u32 v11, v12;
	v12 =	vshll.u32 v14, $0x1;
	v15 =	vshrl.u32 v14, $0xA  }
0x2d: {  	s8 =	rddreg [dreg:$0x2];
	s12 =	simm.s32 $0x80;
	s3 =	sor.u32 $0xD0, s6;
	v14 =	vand.u32 $0x1800, v14;
	v12 =	vor.u32 v13, v12;
	v15 =	vand.u32 $0x1, v15  }
0x2e: {  	s13 =	simm.s32 $0x180;
	s14 =	simm.s32 $0x1;
	s15 =	simm.s32 $0x100;
	v12 =	vand.u32 $0x79E, v12;
	v14 =	vor.u32 v14, v15;
	v15 =	vmov s3  }
0x2f: {  	s10 =	ssub.s32 $0x2, s5;
	s5 =	sadd.s32 $0xE2200, s8;
	s2 =	simm.s32 $0x0;
	v12 =	vor.u32 v12, v14;
	v14 =	vshll.u32 v15, $0x1;
	v16 =	vshrl.u32 v15, $0xA  }
0x30: {  	s29 =	sshrl.u32 s10, $0x1;
	s16 =	simm.s32 $0x2180;
	[smem:$0x7FF] =	sst s2;
	v15 =	vand.u32 $0x1800, v15;
	v16 =	vand.u32 $0x1, v16;
	v14 =	vor.u32 v13, v14  }
0x31: {  	s6 =	sshrl.u32 s6, $0x3;
	s10 =	ssub.s32 s10, s29;
	s4 =	sadd.s32 $0xD2200, s8;
	v15 =	vor.u32 v15, v16;
	v16 =	vshrl.u32 v17, $0xA;
	v17 =	vshll.u32 v17, $0x1  }
0x32: {  	s30 =	sor.u32 $0x400, s6;
	s31 =	sor.u32 $0x410, s6;
	s10 =	smax.u32 s10, $0x1;
	v14 =	vand.u32 $0x7BE, v14;
	v16 =	vand.u32 $0x1, v16;
	v17 =	vor.u32 v13, v17  }
0x33: {  	s11 =	simm.s32 $0x3;
	s6 =	sadd.s32 s7, s30;
	s7 =	sadd.s32 s7, s31;
	v13 =	vor.u32 v13, v20;
	v16 =	vor.u32 v18, v16;
	v18 =	vand.u32 $0x1, v62  }
0x34: {  	s1 =	rddreg [dreg:$0x3];
	_ =	strace $0x80000047;
	s17 =	simm.s32 $0x2;
	v17 =	vand.u32 $0x7DE, v17;
	v63 =	vand.u32 $0x7FE, v13;
	v18 =	vor.u32 v19, v18  }
0x35: {  	s3 =	sadd.s32 $0x2200, s8;
	s8 =	sadd.s32 s9, s30;
	s9 =	sadd.s32 s9, s31;
	v13 =	vor.u32 v14, v15;
	v14 =	vor.u32 v17, v16;
	v15 =	vor.u32 v63, v18  }
.LBB2_1:
0x36: {  	[tilespmem:s2], [sflag:$0x3] =	stream.linear.gather [hbm4b:s6+s2], $0x80, $0x38;
	[tilespmem:$0x4180] =	vst v63  }
0x37: {  	_ =	swait.ge [sflag:s11], $0x80  }
0x38: {  	[sflag:s11] =	ssyncset.done $0x0  }
0x39: {  	[sflag:s11] =	ssyncadd.s32 $0xFFFFFF80  }
0x3a: {  	v16 =	vld [tilespmem:$0x0]  }
0x3b: {  	v17 =	vld [tilespmem:$0x10]  }
0x3c: {  	v19 =	vld [tilespmem:$0x20]  }
0x3d: {  	v21 =	vld [tilespmem:$0x30]  }
0x3e: {  	v56 =	vld [tilespmem:$0x40]  }
0x3f: {  	v61 =	vld [tilespmem:$0x50]  }
0x40: {  	v25 =	vld [tilespmem:$0x60];
	v18 =	vshll.u32 v16, $0x1;
	v20 =	vand.u32 $0xFFFFE000, v16;
	v16 =	vshrl.u32 v16, $0xC  }
0x41: {  	v55 =	vshll.u32 v17, $0x1;
	v22 =	vand.u32 $0xFFFFE000, v17;
	v17 =	vshrl.u32 v17, $0xC  }
0x42: {  	v57 =	vshll.u32 v19, $0x1;
	v58 =	vand.u32 $0xFFFFE000, v19;
	v19 =	vshrl.u32 v19, $0xC  }
0x43: {  	v60 =	vshll.u32 v21, $0x1;
	v62 =	vand.u32 $0xFFFFE000, v21;
	v63 =	vshrl.u32 v21, $0xC  }
0x44: {  	v24 =	vshll.u32 v56, $0x1;
	v23 =	vand.u32 $0xFFFFE000, v56;
	v28 =	vshll.u32 v61, $0x1  }
0x45: {  	[tilespmem:$0x100] =	vst v0;
	v31 =	vshll.u32 v25, $0x1;
	v21 =	vshrl.u32 v25, $0xC;
	v18 =	vand.u32 $0x1FFE, v18  }
0x46: {  	[tilespmem:$0x110] =	vst v1;
	v16 =	vand.u32 $0x1, v16;
	v17 =	vand.u32 $0x1, v17;
	v59 =	vand.u32 $0x1, v19  }
0x47: {  	[tilespmem:$0x120] =	vst v2;
	v19 =	vand.u32 $0x1FFE, v60;
	v18 =	vor.u32 v20, v18;
	v20 =	vand.u32 $0x1FFE, v55  }
0x48: {  	[tilespmem:$0x130] =	vst v3;
	v20 =	vor.u32 v22, v20;
	v16 =	vor.u32 v16, v18;
	v18 =	vand.u32 $0x1FFE, v57  }
0x49: {  	v22 =	vshrl.u32 v56, $0xC;
	v17 =	vor.u32 v17, v20;
	[tilespmem:$0x80] =	vst v16;
	v16 =	vor.u32 v58, v18  }
0x4a: {  	v27 =	vand.u32 $0x1, v22;
	v18 =	vand.u32 $0x1FFE, v28;
	v16 =	vor.u32 v59, v16;
	[tilespmem:$0x90] =	vst v17  }
0x4b: {  	v29 =	vld [tilespmem:$0x70];
	v17 =	vor.u32 v62, v19;
	v19 =	vand.u32 $0x1FFE, v24;
	[tilespmem:$0xA0] =	vst v16;
	v16 =	vand.u32 $0x1, v63  }
0x4c: {  	[tilespmem:$0x140] =	vst v4;
	v20 =	vshrl.u32 v61, $0xC;
	v26 =	vor.u32 v23, v19;
	v16 =	vor.u32 v16, v17  }
0x4d: {  	v30 =	vand.u32 $0x1, v20;
	v17 =	vor.u32 v27, v26;
	[tilespmem:$0xB0] =	vst v16;
	v16 =	vand.u32 $0xFFFFE000, v61  }
0x4e: {  	v20 =	vand.u32 $0x1FFE, v31;
	[tilespmem:$0xC0] =	vst v17;
	v17 =	vand.u32 $0xFFFFE000, v25;
	v16 =	vor.u32 v16, v18  }
0x4f: {  	[tilespmem:$0x150] =	vst v5;
	v32 =	vand.u32 $0x1, v21;
	v17 =	vor.u32 v17, v20;
	v16 =	vor.u32 v30, v16  }
0x50: {  	[tilespmem:$0xD0] =	vst v16;
	v16 =	vor.u32 v32, v17;
	v17 =	vshll.u32 v29, $0x1  }
0x51: {  	[tilespmem:$0x160] =	vst v6;
	v33 =	vand.u32 $0xFFFFE000, v29;
	v19 =	vshrl.u32 v29, $0xC;
	v17 =	vand.u32 $0x1FFE, v17  }
0x52: {  	[tilespmem:$0xE0] =	vst v16;
	v16 =	vor.u32 v33, v17;
	v17 =	vand.u32 $0x1, v19  }
0x53: {  	[tilespmem:$0x170] =	vst v7;
	v16 =	vor.u32 v17, v16  }
0x54: {  	[tilespmem:$0xF0] =	vst v16  }
0x55: {  	[tilespmem:s13], [sflag:$0x1] =	stream.indirect.gather [hbm4b:s3+s12], $0x40, s12, s12, $0xb8;
	[tilespmem:$0x4180] =	vst v63  }
0x56: {  	_ =	swait.ge [sflag:s14], $0x2000  }
0x57: {  	[sflag:s14] =	ssyncset.done $0x0  }
0x58: {  	[sflag:s14] =	ssyncadd.s32 $0xFFFFE000  }
0x59: {  	[hbm4b:s4+s12] =	stream.indirect.scatter [tilespmem:s13], [sflag:$0x2], $0x40, s15, s12, $0xb8;
	[tilespmem:$0x4180] =	vst v63  }
0x5a: {  	_ = 	snop  }
0x5b: {  	[tilespmem:s2], [sflag:$0x3] =	stream.linear.gather [hbm4b:s7+s2], $0x80, $0x38;
	[tilespmem:$0x4180] =	vst v63  }
0x5c: {  	_ =	swait.ge [sflag:s11], $0x80  }
0x5d: {  	[sflag:s11] =	ssyncset.done $0x0  }
0x5e: {  	[sflag:s11] =	ssyncadd.s32 $0xFFFFFF80  }
0x5f: {  	v16 =	vld [tilespmem:$0x0]  }
0x60: {  	v17 =	vld [tilespmem:$0x10]  }
0x61: {  	v35 =	vld [tilespmem:$0x20]  }
0x62: {  	v38 =	vld [tilespmem:$0x30]  }
0x63: {  	v40 =	vld [tilespmem:$0x40]  }
0x64: {  	v45 =	vld [tilespmem:$0x50]  }
0x65: {  	v49 =	vld [tilespmem:$0x60];
	v34 =	vshll.u32 v16, $0x1;
	v36 =	vand.u32 $0xFFFFE000, v16;
	v16 =	vshrl.u32 v16, $0xC  }
0x66: {  	v37 =	vshll.u32 v17, $0x1;
	v39 =	vand.u32 $0xFFFFE000, v17;
	v17 =	vshrl.u32 v17, $0xC  }
0x67: {  	v41 =	vshll.u32 v35, $0x1;
	v42 =	vand.u32 $0xFFFFE000, v35;
	v19 =	vshrl.u32 v35, $0xC  }
0x68: {  	v44 =	vshll.u32 v38, $0x1;
	v46 =	vand.u32 $0xFFFFE000, v38;
	v47 =	vshrl.u32 v38, $0xC  }
0x69: {  	v48 =	vshll.u32 v40, $0x1;
	v50 =	vand.u32 $0xFFFFE000, v40;
	v22 =	vshrl.u32 v40, $0xC  }
0x6a: {  	[tilespmem:$0x100] =	vst v8;
	v53 =	vshll.u32 v45, $0x1;
	v56 =	vshll.u32 v49, $0x1;
	v21 =	vshrl.u32 v49, $0xC  }
0x6b: {  	[tilespmem:$0x110] =	vst v9;
	v18 =	vand.u32 $0x1FFE, v34;
	v20 =	vand.u32 $0x1FFE, v37;
	v16 =	vand.u32 $0x1, v16  }
0x6c: {  	[tilespmem:$0x120] =	vst v10;
	v17 =	vand.u32 $0x1, v17;
	v43 =	vand.u32 $0x1, v19;
	v18 =	vor.u32 v36, v18  }
0x6d: {  	[tilespmem:$0x130] =	vst v11;
	v20 =	vor.u32 v39, v20;
	v16 =	vor.u32 v16, v18;
	v18 =	vand.u32 $0x1FFE, v41  }
0x6e: {  	v19 =	vand.u32 $0x1FFE, v44;
	v17 =	vor.u32 v17, v20;
	[tilespmem:$0x80] =	vst v16;
	v16 =	vor.u32 v42, v18  }
0x6f: {  	v52 =	vand.u32 $0x1, v22;
	v20 =	vshrl.u32 v45, $0xC;
	[tilespmem:$0x90] =	vst v17;
	v16 =	vor.u32 v43, v16  }
0x70: {  	v54 =	vld [tilespmem:$0x70];
	v17 =	vor.u32 v46, v19;
	v19 =	vand.u32 $0x1FFE, v48;
	[tilespmem:$0xA0] =	vst v16;
	v16 =	vand.u32 $0x1, v47  }
0x71: {  	[tilespmem:$0x140] =	vst v12;
	v18 =	vand.u32 $0x1FFE, v53;
	v51 =	vor.u32 v50, v19;
	v16 =	vor.u32 v16, v17  }
0x72: {  	v55 =	vand.u32 $0x1, v20;
	v17 =	vor.u32 v52, v51;
	[tilespmem:$0xB0] =	vst v16;
	v16 =	vand.u32 $0xFFFFE000, v45  }
0x73: {  	v20 =	vand.u32 $0x1FFE, v56;
	[tilespmem:$0xC0] =	vst v17;
	v17 =	vand.u32 $0xFFFFE000, v49;
	v16 =	vor.u32 v16, v18  }
0x74: {  	[tilespmem:$0x150] =	vst v13;
	v57 =	vand.u32 $0x1, v21;
	v17 =	vor.u32 v17, v20;
	v16 =	vor.u32 v55, v16  }
0x75: {  	[tilespmem:$0xD0] =	vst v16;
	v16 =	vor.u32 v57, v17;
	v17 =	vshll.u32 v54, $0x1  }
0x76: {  	[tilespmem:$0x160] =	vst v14;
	v58 =	vand.u32 $0xFFFFE000, v54;
	v19 =	vshrl.u32 v54, $0xC;
	v17 =	vand.u32 $0x1FFE, v17  }
0x77: {  	[tilespmem:$0xE0] =	vst v16;
	v16 =	vor.u32 v58, v17;
	v17 =	vand.u32 $0x1, v19  }
0x78: {  	[tilespmem:$0x170] =	vst v15;
	v16 =	vor.u32 v17, v16  }
0x79: {  	[tilespmem:$0xF0] =	vst v16  }
0x7a: {  	[tilespmem:s16], [sflag:$0x1] =	stream.indirect.gather [hbm4b:s3+s12], $0x40, s12, s12, $0xb8;
	[tilespmem:$0x4180] =	vst v63  }
0x7b: {  	_ =	swait.ge [sflag:s14], $0x2000  }
0x7c: {  	[sflag:s14] =	ssyncset.done $0x0  }
0x7d: {  	[sflag:s14] =	ssyncadd.s32 $0xFFFFE000  }
0x7e: {  	[hbm4b:s4+s12] =	stream.indirect.scatter [tilespmem:s16], [sflag:$0x2], $0x40, s15, s12, $0xb8;
	[tilespmem:$0x4180] =	vst v63  }
0x7f: {  	_ = 	snop  }
0x80: {  	[tilespmem:s2], [sflag:$0x3] =	stream.linear.gather [hbm4b:s8+s2], $0x80, $0x38;
	[tilespmem:$0x4180] =	vst v63  }
0x81: {  	_ =	swait.ge [sflag:s11], $0x80  }
0x82: {  	[sflag:s11] =	ssyncset.done $0x0  }
0x83: {  	[sflag:s11] =	ssyncadd.s32 $0xFFFFFF80  }
0x84: {  	v16 =	vld [tilespmem:$0x0]  }
0x85: {  	v17 =	vld [tilespmem:$0x10]  }
0x86: {  	v60 =	vld [tilespmem:$0x20]  }
0x87: {  	v63 =	vld [tilespmem:$0x30]  }
0x88: {  	v25 =	vld [tilespmem:$0x40]  }
0x89: {  	v30 =	vld [tilespmem:$0x50]  }
0x8a: {  	v34 =	vld [tilespmem:$0x60];
	v59 =	vshll.u32 v16, $0x1;
	v61 =	vand.u32 $0xFFFFE000, v16;
	v16 =	vshrl.u32 v16, $0xC  }
0x8b: {  	v62 =	vshll.u32 v17, $0x1;
	v24 =	vand.u32 $0xFFFFE000, v17;
	v17 =	vshrl.u32 v17, $0xC  }
0x8c: {  	v26 =	vshll.u32 v60, $0x1;
	v27 =	vand.u32 $0xFFFFE000, v60;
	v19 =	vshrl.u32 v60, $0xC  }
0x8d: {  	v29 =	vshll.u32 v63, $0x1;
	v31 =	vand.u32 $0xFFFFE000, v63;
	v32 =	vshrl.u32 v63, $0xC  }
0x8e: {  	v33 =	vshll.u32 v25, $0x1;
	v35 =	vand.u32 $0xFFFFE000, v25;
	v22 =	vshrl.u32 v25, $0xC  }
0x8f: {  	[tilespmem:$0x100] =	vst v0;
	v38 =	vshll.u32 v30, $0x1;
	v41 =	vshll.u32 v34, $0x1;
	v21 =	vshrl.u32 v34, $0xC  }
0x90: {  	[tilespmem:$0x110] =	vst v1;
	v18 =	vand.u32 $0x1FFE, v59;
	v20 =	vand.u32 $0x1FFE, v62;
	v16 =	vand.u32 $0x1, v16  }
0x91: {  	[tilespmem:$0x120] =	vst v2;
	v17 =	vand.u32 $0x1, v17;
	v28 =	vand.u32 $0x1, v19;
	v18 =	vor.u32 v61, v18  }
0x92: {  	[tilespmem:$0x130] =	vst v3;
	v20 =	vor.u32 v24, v20;
	v16 =	vor.u32 v16, v18;
	v18 =	vand.u32 $0x1FFE, v26  }
0x93: {  	v19 =	vand.u32 $0x1FFE, v29;
	v17 =	vor.u32 v17, v20;
	[tilespmem:$0x80] =	vst v16;
	v16 =	vor.u32 v27, v18  }
0x94: {  	v37 =	vand.u32 $0x1, v22;
	v20 =	vshrl.u32 v30, $0xC;
	[tilespmem:$0x90] =	vst v17;
	v16 =	vor.u32 v28, v16  }
0x95: {  	v39 =	vld [tilespmem:$0x70];
	v17 =	vor.u32 v31, v19;
	v19 =	vand.u32 $0x1FFE, v33;
	[tilespmem:$0xA0] =	vst v16;
	v16 =	vand.u32 $0x1, v32  }
0x96: {  	[tilespmem:$0x140] =	vst v4;
	v18 =	vand.u32 $0x1FFE, v38;
	v36 =	vor.u32 v35, v19;
	v16 =	vor.u32 v16, v17  }
0x97: {  	v40 =	vand.u32 $0x1, v20;
	v17 =	vor.u32 v37, v36;
	[tilespmem:$0xB0] =	vst v16;
	v16 =	vand.u32 $0xFFFFE000, v30  }
0x98: {  	v20 =	vand.u32 $0x1FFE, v41;
	[tilespmem:$0xC0] =	vst v17;
	v17 =	vand.u32 $0xFFFFE000, v34;
	v16 =	vor.u32 v16, v18  }
0x99: {  	[tilespmem:$0x150] =	vst v5;
	v42 =	vand.u32 $0x1, v21;
	v17 =	vor.u32 v17, v20;
	v16 =	vor.u32 v40, v16  }
0x9a: {  	[tilespmem:$0xD0] =	vst v16;
	v16 =	vor.u32 v42, v17;
	v17 =	vshll.u32 v39, $0x1  }
0x9b: {  	[tilespmem:$0x160] =	vst v6;
	v43 =	vand.u32 $0xFFFFE000, v39;
	v19 =	vshrl.u32 v39, $0xC;
	v17 =	vand.u32 $0x1FFE, v17  }
0x9c: {  	[tilespmem:$0xE0] =	vst v16;
	v16 =	vor.u32 v43, v17;
	v17 =	vand.u32 $0x1, v19  }
0x9d: {  	[tilespmem:$0x170] =	vst v7;
	v16 =	vor.u32 v17, v16  }
0x9e: {  	[tilespmem:$0xF0] =	vst v16  }
0x9f: {  	_ =	swait.ge [sflag:s17], $0x2000  }
0xa0: {  	[sflag:s17] =	ssyncset.done $0x0  }
0xa1: {  	[sflag:s17] =	ssyncadd.s32 $0xFFFFE000  }
0xa2: {  	[tilespmem:s13], [sflag:$0x1] =	stream.indirect.gather [hbm4b:s3+s12], $0x40, s12, s12, $0xb8;
	[tilespmem:$0x4180] =	vst v63  }
0xa3: {  	_ =	swait.ge [sflag:s14], $0x2000  }
0xa4: {  	[sflag:s14] =	ssyncset.done $0x0  }
0xa5: {  	[sflag:s14] =	ssyncadd.s32 $0xFFFFE000  }
0xa6: {  	[hbm4b:s5+s12] =	stream.indirect.scatter [tilespmem:s13], [sflag:$0x2], $0x40, s15, s12, $0xb8;
	[tilespmem:$0x4180] =	vst v63  }
0xa7: {  	_ = 	snop  }
0xa8: {  	[tilespmem:s2], [sflag:$0x3] =	stream.linear.gather [hbm4b:s9+s2], $0x80, $0x38;
	[tilespmem:$0x4180] =	vst v63  }
0xa9: {  	_ =	swait.ge [sflag:s11], $0x80  }
0xaa: {  	[sflag:s11] =	ssyncset.done $0x0  }
0xab: {  	[sflag:s11] =	ssyncadd.s32 $0xFFFFFF80  }
0xac: {  	v16 =	vld [tilespmem:$0x0]  }
0xad: {  	v17 =	vld [tilespmem:$0x10]  }
0xae: {  	v44 =	vld [tilespmem:$0x20]  }
0xaf: {  	v48 =	vld [tilespmem:$0x30]  }
0xb0: {  	v51 =	vld [tilespmem:$0x40];
	_ =	sdelay $0x1  }
0xb1: {  	v45 =	vshll.u32 v16, $0x1  }
0xb2: {  	v46 =	vand.u32 $0xFFFFE000, v16;
	v16 =	vshrl.u32 v16, $0xC;
	v47 =	vshll.u32 v17, $0x1  }
0xb3: {  	v49 =	vand.u32 $0xFFFFE000, v17;
	v17 =	vshrl.u32 v17, $0xC;
	v50 =	vshll.u32 v44, $0x1  }
0xb4: {  	v53 =	vshll.u32 v48, $0x1;
	v21 =	vshrl.u32 v48, $0xC;
	v55 =	vshll.u32 v51, $0x1  }
0xb5: {  	v56 =	vand.u32 $0xFFFFE000, v51;
	v57 =	vshrl.u32 v51, $0xC;
	v19 =	vand.u32 $0x1FFE, v45  }
0xb6: {  	v54 =	vld [tilespmem:$0x50];
	[tilespmem:$0x100] =	vst v8;
	v16 =	vand.u32 $0x1, v16;
	v20 =	vand.u32 $0x1FFE, v47;
	v19 =	vor.u32 v46, v19  }
0xb7: {  	[tilespmem:$0x110] =	vst v9;
	v17 =	vand.u32 $0x1, v17;
	v16 =	vor.u32 v16, v19;
	v19 =	vor.u32 v49, v20  }
0xb8: {  	v17 =	vor.u32 v17, v19;
	[tilespmem:$0x80] =	vst v16;
	v16 =	vand.u32 $0xFFFFE000, v48;
	v19 =	vand.u32 $0x1FFE, v53  }
0xb9: {  	v58 =	vld [tilespmem:$0x60];
	[tilespmem:$0x90] =	vst v17;
	v16 =	vor.u32 v16, v19;
	v17 =	vand.u32 $0x1, v21;
	v19 =	vand.u32 $0x1FFE, v55  }
0xba: {  	v61 =	vld [tilespmem:$0x70];
	[tilespmem:$0x120] =	vst v10;
	v59 =	vand.u32 $0x1, v57;
	v16 =	vor.u32 v17, v16;
	v17 =	vor.u32 v56, v19  }
0xbb: {  	v52 =	vand.u32 $0xFFFFE000, v44;
	[tilespmem:$0xB0] =	vst v16;
	v16 =	vor.u32 v59, v17;
	v17 =	vshll.u32 v54, $0x1  }
0xbc: {  	v60 =	vshrl.u32 v54, $0xC;
	[tilespmem:$0xC0] =	vst v16;
	v16 =	vand.u32 $0xFFFFE000, v54;
	v17 =	vand.u32 $0x1FFE, v17  }
0xbd: {  	[tilespmem:$0x130] =	vst v11;
	v18 =	vshrl.u32 v44, $0xC;
	v16 =	vor.u32 v16, v17;
	v17 =	vand.u32 $0x1, v60  }
0xbe: {  	[tilespmem:$0x140] =	vst v12;
	v62 =	vshrl.u32 v58, $0xC;
	v16 =	vor.u32 v17, v16;
	v17 =	vshll.u32 v58, $0x1  }
0xbf: {  	v63 =	vshrl.u32 v61, $0xC;
	[tilespmem:$0xD0] =	vst v16;
	v16 =	vand.u32 $0xFFFFE000, v58;
	v17 =	vand.u32 $0x1FFE, v17  }
0xc0: {  	[tilespmem:$0x150] =	vst v13;
	v18 =	vand.u32 $0x1, v18;
	v16 =	vor.u32 v16, v17;
	v17 =	vand.u32 $0x1, v62  }
0xc1: {  	[tilespmem:$0x160] =	vst v14;
	v20 =	vand.u32 $0x1FFE, v50;
	v16 =	vor.u32 v17, v16;
	v17 =	vshll.u32 v61, $0x1  }
0xc2: {  	v20 =	vor.u32 v52, v20;
	[tilespmem:$0xE0] =	vst v16;
	v16 =	vand.u32 $0xFFFFE000, v61;
	v17 =	vand.u32 $0x1FFE, v17  }
0xc3: {  	[tilespmem:$0x170] =	vst v15;
	v18 =	vor.u32 v18, v20;
	v16 =	vor.u32 v16, v17;
	v17 =	vand.u32 $0x1, v63  }
0xc4: {  	[tilespmem:$0xA0] =	vst v18;
	v16 =	vor.u32 v17, v16  }
0xc5: {  	[tilespmem:$0xF0] =	vst v16  }
0xc6: {  	_ =	swait.ge [sflag:s17], $0x2000  }
0xc7: {  	[sflag:s17] =	ssyncset.done $0x0  }
0xc8: {  	[sflag:s17] =	ssyncadd.s32 $0xFFFFE000  }
0xc9: {  	[tilespmem:s16], [sflag:$0x1] =	stream.indirect.gather [hbm4b:s3+s12], $0x40, s12, s12, $0xb8;
	[tilespmem:$0x4180] =	vst v63  }
0xca: {  	_ =	swait.ge [sflag:s14], $0x2000  }
0xcb: {  	[sflag:s14] =	ssyncset.done $0x0  }
0xcc: {  	[sflag:s14] =	ssyncadd.s32 $0xFFFFE000  }
0xcd: {  	[hbm4b:s5+s12] =	stream.indirect.scatter [tilespmem:s16], [sflag:$0x2], $0x40, s15, s12, $0xb8;
	[tilespmem:$0x4180] =	vst v63  }
0xce: {  	p0 =	sne.s32 s10, $0x1;
	_ =	swait.ge [sflag:s17], $0x2000  }
.Ltmp0:
0xcf: {  	[sflag:s17] =	ssyncset.done $0x0;
	(pc) =	sbr.rel @p0 .LBB2_1-.Ltmp0, $4  }
0xd0: {  	[sflag:s17] =	ssyncadd.s32 $0xFFFFE000  }
0xd1: {  	_ =	swait.ge [sflag:s17], $0x2000  }
0xd2: {  	[sflag:s17] =	ssyncset.done $0x0  }
0xd3: {  	s10 =	sadd.s32 $0xFFFFFFFF, s10;
	[sflag:s17] =	ssyncadd.s32 $0xFFFFE000  }
0xd4: {  	_ =	sfence.sel $0x180000  }
0xd5: {  	[bflag:$0x0] =	sbarrier.arrive $0xFFFF  }
0xd6: {  	p0 =	sne.s32 s0, $0x0;
	_ =	strace $0x90000047  }
0xd7: {  	s0 =	sadd.s32 @!p0 $0x100000, s1;
	[bflag:$0x2] =	sbarrier.arrive $0xFFFF  }
0xd8: {  	[sflag:s0] =	ssyncadd.tile.s32 @!p0 $0x1;
	_ =	shalt  }
.Lfunc_end2:
_tile_overlayer_lowered:
.L_overlay_start_2:
0xd9: {  	(tag) =	ssettag $0x2  }
0xda: {  	s0 =	rddreg [dreg:$0x0];
	s2 =	stileid.u32  }
0xdb: {  	s1 =	rddreg [dreg:$0x1];
	p0 =	sne.s32 s2, $0x0  }
0xdc: {  	s3 =	rddreg [dreg:$0x2];
	[bflag:$0x3] =	sbarrier.arrive $0xFFFF;
	s2 =	simm.s32 @!p0 $0x1C03  }
0xdd: {  	[timem:s3], [sflag:s2] =	dma.local @!p0 [hbm:s0], s1  }
0xde: {  	s0 =	simm.s32 @!p0 $0x3  }
0xdf: {  	_ =	swait.ge @!p0 [sflag:s0], s1  }
0xe0: {  	s1 =	ssub.s32 @!p0 $0x0, s1;
	[sflag:s0] =	ssyncset.done @!p0 $0x0  }
0xe1: {  	[sflag:s0] =	ssyncadd.s32 @!p0 s1  }
0xe2: {  	[bflag:$0x3] =	sbarrier.arrive $0xFFFF  }
0xe3: {  	_ =	shalt  }

// kernel: kernel.7.cloned.1.call-start
scs
__scs_entry_jumppad:
0x0: {  	(pc) =	sbr.rel $0x88, $3  }
0x1: {  	(tag) =	ssettag $0x0;
	lr =	simm.s32 $0x1  }
0x2: {  	[smem:$0x3F9A] =	sst lr;
	_ =	strace $0xD0000000  }
0x3: {  	_ = 	snop  }
0x4: {  	_ = 	snop  }
0x5: {  	_ = 	snop  }
0x6: {  	_ = 	snop  }
0x7: {  	_ = 	snop  }
__scs_overlays_trampoline_lowered:
0x8: {  	[smem:$0x3FA9] =	sst s0  }
0x9: {  	[smem:$0x3FAA] =	sst s1  }
0xa: {  	[smem:$0x3FAB] =	sst s2  }
0xb: {  	[smem:$0x3FAC] =	sst s3  }
0xc: {  	[smem:$0x3FAD] =	sst s4  }
0xd: {  	[smem:$0x3FAE] =	sst s5  }
0xe: {  	[smem:$0x3FAF] =	sst s6  }
0xf: {  	[smem:$0x3FB0] =	sst s7  }
0x10: {  	[smem:$0x3FB1] =	sst s8  }
0x11: {  	[smem:$0x3FB2] =	sst s9;
	s0 =	simm.s32 @!p0 $0x0  }
0x12: {  	s1 =	sld [smem:$0x3F98];
	s0 =	simm.s32 @p0 $0x1  }
0x13: {  	[smem:$0x3FB3] =	sst s0;
	s0 =	simm.s32 @!p1 $0x0  }
0x14: {  	s2 =	sld [smem:$0x3F97];
	s0 =	simm.s32 @p1 $0x1  }
0x15: {  	[smem:$0x3FB4] =	sst s0;
	s0 =	simm.s32 @!p2 $0x0  }
0x16: {  	s3 =	sld [smem:$0x3FDB];
	s0 =	simm.s32 @p2 $0x1  }
0x17: {  	s4 =	simm.s32 $0x1BF5;
	[smem:$0x3FB6] =	sst s0  }
0x18: {  	s0 =	sld [smem:$0x3F99];
	_ =	swait.ge [sflag:s4], $0x0  }
0x19: {  	s7 =	sld [smem:$0x3F9A]  }
0x1a: {  	s8 =	sadd.s32 $0xFFFFE003, lr  }
0x1b: {  	s9 =	sadd.s32 $0xFFFFFEF7, lr;
	s5 =	simm.s32 $0xFFFFFFFF;
	p2 =	slt.u32 s8, $0xFFFFF086  }
0x1c: {  	p1 =	slt.u32 s9, $0xF7A;
	s5 =	simm.s32 @!p2 $0x0  }
0x1d: {  	s5 =	simm.s32 @p1 $0x1;
	p0 =	seq.s32 s7, s2  }
0x1e: {  	s7 =	smul.u32 @!p0 $0xF7A, s2;
	p2 =	seq.s32 @!p0 s5, $0x0  }
0x1f: {  	s9 =	smul.u32 $0xF7A, s1;
	s8 =	simm.s32 @!p0 $0x1BF5;
	p2 =	por !p2, p0  }
0x20: {  	[sflag:s8] =	ssyncset.s32 @!p0 $0xFFFFF086;
	s6 =	sadd.s32 @!p0 s3, s7;
	s7 =	simm.s32 @!p0 $0x108  }
0x21: {  	s3 =	sadd.s32 s3, s9;
	s6 =	sadd.s32 @!p0 $0x88, s6;
	s7 =	simm.s32 @p2 $0x1082  }
0x22: {  	[simem:s7], [sflag:s8] =	dma.local @!p0 [hbm:s6], $0xF7A  }
0x23: {  	s9 =	sor.u32 $0xD0000000, s2;
	s6 =	simm.s32 $0x108;
	_ =	swait.ge @!p0 [sflag:s8], $0x0  }
0x24: {  	s3 =	sadd.s32 $0x88, s3;
	s6 =	simm.s32 @!p1 $0x1082;
	[sflag:s4] =	ssyncset.s32 $0xFFFFF086  }
0x25: {  	[simem:s6], [sflag:s4] =	dma.local [hbm:s3], $0xF7A  }
0x26: {  	[smem:$0x3F9A] =	sst s1;
	(tag) =	ssettag s2;
	_ =	strace s9  }
0x27: {  	s1 =	sld [smem:$0x3FAA]  }
0x28: {  	s2 =	sld [smem:$0x3FAB]  }
0x29: {  	s4 =	sld [smem:$0x3FAD]  }
0x2a: {  	p0 =	seq.s32 s5, $0x0;
	s5 =	sld [smem:$0x3FAE]  }
0x2b: {  	s6 =	sld [smem:$0x3FAF]  }
0x2c: {  	s7 =	sld [smem:$0x3FB0]  }
0x2d: {  	s3 =	simm.s32 $0x108;
	s8 =	sld [smem:$0x3FB1]  }
0x2e: {  	s3 =	simm.s32 @!p0 $0x1082;
	s9 =	sld [smem:$0x3FB2]  }
0x2f: {  	lr =	sadd.s32 s0, s3;
	s0 =	sld [smem:$0x3FA9]  }
0x30: {  	s3 =	sld [smem:$0x3FAC]  }
0x31: {  	[smem:$0x3FB5] =	sst s10  }
0x32: {  	s10 =	sld [smem:$0x3FB3];
	_ =	sdelay $0x3  }
0x33: {  	p0 =	seq.s32 s10, $0x1;
	s10 =	sld [smem:$0x3FB5];
	_ =	sdelay $0x3  }
0x34: {  	[smem:$0x3FB5] =	sst s10  }
0x35: {  	s10 =	sld [smem:$0x3FB4];
	_ =	sdelay $0x3  }
0x36: {  	p1 =	seq.s32 s10, $0x1;
	s10 =	sld [smem:$0x3FB5];
	_ =	sdelay $0x3  }
0x37: {  	[smem:$0x3FB5] =	sst s10  }
0x38: {  	s10 =	sld [smem:$0x3FB6]  }
0x39: {  	_ = 	snop;
	(pc) =	sbr.ind lr, $3  }
0x3a: {  	_ = 	snop  }
0x3b: {  	_ = 	snop  }
0x3c: {  	p2 =	seq.s32 s10, $0x1;
	s10 =	sld [smem:$0x3FB5]  }
0x3d: {  	_ =	shalt  }
0x3e: {  	_ =	shalt  }
0x3f: {  	_ =	shalt  }
0x40: {  	_ =	shalt  }
0x41: {  	_ =	shalt  }
0x42: {  	_ =	shalt  }
0x43: {  	_ =	shalt  }
0x44: {  	_ =	shalt  }
0x45: {  	_ =	shalt  }
0x46: {  	_ =	shalt  }
0x47: {  	_ =	shalt  }
0x48: {  	_ =	shalt  }
0x49: {  	_ =	shalt  }
0x4a: {  	_ =	shalt  }
0x4b: {  	_ =	shalt  }
0x4c: {  	_ =	shalt  }
0x4d: {  	_ =	shalt  }
0x4e: {  	_ =	shalt  }
0x4f: {  	_ =	shalt  }
0x50: {  	_ =	shalt  }
0x51: {  	_ =	shalt  }
0x52: {  	_ =	shalt  }
0x53: {  	_ =	shalt  }
0x54: {  	_ =	shalt  }
0x55: {  	_ =	shalt  }
0x56: {  	_ =	shalt  }
0x57: {  	_ =	shalt  }
0x58: {  	_ =	shalt  }
0x59: {  	_ =	shalt  }
0x5a: {  	_ =	shalt  }
0x5b: {  	_ =	shalt  }
0x5c: {  	_ =	shalt  }
0x5d: {  	_ =	shalt  }
0x5e: {  	_ =	shalt  }
0x5f: {  	_ =	shalt  }
0x60: {  	_ =	shalt  }
0x61: {  	_ =	shalt  }
0x62: {  	_ =	shalt  }
0x63: {  	_ =	shalt  }
0x64: {  	_ =	shalt  }
0x65: {  	_ =	shalt  }
0x66: {  	_ =	shalt  }
0x67: {  	_ =	shalt  }
0x68: {  	_ =	shalt  }
0x69: {  	_ =	shalt  }
0x6a: {  	_ =	shalt  }
0x6b: {  	_ =	shalt  }
0x6c: {  	_ =	shalt  }
0x6d: {  	_ =	shalt  }
0x6e: {  	_ =	shalt  }
0x6f: {  	_ =	shalt  }
0x70: {  	_ =	shalt  }
0x71: {  	_ =	shalt  }
0x72: {  	_ =	shalt  }
0x73: {  	_ =	shalt  }
0x74: {  	_ =	shalt  }
0x75: {  	_ =	shalt  }
0x76: {  	_ =	shalt  }
0x77: {  	_ =	shalt  }
0x78: {  	_ =	shalt  }
0x79: {  	_ =	shalt  }
0x7a: {  	_ =	shalt  }
0x7b: {  	_ =	shalt  }
0x7c: {  	_ =	shalt  }
0x7d: {  	_ =	shalt  }
0x7e: {  	_ =	shalt  }
0x7f: {  	_ =	shalt  }
0x80: {  	_ =	shalt  }
0x81: {  	_ =	shalt  }
0x82: {  	_ =	shalt  }
0x83: {  	_ =	shalt  }
0x84: {  	_ =	shalt  }
0x85: {  	_ =	shalt  }
0x86: {  	_ =	shalt  }
0x87: {  	_ =	shalt  }
.Lfunc_end0:
.L_simem_size_0:
called_computation_lowered:
.L_overlay_start_0:
0x88: {  	s2 =	sld [smem:$0x3FD9]  }
0x89: {  	s3 =	sld [smem:$0x3FFE];
	_ =	sdelay $0x1  }
0x8a: {  	s1 =	srdreg.scid  }
0x8b: {  	s0 =	sand.u32 $0x1, s1  }
0x8c: {  	s17 =	sshll.u32 s0, $0xA;
	s2 =	sadd.s32 s3, s2  }
0x8d: {  	s2 =	sadd.s32 s2, s17  }
0x8e: {  	[smem:$0x3FC1] =	sst s2  }
0x8f: {  	_ = 	snop  }
0x90: {  	s18 =	sld [smem:$0x3FC9]  }
0x91: {  	s4 =	sld [smem:$0x3FC8];
	(tm) =	ssettm $0x1  }
0x92: {  	s19 =	sld [smem:$0x3FFB];
	_ =	sdelay $0x3  }
0x93: {  	_ =	strace s19  }
0x94: {  	s2 =	sld [smem:$0x3FFC];
	_ =	sdelay $0x3  }
0x95: {  	_ =	strace s2  }
0x96: {  	s2 =	sld [smem:$0x3FFD];
	_ =	sdelay $0x3  }
0x97: {  	_ =	strace s2  }
0x98: {  	_ =	strace $0x8FFFFFFF  }
0x99: {  	s20 =	sld [smem:$0x3FDB];
	_ =	sdelay $0x1  }
0x9a: {  	s5 =	simm.s32 $_scs_section_size  }
0x9b: {  	s6 =	simm.s32 $_size__tile_overlayer_lowered;
	s7 =	simm.s32 $_tile_overlayer_lowered  }
0x9c: {  	s8 =	simm.s32 $0x1BFF;
	s21 =	sshll.u32 s7, $0x1;
	s5 =	sadd.s32 s5, s20  }
0x9d: {  	s22 =	simm.s32 $0x0;
	s6 =	sshll.u32 s6, $0x1;
	s7 =	sadd.s32 s21, s5  }
0x9e: {  	[timem:s22], [sflag:s8] =	dma.local [hbm:s7], s6  }
0x9f: {  	_ =	swait.ge [sflag:s8], s6  }
0xa0: {  	s6 =	ssub.s32 $0x0, s6;
	[sflag:s8] =	ssyncset.done $0x0  }
0xa1: {  	[sflag:s8] =	ssyncadd.s32 s6;
	_ =	sdelay $0x1  }
0xa2: {  	s23 =	simm.s32 $0x1B8B  }
0xa3: {  	_ =	swait.ge [sflag:s23], $0x1  }
0xa4: {  	[sflag:s23] =	ssyncset.done $0x0  }
0xa5: {  	[sflag:s23] =	ssyncadd.s32 $0xFFFFFFFF  }
0xa6: {  	s6 =	sld [smem:$0x0]  }
0xa7: {  	s7 =	sand.u32 $0xFFFFFFFE, s1  }
0xa8: {  	p0 =	sne.s32 s1, s7  }
0xa9: {  	s7 =	sshll.u32 @p0 s7, $0xE  }
0xaa: {  	s7 =	sadd.s32 @p0 $0x11B8D, s7;
	s8 =	sshll.u32 @p0 s6, $0x11  }
0xab: {  	s7 =	sor.u32 @p0 s8, s7  }
0xac: {  	[sflag:s7] =	ssyncadd.remote.s32 @p0 $0x1;
	_ =	sdelay $0x1  }
0xad: {  	s7 =	simm.s32 @p0 $0x1B8D  }
0xae: {  	_ =	swait.eq @p0 [sflag:s7], $0x1  }
0xaf: {  	[sflag:s7] =	ssyncadd.s32 @p0 $0xFFFFFFFF  }
0xb0: {  	s8 =	sshll.u32 @!p0 s1, $0xE  }
0xb1: {  	s8 =	sor.u32 @!p0 $0x4000, s8;
	s7 =	simm.s32 @!p0 $0x1B8D  }
0xb2: {  	s6 =	sshll.u32 @!p0 s6, $0x11;
	s8 =	sadd.s32 @!p0 $0x11B8D, s8;
	_ =	swait.eq @!p0 [sflag:s7], $0x1  }
0xb3: {  	s6 =	sor.u32 @!p0 s6, s8;
	[sflag:s7] =	ssyncadd.s32 @!p0 $0xFFFFFFFF  }
0xb4: {  	s25 =	simm.s32 $0x1B8E;
	s24 =	sld [smem:$0x3FFE];
	[sflag:s6] =	ssyncadd.remote.s32 @!p0 $0x1  }
0xb5: {  	s26 =	simm.s32 $execute0_lowered;
	[smem:$0x3FD2] =	sst s25  }
0xb6: {  	s7 =	sshll.u32 s26, $0x1;
	_ =	strace $0x80000049;
	[dreg:$0x1] =	wrdreg $0xFFFFFFFF  }
0xb7: {  	s28 =	simm.s32 $_size_execute0_lowered;
	s5 =	sadd.s32 s5, s7;
	[dreg:$0x0] =	wrdreg $0x0  }
0xb8: {  	s7 =	sshll.u32 s28, $0x1;
	[dreg:$0x2] =	wrdreg s5  }
0xb9: {  	[dreg:$0x3] =	wrdreg s7  }
0xba: {  	[dreg:$0x4] =	wrdreg $0xC0  }
0xbb: {  	_ =	task [dreg:s22], $0x5FFFF  }
0xbc: {  	[dreg:$0x1] =	wrdreg $0xFFFFFFFF  }
0xbd: {  	[dreg:$0x0] =	wrdreg $0x60  }
0xbe: {  	[dreg:$0x2] =	wrdreg s18  }
0xbf: {  	[dreg:$0x3] =	wrdreg s4  }
0xc0: {  	[dreg:$0x4] =	wrdreg s24  }
0xc1: {  	[dreg:$0x5] =	wrdreg $0x9  }
0xc2: {  	_ =	task.clear_ibuf [dreg:s22], $0x6FFFF;
	_ =	strace $0x90000049  }
0xc3: {  	s29 =	simm.s32 $0x9;
	_ =	strace $0x8000004B  }
0xc4: {  	_ =	swait.ge [sflag:s29], $0x1  }
0xc5: {  	[sflag:s29] =	ssyncadd.s32 $0xFFFFFFFF  }
0xc6: {  	_ =	strace $0x9000004B  }
0xc7: {  	_ =	sfence  }
0xc8: {  	s30 =	sld [smem:$0x0];
	_ =	sdelay $0x2  }
0xc9: {  	s31 =	sshll.u32 s1, $0xD;
	s1 =	sshrl.u32 s1, $0x2  }
0xca: {  	s4 =	sand.u32 $0x4000, s31;
	s1 =	sadd.s32 s1, s30  }
0xcb: {  	s0 =	sor.u32 s4, s0;
	s1 =	sshll.u32 s1, $0x11  }
0xcc: {  	s0 =	sor.u32 s1, s0  }
0xcd: {  	s0 =	sadd.s32 $0x8F2B, s0  }
0xce: {  	[sflag:s0] =	ssyncadd.remote.s32 $0x1  }
0xcf: {  	_ =	sfence.sel $0xFFFF  }
0xd0: {  	[dreg:$0x0] =	wrdreg $0xFFFFFFFF;
	(pc) =	sbr.abs _section_cstart, $3  }
0xd1: {  	[dreg:$0x1] =	wrdreg $0xFFFFFFFF  }
0xd2: {  	_ =	task.clear_ibuf [dreg:s22], $0x2FFFF;
	_ =	strace $0x9FFFFFFF  }
0xd3: {  	(tm) =	ssettm $0x7FFFFFFF  }
tec
execute0_lowered:
.L_overlay_start_1:
0x0: {  	(tag) =	ssettag $0x1  }
0x1: {  	s1 =	srdreg.scid  }
0x2: {  	s0 =	stileid.u32;
	s4 =	sand.u32 $0x1, s1  }
0x3: {  	s17 =	sshll.u32 s0, $0x9;
	s2 =	sshll.u32 s4, $0x8  }
0x4: {  	s6 =	sor.u32 s2, s17  }
0x5: {  	v0 =	vlaneseq.u32;
	v1 =	vmov s6  }
0x6: {  	v13 =	vmul.u32 $0x2, v0;
	s29 =	sor.u32 $0xE0, s6;
	s11 =	sor.u32 $0xF0, s6;
	v0 =	vshll.u32 v1, $0x1;
	v2 =	vshrl.u32 v1, $0xA  }
0x7: {  	v1 =	vand.u32 $0x1800, v1;
	v17 =	vmov s29;
	v19 =	vmov s11  }
0x8: {  	v0 =	vor.u32 v13, v0;
	v2 =	vand.u32 $0x1, v2;
	v18 =	vand.u32 $0x1800, v17  }
0x9: {  	s1 =	sor.u32 $0x10, s6;
	v62 =	vshrl.u32 v19, $0xA;
	v20 =	vshll.u32 v19, $0x1;
	v19 =	vand.u32 $0x1800, v19  }
0xa: {  	v0 =	vand.u32 $0x61E, v0;
	v1 =	vor.u32 v1, v2;
	v2 =	vmov s1  }
0xb: {  	v0 =	vor.u32 v0, v1;
	v1 =	vshll.u32 v2, $0x1;
	v3 =	vshrl.u32 v2, $0xA  }
0xc: {  	s18 =	sor.u32 $0x20, s6;
	v2 =	vand.u32 $0x1800, v2;
	v1 =	vor.u32 v13, v1;
	v3 =	vand.u32 $0x1, v3  }
0xd: {  	v1 =	vand.u32 $0x63E, v1;
	v2 =	vor.u32 v2, v3;
	v3 =	vmov s18  }
0xe: {  	v1 =	vor.u32 v1, v2;
	v2 =	vshll.u32 v3, $0x1;
	v4 =	vshrl.u32 v3, $0xA  }
0xf: {  	s19 =	sor.u32 $0x30, s6;
	v3 =	vand.u32 $0x1800, v3;
	v2 =	vor.u32 v13, v2;
	v4 =	vand.u32 $0x1, v4  }
0x10: {  	v2 =	vand.u32 $0x65E, v2;
	v3 =	vor.u32 v3, v4;
	v4 =	vmov s19  }
0x11: {  	v2 =	vor.u32 v2, v3;
	v3 =	vshll.u32 v4, $0x1;
	v5 =	vshrl.u32 v4, $0xA  }
0x12: {  	s20 =	sor.u32 $0x40, s6;
	v4 =	vand.u32 $0x1800, v4;
	v3 =	vor.u32 v13, v3;
	v5 =	vand.u32 $0x1, v5  }
0x13: {  	v3 =	vand.u32 $0x67E, v3;
	v4 =	vor.u32 v4, v5;
	v5 =	vmov s20  }
0x14: {  	v3 =	vor.u32 v3, v4;
	v4 =	vshll.u32 v5, $0x1;
	v6 =	vshrl.u32 v5, $0xA  }
0x15: {  	s21 =	sor.u32 $0x50, s6;
	v5 =	vand.u32 $0x1800, v5;
	v4 =	vor.u32 v13, v4;
	v6 =	vand.u32 $0x1, v6  }
0x16: {  	v4 =	vand.u32 $0x69E, v4;
	v5 =	vor.u32 v5, v6;
	v6 =	vmov s21  }
0x17: {  	v4 =	vor.u32 v4, v5;
	v5 =	vshll.u32 v6, $0x1;
	v7 =	vshrl.u32 v6, $0xA  }
0x18: {  	s22 =	sor.u32 $0x60, s6;
	v6 =	vand.u32 $0x1800, v6;
	v5 =	vor.u32 v13, v5;
	v7 =	vand.u32 $0x1, v7  }
0x19: {  	v5 =	vand.u32 $0x6BE, v5;
	v6 =	vor.u32 v6, v7;
	v7 =	vmov s22  }
0x1a: {  	v5 =	vor.u32 v5, v6;
	v6 =	vshll.u32 v7, $0x1;
	v8 =	vshrl.u32 v7, $0xA  }
0x1b: {  	s23 =	sor.u32 $0x70, s6;
	v7 =	vand.u32 $0x1800, v7;
	v6 =	vor.u32 v13, v6;
	v8 =	vand.u32 $0x1, v8  }
0x1c: {  	v6 =	vand.u32 $0x6DE, v6;
	v7 =	vor.u32 v7, v8;
	v8 =	vmov s23  }
0x1d: {  	v6 =	vor.u32 v6, v7;
	v7 =	vshll.u32 v8, $0x1;
	v9 =	vshrl.u32 v8, $0xA  }
0x1e: {  	s7 =	sor.u32 $0x80, s6;
	v8 =	vand.u32 $0x1800, v8;
	v7 =	vor.u32 v13, v7;
	v9 =	vand.u32 $0x1, v9  }
0x1f: {  	v7 =	vand.u32 $0x6FE, v7;
	v8 =	vor.u32 v8, v9;
	v9 =	vmov s7  }
0x20: {  	v7 =	vor.u32 v7, v8;
	v8 =	vshll.u32 v9, $0x1;
	v10 =	vshrl.u32 v9, $0xA  }
0x21: {  	s24 =	sor.u32 $0x90, s6;
	v9 =	vand.u32 $0x1800, v9;
	v8 =	vor.u32 v13, v8;
	v10 =	vand.u32 $0x1, v10  }
0x22: {  	v8 =	vand.u32 $0x71E, v8;
	v9 =	vor.u32 v9, v10;
	v10 =	vmov s24  }
0x23: {  	v8 =	vor.u32 v8, v9;
	v9 =	vshll.u32 v10, $0x1;
	v11 =	vshrl.u32 v10, $0xA  }
0x24: {  	s25 =	sor.u32 $0xA0, s6;
	v10 =	vand.u32 $0x1800, v10;
	v9 =	vor.u32 v13, v9;
	v11 =	vand.u32 $0x1, v11  }
0x25: {  	v9 =	vand.u32 $0x73E, v9;
	v10 =	vor.u32 v10, v11;
	v11 =	vmov s25  }
0x26: {  	v9 =	vor.u32 v9, v10;
	v10 =	vshll.u32 v11, $0x1;
	v12 =	vshrl.u32 v11, $0xA  }
0x27: {  	s26 =	sor.u32 $0xB0, s6;
	v11 =	vand.u32 $0x1800, v11;
	v10 =	vor.u32 v13, v10;
	v12 =	vand.u32 $0x1, v12  }
0x28: {  	v10 =	vand.u32 $0x75E, v10;
	v11 =	vor.u32 v11, v12;
	v12 =	vmov s26  }
0x29: {  	v10 =	vor.u32 v10, v11;
	v11 =	vshll.u32 v12, $0x1;
	v14 =	vshrl.u32 v12, $0xA  }
0x2a: {  	s28 =	sor.u32 $0xC0, s6;
	v12 =	vand.u32 $0x1800, v12;
	v11 =	vor.u32 v13, v11;
	v14 =	vand.u32 $0x1, v14  }
0x2b: {  	s8 =	rddreg [dreg:$0x0];
	v11 =	vand.u32 $0x77E, v11;
	v12 =	vor.u32 v12, v14;
	v14 =	vmov s28  }
0x2c: {  	s9 =	rddreg [dreg:$0x1];
	v11 =	vor.u32 v11, v12;
	v12 =	vshll.u32 v14, $0x1;
	v15 =	vshrl.u32 v14, $0xA  }
0x2d: {  	s5 =	rddreg [dreg:$0x2];
	s3 =	sor.u32 $0xD0, s6;
	v14 =	vand.u32 $0x1800, v14;
	v12 =	vor.u32 v13, v12;
	v15 =	vand.u32 $0x1, v15  }
0x2e: {  	s13 =	simm.s32 $0x180;
	s14 =	simm.s32 $0x1;
	s15 =	simm.s32 $0x100;
	v12 =	vand.u32 $0x79E, v12;
	v14 =	vor.u32 v14, v15;
	v15 =	vmov s3  }
0x2f: {  	s16 =	simm.s32 $0x2180;
	s10 =	ssub.s32 $0x2, s4;
	s4 =	sadd.s32 $0xF2200, s5;
	v12 =	vor.u32 v12, v14;
	v14 =	vshll.u32 v15, $0x1;
	v16 =	vshrl.u32 v15, $0xA  }
0x30: {  	s2 =	simm.s32 $0x0;
	s12 =	sshrl.u32 s10, $0x1;
	s17 =	simm.s32 $0x2;
	v15 =	vand.u32 $0x1800, v15;
	v16 =	vand.u32 $0x1, v16;
	v14 =	vor.u32 v13, v14  }
0x31: {  	[smem:$0x7FF] =	sst s2;
	s10 =	ssub.s32 s10, s12;
	s30 =	sshrl.u32 s6, $0x3;
	v15 =	vor.u32 v15, v16;
	v16 =	vshrl.u32 v17, $0xA;
	v17 =	vshll.u32 v17, $0x1  }
0x32: {  	s12 =	simm.s32 $0x80;
	s31 =	sshrl.u32 s7, $0x3;
	s6 =	sadd.s32 s8, s30;
	v14 =	vand.u32 $0x7BE, v14;
	v16 =	vand.u32 $0x1, v16;
	v17 =	vor.u32 v13, v17  }
0x33: {  	s10 =	smax.u32 s10, $0x1;
	s11 =	simm.s32 $0x3;
	s1 =	rddreg [dreg:$0x3];
	v13 =	vor.u32 v13, v20;
	v16 =	vor.u32 v18, v16;
	v18 =	vand.u32 $0x1, v62  }
0x34: {  	_ =	strace $0x8000004A;
	s7 =	sadd.s32 s8, s31;
	s8 =	sadd.s32 s9, s30;
	v17 =	vand.u32 $0x7DE, v17;
	v63 =	vand.u32 $0x7FE, v13;
	v18 =	vor.u32 v19, v18  }
0x35: {  	s9 =	sadd.s32 s9, s31;
	s3 =	sadd.s32 $0x2200, s5;
	s5 =	sadd.s32 $0x102200, s5;
	v13 =	vor.u32 v14, v15;
	v14 =	vor.u32 v17, v16;
	v15 =	vor.u32 v63, v18  }
.LBB2_1:
0x36: {  	[tilespmem:s2], [sflag:$0x3] =	stream.linear.gather [hbm4b:s6+s2], $0x80, $0x38;
	[tilespmem:$0x4180] =	vst v63  }
0x37: {  	_ =	swait.ge [sflag:s11], $0x80  }
0x38: {  	[sflag:s11] =	ssyncset.done $0x0  }
0x39: {  	[sflag:s11] =	ssyncadd.s32 $0xFFFFFF80  }
0x3a: {  	v16 =	vld [tilespmem:$0x0]  }
0x3b: {  	v17 =	vld [tilespmem:$0x10]  }
0x3c: {  	v19 =	vld [tilespmem:$0x20]  }
0x3d: {  	v21 =	vld [tilespmem:$0x30]  }
0x3e: {  	v56 =	vld [tilespmem:$0x40]  }
0x3f: {  	v61 =	vld [tilespmem:$0x50]  }
0x40: {  	v25 =	vld [tilespmem:$0x60];
	v18 =	vshll.u32 v16, $0x1;
	v20 =	vand.u32 $0xFFFFE000, v16;
	v16 =	vshrl.u32 v16, $0xC  }
0x41: {  	v55 =	vshll.u32 v17, $0x1;
	v22 =	vand.u32 $0xFFFFE000, v17;
	v17 =	vshrl.u32 v17, $0xC  }
0x42: {  	v57 =	vshll.u32 v19, $0x1;
	v58 =	vand.u32 $0xFFFFE000, v19;
	v19 =	vshrl.u32 v19, $0xC  }
0x43: {  	v60 =	vshll.u32 v21, $0x1;
	v62 =	vand.u32 $0xFFFFE000, v21;
	v63 =	vshrl.u32 v21, $0xC  }
0x44: {  	v24 =	vshll.u32 v56, $0x1;
	v23 =	vand.u32 $0xFFFFE000, v56;
	v28 =	vshll.u32 v61, $0x1  }
0x45: {  	[tilespmem:$0x100] =	vst v0;
	v31 =	vshll.u32 v25, $0x1;
	v21 =	vshrl.u32 v25, $0xC;
	v18 =	vand.u32 $0x1FFE, v18  }
0x46: {  	[tilespmem:$0x110] =	vst v1;
	v16 =	vand.u32 $0x1, v16;
	v17 =	vand.u32 $0x1, v17;
	v59 =	vand.u32 $0x1, v19  }
0x47: {  	[tilespmem:$0x120] =	vst v2;
	v19 =	vand.u32 $0x1FFE, v60;
	v18 =	vor.u32 v20, v18;
	v20 =	vand.u32 $0x1FFE, v55  }
0x48: {  	[tilespmem:$0x130] =	vst v3;
	v20 =	vor.u32 v22, v20;
	v16 =	vor.u32 v16, v18;
	v18 =	vand.u32 $0x1FFE, v57  }
0x49: {  	v22 =	vshrl.u32 v56, $0xC;
	v17 =	vor.u32 v17, v20;
	[tilespmem:$0x80] =	vst v16;
	v16 =	vor.u32 v58, v18  }
0x4a: {  	v27 =	vand.u32 $0x1, v22;
	v18 =	vand.u32 $0x1FFE, v28;
	v16 =	vor.u32 v59, v16;
	[tilespmem:$0x90] =	vst v17  }
0x4b: {  	v29 =	vld [tilespmem:$0x70];
	v17 =	vor.u32 v62, v19;
	v19 =	vand.u32 $0x1FFE, v24;
	[tilespmem:$0xA0] =	vst v16;
	v16 =	vand.u32 $0x1, v63  }
0x4c: {  	[tilespmem:$0x140] =	vst v4;
	v20 =	vshrl.u32 v61, $0xC;
	v26 =	vor.u32 v23, v19;
	v16 =	vor.u32 v16, v17  }
0x4d: {  	v30 =	vand.u32 $0x1, v20;
	v17 =	vor.u32 v27, v26;
	[tilespmem:$0xB0] =	vst v16;
	v16 =	vand.u32 $0xFFFFE000, v61  }
0x4e: {  	v20 =	vand.u32 $0x1FFE, v31;
	[tilespmem:$0xC0] =	vst v17;
	v17 =	vand.u32 $0xFFFFE000, v25;
	v16 =	vor.u32 v16, v18  }
0x4f: {  	[tilespmem:$0x150] =	vst v5;
	v32 =	vand.u32 $0x1, v21;
	v17 =	vor.u32 v17, v20;
	v16 =	vor.u32 v30, v16  }
0x50: {  	[tilespmem:$0xD0] =	vst v16;
	v16 =	vor.u32 v32, v17;
	v17 =	vshll.u32 v29, $0x1  }
0x51: {  	[tilespmem:$0x160] =	vst v6;
	v33 =	vand.u32 $0xFFFFE000, v29;
	v19 =	vshrl.u32 v29, $0xC;
	v17 =	vand.u32 $0x1FFE, v17  }
0x52: {  	[tilespmem:$0xE0] =	vst v16;
	v16 =	vor.u32 v33, v17;
	v17 =	vand.u32 $0x1, v19  }
0x53: {  	[tilespmem:$0x170] =	vst v7;
	v16 =	vor.u32 v17, v16  }
0x54: {  	[tilespmem:$0xF0] =	vst v16  }
0x55: {  	[tilespmem:s13], [sflag:$0x1] =	stream.indirect.gather [hbm4b:s3+s12], $0x40, s12, s12, $0xb8;
	[tilespmem:$0x4180] =	vst v63  }
0x56: {  	_ =	swait.ge [sflag:s14], $0x2000  }
0x57: {  	[sflag:s14] =	ssyncset.done $0x0  }
0x58: {  	[sflag:s14] =	ssyncadd.s32 $0xFFFFE000  }
0x59: {  	[hbm4b:s4+s12] =	stream.indirect.scatter [tilespmem:s13], [sflag:$0x2], $0x40, s15, s12, $0xb8;
	[tilespmem:$0x4180] =	vst v63  }
0x5a: {  	_ = 	snop  }
0x5b: {  	[tilespmem:s2], [sflag:$0x3] =	stream.linear.gather [hbm4b:s7+s2], $0x80, $0x38;
	[tilespmem:$0x4180] =	vst v63  }
0x5c: {  	_ =	swait.ge [sflag:s11], $0x80  }
0x5d: {  	[sflag:s11] =	ssyncset.done $0x0  }
0x5e: {  	[sflag:s11] =	ssyncadd.s32 $0xFFFFFF80  }
0x5f: {  	v16 =	vld [tilespmem:$0x0]  }
0x60: {  	v17 =	vld [tilespmem:$0x10]  }
0x61: {  	v35 =	vld [tilespmem:$0x20]  }
0x62: {  	v38 =	vld [tilespmem:$0x30]  }
0x63: {  	v40 =	vld [tilespmem:$0x40]  }
0x64: {  	v45 =	vld [tilespmem:$0x50]  }
0x65: {  	v49 =	vld [tilespmem:$0x60];
	v34 =	vshll.u32 v16, $0x1;
	v36 =	vand.u32 $0xFFFFE000, v16;
	v16 =	vshrl.u32 v16, $0xC  }
0x66: {  	v37 =	vshll.u32 v17, $0x1;
	v39 =	vand.u32 $0xFFFFE000, v17;
	v17 =	vshrl.u32 v17, $0xC  }
0x67: {  	v41 =	vshll.u32 v35, $0x1;
	v42 =	vand.u32 $0xFFFFE000, v35;
	v19 =	vshrl.u32 v35, $0xC  }
0x68: {  	v44 =	vshll.u32 v38, $0x1;
	v46 =	vand.u32 $0xFFFFE000, v38;
	v47 =	vshrl.u32 v38, $0xC  }
0x69: {  	v48 =	vshll.u32 v40, $0x1;
	v50 =	vand.u32 $0xFFFFE000, v40;
	v22 =	vshrl.u32 v40, $0xC  }
0x6a: {  	[tilespmem:$0x100] =	vst v8;
	v53 =	vshll.u32 v45, $0x1;
	v56 =	vshll.u32 v49, $0x1;
	v21 =	vshrl.u32 v49, $0xC  }
0x6b: {  	[tilespmem:$0x110] =	vst v9;
	v18 =	vand.u32 $0x1FFE, v34;
	v20 =	vand.u32 $0x1FFE, v37;
	v16 =	vand.u32 $0x1, v16  }
0x6c: {  	[tilespmem:$0x120] =	vst v10;
	v17 =	vand.u32 $0x1, v17;
	v43 =	vand.u32 $0x1, v19;
	v18 =	vor.u32 v36, v18  }
0x6d: {  	[tilespmem:$0x130] =	vst v11;
	v20 =	vor.u32 v39, v20;
	v16 =	vor.u32 v16, v18;
	v18 =	vand.u32 $0x1FFE, v41  }
0x6e: {  	v19 =	vand.u32 $0x1FFE, v44;
	v17 =	vor.u32 v17, v20;
	[tilespmem:$0x80] =	vst v16;
	v16 =	vor.u32 v42, v18  }
0x6f: {  	v52 =	vand.u32 $0x1, v22;
	v20 =	vshrl.u32 v45, $0xC;
	[tilespmem:$0x90] =	vst v17;
	v16 =	vor.u32 v43, v16  }
0x70: {  	v54 =	vld [tilespmem:$0x70];
	v17 =	vor.u32 v46, v19;
	v19 =	vand.u32 $0x1FFE, v48;
	[tilespmem:$0xA0] =	vst v16;
	v16 =	vand.u32 $0x1, v47  }
0x71: {  	[tilespmem:$0x140] =	vst v12;
	v18 =	vand.u32 $0x1FFE, v53;
	v51 =	vor.u32 v50, v19;
	v16 =	vor.u32 v16, v17  }
0x72: {  	v55 =	vand.u32 $0x1, v20;
	v17 =	vor.u32 v52, v51;
	[tilespmem:$0xB0] =	vst v16;
	v16 =	vand.u32 $0xFFFFE000, v45  }
0x73: {  	v20 =	vand.u32 $0x1FFE, v56;
	[tilespmem:$0xC0] =	vst v17;
	v17 =	vand.u32 $0xFFFFE000, v49;
	v16 =	vor.u32 v16, v18  }
0x74: {  	[tilespmem:$0x150] =	vst v13;
	v57 =	vand.u32 $0x1, v21;
	v17 =	vor.u32 v17, v20;
	v16 =	vor.u32 v55, v16  }
0x75: {  	[tilespmem:$0xD0] =	vst v16;
	v16 =	vor.u32 v57, v17;
	v17 =	vshll.u32 v54, $0x1  }
0x76: {  	[tilespmem:$0x160] =	vst v14;
	v58 =	vand.u32 $0xFFFFE000, v54;
	v19 =	vshrl.u32 v54, $0xC;
	v17 =	vand.u32 $0x1FFE, v17  }
0x77: {  	[tilespmem:$0xE0] =	vst v16;
	v16 =	vor.u32 v58, v17;
	v17 =	vand.u32 $0x1, v19  }
0x78: {  	[tilespmem:$0x170] =	vst v15;
	v16 =	vor.u32 v17, v16  }
0x79: {  	[tilespmem:$0xF0] =	vst v16  }
0x7a: {  	[tilespmem:s16], [sflag:$0x1] =	stream.indirect.gather [hbm4b:s3+s12], $0x40, s12, s12, $0xb8;
	[tilespmem:$0x4180] =	vst v63  }
0x7b: {  	_ =	swait.ge [sflag:s14], $0x2000  }
0x7c: {  	[sflag:s14] =	ssyncset.done $0x0  }
0x7d: {  	[sflag:s14] =	ssyncadd.s32 $0xFFFFE000  }
0x7e: {  	[hbm4b:s4+s12] =	stream.indirect.scatter [tilespmem:s16], [sflag:$0x2], $0x40, s15, s12, $0xb8;
	[tilespmem:$0x4180] =	vst v63  }
0x7f: {  	_ = 	snop  }
0x80: {  	[tilespmem:s2], [sflag:$0x3] =	stream.linear.gather [hbm4b:s8+s2], $0x80, $0x38;
	[tilespmem:$0x4180] =	vst v63  }
0x81: {  	_ =	swait.ge [sflag:s11], $0x80  }
0x82: {  	[sflag:s11] =	ssyncset.done $0x0  }
0x83: {  	[sflag:s11] =	ssyncadd.s32 $0xFFFFFF80  }
0x84: {  	v16 =	vld [tilespmem:$0x0]  }
0x85: {  	v17 =	vld [tilespmem:$0x10]  }
0x86: {  	v60 =	vld [tilespmem:$0x20]  }
0x87: {  	v63 =	vld [tilespmem:$0x30]  }
0x88: {  	v25 =	vld [tilespmem:$0x40]  }
0x89: {  	v30 =	vld [tilespmem:$0x50]  }
0x8a: {  	v34 =	vld [tilespmem:$0x60];
	v59 =	vshll.u32 v16, $0x1;
	v61 =	vand.u32 $0xFFFFE000, v16;
	v16 =	vshrl.u32 v16, $0xC  }
0x8b: {  	v62 =	vshll.u32 v17, $0x1;
	v24 =	vand.u32 $0xFFFFE000, v17;
	v17 =	vshrl.u32 v17, $0xC  }
0x8c: {  	v26 =	vshll.u32 v60, $0x1;
	v27 =	vand.u32 $0xFFFFE000, v60;
	v19 =	vshrl.u32 v60, $0xC  }
0x8d: {  	v29 =	vshll.u32 v63, $0x1;
	v31 =	vand.u32 $0xFFFFE000, v63;
	v32 =	vshrl.u32 v63, $0xC  }
0x8e: {  	v33 =	vshll.u32 v25, $0x1;
	v35 =	vand.u32 $0xFFFFE000, v25;
	v22 =	vshrl.u32 v25, $0xC  }
0x8f: {  	[tilespmem:$0x100] =	vst v0;
	v38 =	vshll.u32 v30, $0x1;
	v41 =	vshll.u32 v34, $0x1;
	v21 =	vshrl.u32 v34, $0xC  }
0x90: {  	[tilespmem:$0x110] =	vst v1;
	v18 =	vand.u32 $0x1FFE, v59;
	v20 =	vand.u32 $0x1FFE, v62;
	v16 =	vand.u32 $0x1, v16  }
0x91: {  	[tilespmem:$0x120] =	vst v2;
	v17 =	vand.u32 $0x1, v17;
	v28 =	vand.u32 $0x1, v19;
	v18 =	vor.u32 v61, v18  }
0x92: {  	[tilespmem:$0x130] =	vst v3;
	v20 =	vor.u32 v24, v20;
	v16 =	vor.u32 v16, v18;
	v18 =	vand.u32 $0x1FFE, v26  }
0x93: {  	v19 =	vand.u32 $0x1FFE, v29;
	v17 =	vor.u32 v17, v20;
	[tilespmem:$0x80] =	vst v16;
	v16 =	vor.u32 v27, v18  }
0x94: {  	v37 =	vand.u32 $0x1, v22;
	v20 =	vshrl.u32 v30, $0xC;
	[tilespmem:$0x90] =	vst v17;
	v16 =	vor.u32 v28, v16  }
0x95: {  	v39 =	vld [tilespmem:$0x70];
	v17 =	vor.u32 v31, v19;
	v19 =	vand.u32 $0x1FFE, v33;
	[tilespmem:$0xA0] =	vst v16;
	v16 =	vand.u32 $0x1, v32  }
0x96: {  	[tilespmem:$0x140] =	vst v4;
	v18 =	vand.u32 $0x1FFE, v38;
	v36 =	vor.u32 v35, v19;
	v16 =	vor.u32 v16, v17  }
0x97: {  	v40 =	vand.u32 $0x1, v20;
	v17 =	vor.u32 v37, v36;
	[tilespmem:$0xB0] =	vst v16;
	v16 =	vand.u32 $0xFFFFE000, v30  }
0x98: {  	v20 =	vand.u32 $0x1FFE, v41;
	[tilespmem:$0xC0] =	vst v17;
	v17 =	vand.u32 $0xFFFFE000, v34;
	v16 =	vor.u32 v16, v18  }
0x99: {  	[tilespmem:$0x150] =	vst v5;
	v42 =	vand.u32 $0x1, v21;
	v17 =	vor.u32 v17, v20;
	v16 =	vor.u32 v40, v16  }
0x9a: {  	[tilespmem:$0xD0] =	vst v16;
	v16 =	vor.u32 v42, v17;
	v17 =	vshll.u32 v39, $0x1  }
0x9b: {  	[tilespmem:$0x160] =	vst v6;
	v43 =	vand.u32 $0xFFFFE000, v39;
	v19 =	vshrl.u32 v39, $0xC;
	v17 =	vand.u32 $0x1FFE, v17  }
0x9c: {  	[tilespmem:$0xE0] =	vst v16;
	v16 =	vor.u32 v43, v17;
	v17 =	vand.u32 $0x1, v19  }
0x9d: {  	[tilespmem:$0x170] =	vst v7;
	v16 =	vor.u32 v17, v16  }
0x9e: {  	[tilespmem:$0xF0] =	vst v16  }
0x9f: {  	_ =	swait.ge [sflag:s17], $0x2000  }
0xa0: {  	[sflag:s17] =	ssyncset.done $0x0  }
0xa1: {  	[sflag:s17] =	ssyncadd.s32 $0xFFFFE000  }
0xa2: {  	[tilespmem:s13], [sflag:$0x1] =	stream.indirect.gather [hbm4b:s3+s12], $0x40, s12, s12, $0xb8;
	[tilespmem:$0x4180] =	vst v63  }
0xa3: {  	_ =	swait.ge [sflag:s14], $0x2000  }
0xa4: {  	[sflag:s14] =	ssyncset.done $0x0  }
0xa5: {  	[sflag:s14] =	ssyncadd.s32 $0xFFFFE000  }
0xa6: {  	[hbm4b:s5+s12] =	stream.indirect.scatter [tilespmem:s13], [sflag:$0x2], $0x40, s15, s12, $0xb8;
	[tilespmem:$0x4180] =	vst v63  }
0xa7: {  	_ = 	snop  }
0xa8: {  	[tilespmem:s2], [sflag:$0x3] =	stream.linear.gather [hbm4b:s9+s2], $0x80, $0x38;
	[tilespmem:$0x4180] =	vst v63  }
0xa9: {  	_ =	swait.ge [sflag:s11], $0x80  }
0xaa: {  	[sflag:s11] =	ssyncset.done $0x0  }
0xab: {  	[sflag:s11] =	ssyncadd.s32 $0xFFFFFF80  }
0xac: {  	v16 =	vld [tilespmem:$0x0]  }
0xad: {  	v17 =	vld [tilespmem:$0x10]  }
0xae: {  	v44 =	vld [tilespmem:$0x20]  }
0xaf: {  	v48 =	vld [tilespmem:$0x30]  }
0xb0: {  	v51 =	vld [tilespmem:$0x40];
	_ =	sdelay $0x1  }
0xb1: {  	v45 =	vshll.u32 v16, $0x1  }
0xb2: {  	v46 =	vand.u32 $0xFFFFE000, v16;
	v16 =	vshrl.u32 v16, $0xC;
	v47 =	vshll.u32 v17, $0x1  }
0xb3: {  	v49 =	vand.u32 $0xFFFFE000, v17;
	v17 =	vshrl.u32 v17, $0xC;
	v50 =	vshll.u32 v44, $0x1  }
0xb4: {  	v53 =	vshll.u32 v48, $0x1;
	v21 =	vshrl.u32 v48, $0xC;
	v55 =	vshll.u32 v51, $0x1  }
0xb5: {  	v56 =	vand.u32 $0xFFFFE000, v51;
	v57 =	vshrl.u32 v51, $0xC;
	v19 =	vand.u32 $0x1FFE, v45  }
0xb6: {  	v54 =	vld [tilespmem:$0x50];
	[tilespmem:$0x100] =	vst v8;
	v16 =	vand.u32 $0x1, v16;
	v20 =	vand.u32 $0x1FFE, v47;
	v19 =	vor.u32 v46, v19  }
0xb7: {  	[tilespmem:$0x110] =	vst v9;
	v17 =	vand.u32 $0x1, v17;
	v16 =	vor.u32 v16, v19;
	v19 =	vor.u32 v49, v20  }
0xb8: {  	v17 =	vor.u32 v17, v19;
	[tilespmem:$0x80] =	vst v16;
	v16 =	vand.u32 $0xFFFFE000, v48;
	v19 =	vand.u32 $0x1FFE, v53  }
0xb9: {  	v58 =	vld [tilespmem:$0x60];
	[tilespmem:$0x90] =	vst v17;
	v16 =	vor.u32 v16, v19;
	v17 =	vand.u32 $0x1, v21;
	v19 =	vand.u32 $0x1FFE, v55  }
0xba: {  	v61 =	vld [tilespmem:$0x70];
	[tilespmem:$0x120] =	vst v10;
	v59 =	vand.u32 $0x1, v57;
	v16 =	vor.u32 v17, v16;
	v17 =	vor.u32 v56, v19  }
0xbb: {  	v52 =	vand.u32 $0xFFFFE000, v44;
	[tilespmem:$0xB0] =	vst v16;
	v16 =	vor.u32 v59, v17;
	v17 =	vshll.u32 v54, $0x1  }
0xbc: {  	v60 =	vshrl.u32 v54, $0xC;
	[tilespmem:$0xC0] =	vst v16;
	v16 =	vand.u32 $0xFFFFE000, v54;
	v17 =	vand.u32 $0x1FFE, v17  }
0xbd: {  	[tilespmem:$0x130] =	vst v11;
	v18 =	vshrl.u32 v44, $0xC;
	v16 =	vor.u32 v16, v17;
	v17 =	vand.u32 $0x1, v60  }
0xbe: {  	[tilespmem:$0x140] =	vst v12;
	v62 =	vshrl.u32 v58, $0xC;
	v16 =	vor.u32 v17, v16;
	v17 =	vshll.u32 v58, $0x1  }
0xbf: {  	v63 =	vshrl.u32 v61, $0xC;
	[tilespmem:$0xD0] =	vst v16;
	v16 =	vand.u32 $0xFFFFE000, v58;
	v17 =	vand.u32 $0x1FFE, v17  }
0xc0: {  	[tilespmem:$0x150] =	vst v13;
	v18 =	vand.u32 $0x1, v18;
	v16 =	vor.u32 v16, v17;
	v17 =	vand.u32 $0x1, v62  }
0xc1: {  	[tilespmem:$0x160] =	vst v14;
	v20 =	vand.u32 $0x1FFE, v50;
	v16 =	vor.u32 v17, v16;
	v17 =	vshll.u32 v61, $0x1  }
0xc2: {  	v20 =	vor.u32 v52, v20;
	[tilespmem:$0xE0] =	vst v16;
	v16 =	vand.u32 $0xFFFFE000, v61;
	v17 =	vand.u32 $0x1FFE, v17  }
0xc3: {  	[tilespmem:$0x170] =	vst v15;
	v18 =	vor.u32 v18, v20;
	v16 =	vor.u32 v16, v17;
	v17 =	vand.u32 $0x1, v63  }
0xc4: {  	[tilespmem:$0xA0] =	vst v18;
	v16 =	vor.u32 v17, v16  }
0xc5: {  	[tilespmem:$0xF0] =	vst v16  }
0xc6: {  	_ =	swait.ge [sflag:s17], $0x2000  }
0xc7: {  	[sflag:s17] =	ssyncset.done $0x0  }
0xc8: {  	[sflag:s17] =	ssyncadd.s32 $0xFFFFE000  }
0xc9: {  	[tilespmem:s16], [sflag:$0x1] =	stream.indirect.gather [hbm4b:s3+s12], $0x40, s12, s12, $0xb8;
	[tilespmem:$0x4180] =	vst v63  }
0xca: {  	_ =	swait.ge [sflag:s14], $0x2000  }
0xcb: {  	[sflag:s14] =	ssyncset.done $0x0  }
0xcc: {  	[sflag:s14] =	ssyncadd.s32 $0xFFFFE000  }
0xcd: {  	[hbm4b:s5+s12] =	stream.indirect.scatter [tilespmem:s16], [sflag:$0x2], $0x40, s15, s12, $0xb8;
	[tilespmem:$0x4180] =	vst v63  }
0xce: {  	p0 =	sne.s32 s10, $0x1;
	_ =	swait.ge [sflag:s17], $0x2000  }
.Ltmp0:
0xcf: {  	[sflag:s17] =	ssyncset.done $0x0;
	(pc) =	sbr.rel @p0 .LBB2_1-.Ltmp0, $4  }
0xd0: {  	[sflag:s17] =	ssyncadd.s32 $0xFFFFE000  }
0xd1: {  	_ =	swait.ge [sflag:s17], $0x2000  }
0xd2: {  	[sflag:s17] =	ssyncset.done $0x0  }
0xd3: {  	s10 =	sadd.s32 $0xFFFFFFFF, s10;
	[sflag:s17] =	ssyncadd.s32 $0xFFFFE000  }
0xd4: {  	_ =	sfence.sel $0x180000  }
0xd5: {  	[bflag:$0x0] =	sbarrier.arrive $0xFFFF  }
0xd6: {  	p0 =	sne.s32 s0, $0x0;
	_ =	strace $0x9000004A  }
0xd7: {  	s0 =	sadd.s32 @!p0 $0x100000, s1;
	[bflag:$0x2] =	sbarrier.arrive $0xFFFF  }
0xd8: {  	[sflag:s0] =	ssyncadd.tile.s32 @!p0 $0x1;
	_ =	shalt  }
.Lfunc_end2:
_tile_overlayer_lowered:
.L_overlay_start_2:
0xd9: {  	(tag) =	ssettag $0x2  }
0xda: {  	s0 =	rddreg [dreg:$0x0];
	s2 =	stileid.u32  }
0xdb: {  	s1 =	rddreg [dreg:$0x1];
	p0 =	sne.s32 s2, $0x0  }
0xdc: {  	s3 =	rddreg [dreg:$0x2];
	[bflag:$0x3] =	sbarrier.arrive $0xFFFF;
	s2 =	simm.s32 @!p0 $0x1C03  }
0xdd: {  	[timem:s3], [sflag:s2] =	dma.local @!p0 [hbm:s0], s1  }
0xde: {  	s0 =	simm.s32 @!p0 $0x3  }
0xdf: {  	_ =	swait.ge @!p0 [sflag:s0], s1  }
0xe0: {  	s1 =	ssub.s32 @!p0 $0x0, s1;
	[sflag:s0] =	ssyncset.done @!p0 $0x0  }
0xe1: {  	[sflag:s0] =	ssyncadd.s32 @!p0 s1  }
0xe2: {  	[bflag:$0x3] =	sbarrier.arrive $0xFFFF  }
0xe3: {  	_ =	shalt  }

</sc_bundles>
